<compile_context>
chip_gen: v7x
topology: tpu7x:2x2x1
jax: 0.10.2.dev20260603
libtpu: 0.0.44.dev20260713+nightly
codegen_flags: <defaults>
</compile_context>

<pallas_src>
import functools

import jax
import jax.numpy as jnp
from jax import lax
from jax.experimental import pallas as pl
from jax.experimental.pallas import tpu as pltpu
from jax.experimental.pallas import tpu_sc as plsc

_NC = 2
_NS = 16
_NW = _NC * _NS
_L = 16

_CHUNK = 128
_CB = 8


def _edge_transform2(edge_attr, W1, b1, W2, b2):
    E, DE = edge_attr.shape
    D = W1.shape[1]
    BE = 2048
    assert E % BE == 0

    def body(a_ref, w1_ref, b1_ref, w2_ref, b2_ref, e1_ref, e2_ref):
        a = a_ref[...]
        e1_ref[...] = (
            jnp.dot(a, w1_ref[...], preferred_element_type=jnp.float32)
            + b1_ref[...]
        )
        e2_ref[...] = (
            jnp.dot(a, w2_ref[...], preferred_element_type=jnp.float32)
            + b2_ref[...]
        )

    wspec = pl.BlockSpec((DE, D), lambda i: (0, 0))
    bspec = pl.BlockSpec((1, D), lambda i: (0, 0))
    return pl.pallas_call(
        body,
        grid=(E // BE,),
        in_specs=[pl.BlockSpec((BE, DE), lambda i: (i, 0)),
                  wspec, bspec, wspec, bspec],
        out_specs=[
            pl.BlockSpec((BE, D), lambda i: (i, 0)),
            pl.BlockSpec((BE, D), lambda i: (i, 0)),
        ],
        out_shape=[
            jax.ShapeDtypeStruct((E, D), jnp.float32),
            jax.ShapeDtypeStruct((E, D), jnp.float32),
        ],
    )(edge_attr, W1.astype(jnp.float32), b1.reshape(1, D),
      W2.astype(jnp.float32), b2.reshape(1, D))


def _sc_message_aggregate(x, src2d, dst2d, e, n_pad):
    D = x.shape[1]
    n_chunks = e.shape[0] // _CHUNK
    npt = n_pad // _NS
    assert n_chunks % (_NS * _CB) == 0 and n_pad % (_NS * _CHUNK) == 0
    hops = npt // _CHUNK
    cpw = n_chunks // _NW
    assert cpw % _CB == 0

    mesh = plsc.VectorSubcoreMesh(core_axis_name="c", subcore_axis_name="s")

    @functools.partial(
        pl.kernel,
        out_type=jax.ShapeDtypeStruct((_NC, n_pad, D), jnp.float32),
        mesh=mesh,
        scratch_types=[
            pltpu.VMEM((_CB, _CHUNK), jnp.int32),
            pltpu.VMEM((_CB, _CHUNK), jnp.int32),
            pltpu.VMEM((_CHUNK, D), jnp.float32),
            pltpu.VMEM((_CHUNK, D), jnp.float32),
            pltpu.VMEM((_CHUNK // 2, D), jnp.float32),
            pltpu.VMEM_SHARED((n_pad, D), jnp.float32),
            pltpu.SemaphoreType.DMA,
        ],
    )
    def k(x_hbm, src_hbm, dst_hbm, e_hbm, out_hbm, srcv, dstv, xrows0,
          xrows1, erows, acc, gsem):
        c = lax.axis_index("c")
        s = lax.axis_index("s")

        def zrow(i, carry):
            for t in range(D // _L):
                xrows0[i, pl.ds(t * _L, _L)] = jnp.zeros((_L,), jnp.float32)
            return carry
        lax.fori_loop(0, _CHUNK, zrow, 0)
        for h in range(hops):
            r0 = pl.multiple_of(s * npt + h * _CHUNK, _CHUNK)
            pltpu.sync_copy(xrows0, acc.at[pl.ds(r0, _CHUNK)])
        plsc.subcore_barrier()

        def chunk_base(j):
            block = 2 * (_NS * lax.div(j, _CB) + s) + c
            return pl.multiple_of(block * _CB, _CB)

        def issue(j, xbuf):
            cb = lax.rem(j, _CB)

            @pl.when(cb == 0)
            def _load_src():
                pltpu.sync_copy(src_hbm.at[pl.ds(chunk_base(j), _CB)], srcv)

            pltpu.async_copy(x_hbm.at[srcv.at[cb]], xbuf, gsem)

        def step(j, xbuf, nxbuf):
            cb = lax.rem(j, _CB)

            @pl.when(cb == 0)
            def _load_dst():
                pltpu.sync_copy(dst_hbm.at[pl.ds(chunk_base(j), _CB)], dstv)

            pltpu.make_async_copy(x_hbm.at[srcv.at[0]], xbuf, gsem).wait()

            @pl.when(j + 1 < cpw)
            def _issue_next():
                issue(j + 1, nxbuf)

            hc = _CHUNK // 2
            for half in range(2):
                ebase = pl.multiple_of(
                    (chunk_base(j) + cb) * _CHUNK + half * hc, hc)
                pltpu.sync_copy(e_hbm.at[pl.ds(ebase, hc)], erows)

                def row(i, rcarry):
                    for t in range(D // _L):
                        sl = pl.ds(t * _L, _L)
                        xi = half * hc + i
                        xbuf[xi, sl] = jnp.maximum(
                            xbuf[xi, sl] + erows[i, sl], 0.0)
                    return rcarry
                lax.fori_loop(0, hc, row, 0)

            pltpu.sync_copy(xbuf, acc.at[dstv.at[cb]], add=True)

        issue(0, xrows0)

        def pair_body(t, carry):
            step(2 * t, xrows0, xrows1)
            step(2 * t + 1, xrows1, xrows0)
            return carry

        lax.fori_loop(0, cpw // 2, pair_body, 0)
        plsc.subcore_barrier()

        for h in range(hops):
            r0 = pl.multiple_of(s * npt + h * _CHUNK, _CHUNK)
            pltpu.sync_copy(acc.at[pl.ds(r0, _CHUNK)],
                            out_hbm.at[c, pl.ds(r0, _CHUNK)])

    return k(x, src2d, dst2d, e)


def _node_mlp(x, partials, Wa, ba, g, be, Wb, bb):
    N, D = x.shape
    H = Wa.shape[1]
    n_pad = partials.shape[1]

    def body(x_ref, p_ref, wa_ref, ba_ref, g_ref, be_ref, wb_ref, bb_ref,
             o_ref):
        z = x_ref[...] + p_ref[0, :N, :] + p_ref[1, :N, :]
        h = jnp.dot(z, wa_ref[...], preferred_element_type=jnp.float32)
        h = h + ba_ref[...]
        m = jnp.mean(h, axis=0, keepdims=True)
        v = jnp.mean(jnp.square(h - m), axis=0, keepdims=True)
        h = (h - m) * jax.lax.rsqrt(v + 1e-5) * g_ref[...] + be_ref[...]
        h = jnp.maximum(h, 0.0)
        h = jnp.dot(h, wb_ref[...], preferred_element_type=jnp.float32)
        o_ref[...] = jnp.maximum(h + bb_ref[...], 0.0)

    return pl.pallas_call(
        body,
        out_shape=jax.ShapeDtypeStruct((N, H), jnp.float32),
    )(x, partials, Wa, ba.reshape(1, H), g.reshape(1, H), be.reshape(1, H),
      Wb, bb.reshape(1, H))


def _readout(h, Wr_pad, br_pad, WeT_pad, bee):
    N, H = h.shape
    R = Wr_pad.shape[1]
    BN_ = 2000
    assert N % BN_ == 0

    def body(h_ref, wr_ref, br_ref, we_ref, bee_ref, o_ref):
        r = jnp.dot(h_ref[...], wr_ref[...],
                    preferred_element_type=jnp.float32) + br_ref[...]
        r = jnp.where(r > 0, r, 0.01 * r)
        o_ref[...] = (jnp.sum(r * we_ref[...], axis=1, keepdims=True)
                      + bee_ref[...])

    return pl.pallas_call(
        body,
        grid=(N // BN_,),
        in_specs=[
            pl.BlockSpec((BN_, H), lambda i: (i, 0)),
            pl.BlockSpec((H, R), lambda i: (0, 0)),
            pl.BlockSpec((1, R), lambda i: (0, 0)),
            pl.BlockSpec((1, R), lambda i: (0, 0)),
            pl.BlockSpec((1, 1), lambda i: (0, 0)),
        ],
        out_specs=pl.BlockSpec((BN_, 1), lambda i: (i, 0)),
        out_shape=jax.ShapeDtypeStruct((N, 1), jnp.float32),
    )(h, Wr_pad, br_pad, WeT_pad, bee.reshape(1, 1))


def kernel(x, edge_index, edge_attr, batch, epoch, lin_e1_W, lin_e1_b, W1a,
           b1a, g1, be1, W1b, b1b, lin_e2_W, lin_e2_b, W2a, b2a, g2, be2,
           W2b, b2b, Wr, br, We, bee):
    N, D = x.shape
    E = edge_index.shape[1]
    H = W1a.shape[1]
    R = Wr.shape[1]

    e_align = _NW * _CHUNK * _CB
    E_pad = ((E + e_align - 1) // e_align) * e_align
    pad = E_pad - E
    src = edge_index[0]
    dst = edge_index[1]
    if pad:
        src = jnp.concatenate([src, jnp.zeros((pad,), jnp.int32)])
        dst = jnp.concatenate([dst, jnp.full((pad,), N, jnp.int32)])
        edge_attr = jnp.concatenate(
            [edge_attr, jnp.zeros((pad, edge_attr.shape[1]),
                                  edge_attr.dtype)])
    src2d = src.reshape(E_pad // _CHUNK, _CHUNK)
    dst2d = dst.reshape(E_pad // _CHUNK, _CHUNK)

    n_align = _NS * _CHUNK
    n_pad = ((N + n_align - 1) // n_align) * n_align

    e1, e2 = _edge_transform2(edge_attr, lin_e1_W, lin_e1_b, lin_e2_W,
                              lin_e2_b)
    p1 = _sc_message_aggregate(x, src2d, dst2d, e1, n_pad)
    h1 = _node_mlp(x, p1, W1a, b1a, g1, be1, W1b, b1b)

    p2 = _sc_message_aggregate(h1, src2d, dst2d, e2, n_pad)
    h2 = _node_mlp(h1, p2, W2a, b2a, g2, be2, W2b, b2b)

    R_pad = ((R + 127) // 128) * 128
    Wr_pad = jnp.pad(Wr, ((0, 0), (0, R_pad - R)))
    br_pad = jnp.pad(br, (0, R_pad - R)).reshape(1, R_pad)
    WeT_pad = jnp.pad(We[:, 0], (0, R_pad - R)).reshape(1, R_pad)

    return _readout(h2, Wr_pad, br_pad, WeT_pad, bee)

# --- scband reference (transcript-rebuilt; emitter-appended) ---
"""Pipeline reference for scband-gine-47485158425273 (READ-ONLY COPY).

The authoritative reference and input builder live on the scoring server;
editing this copy changes nothing except your own understanding.
"""

import jax, jax.numpy as jnp
import numpy as np


def _bn(h, g, b):
    m = jnp.mean(h, axis=0, keepdims=True)
    v = jnp.var(h, axis=0, keepdims=True)
    return (h - m) / jnp.sqrt(v + 1e-5) * g + b


def _mlp(h, Wa, ba, g, be, Wb, bb):
    h = h @ Wa + ba
    h = _bn(h, g, be)
    h = jax.nn.relu(h)
    h = h @ Wb + bb
    return jax.nn.relu(h)


def _gine_conv(x, src, dst, edge_attr, linW, linb, Wa, ba, g, be, Wb, bb):
    # PyG GINEConv: msg = ReLU(x_j + lin_edge(edge_attr)); out = nn((1+eps)*x_i + sum_j msg), eps=0
    e = edge_attr @ linW + linb
    msg = jax.nn.relu(x[src] + e)
    aggr = jax.ops.segment_sum(msg, dst, num_segments=x.shape[0])
    return _mlp(x + aggr, Wa, ba, g, be, Wb, bb)


def setup_inputs(seed: int = 0):
    key = jax.random.key(seed)
    ks = jax.random.split(key, 32)
    N, E, D, DE, H, R = 10000, 320000, 128, 16, 128, 500
    s = 0.05
    inp = {}
    inp['x'] = jax.random.normal(ks[0], (N, D), dtype=jnp.float32)
    inp['edge_index'] = jax.random.randint(ks[1], (2, E), 0, N, dtype=jnp.int32)
    inp['edge_attr'] = jax.random.normal(ks[2], (E, DE), dtype=jnp.float32)
    inp['batch'] = jnp.sort(jax.random.randint(ks[3], (N,), 0, 64, dtype=jnp.int32))
    inp['epoch'] = 1
    inp['lin_e1_W'] = jax.random.normal(ks[4], (DE, D), dtype=jnp.float32) * s
    inp['lin_e1_b'] = jnp.zeros((D,), dtype=jnp.float32)
    inp['W1a'] = jax.random.normal(ks[5], (D, H), dtype=jnp.float32) * s
    inp['b1a'] = jnp.zeros((H,), dtype=jnp.float32)
    inp['g1'] = jnp.ones((H,), dtype=jnp.float32)
    inp['be1'] = jnp.zeros((H,), dtype=jnp.float32)
    inp['W1b'] = jax.random.normal(ks[6], (H, H), dtype=jnp.float32) * s
    inp['b1b'] = jnp.zeros((H,), dtype=jnp.float32)
    inp['lin_e2_W'] = jax.random.normal(ks[7], (DE, H), dtype=jnp.float32) * s
    inp['lin_e2_b'] = jnp.zeros((H,), dtype=jnp.float32)
    inp['W2a'] = jax.random.normal(ks[8], (H, H), dtype=jnp.float32) * s
    inp['b2a'] = jnp.zeros((H,), dtype=jnp.float32)
    inp['g2'] = jnp.ones((H,), dtype=jnp.float32)
    inp['be2'] = jnp.zeros((H,), dtype=jnp.float32)
    inp['W2b'] = jax.random.normal(ks[9], (H, H), dtype=jnp.float32) * s
    inp['b2b'] = jnp.zeros((H,), dtype=jnp.float32)
    inp['Wr'] = jax.random.normal(ks[10], (H, R), dtype=jnp.float32) * s
    inp['br'] = jnp.zeros((R,), dtype=jnp.float32)
    inp['We'] = jax.random.normal(ks[11], (R, 1), dtype=jnp.float32) * s
    inp['bee'] = jnp.zeros((1,), dtype=jnp.float32)
    return inp


def reference(x, edge_index, edge_attr, batch, epoch, lin_e1_W, lin_e1_b, W1a, b1a, g1, be1, W1b, b1b, lin_e2_W, lin_e2_b, W2a, b2a, g2, be2, W2b, b2b, Wr, br, We, bee):
    src, dst = edge_index[0], edge_index[1]
    out = _gine_conv(x, src, dst, edge_attr, lin_e1_W, lin_e1_b, W1a, b1a, g1, be1, W1b, b1b)
    # num_layers=2, use_skipcon=False -> one pass through conv2
    out = _gine_conv(out, src, dst, edge_attr, lin_e2_W, lin_e2_b, W2a, b2a, g2, be2, W2b, b2b)
    # dropout p=0.0 -> identity
    out = out @ Wr + br
    out = jnp.where(out > 0, out, 0.01 * out)  # LeakyReLU
    out = out @ We + bee
    return out

if __name__ == "__main__":
    import jax
    _d = setup_inputs()
    print(jax.jit(kernel)(*tuple(_d.values())))

</pallas_src>

<mosaic_0001>
#map = affine_map<(d0, d1) -> (0, 0)>
#map1 = affine_map<(d0, d1) -> (0, 0, 0)>
module attributes {stable_mosaic.version = 14 : i64} {
  func.func @k(%arg0: i32, %arg1: i32, %arg2: memref<10000x128xf32, #tpu.memory_space<hbm>>, %arg3: memref<2560x128xi32, #tpu.memory_space<hbm>>, %arg4: memref<2560x128xi32, #tpu.memory_space<hbm>>, %arg5: memref<327680x128xf32, #tpu.memory_space<hbm>>, %arg6: memref<2x10240x128xf32, #tpu.memory_space<hbm>>, %arg7: memref<8x128xi32, #tpu.memory_space<vmem>>, %arg8: memref<8x128xi32, #tpu.memory_space<vmem>>, %arg9: memref<128x128xf32, #tpu.memory_space<vmem>>, %arg10: memref<128x128xf32, #tpu.memory_space<vmem>>, %arg11: memref<64x128xf32, #tpu.memory_space<vmem>>, %arg12: memref<10240x128xf32, #tpu.memory_space<vmem_shared>>, %arg13: memref<!tpu.dma_semaphore, #tpu.memory_space<semaphore_mem>>) attributes {dimension_semantics = [#tpu.dimension_semantics<core_parallel>, #tpu.dimension_semantics<subcore_parallel>], iteration_bounds = array<i64: 2, 16>, scalar_prefetch = 0 : i64, scratch_operands = 7 : i64, tpu.core_type = #tpu.core_type<sc_vector_subcore>, window_params = [{transform_indices = #map}, {transform_indices = #map}, {transform_indices = #map}, {transform_indices = #map}, {transform_indices = #map1}]} {
    %scan3A = arith.constant 0 : i32
    %scan3A_0 = arith.constant 0 : i32
    %scan3A_1 = arith.constant 128 : i32
    %scan3A_2 = arith.addi %scan3A_0, %scan3A_1 : i32
    %scan3A_3 = arith.constant 1 : i32
    scf.for %scan3A_68 = %scan3A_0 to %scan3A_2 step %scan3A_3  : i32 {
      %broadcast_in_dim3A = arith.constant 0.000000e+00 : f32
      %broadcast_in_dim3A_69 = vector.broadcast %broadcast_in_dim3A : f32 to vector<16xf32>
      %swap3A = arith.index_cast %scan3A_68 : i32 to index
      %swap3A_70 = arith.constant 0 : index
      %swap3A_71 = tpu.vector_load %arg9[%swap3A, %swap3A_70] {strides = array<i32>} : memref<128x128xf32, #tpu.memory_space<vmem>>, vector<1x16xf32>,
      %swap3A_72 = vector.shape_cast %swap3A_71 : vector<1x16xf32> to vector<16xf32>
      %swap3A_73 = vector.shape_cast %broadcast_in_dim3A_69 : vector<16xf32> to vector<1x16xf32>
      tpu.vector_store %arg9[%swap3A, %swap3A_70], %swap3A_73 {strides = array<i32>} : memref<128x128xf32, #tpu.memory_space<vmem>>, vector<1x16xf32>,
      %broadcast_in_dim3A_74 = arith.constant 0.000000e+00 : f32
      %broadcast_in_dim3A_75 = vector.broadcast %broadcast_in_dim3A_74 : f32 to vector<16xf32>
      %swap3A_76 = arith.index_cast %scan3A_68 : i32 to index
      %swap3A_77 = arith.constant 16 : index
      %swap3A_78 = tpu.vector_load %arg9[%swap3A_76, %swap3A_77] {strides = array<i32>} : memref<128x128xf32, #tpu.memory_space<vmem>>, vector<1x16xf32>,
      %swap3A_79 = vector.shape_cast %swap3A_78 : vector<1x16xf32> to vector<16xf32>
      %swap3A_80 = vector.shape_cast %broadcast_in_dim3A_75 : vector<16xf32> to vector<1x16xf32>
      tpu.vector_store %arg9[%swap3A_76, %swap3A_77], %swap3A_80 {strides = array<i32>} : memref<128x128xf32, #tpu.memory_space<vmem>>, vector<1x16xf32>,
      %broadcast_in_dim3A_81 = arith.constant 0.000000e+00 : f32
      %broadcast_in_dim3A_82 = vector.broadcast %broadcast_in_dim3A_81 : f32 to vector<16xf32>
      %swap3A_83 = arith.index_cast %scan3A_68 : i32 to index
      %swap3A_84 = arith.constant 32 : index
      %swap3A_85 = tpu.vector_load %arg9[%swap3A_83, %swap3A_84] {strides = array<i32>} : memref<128x128xf32, #tpu.memory_space<vmem>>, vector<1x16xf32>,
      %swap3A_86 = vector.shape_cast %swap3A_85 : vector<1x16xf32> to vector<16xf32>
      %swap3A_87 = vector.shape_cast %broadcast_in_dim3A_82 : vector<16xf32> to vector<1x16xf32>
      tpu.vector_store %arg9[%swap3A_83, %swap3A_84], %swap3A_87 {strides = array<i32>} : memref<128x128xf32, #tpu.memory_space<vmem>>, vector<1x16xf32>,
      %broadcast_in_dim3A_88 = arith.constant 0.000000e+00 : f32
      %broadcast_in_dim3A_89 = vector.broadcast %broadcast_in_dim3A_88 : f32 to vector<16xf32>
      %swap3A_90 = arith.index_cast %scan3A_68 : i32 to index
      %swap3A_91 = arith.constant 48 : index
      %swap3A_92 = tpu.vector_load %arg9[%swap3A_90, %swap3A_91] {strides = array<i32>} : memref<128x128xf32, #tpu.memory_space<vmem>>, vector<1x16xf32>,
      %swap3A_93 = vector.shape_cast %swap3A_92 : vector<1x16xf32> to vector<16xf32>
      %swap3A_94 = vector.shape_cast %broadcast_in_dim3A_89 : vector<16xf32> to vector<1x16xf32>
      tpu.vector_store %arg9[%swap3A_90, %swap3A_91], %swap3A_94 {strides = array<i32>} : memref<128x128xf32, #tpu.memory_space<vmem>>, vector<1x16xf32>,
      %broadcast_in_dim3A_95 = arith.constant 0.000000e+00 : f32
      %broadcast_in_dim3A_96 = vector.broadcast %broadcast_in_dim3A_95 : f32 to vector<16xf32>
      %swap3A_97 = arith.index_cast %scan3A_68 : i32 to index
      %swap3A_98 = arith.constant 64 : index
      %swap3A_99 = tpu.vector_load %arg9[%swap3A_97, %swap3A_98] {strides = array<i32>} : memref<128x128xf32, #tpu.memory_space<vmem>>, vector<1x16xf32>,
      %swap3A_100 = vector.shape_cast %swap3A_99 : vector<1x16xf32> to vector<16xf32>
      %swap3A_101 = vector.shape_cast %broadcast_in_dim3A_96 : vector<16xf32> to vector<1x16xf32>
      tpu.vector_store %arg9[%swap3A_97, %swap3A_98], %swap3A_101 {strides = array<i32>} : memref<128x128xf32, #tpu.memory_space<vmem>>, vector<1x16xf32>,
      %broadcast_in_dim3A_102 = arith.constant 0.000000e+00 : f32
      %broadcast_in_dim3A_103 = vector.broadcast %broadcast_in_dim3A_102 : f32 to vector<16xf32>
      %swap3A_104 = arith.index_cast %scan3A_68 : i32 to index
      %swap3A_105 = arith.constant 80 : index
      %swap3A_106 = tpu.vector_load %arg9[%swap3A_104, %swap3A_105] {strides = array<i32>} : memref<128x128xf32, #tpu.memory_space<vmem>>, vector<1x16xf32>,
      %swap3A_107 = vector.shape_cast %swap3A_106 : vector<1x16xf32> to vector<16xf32>
      %swap3A_108 = vector.shape_cast %broadcast_in_dim3A_103 : vector<16xf32> to vector<1x16xf32>
      tpu.vector_store %arg9[%swap3A_104, %swap3A_105], %swap3A_108 {strides = array<i32>} : memref<128x128xf32, #tpu.memory_space<vmem>>, vector<1x16xf32>,
      %broadcast_in_dim3A_109 = arith.constant 0.000000e+00 : f32
      %broadcast_in_dim3A_110 = vector.broadcast %broadcast_in_dim3A_109 : f32 to vector<16xf32>
      %swap3A_111 = arith.index_cast %scan3A_68 : i32 to index
      %swap3A_112 = arith.constant 96 : index
      %swap3A_113 = tpu.vector_load %arg9[%swap3A_111, %swap3A_112] {strides = array<i32>} : memref<128x128xf32, #tpu.memory_space<vmem>>, vector<1x16xf32>,
      %swap3A_114 = vector.shape_cast %swap3A_113 : vector<1x16xf32> to vector<16xf32>
      %swap3A_115 = vector.shape_cast %broadcast_in_dim3A_110 : vector<16xf32> to vector<1x16xf32>
      tpu.vector_store %arg9[%swap3A_111, %swap3A_112], %swap3A_115 {strides = array<i32>} : memref<128x128xf32, #tpu.memory_space<vmem>>, vector<1x16xf32>,
      %broadcast_in_dim3A_116 = arith.constant 0.000000e+00 : f32
      %broadcast_in_dim3A_117 = vector.broadcast %broadcast_in_dim3A_116 : f32 to vector<16xf32>
      %swap3A_118 = arith.index_cast %scan3A_68 : i32 to index
      %swap3A_119 = arith.constant 112 : index
      %swap3A_120 = tpu.vector_load %arg9[%swap3A_118, %swap3A_119] {strides = array<i32>} : memref<128x128xf32, #tpu.memory_space<vmem>>, vector<1x16xf32>,
      %swap3A_121 = vector.shape_cast %swap3A_120 : vector<1x16xf32> to vector<16xf32>
      %swap3A_122 = vector.shape_cast %broadcast_in_dim3A_117 : vector<16xf32> to vector<1x16xf32>
      tpu.vector_store %arg9[%swap3A_118, %swap3A_119], %swap3A_122 {strides = array<i32>} : memref<128x128xf32, #tpu.memory_space<vmem>>, vector<1x16xf32>,
    }
    %scan3A_4 = arith.constant 128 : i32
    %mul3A = arith.constant 640 : i32
    %mul3A_5 = arith.muli %arg1, %mul3A : i32
    %add3A = arith.constant 0 : i32
    %add3A_6 = arith.addi %mul3A_5, %add3A : i32
    %multiple_of3A = tpu.assume_multiple %add3A_6, 128 : i32
    "tpu.region"() ({
      %run_scoped3A = tpu.sem_alloc : memref<!tpu.dma_semaphore, #tpu.memory_space<semaphore_mem>>
      %dma_start3A_68 = arith.constant 0 : i32
      %dma_start3A_69 = tpu.memref_slice %arg12[%multiple_of3A, %dma_start3A_68] : memref<10240x128xf32, #tpu.memory_space<vmem_shared>> -> memref<128x128xf32, #tpu.memory_space<vmem_shared>>
      %dma_start3A_70 = arith.constant 0 : i32
      %dma_start3A_71 = tpu.memref_slice %arg12[%multiple_of3A, %dma_start3A_70] : memref<10240x128xf32, #tpu.memory_space<vmem_shared>> -> memref<128x128xf32, #tpu.memory_space<vmem_shared>>
      tpu.enqueue_dma source(%arg9 : memref<128x128xf32, #tpu.memory_space<vmem>>) target(%dma_start3A_71 : memref<128x128xf32, #tpu.memory_space<vmem_shared>>) target_semaphore(%run_scoped3A : memref<!tpu.dma_semaphore, #tpu.memory_space<semaphore_mem>>)
      %dma_wait3A = arith.constant 0 : i32
      %dma_wait3A_72 = tpu.memref_slice %arg12[%multiple_of3A, %dma_wait3A] : memref<10240x128xf32, #tpu.memory_space<vmem_shared>> -> memref<128x128xf32, #tpu.memory_space<vmem_shared>>
      %dma_wait3A_73 = arith.constant 0 : i32
      %dma_wait3A_74 = tpu.memref_slice %arg12[%multiple_of3A, %dma_wait3A_73] : memref<10240x128xf32, #tpu.memory_space<vmem_shared>> -> memref<128x128xf32, #tpu.memory_space<vmem_shared>>
      tpu.wait_dma2 semaphore(%run_scoped3A : memref<!tpu.dma_semaphore, #tpu.memory_space<semaphore_mem>>) src(%arg9 : memref<128x128xf32, #tpu.memory_space<vmem>>) dst(%dma_wait3A_74 : memref<128x128xf32, #tpu.memory_space<vmem_shared>>)
      tpu.yield
    }) : () -> ()
    %mul3A_7 = arith.constant 640 : i32
    %mul3A_8 = arith.muli %arg1, %mul3A_7 : i32
    %add3A_9 = arith.constant 128 : i32
    %add3A_10 = arith.addi %mul3A_8, %add3A_9 : i32
    %multiple_of3A_11 = tpu.assume_multiple %add3A_10, 128 : i32
    "tpu.region"() ({
      %run_scoped3A = tpu.sem_alloc : memref<!tpu.dma_semaphore, #tpu.memory_space<semaphore_mem>>
      %dma_start3A_68 = arith.constant 0 : i32
      %dma_start3A_69 = tpu.memref_slice %arg12[%multiple_of3A_11, %dma_start3A_68] : memref<10240x128xf32, #tpu.memory_space<vmem_shared>> -> memref<128x128xf32, #tpu.memory_space<vmem_shared>>
      %dma_start3A_70 = arith.constant 0 : i32
      %dma_start3A_71 = tpu.memref_slice %arg12[%multiple_of3A_11, %dma_start3A_70] : memref<10240x128xf32, #tpu.memory_space<vmem_shared>> -> memref<128x128xf32, #tpu.memory_space<vmem_shared>>
      tpu.enqueue_dma source(%arg9 : memref<128x128xf32, #tpu.memory_space<vmem>>) target(%dma_start3A_71 : memref<128x128xf32, #tpu.memory_space<vmem_shared>>) target_semaphore(%run_scoped3A : memref<!tpu.dma_semaphore, #tpu.memory_space<semaphore_mem>>)
      %dma_wait3A = arith.constant 0 : i32
      %dma_wait3A_72 = tpu.memref_slice %arg12[%multiple_of3A_11, %dma_wait3A] : memref<10240x128xf32, #tpu.memory_space<vmem_shared>> -> memref<128x128xf32, #tpu.memory_space<vmem_shared>>
      %dma_wait3A_73 = arith.constant 0 : i32
      %dma_wait3A_74 = tpu.memref_slice %arg12[%multiple_of3A_11, %dma_wait3A_73] : memref<10240x128xf32, #tpu.memory_space<vmem_shared>> -> memref<128x128xf32, #tpu.memory_space<vmem_shared>>
      tpu.wait_dma2 semaphore(%run_scoped3A : memref<!tpu.dma_semaphore, #tpu.memory_space<semaphore_mem>>) src(%arg9 : memref<128x128xf32, #tpu.memory_space<vmem>>) dst(%dma_wait3A_74 : memref<128x128xf32, #tpu.memory_space<vmem_shared>>)
      tpu.yield
    }) : () -> ()
    %mul3A_12 = arith.constant 640 : i32
    %mul3A_13 = arith.muli %arg1, %mul3A_12 : i32
    %add3A_14 = arith.constant 256 : i32
    %add3A_15 = arith.addi %mul3A_13, %add3A_14 : i32
    %multiple_of3A_16 = tpu.assume_multiple %add3A_15, 128 : i32
    "tpu.region"() ({
      %run_scoped3A = tpu.sem_alloc : memref<!tpu.dma_semaphore, #tpu.memory_space<semaphore_mem>>
      %dma_start3A_68 = arith.constant 0 : i32
      %dma_start3A_69 = tpu.memref_slice %arg12[%multiple_of3A_16, %dma_start3A_68] : memref<10240x128xf32, #tpu.memory_space<vmem_shared>> -> memref<128x128xf32, #tpu.memory_space<vmem_shared>>
      %dma_start3A_70 = arith.constant 0 : i32
      %dma_start3A_71 = tpu.memref_slice %arg12[%multiple_of3A_16, %dma_start3A_70] : memref<10240x128xf32, #tpu.memory_space<vmem_shared>> -> memref<128x128xf32, #tpu.memory_space<vmem_shared>>
      tpu.enqueue_dma source(%arg9 : memref<128x128xf32, #tpu.memory_space<vmem>>) target(%dma_start3A_71 : memref<128x128xf32, #tpu.memory_space<vmem_shared>>) target_semaphore(%run_scoped3A : memref<!tpu.dma_semaphore, #tpu.memory_space<semaphore_mem>>)
      %dma_wait3A = arith.constant 0 : i32
      %dma_wait3A_72 = tpu.memref_slice %arg12[%multiple_of3A_16, %dma_wait3A] : memref<10240x128xf32, #tpu.memory_space<vmem_shared>> -> memref<128x128xf32, #tpu.memory_space<vmem_shared>>
      %dma_wait3A_73 = arith.constant 0 : i32
      %dma_wait3A_74 = tpu.memref_slice %arg12[%multiple_of3A_16, %dma_wait3A_73] : memref<10240x128xf32, #tpu.memory_space<vmem_shared>> -> memref<128x128xf32, #tpu.memory_space<vmem_shared>>
      tpu.wait_dma2 semaphore(%run_scoped3A : memref<!tpu.dma_semaphore, #tpu.memory_space<semaphore_mem>>) src(%arg9 : memref<128x128xf32, #tpu.memory_space<vmem>>) dst(%dma_wait3A_74 : memref<128x128xf32, #tpu.memory_space<vmem_shared>>)
      tpu.yield
    }) : () -> ()
    %mul3A_17 = arith.constant 640 : i32
    %mul3A_18 = arith.muli %arg1, %mul3A_17 : i32
    %add3A_19 = arith.constant 384 : i32
    %add3A_20 = arith.addi %mul3A_18, %add3A_19 : i32
    %multiple_of3A_21 = tpu.assume_multiple %add3A_20, 128 : i32
    "tpu.region"() ({
      %run_scoped3A = tpu.sem_alloc : memref<!tpu.dma_semaphore, #tpu.memory_space<semaphore_mem>>
      %dma_start3A_68 = arith.constant 0 : i32
      %dma_start3A_69 = tpu.memref_slice %arg12[%multiple_of3A_21, %dma_start3A_68] : memref<10240x128xf32, #tpu.memory_space<vmem_shared>> -> memref<128x128xf32, #tpu.memory_space<vmem_shared>>
      %dma_start3A_70 = arith.constant 0 : i32
      %dma_start3A_71 = tpu.memref_slice %arg12[%multiple_of3A_21, %dma_start3A_70] : memref<10240x128xf32, #tpu.memory_space<vmem_shared>> -> memref<128x128xf32, #tpu.memory_space<vmem_shared>>
      tpu.enqueue_dma source(%arg9 : memref<128x128xf32, #tpu.memory_space<vmem>>) target(%dma_start3A_71 : memref<128x128xf32, #tpu.memory_space<vmem_shared>>) target_semaphore(%run_scoped3A : memref<!tpu.dma_semaphore, #tpu.memory_space<semaphore_mem>>)
      %dma_wait3A = arith.constant 0 : i32
      %dma_wait3A_72 = tpu.memref_slice %arg12[%multiple_of3A_21, %dma_wait3A] : memref<10240x128xf32, #tpu.memory_space<vmem_shared>> -> memref<128x128xf32, #tpu.memory_space<vmem_shared>>
      %dma_wait3A_73 = arith.constant 0 : i32
      %dma_wait3A_74 = tpu.memref_slice %arg12[%multiple_of3A_21, %dma_wait3A_73] : memref<10240x128xf32, #tpu.memory_space<vmem_shared>> -> memref<128x128xf32, #tpu.memory_space<vmem_shared>>
      tpu.wait_dma2 semaphore(%run_scoped3A : memref<!tpu.dma_semaphore, #tpu.memory_space<semaphore_mem>>) src(%arg9 : memref<128x128xf32, #tpu.memory_space<vmem>>) dst(%dma_wait3A_74 : memref<128x128xf32, #tpu.memory_space<vmem_shared>>)
      tpu.yield
    }) : () -> ()
    %mul3A_22 = arith.constant 640 : i32
    %mul3A_23 = arith.muli %arg1, %mul3A_22 : i32
    %add3A_24 = arith.constant 512 : i32
    %add3A_25 = arith.addi %mul3A_23, %add3A_24 : i32
    %multiple_of3A_26 = tpu.assume_multiple %add3A_25, 128 : i32
    "tpu.region"() ({
      %run_scoped3A = tpu.sem_alloc : memref<!tpu.dma_semaphore, #tpu.memory_space<semaphore_mem>>
      %dma_start3A_68 = arith.constant 0 : i32
      %dma_start3A_69 = tpu.memref_slice %arg12[%multiple_of3A_26, %dma_start3A_68] : memref<10240x128xf32, #tpu.memory_space<vmem_shared>> -> memref<128x128xf32, #tpu.memory_space<vmem_shared>>
      %dma_start3A_70 = arith.constant 0 : i32
      %dma_start3A_71 = tpu.memref_slice %arg12[%multiple_of3A_26, %dma_start3A_70] : memref<10240x128xf32, #tpu.memory_space<vmem_shared>> -> memref<128x128xf32, #tpu.memory_space<vmem_shared>>
      tpu.enqueue_dma source(%arg9 : memref<128x128xf32, #tpu.memory_space<vmem>>) target(%dma_start3A_71 : memref<128x128xf32, #tpu.memory_space<vmem_shared>>) target_semaphore(%run_scoped3A : memref<!tpu.dma_semaphore, #tpu.memory_space<semaphore_mem>>)
      %dma_wait3A = arith.constant 0 : i32
      %dma_wait3A_72 = tpu.memref_slice %arg12[%multiple_of3A_26, %dma_wait3A] : memref<10240x128xf32, #tpu.memory_space<vmem_shared>> -> memref<128x128xf32, #tpu.memory_space<vmem_shared>>
      %dma_wait3A_73 = arith.constant 0 : i32
      %dma_wait3A_74 = tpu.memref_slice %arg12[%multiple_of3A_26, %dma_wait3A_73] : memref<10240x128xf32, #tpu.memory_space<vmem_shared>> -> memref<128x128xf32, #tpu.memory_space<vmem_shared>>
      tpu.wait_dma2 semaphore(%run_scoped3A : memref<!tpu.dma_semaphore, #tpu.memory_space<semaphore_mem>>) src(%arg9 : memref<128x128xf32, #tpu.memory_space<vmem>>) dst(%dma_wait3A_74 : memref<128x128xf32, #tpu.memory_space<vmem_shared>>)
      tpu.yield
    }) : () -> ()
    %barrier3A = arith.constant 0 : index
    tpu.barrier barrier_id(%barrier3A)
    %rem3A = arith.constant 0 : i32
    %rem3A_27 = arith.constant 8 : i32
    %rem3A_28 = arith.remsi %rem3A, %rem3A_27 : i32
    %eq3A = arith.constant 0 : i32
    %eq3A_29 = arith.cmpi eq, %rem3A_28, %eq3A : i32
    %convert_element_type3A = arith.extui %eq3A_29 : i1 to i32
    %cond3A = arith.constant 0 : i32
    %cond3A_30 = arith.cmpi ne, %convert_element_type3A, %cond3A : i32
    scf.if %cond3A_30 {
      %div3A = arith.constant 0 : i32
      %div3A_68 = arith.constant 8 : i32
      %div3A_69 = arith.divsi %div3A, %div3A_68 : i32
      %mul3A_70 = arith.constant 16 : i32
      %mul3A_71 = arith.muli %mul3A_70, %div3A_69 : i32
      %add3A_72 = arith.addi %mul3A_71, %arg1 : i32
      %mul3A_73 = arith.constant 2 : i32
      %mul3A_74 = arith.muli %mul3A_73, %add3A_72 : i32
      %add3A_75 = arith.addi %mul3A_74, %arg0 : i32
      %mul3A_76 = arith.constant 8 : i32
      %mul3A_77 = arith.muli %add3A_75, %mul3A_76 : i32
      %multiple_of3A_78 = tpu.assume_multiple %mul3A_77, 8 : i32
      "tpu.region"() ({
        %run_scoped3A = tpu.sem_alloc : memref<!tpu.dma_semaphore, #tpu.memory_space<semaphore_mem>>
        %dma_start3A_79 = arith.constant 0 : i32
        %dma_start3A_80 = tpu.memref_slice %arg3[%multiple_of3A_78, %dma_start3A_79] : memref<2560x128xi32, #tpu.memory_space<hbm>> -> memref<8x128xi32, #tpu.memory_space<hbm>>
        %dma_start3A_81 = arith.constant 0 : i32
        %dma_start3A_82 = tpu.memref_slice %arg3[%multiple_of3A_78, %dma_start3A_81] : memref<2560x128xi32, #tpu.memory_space<hbm>> -> memref<8x128xi32, #tpu.memory_space<hbm>>
        tpu.enqueue_dma source(%dma_start3A_82 : memref<8x128xi32, #tpu.memory_space<hbm>>) target(%arg7 : memref<8x128xi32, #tpu.memory_space<vmem>>) target_semaphore(%run_scoped3A : memref<!tpu.dma_semaphore, #tpu.memory_space<semaphore_mem>>)
        %dma_wait3A = arith.constant 0 : i32
        %dma_wait3A_83 = tpu.memref_slice %arg3[%multiple_of3A_78, %dma_wait3A] : memref<2560x128xi32, #tpu.memory_space<hbm>> -> memref<8x128xi32, #tpu.memory_space<hbm>>
        %dma_wait3A_84 = arith.constant 0 : i32
        %dma_wait3A_85 = tpu.memref_slice %arg3[%multiple_of3A_78, %dma_wait3A_84] : memref<2560x128xi32, #tpu.memory_space<hbm>> -> memref<8x128xi32, #tpu.memory_space<hbm>>
        tpu.wait_dma2 semaphore(%run_scoped3A : memref<!tpu.dma_semaphore, #tpu.memory_space<semaphore_mem>>) src(%dma_wait3A_85 : memref<8x128xi32, #tpu.memory_space<hbm>>) dst(%arg7 : memref<8x128xi32, #tpu.memory_space<vmem>>)
        tpu.yield
      }) : () -> ()
    } else {
    }
    %dma_start3A = arith.constant 0 : i32
    %dma_start3A_31 = tpu.memref_slice %arg7[%rem3A_28, %dma_start3A] : memref<8x128xi32, #tpu.memory_space<vmem>> -> memref<1x128xi32, #tpu.memory_space<vmem>>
    %dma_start3A_32 = tpu.memref_squeeze %dma_start3A_31 : memref<1x128xi32, #tpu.memory_space<vmem>> -> memref<128xi32, #tpu.memory_space<vmem>>
    %dma_start3A_33 = arith.constant 0 : i32
    %dma_start3A_34 = arith.constant 0 : i32
    %dma_start3A_35 = tpu.memref_slice %arg2[%dma_start3A_33, %dma_start3A_34] : memref<10000x128xf32, #tpu.memory_space<hbm>> -> memref<10000x128xf32, #tpu.memory_space<hbm>>
    tpu.enqueue_indirect_dma source(%dma_start3A_35 : memref<10000x128xf32, #tpu.memory_space<hbm>>) target(%arg9 : memref<128x128xf32, #tpu.memory_space<vmem>>) offsets(%dma_start3A_32 : memref<128xi32, #tpu.memory_space<vmem>>) semaphore(%arg13 : memref<!tpu.dma_semaphore, #tpu.memory_space<semaphore_mem>>)
    %scan3A_36 = arith.constant 0 : i32
    %scan3A_37 = arith.constant 0 : i32
    %scan3A_38 = arith.constant 40 : i32
    %scan3A_39 = arith.addi %scan3A_37, %scan3A_38 : i32
    %scan3A_40 = arith.constant 1 : i32
    scf.for %scan3A_68 = %scan3A_37 to %scan3A_39 step %scan3A_40  : i32 {
      %mul3A_69 = arith.constant 2 : i32
      %mul3A_70 = arith.muli %mul3A_69, %scan3A_68 : i32
      %rem3A_71 = arith.constant 8 : i32
      %rem3A_72 = arith.remsi %mul3A_70, %rem3A_71 : i32
      %eq3A_73 = arith.constant 0 : i32
      %eq3A_74 = arith.cmpi eq, %rem3A_72, %eq3A_73 : i32
      %convert_element_type3A_75 = arith.extui %eq3A_74 : i1 to i32
      %cond3A_76 = arith.constant 0 : i32
      %cond3A_77 = arith.cmpi ne, %convert_element_type3A_75, %cond3A_76 : i32
      scf.if %cond3A_77 {
        %div3A_206 = arith.constant 8 : i32
        %div3A_207 = arith.divsi %mul3A_70, %div3A_206 : i32
        %mul3A_208 = arith.constant 16 : i32
        %mul3A_209 = arith.muli %mul3A_208, %div3A_207 : i32
        %add3A_210 = arith.addi %mul3A_209, %arg1 : i32
        %mul3A_211 = arith.constant 2 : i32
        %mul3A_212 = arith.muli %mul3A_211, %add3A_210 : i32
        %add3A_213 = arith.addi %mul3A_212, %arg0 : i32
        %mul3A_214 = arith.constant 8 : i32
        %mul3A_215 = arith.muli %add3A_213, %mul3A_214 : i32
        %multiple_of3A_216 = tpu.assume_multiple %mul3A_215, 8 : i32
        "tpu.region"() ({
          %run_scoped3A = tpu.sem_alloc : memref<!tpu.dma_semaphore, #tpu.memory_space<semaphore_mem>>
          %dma_start3A_217 = arith.constant 0 : i32
          %dma_start3A_218 = tpu.memref_slice %arg4[%multiple_of3A_216, %dma_start3A_217] : memref<2560x128xi32, #tpu.memory_space<hbm>> -> memref<8x128xi32, #tpu.memory_space<hbm>>
          %dma_start3A_219 = arith.constant 0 : i32
          %dma_start3A_220 = tpu.memref_slice %arg4[%multiple_of3A_216, %dma_start3A_219] : memref<2560x128xi32, #tpu.memory_space<hbm>> -> memref<8x128xi32, #tpu.memory_space<hbm>>
          tpu.enqueue_dma source(%dma_start3A_220 : memref<8x128xi32, #tpu.memory_space<hbm>>) target(%arg8 : memref<8x128xi32, #tpu.memory_space<vmem>>) target_semaphore(%run_scoped3A : memref<!tpu.dma_semaphore, #tpu.memory_space<semaphore_mem>>)
          %dma_wait3A_221 = arith.constant 0 : i32
          %dma_wait3A_222 = tpu.memref_slice %arg4[%multiple_of3A_216, %dma_wait3A_221] : memref<2560x128xi32, #tpu.memory_space<hbm>> -> memref<8x128xi32, #tpu.memory_space<hbm>>
          %dma_wait3A_223 = arith.constant 0 : i32
          %dma_wait3A_224 = tpu.memref_slice %arg4[%multiple_of3A_216, %dma_wait3A_223] : memref<2560x128xi32, #tpu.memory_space<hbm>> -> memref<8x128xi32, #tpu.memory_space<hbm>>
          tpu.wait_dma2 semaphore(%run_scoped3A : memref<!tpu.dma_semaphore, #tpu.memory_space<semaphore_mem>>) src(%dma_wait3A_224 : memref<8x128xi32, #tpu.memory_space<hbm>>) dst(%arg8 : memref<8x128xi32, #tpu.memory_space<vmem>>)
          tpu.yield
        }) : () -> ()
      } else {
      }
      %dma_wait3A = arith.constant 0 : i32
      %dma_wait3A_78 = arith.constant 0 : i32
      %dma_wait3A_79 = tpu.memref_slice %arg7[%dma_wait3A, %dma_wait3A_78] : memref<8x128xi32, #tpu.memory_space<vmem>> -> memref<1x128xi32, #tpu.memory_space<vmem>>
      %dma_wait3A_80 = tpu.memref_squeeze %dma_wait3A_79 : memref<1x128xi32, #tpu.memory_space<vmem>> -> memref<128xi32, #tpu.memory_space<vmem>>
      %dma_wait3A_81 = arith.constant 0 : i32
      %dma_wait3A_82 = arith.constant 0 : i32
      %dma_wait3A_83 = tpu.memref_slice %arg2[%dma_wait3A_81, %dma_wait3A_82] : memref<10000x128xf32, #tpu.memory_space<hbm>> -> memref<10000x128xf32, #tpu.memory_space<hbm>>
      tpu.wait_indirect_dma semaphore(%arg13 : memref<!tpu.dma_semaphore, #tpu.memory_space<semaphore_mem>>) src(%dma_wait3A_83 : memref<10000x128xf32, #tpu.memory_space<hbm>>) dst(%arg9 : memref<128x128xf32, #tpu.memory_space<vmem>>)
      %add3A_84 = arith.constant 1 : i32
      %add3A_85 = arith.addi %mul3A_70, %add3A_84 : i32
      %lt3A = arith.constant 80 : i32
      %lt3A_86 = arith.cmpi slt, %add3A_85, %lt3A : i32
      %convert_element_type3A_87 = arith.extui %lt3A_86 : i1 to i32
      %cond3A_88 = arith.constant 0 : i32
      %cond3A_89 = arith.cmpi ne, %convert_element_type3A_87, %cond3A_88 : i32
      scf.if %cond3A_89 {
        %add3A_206 = arith.constant 1 : i32
        %add3A_207 = arith.addi %mul3A_70, %add3A_206 : i32
        %rem3A_208 = arith.constant 8 : i32
        %rem3A_209 = arith.remsi %add3A_207, %rem3A_208 : i32
        %eq3A_210 = arith.constant 0 : i32
        %eq3A_211 = arith.cmpi eq, %rem3A_209, %eq3A_210 : i32
        %convert_element_type3A_212 = arith.extui %eq3A_211 : i1 to i32
        %cond3A_213 = arith.constant 0 : i32
        %cond3A_214 = arith.cmpi ne, %convert_element_type3A_212, %cond3A_213 : i32
        scf.if %cond3A_214 {
          %div3A_221 = arith.constant 8 : i32
          %div3A_222 = arith.divsi %add3A_207, %div3A_221 : i32
          %mul3A_223 = arith.constant 16 : i32
          %mul3A_224 = arith.muli %mul3A_223, %div3A_222 : i32
          %add3A_225 = arith.addi %mul3A_224, %arg1 : i32
          %mul3A_226 = arith.constant 2 : i32
          %mul3A_227 = arith.muli %mul3A_226, %add3A_225 : i32
          %add3A_228 = arith.addi %mul3A_227, %arg0 : i32
          %mul3A_229 = arith.constant 8 : i32
          %mul3A_230 = arith.muli %add3A_228, %mul3A_229 : i32
          %multiple_of3A_231 = tpu.assume_multiple %mul3A_230, 8 : i32
          "tpu.region"() ({
            %run_scoped3A = tpu.sem_alloc : memref<!tpu.dma_semaphore, #tpu.memory_space<semaphore_mem>>
            %dma_start3A_232 = arith.constant 0 : i32
            %dma_start3A_233 = tpu.memref_slice %arg3[%multiple_of3A_231, %dma_start3A_232] : memref<2560x128xi32, #tpu.memory_space<hbm>> -> memref<8x128xi32, #tpu.memory_space<hbm>>
            %dma_start3A_234 = arith.constant 0 : i32
            %dma_start3A_235 = tpu.memref_slice %arg3[%multiple_of3A_231, %dma_start3A_234] : memref<2560x128xi32, #tpu.memory_space<hbm>> -> memref<8x128xi32, #tpu.memory_space<hbm>>
            tpu.enqueue_dma source(%dma_start3A_235 : memref<8x128xi32, #tpu.memory_space<hbm>>) target(%arg7 : memref<8x128xi32, #tpu.memory_space<vmem>>) target_semaphore(%run_scoped3A : memref<!tpu.dma_semaphore, #tpu.memory_space<semaphore_mem>>)
            %dma_wait3A_236 = arith.constant 0 : i32
            %dma_wait3A_237 = tpu.memref_slice %arg3[%multiple_of3A_231, %dma_wait3A_236] : memref<2560x128xi32, #tpu.memory_space<hbm>> -> memref<8x128xi32, #tpu.memory_space<hbm>>
            %dma_wait3A_238 = arith.constant 0 : i32
            %dma_wait3A_239 = tpu.memref_slice %arg3[%multiple_of3A_231, %dma_wait3A_238] : memref<2560x128xi32, #tpu.memory_space<hbm>> -> memref<8x128xi32, #tpu.memory_space<hbm>>
            tpu.wait_dma2 semaphore(%run_scoped3A : memref<!tpu.dma_semaphore, #tpu.memory_space<semaphore_mem>>) src(%dma_wait3A_239 : memref<8x128xi32, #tpu.memory_space<hbm>>) dst(%arg7 : memref<8x128xi32, #tpu.memory_space<vmem>>)
            tpu.yield
          }) : () -> ()
        } else {
        }
        %dma_start3A_215 = arith.constant 0 : i32
        %dma_start3A_216 = tpu.memref_slice %arg7[%rem3A_209, %dma_start3A_215] : memref<8x128xi32, #tpu.memory_space<vmem>> -> memref<1x128xi32, #tpu.memory_space<vmem>>
        %dma_start3A_217 = tpu.memref_squeeze %dma_start3A_216 : memref<1x128xi32, #tpu.memory_space<vmem>> -> memref<128xi32, #tpu.memory_space<vmem>>
        %dma_start3A_218 = arith.constant 0 : i32
        %dma_start3A_219 = arith.constant 0 : i32
        %dma_start3A_220 = tpu.memref_slice %arg2[%dma_start3A_218, %dma_start3A_219] : memref<10000x128xf32, #tpu.memory_space<hbm>> -> memref<10000x128xf32, #tpu.memory_space<hbm>>
        tpu.enqueue_indirect_dma source(%dma_start3A_220 : memref<10000x128xf32, #tpu.memory_space<hbm>>) target(%arg10 : memref<128x128xf32, #tpu.memory_space<vmem>>) offsets(%dma_start3A_217 : memref<128xi32, #tpu.memory_space<vmem>>) semaphore(%arg13 : memref<!tpu.dma_semaphore, #tpu.memory_space<semaphore_mem>>)
      } else {
      }
      %div3A = arith.constant 8 : i32
      %div3A_90 = arith.divsi %mul3A_70, %div3A : i32
      %mul3A_91 = arith.constant 16 : i32
      %mul3A_92 = arith.muli %mul3A_91, %div3A_90 : i32
      %add3A_93 = arith.addi %mul3A_92, %arg1 : i32
      %mul3A_94 = arith.constant 2 : i32
      %mul3A_95 = arith.muli %mul3A_94, %add3A_93 : i32
      %add3A_96 = arith.addi %mul3A_95, %arg0 : i32
      %mul3A_97 = arith.constant 8 : i32
      %mul3A_98 = arith.muli %add3A_96, %mul3A_97 : i32
      %multiple_of3A_99 = tpu.assume_multiple %mul3A_98, 8 : i32
      %add3A_100 = arith.addi %multiple_of3A_99, %rem3A_72 : i32
      %mul3A_101 = arith.constant 128 : i32
      %mul3A_102 = arith.muli %add3A_100, %mul3A_101 : i32
      %add3A_103 = arith.constant 0 : i32
      %add3A_104 = arith.addi %mul3A_102, %add3A_103 : i32
      %multiple_of3A_105 = tpu.assume_multiple %add3A_104, 64 : i32
      "tpu.region"() ({
        %run_scoped3A = tpu.sem_alloc : memref<!tpu.dma_semaphore, #tpu.memory_space<semaphore_mem>>
        %dma_start3A_206 = arith.constant 0 : i32
        %dma_start3A_207 = tpu.memref_slice %arg5[%multiple_of3A_105, %dma_start3A_206] : memref<327680x128xf32, #tpu.memory_space<hbm>> -> memref<64x128xf32, #tpu.memory_space<hbm>>
        %dma_start3A_208 = arith.constant 0 : i32
        %dma_start3A_209 = tpu.memref_slice %arg5[%multiple_of3A_105, %dma_start3A_208] : memref<327680x128xf32, #tpu.memory_space<hbm>> -> memref<64x128xf32, #tpu.memory_space<hbm>>
        tpu.enqueue_dma source(%dma_start3A_209 : memref<64x128xf32, #tpu.memory_space<hbm>>) target(%arg11 : memref<64x128xf32, #tpu.memory_space<vmem>>) target_semaphore(%run_scoped3A : memref<!tpu.dma_semaphore, #tpu.memory_space<semaphore_mem>>)
        %dma_wait3A_210 = arith.constant 0 : i32
        %dma_wait3A_211 = tpu.memref_slice %arg5[%multiple_of3A_105, %dma_wait3A_210] : memref<327680x128xf32, #tpu.memory_space<hbm>> -> memref<64x128xf32, #tpu.memory_space<hbm>>
        %dma_wait3A_212 = arith.constant 0 : i32
        %dma_wait3A_213 = tpu.memref_slice %arg5[%multiple_of3A_105, %dma_wait3A_212] : memref<327680x128xf32, #tpu.memory_space<hbm>> -> memref<64x128xf32, #tpu.memory_space<hbm>>
        tpu.wait_dma2 semaphore(%run_scoped3A : memref<!tpu.dma_semaphore, #tpu.memory_space<semaphore_mem>>) src(%dma_wait3A_213 : memref<64x128xf32, #tpu.memory_space<hbm>>) dst(%arg11 : memref<64x128xf32, #tpu.memory_space<vmem>>)
        tpu.yield
      }) : () -> ()
      %scan3A_106 = arith.constant 0 : i32
      %scan3A_107 = arith.constant 0 : i32
      %scan3A_108 = arith.constant 64 : i32
      %scan3A_109 = arith.addi %scan3A_107, %scan3A_108 : i32
      %scan3A_110 = arith.constant 1 : i32
      scf.for %scan3A_206 = %scan3A_107 to %scan3A_109 step %scan3A_110  : i32 {
        %add3A_207 = arith.constant 0 : i32
        %add3A_208 = arith.addi %add3A_207, %scan3A_206 : i32
        %get3A = arith.index_cast %add3A_208 : i32 to index
        %get3A_209 = arith.constant 0 : index
        %get3A_210 = tpu.vector_load %arg9[%get3A, %get3A_209] {strides = array<i32>} : memref<128x128xf32, #tpu.memory_space<vmem>>, vector<1x16xf32>,
        %get3A_211 = vector.shape_cast %get3A_210 : vector<1x16xf32> to vector<16xf32>
        %get3A_212 = arith.index_cast %scan3A_206 : i32 to index
        %get3A_213 = arith.constant 0 : index
        %get3A_214 = tpu.vector_load %arg11[%get3A_212, %get3A_213] {strides = array<i32>} : memref<64x128xf32, #tpu.memory_space<vmem>>, vector<1x16xf32>,
        %get3A_215 = vector.shape_cast %get3A_214 : vector<1x16xf32> to vector<16xf32>
        %add3A_216 = arith.addf %get3A_211, %get3A_215 : vector<16xf32>
        %max3A = arith.constant 0.000000e+00 : f32
        %max3A_217 = vector.broadcast %max3A : f32 to vector<16xf32>
        %max3A_218 = arith.maximumf %add3A_216, %max3A_217 : vector<16xf32>
        %swap3A = arith.index_cast %add3A_208 : i32 to index
        %swap3A_219 = arith.constant 0 : index
        %swap3A_220 = tpu.vector_load %arg9[%swap3A, %swap3A_219] {strides = array<i32>} : memref<128x128xf32, #tpu.memory_space<vmem>>, vector<1x16xf32>,
        %swap3A_221 = vector.shape_cast %swap3A_220 : vector<1x16xf32> to vector<16xf32>
        %swap3A_222 = vector.shape_cast %max3A_218 : vector<16xf32> to vector<1x16xf32>
        tpu.vector_store %arg9[%swap3A, %swap3A_219], %swap3A_222 {strides = array<i32>} : memref<128x128xf32, #tpu.memory_space<vmem>>, vector<1x16xf32>,
        %add3A_223 = arith.constant 0 : i32
        %add3A_224 = arith.addi %add3A_223, %scan3A_206 : i32
        %get3A_225 = arith.index_cast %add3A_224 : i32 to index
        %get3A_226 = arith.constant 16 : index
        %get3A_227 = tpu.vector_load %arg9[%get3A_225, %get3A_226] {strides = array<i32>} : memref<128x128xf32, #tpu.memory_space<vmem>>, vector<1x16xf32>,
        %get3A_228 = vector.shape_cast %get3A_227 : vector<1x16xf32> to vector<16xf32>
        %get3A_229 = arith.index_cast %scan3A_206 : i32 to index
        %get3A_230 = arith.constant 16 : index
        %get3A_231 = tpu.vector_load %arg11[%get3A_229, %get3A_230] {strides = array<i32>} : memref<64x128xf32, #tpu.memory_space<vmem>>, vector<1x16xf32>,
        %get3A_232 = vector.shape_cast %get3A_231 : vector<1x16xf32> to vector<16xf32>
        %add3A_233 = arith.addf %get3A_228, %get3A_232 : vector<16xf32>
        %max3A_234 = arith.constant 0.000000e+00 : f32
        %max3A_235 = vector.broadcast %max3A_234 : f32 to vector<16xf32>
        %max3A_236 = arith.maximumf %add3A_233, %max3A_235 : vector<16xf32>
        %swap3A_237 = arith.index_cast %add3A_224 : i32 to index
        %swap3A_238 = arith.constant 16 : index
        %swap3A_239 = tpu.vector_load %arg9[%swap3A_237, %swap3A_238] {strides = array<i32>} : memref<128x128xf32, #tpu.memory_space<vmem>>, vector<1x16xf32>,
        %swap3A_240 = vector.shape_cast %swap3A_239 : vector<1x16xf32> to vector<16xf32>
        %swap3A_241 = vector.shape_cast %max3A_236 : vector<16xf32> to vector<1x16xf32>
        tpu.vector_store %arg9[%swap3A_237, %swap3A_238], %swap3A_241 {strides = array<i32>} : memref<128x128xf32, #tpu.memory_space<vmem>>, vector<1x16xf32>,
        %add3A_242 = arith.constant 0 : i32
        %add3A_243 = arith.addi %add3A_242, %scan3A_206 : i32
        %get3A_244 = arith.index_cast %add3A_243 : i32 to index
        %get3A_245 = arith.constant 32 : index
        %get3A_246 = tpu.vector_load %arg9[%get3A_244, %get3A_245] {strides = array<i32>} : memref<128x128xf32, #tpu.memory_space<vmem>>, vector<1x16xf32>,
        %get3A_247 = vector.shape_cast %get3A_246 : vector<1x16xf32> to vector<16xf32>
        %get3A_248 = arith.index_cast %scan3A_206 : i32 to index
        %get3A_249 = arith.constant 32 : index
        %get3A_250 = tpu.vector_load %arg11[%get3A_248, %get3A_249] {strides = array<i32>} : memref<64x128xf32, #tpu.memory_space<vmem>>, vector<1x16xf32>,
        %get3A_251 = vector.shape_cast %get3A_250 : vector<1x16xf32> to vector<16xf32>
        %add3A_252 = arith.addf %get3A_247, %get3A_251 : vector<16xf32>
        %max3A_253 = arith.constant 0.000000e+00 : f32
        %max3A_254 = vector.broadcast %max3A_253 : f32 to vector<16xf32>
        %max3A_255 = arith.maximumf %add3A_252, %max3A_254 : vector<16xf32>
        %swap3A_256 = arith.index_cast %add3A_243 : i32 to index
        %swap3A_257 = arith.constant 32 : index
        %swap3A_258 = tpu.vector_load %arg9[%swap3A_256, %swap3A_257] {strides = array<i32>} : memref<128x128xf32, #tpu.memory_space<vmem>>, vector<1x16xf32>,
        %swap3A_259 = vector.shape_cast %swap3A_258 : vector<1x16xf32> to vector<16xf32>
        %swap3A_260 = vector.shape_cast %max3A_255 : vector<16xf32> to vector<1x16xf32>
        tpu.vector_store %arg9[%swap3A_256, %swap3A_257], %swap3A_260 {strides = array<i32>} : memref<128x128xf32, #tpu.memory_space<vmem>>, vector<1x16xf32>,
        %add3A_261 = arith.constant 0 : i32
        %add3A_262 = arith.addi %add3A_261, %scan3A_206 : i32
        %get3A_263 = arith.index_cast %add3A_262 : i32 to index
        %get3A_264 = arith.constant 48 : index
        %get3A_265 = tpu.vector_load %arg9[%get3A_263, %get3A_264] {strides = array<i32>} : memref<128x128xf32, #tpu.memory_space<vmem>>, vector<1x16xf32>,
        %get3A_266 = vector.shape_cast %get3A_265 : vector<1x16xf32> to vector<16xf32>
        %get3A_267 = arith.index_cast %scan3A_206 : i32 to index
        %get3A_268 = arith.constant 48 : index
        %get3A_269 = tpu.vector_load %arg11[%get3A_267, %get3A_268] {strides = array<i32>} : memref<64x128xf32, #tpu.memory_space<vmem>>, vector<1x16xf32>,
        %get3A_270 = vector.shape_cast %get3A_269 : vector<1x16xf32> to vector<16xf32>
        %add3A_271 = arith.addf %get3A_266, %get3A_270 : vector<16xf32>
        %max3A_272 = arith.constant 0.000000e+00 : f32
        %max3A_273 = vector.broadcast %max3A_272 : f32 to vector<16xf32>
        %max3A_274 = arith.maximumf %add3A_271, %max3A_273 : vector<16xf32>
        %swap3A_275 = arith.index_cast %add3A_262 : i32 to index
        %swap3A_276 = arith.constant 48 : index
        %swap3A_277 = tpu.vector_load %arg9[%swap3A_275, %swap3A_276] {strides = array<i32>} : memref<128x128xf32, #tpu.memory_space<vmem>>, vector<1x16xf32>,
        %swap3A_278 = vector.shape_cast %swap3A_277 : vector<1x16xf32> to vector<16xf32>
        %swap3A_279 = vector.shape_cast %max3A_274 : vector<16xf32> to vector<1x16xf32>
        tpu.vector_store %arg9[%swap3A_275, %swap3A_276], %swap3A_279 {strides = array<i32>} : memref<128x128xf32, #tpu.memory_space<vmem>>, vector<1x16xf32>,
        %add3A_280 = arith.constant 0 : i32
        %add3A_281 = arith.addi %add3A_280, %scan3A_206 : i32
        %get3A_282 = arith.index_cast %add3A_281 : i32 to index
        %get3A_283 = arith.constant 64 : index
        %get3A_284 = tpu.vector_load %arg9[%get3A_282, %get3A_283] {strides = array<i32>} : memref<128x128xf32, #tpu.memory_space<vmem>>, vector<1x16xf32>,
        %get3A_285 = vector.shape_cast %get3A_284 : vector<1x16xf32> to vector<16xf32>
        %get3A_286 = arith.index_cast %scan3A_206 : i32 to index
        %get3A_287 = arith.constant 64 : index
        %get3A_288 = tpu.vector_load %arg11[%get3A_286, %get3A_287] {strides = array<i32>} : memref<64x128xf32, #tpu.memory_space<vmem>>, vector<1x16xf32>,
        %get3A_289 = vector.shape_cast %get3A_288 : vector<1x16xf32> to vector<16xf32>
        %add3A_290 = arith.addf %get3A_285, %get3A_289 : vector<16xf32>
        %max3A_291 = arith.constant 0.000000e+00 : f32
        %max3A_292 = vector.broadcast %max3A_291 : f32 to vector<16xf32>
        %max3A_293 = arith.maximumf %add3A_290, %max3A_292 : vector<16xf32>
        %swap3A_294 = arith.index_cast %add3A_281 : i32 to index
        %swap3A_295 = arith.constant 64 : index
        %swap3A_296 = tpu.vector_load %arg9[%swap3A_294, %swap3A_295] {strides = array<i32>} : memref<128x128xf32, #tpu.memory_space<vmem>>, vector<1x16xf32>,
        %swap3A_297 = vector.shape_cast %swap3A_296 : vector<1x16xf32> to vector<16xf32>
        %swap3A_298 = vector.shape_cast %max3A_293 : vector<16xf32> to vector<1x16xf32>
        tpu.vector_store %arg9[%swap3A_294, %swap3A_295], %swap3A_298 {strides = array<i32>} : memref<128x128xf32, #tpu.memory_space<vmem>>, vector<1x16xf32>,
        %add3A_299 = arith.constant 0 : i32
        %add3A_300 = arith.addi %add3A_299, %scan3A_206 : i32
        %get3A_301 = arith.index_cast %add3A_300 : i32 to index
        %get3A_302 = arith.constant 80 : index
        %get3A_303 = tpu.vector_load %arg9[%get3A_301, %get3A_302] {strides = array<i32>} : memref<128x128xf32, #tpu.memory_space<vmem>>, vector<1x16xf32>,
        %get3A_304 = vector.shape_cast %get3A_303 : vector<1x16xf32> to vector<16xf32>
        %get3A_305 = arith.index_cast %scan3A_206 : i32 to index
        %get3A_306 = arith.constant 80 : index
        %get3A_307 = tpu.vector_load %arg11[%get3A_305, %get3A_306] {strides = array<i32>} : memref<64x128xf32, #tpu.memory_space<vmem>>, vector<1x16xf32>,
        %get3A_308 = vector.shape_cast %get3A_307 : vector<1x16xf32> to vector<16xf32>
        %add3A_309 = arith.addf %get3A_304, %get3A_308 : vector<16xf32>
        %max3A_310 = arith.constant 0.000000e+00 : f32
        %max3A_311 = vector.broadcast %max3A_310 : f32 to vector<16xf32>
        %max3A_312 = arith.maximumf %add3A_309, %max3A_311 : vector<16xf32>
        %swap3A_313 = arith.index_cast %add3A_300 : i32 to index
        %swap3A_314 = arith.constant 80 : index
        %swap3A_315 = tpu.vector_load %arg9[%swap3A_313, %swap3A_314] {strides = array<i32>} : memref<128x128xf32, #tpu.memory_space<vmem>>, vector<1x16xf32>,
        %swap3A_316 = vector.shape_cast %swap3A_315 : vector<1x16xf32> to vector<16xf32>
        %swap3A_317 = vector.shape_cast %max3A_312 : vector<16xf32> to vector<1x16xf32>
        tpu.vector_store %arg9[%swap3A_313, %swap3A_314], %swap3A_317 {strides = array<i32>} : memref<128x128xf32, #tpu.memory_space<vmem>>, vector<1x16xf32>,
        %add3A_318 = arith.constant 0 : i32
        %add3A_319 = arith.addi %add3A_318, %scan3A_206 : i32
        %get3A_320 = arith.index_cast %add3A_319 : i32 to index
        %get3A_321 = arith.constant 96 : index
        %get3A_322 = tpu.vector_load %arg9[%get3A_320, %get3A_321] {strides = array<i32>} : memref<128x128xf32, #tpu.memory_space<vmem>>, vector<1x16xf32>,
        %get3A_323 = vector.shape_cast %get3A_322 : vector<1x16xf32> to vector<16xf32>
        %get3A_324 = arith.index_cast %scan3A_206 : i32 to index
        %get3A_325 = arith.constant 96 : index
        %get3A_326 = tpu.vector_load %arg11[%get3A_324, %get3A_325] {strides = array<i32>} : memref<64x128xf32, #tpu.memory_space<vmem>>, vector<1x16xf32>,
        %get3A_327 = vector.shape_cast %get3A_326 : vector<1x16xf32> to vector<16xf32>
        %add3A_328 = arith.addf %get3A_323, %get3A_327 : vector<16xf32>
        %max3A_329 = arith.constant 0.000000e+00 : f32
        %max3A_330 = vector.broadcast %max3A_329 : f32 to vector<16xf32>
        %max3A_331 = arith.maximumf %add3A_328, %max3A_330 : vector<16xf32>
        %swap3A_332 = arith.index_cast %add3A_319 : i32 to index
        %swap3A_333 = arith.constant 96 : index
        %swap3A_334 = tpu.vector_load %arg9[%swap3A_332, %swap3A_333] {strides = array<i32>} : memref<128x128xf32, #tpu.memory_space<vmem>>, vector<1x16xf32>,
        %swap3A_335 = vector.shape_cast %swap3A_334 : vector<1x16xf32> to vector<16xf32>
        %swap3A_336 = vector.shape_cast %max3A_331 : vector<16xf32> to vector<1x16xf32>
        tpu.vector_store %arg9[%swap3A_332, %swap3A_333], %swap3A_336 {strides = array<i32>} : memref<128x128xf32, #tpu.memory_space<vmem>>, vector<1x16xf32>,
        %add3A_337 = arith.constant 0 : i32
        %add3A_338 = arith.addi %add3A_337, %scan3A_206 : i32
        %get3A_339 = arith.index_cast %add3A_338 : i32 to index
        %get3A_340 = arith.constant 112 : index
        %get3A_341 = tpu.vector_load %arg9[%get3A_339, %get3A_340] {strides = array<i32>} : memref<128x128xf32, #tpu.memory_space<vmem>>, vector<1x16xf32>,
        %get3A_342 = vector.shape_cast %get3A_341 : vector<1x16xf32> to vector<16xf32>
        %get3A_343 = arith.index_cast %scan3A_206 : i32 to index
        %get3A_344 = arith.constant 112 : index
        %get3A_345 = tpu.vector_load %arg11[%get3A_343, %get3A_344] {strides = array<i32>} : memref<64x128xf32, #tpu.memory_space<vmem>>, vector<1x16xf32>,
        %get3A_346 = vector.shape_cast %get3A_345 : vector<1x16xf32> to vector<16xf32>
        %add3A_347 = arith.addf %get3A_342, %get3A_346 : vector<16xf32>
        %max3A_348 = arith.constant 0.000000e+00 : f32
        %max3A_349 = vector.broadcast %max3A_348 : f32 to vector<16xf32>
        %max3A_350 = arith.maximumf %add3A_347, %max3A_349 : vector<16xf32>
        %swap3A_351 = arith.index_cast %add3A_338 : i32 to index
        %swap3A_352 = arith.constant 112 : index
        %swap3A_353 = tpu.vector_load %arg9[%swap3A_351, %swap3A_352] {strides = array<i32>} : memref<128x128xf32, #tpu.memory_space<vmem>>, vector<1x16xf32>,
        %swap3A_354 = vector.shape_cast %swap3A_353 : vector<1x16xf32> to vector<16xf32>
        %swap3A_355 = vector.shape_cast %max3A_350 : vector<16xf32> to vector<1x16xf32>
        tpu.vector_store %arg9[%swap3A_351, %swap3A_352], %swap3A_355 {strides = array<i32>} : memref<128x128xf32, #tpu.memory_space<vmem>>, vector<1x16xf32>,
      }
      %scan3A_111 = arith.constant 64 : i32
      %div3A_112 = arith.constant 8 : i32
      %div3A_113 = arith.divsi %mul3A_70, %div3A_112 : i32
      %mul3A_114 = arith.constant 16 : i32
      %mul3A_115 = arith.muli %mul3A_114, %div3A_113 : i32
      %add3A_116 = arith.addi %mul3A_115, %arg1 : i32
      %mul3A_117 = arith.constant 2 : i32
      %mul3A_118 = arith.muli %mul3A_117, %add3A_116 : i32
      %add3A_119 = arith.addi %mul3A_118, %arg0 : i32
      %mul3A_120 = arith.constant 8 : i32
      %mul3A_121 = arith.muli %add3A_119, %mul3A_120 : i32
      %multiple_of3A_122 = tpu.assume_multiple %mul3A_121, 8 : i32
      %add3A_123 = arith.addi %multiple_of3A_122, %rem3A_72 : i32
      %mul3A_124 = arith.constant 128 : i32
      %mul3A_125 = arith.muli %add3A_123, %mul3A_124 : i32
      %add3A_126 = arith.constant 64 : i32
      %add3A_127 = arith.addi %mul3A_125, %add3A_126 : i32
      %multiple_of3A_128 = tpu.assume_multiple %add3A_127, 64 : i32
      "tpu.region"() ({
        %run_scoped3A = tpu.sem_alloc : memref<!tpu.dma_semaphore, #tpu.memory_space<semaphore_mem>>
        %dma_start3A_206 = arith.constant 0 : i32
        %dma_start3A_207 = tpu.memref_slice %arg5[%multiple_of3A_128, %dma_start3A_206] : memref<327680x128xf32, #tpu.memory_space<hbm>> -> memref<64x128xf32, #tpu.memory_space<hbm>>
        %dma_start3A_208 = arith.constant 0 : i32
        %dma_start3A_209 = tpu.memref_slice %arg5[%multiple_of3A_128, %dma_start3A_208] : memref<327680x128xf32, #tpu.memory_space<hbm>> -> memref<64x128xf32, #tpu.memory_space<hbm>>
        tpu.enqueue_dma source(%dma_start3A_209 : memref<64x128xf32, #tpu.memory_space<hbm>>) target(%arg11 : memref<64x128xf32, #tpu.memory_space<vmem>>) target_semaphore(%run_scoped3A : memref<!tpu.dma_semaphore, #tpu.memory_space<semaphore_mem>>)
        %dma_wait3A_210 = arith.constant 0 : i32
        %dma_wait3A_211 = tpu.memref_slice %arg5[%multiple_of3A_128, %dma_wait3A_210] : memref<327680x128xf32, #tpu.memory_space<hbm>> -> memref<64x128xf32, #tpu.memory_space<hbm>>
        %dma_wait3A_212 = arith.constant 0 : i32
        %dma_wait3A_213 = tpu.memref_slice %arg5[%multiple_of3A_128, %dma_wait3A_212] : memref<327680x128xf32, #tpu.memory_space<hbm>> -> memref<64x128xf32, #tpu.memory_space<hbm>>
        tpu.wait_dma2 semaphore(%run_scoped3A : memref<!tpu.dma_semaphore, #tpu.memory_space<semaphore_mem>>) src(%dma_wait3A_213 : memref<64x128xf32, #tpu.memory_space<hbm>>) dst(%arg11 : memref<64x128xf32, #tpu.memory_space<vmem>>)
        tpu.yield
      }) : () -> ()
      %scan3A_129 = arith.constant 0 : i32
      %scan3A_130 = arith.constant 0 : i32
      %scan3A_131 = arith.constant 64 : i32
      %scan3A_132 = arith.addi %scan3A_130, %scan3A_131 : i32
      %scan3A_133 = arith.constant 1 : i32
      scf.for %scan3A_206 = %scan3A_130 to %scan3A_132 step %scan3A_133  : i32 {
        %add3A_207 = arith.constant 64 : i32
        %add3A_208 = arith.addi %add3A_207, %scan3A_206 : i32
        %get3A = arith.index_cast %add3A_208 : i32 to index
        %get3A_209 = arith.constant 0 : index
        %get3A_210 = tpu.vector_load %arg9[%get3A, %get3A_209] {strides = array<i32>} : memref<128x128xf32, #tpu.memory_space<vmem>>, vector<1x16xf32>,
        %get3A_211 = vector.shape_cast %get3A_210 : vector<1x16xf32> to vector<16xf32>
        %get3A_212 = arith.index_cast %scan3A_206 : i32 to index
        %get3A_213 = arith.constant 0 : index
        %get3A_214 = tpu.vector_load %arg11[%get3A_212, %get3A_213] {strides = array<i32>} : memref<64x128xf32, #tpu.memory_space<vmem>>, vector<1x16xf32>,
        %get3A_215 = vector.shape_cast %get3A_214 : vector<1x16xf32> to vector<16xf32>
        %add3A_216 = arith.addf %get3A_211, %get3A_215 : vector<16xf32>
        %max3A = arith.constant 0.000000e+00 : f32
        %max3A_217 = vector.broadcast %max3A : f32 to vector<16xf32>
        %max3A_218 = arith.maximumf %add3A_216, %max3A_217 : vector<16xf32>
        %swap3A = arith.index_cast %add3A_208 : i32 to index
        %swap3A_219 = arith.constant 0 : index
        %swap3A_220 = tpu.vector_load %arg9[%swap3A, %swap3A_219] {strides = array<i32>} : memref<128x128xf32, #tpu.memory_space<vmem>>, vector<1x16xf32>,
        %swap3A_221 = vector.shape_cast %swap3A_220 : vector<1x16xf32> to vector<16xf32>
        %swap3A_222 = vector.shape_cast %max3A_218 : vector<16xf32> to vector<1x16xf32>
        tpu.vector_store %arg9[%swap3A, %swap3A_219], %swap3A_222 {strides = array<i32>} : memref<128x128xf32, #tpu.memory_space<vmem>>, vector<1x16xf32>,
        %add3A_223 = arith.constant 64 : i32
        %add3A_224 = arith.addi %add3A_223, %scan3A_206 : i32
        %get3A_225 = arith.index_cast %add3A_224 : i32 to index
        %get3A_226 = arith.constant 16 : index
        %get3A_227 = tpu.vector_load %arg9[%get3A_225, %get3A_226] {strides = array<i32>} : memref<128x128xf32, #tpu.memory_space<vmem>>, vector<1x16xf32>,
        %get3A_228 = vector.shape_cast %get3A_227 : vector<1x16xf32> to vector<16xf32>
        %get3A_229 = arith.index_cast %scan3A_206 : i32 to index
        %get3A_230 = arith.constant 16 : index
        %get3A_231 = tpu.vector_load %arg11[%get3A_229, %get3A_230] {strides = array<i32>} : memref<64x128xf32, #tpu.memory_space<vmem>>, vector<1x16xf32>,
        %get3A_232 = vector.shape_cast %get3A_231 : vector<1x16xf32> to vector<16xf32>
        %add3A_233 = arith.addf %get3A_228, %get3A_232 : vector<16xf32>
        %max3A_234 = arith.constant 0.000000e+00 : f32
        %max3A_235 = vector.broadcast %max3A_234 : f32 to vector<16xf32>
        %max3A_236 = arith.maximumf %add3A_233, %max3A_235 : vector<16xf32>
        %swap3A_237 = arith.index_cast %add3A_224 : i32 to index
        %swap3A_238 = arith.constant 16 : index
        %swap3A_239 = tpu.vector_load %arg9[%swap3A_237, %swap3A_238] {strides = array<i32>} : memref<128x128xf32, #tpu.memory_space<vmem>>, vector<1x16xf32>,
        %swap3A_240 = vector.shape_cast %swap3A_239 : vector<1x16xf32> to vector<16xf32>
        %swap3A_241 = vector.shape_cast %max3A_236 : vector<16xf32> to vector<1x16xf32>
        tpu.vector_store %arg9[%swap3A_237, %swap3A_238], %swap3A_241 {strides = array<i32>} : memref<128x128xf32, #tpu.memory_space<vmem>>, vector<1x16xf32>,
        %add3A_242 = arith.constant 64 : i32
        %add3A_243 = arith.addi %add3A_242, %scan3A_206 : i32
        %get3A_244 = arith.index_cast %add3A_243 : i32 to index
        %get3A_245 = arith.constant 32 : index
        %get3A_246 = tpu.vector_load %arg9[%get3A_244, %get3A_245] {strides = array<i32>} : memref<128x128xf32, #tpu.memory_space<vmem>>, vector<1x16xf32>,
        %get3A_247 = vector.shape_cast %get3A_246 : vector<1x16xf32> to vector<16xf32>
        %get3A_248 = arith.index_cast %scan3A_206 : i32 to index
        %get3A_249 = arith.constant 32 : index
        %get3A_250 = tpu.vector_load %arg11[%get3A_248, %get3A_249] {strides = array<i32>} : memref<64x128xf32, #tpu.memory_space<vmem>>, vector<1x16xf32>,
        %get3A_251 = vector.shape_cast %get3A_250 : vector<1x16xf32> to vector<16xf32>
        %add3A_252 = arith.addf %get3A_247, %get3A_251 : vector<16xf32>
        %max3A_253 = arith.constant 0.000000e+00 : f32
        %max3A_254 = vector.broadcast %max3A_253 : f32 to vector<16xf32>
        %max3A_255 = arith.maximumf %add3A_252, %max3A_254 : vector<16xf32>
        %swap3A_256 = arith.index_cast %add3A_243 : i32 to index
        %swap3A_257 = arith.constant 32 : index
        %swap3A_258 = tpu.vector_load %arg9[%swap3A_256, %swap3A_257] {strides = array<i32>} : memref<128x128xf32, #tpu.memory_space<vmem>>, vector<1x16xf32>,
        %swap3A_259 = vector.shape_cast %swap3A_258 : vector<1x16xf32> to vector<16xf32>
        %swap3A_260 = vector.shape_cast %max3A_255 : vector<16xf32> to vector<1x16xf32>
        tpu.vector_store %arg9[%swap3A_256, %swap3A_257], %swap3A_260 {strides = array<i32>} : memref<128x128xf32, #tpu.memory_space<vmem>>, vector<1x16xf32>,
        %add3A_261 = arith.constant 64 : i32
        %add3A_262 = arith.addi %add3A_261, %scan3A_206 : i32
        %get3A_263 = arith.index_cast %add3A_262 : i32 to index
        %get3A_264 = arith.constant 48 : index
        %get3A_265 = tpu.vector_load %arg9[%get3A_263, %get3A_264] {strides = array<i32>} : memref<128x128xf32, #tpu.memory_space<vmem>>, vector<1x16xf32>,
        %get3A_266 = vector.shape_cast %get3A_265 : vector<1x16xf32> to vector<16xf32>
        %get3A_267 = arith.index_cast %scan3A_206 : i32 to index
        %get3A_268 = arith.constant 48 : index
        %get3A_269 = tpu.vector_load %arg11[%get3A_267, %get3A_268] {strides = array<i32>} : memref<64x128xf32, #tpu.memory_space<vmem>>, vector<1x16xf32>,
        %get3A_270 = vector.shape_cast %get3A_269 : vector<1x16xf32> to vector<16xf32>
        %add3A_271 = arith.addf %get3A_266, %get3A_270 : vector<16xf32>
        %max3A_272 = arith.constant 0.000000e+00 : f32
        %max3A_273 = vector.broadcast %max3A_272 : f32 to vector<16xf32>
        %max3A_274 = arith.maximumf %add3A_271, %max3A_273 : vector<16xf32>
        %swap3A_275 = arith.index_cast %add3A_262 : i32 to index
        %swap3A_276 = arith.constant 48 : index
        %swap3A_277 = tpu.vector_load %arg9[%swap3A_275, %swap3A_276] {strides = array<i32>} : memref<128x128xf32, #tpu.memory_space<vmem>>, vector<1x16xf32>,
        %swap3A_278 = vector.shape_cast %swap3A_277 : vector<1x16xf32> to vector<16xf32>
        %swap3A_279 = vector.shape_cast %max3A_274 : vector<16xf32> to vector<1x16xf32>
        tpu.vector_store %arg9[%swap3A_275, %swap3A_276], %swap3A_279 {strides = array<i32>} : memref<128x128xf32, #tpu.memory_space<vmem>>, vector<1x16xf32>,
        %add3A_280 = arith.constant 64 : i32
        %add3A_281 = arith.addi %add3A_280, %scan3A_206 : i32
        %get3A_282 = arith.index_cast %add3A_281 : i32 to index
        %get3A_283 = arith.constant 64 : index
        %get3A_284 = tpu.vector_load %arg9[%get3A_282, %get3A_283] {strides = array<i32>} : memref<128x128xf32, #tpu.memory_space<vmem>>, vector<1x16xf32>,
        %get3A_285 = vector.shape_cast %get3A_284 : vector<1x16xf32> to vector<16xf32>
        %get3A_286 = arith.index_cast %scan3A_206 : i32 to index
        %get3A_287 = arith.constant 64 : index
        %get3A_288 = tpu.vector_load %arg11[%get3A_286, %get3A_287] {strides = array<i32>} : memref<64x128xf32, #tpu.memory_space<vmem>>, vector<1x16xf32>,
        %get3A_289 = vector.shape_cast %get3A_288 : vector<1x16xf32> to vector<16xf32>
        %add3A_290 = arith.addf %get3A_285, %get3A_289 : vector<16xf32>
        %max3A_291 = arith.constant 0.000000e+00 : f32
        %max3A_292 = vector.broadcast %max3A_291 : f32 to vector<16xf32>
        %max3A_293 = arith.maximumf %add3A_290, %max3A_292 : vector<16xf32>
        %swap3A_294 = arith.index_cast %add3A_281 : i32 to index
        %swap3A_295 = arith.constant 64 : index
        %swap3A_296 = tpu.vector_load %arg9[%swap3A_294, %swap3A_295] {strides = array<i32>} : memref<128x128xf32, #tpu.memory_space<vmem>>, vector<1x16xf32>,
        %swap3A_297 = vector.shape_cast %swap3A_296 : vector<1x16xf32> to vector<16xf32>
        %swap3A_298 = vector.shape_cast %max3A_293 : vector<16xf32> to vector<1x16xf32>
        tpu.vector_store %arg9[%swap3A_294, %swap3A_295], %swap3A_298 {strides = array<i32>} : memref<128x128xf32, #tpu.memory_space<vmem>>, vector<1x16xf32>,
        %add3A_299 = arith.constant 64 : i32
        %add3A_300 = arith.addi %add3A_299, %scan3A_206 : i32
        %get3A_301 = arith.index_cast %add3A_300 : i32 to index
        %get3A_302 = arith.constant 80 : index
        %get3A_303 = tpu.vector_load %arg9[%get3A_301, %get3A_302] {strides = array<i32>} : memref<128x128xf32, #tpu.memory_space<vmem>>, vector<1x16xf32>,
        %get3A_304 = vector.shape_cast %get3A_303 : vector<1x16xf32> to vector<16xf32>
        %get3A_305 = arith.index_cast %scan3A_206 : i32 to index
        %get3A_306 = arith.constant 80 : index
        %get3A_307 = tpu.vector_load %arg11[%get3A_305, %get3A_306] {strides = array<i32>} : memref<64x128xf32, #tpu.memory_space<vmem>>, vector<1x16xf32>,
        %get3A_308 = vector.shape_cast %get3A_307 : vector<1x16xf32> to vector<16xf32>
        %add3A_309 = arith.addf %get3A_304, %get3A_308 : vector<16xf32>
        %max3A_310 = arith.constant 0.000000e+00 : f32
        %max3A_311 = vector.broadcast %max3A_310 : f32 to vector<16xf32>
        %max3A_312 = arith.maximumf %add3A_309, %max3A_311 : vector<16xf32>
        %swap3A_313 = arith.index_cast %add3A_300 : i32 to index
        %swap3A_314 = arith.constant 80 : index
        %swap3A_315 = tpu.vector_load %arg9[%swap3A_313, %swap3A_314] {strides = array<i32>} : memref<128x128xf32, #tpu.memory_space<vmem>>, vector<1x16xf32>,
        %swap3A_316 = vector.shape_cast %swap3A_315 : vector<1x16xf32> to vector<16xf32>
        %swap3A_317 = vector.shape_cast %max3A_312 : vector<16xf32> to vector<1x16xf32>
        tpu.vector_store %arg9[%swap3A_313, %swap3A_314], %swap3A_317 {strides = array<i32>} : memref<128x128xf32, #tpu.memory_space<vmem>>, vector<1x16xf32>,
        %add3A_318 = arith.constant 64 : i32
        %add3A_319 = arith.addi %add3A_318, %scan3A_206 : i32
        %get3A_320 = arith.index_cast %add3A_319 : i32 to index
        %get3A_321 = arith.constant 96 : index
        %get3A_322 = tpu.vector_load %arg9[%get3A_320, %get3A_321] {strides = array<i32>} : memref<128x128xf32, #tpu.memory_space<vmem>>, vector<1x16xf32>,
        %get3A_323 = vector.shape_cast %get3A_322 : vector<1x16xf32> to vector<16xf32>
        %get3A_324 = arith.index_cast %scan3A_206 : i32 to index
        %get3A_325 = arith.constant 96 : index
        %get3A_326 = tpu.vector_load %arg11[%get3A_324, %get3A_325] {strides = array<i32>} : memref<64x128xf32, #tpu.memory_space<vmem>>, vector<1x16xf32>,
        %get3A_327 = vector.shape_cast %get3A_326 : vector<1x16xf32> to vector<16xf32>
        %add3A_328 = arith.addf %get3A_323, %get3A_327 : vector<16xf32>
        %max3A_329 = arith.constant 0.000000e+00 : f32
        %max3A_330 = vector.broadcast %max3A_329 : f32 to vector<16xf32>
        %max3A_331 = arith.maximumf %add3A_328, %max3A_330 : vector<16xf32>
        %swap3A_332 = arith.index_cast %add3A_319 : i32 to index
        %swap3A_333 = arith.constant 96 : index
        %swap3A_334 = tpu.vector_load %arg9[%swap3A_332, %swap3A_333] {strides = array<i32>} : memref<128x128xf32, #tpu.memory_space<vmem>>, vector<1x16xf32>,
        %swap3A_335 = vector.shape_cast %swap3A_334 : vector<1x16xf32> to vector<16xf32>
        %swap3A_336 = vector.shape_cast %max3A_331 : vector<16xf32> to vector<1x16xf32>
        tpu.vector_store %arg9[%swap3A_332, %swap3A_333], %swap3A_336 {strides = array<i32>} : memref<128x128xf32, #tpu.memory_space<vmem>>, vector<1x16xf32>,
        %add3A_337 = arith.constant 64 : i32
        %add3A_338 = arith.addi %add3A_337, %scan3A_206 : i32
        %get3A_339 = arith.index_cast %add3A_338 : i32 to index
        %get3A_340 = arith.constant 112 : index
        %get3A_341 = tpu.vector_load %arg9[%get3A_339, %get3A_340] {strides = array<i32>} : memref<128x128xf32, #tpu.memory_space<vmem>>, vector<1x16xf32>,
        %get3A_342 = vector.shape_cast %get3A_341 : vector<1x16xf32> to vector<16xf32>
        %get3A_343 = arith.index_cast %scan3A_206 : i32 to index
        %get3A_344 = arith.constant 112 : index
        %get3A_345 = tpu.vector_load %arg11[%get3A_343, %get3A_344] {strides = array<i32>} : memref<64x128xf32, #tpu.memory_space<vmem>>, vector<1x16xf32>,
        %get3A_346 = vector.shape_cast %get3A_345 : vector<1x16xf32> to vector<16xf32>
        %add3A_347 = arith.addf %get3A_342, %get3A_346 : vector<16xf32>
        %max3A_348 = arith.constant 0.000000e+00 : f32
        %max3A_349 = vector.broadcast %max3A_348 : f32 to vector<16xf32>
        %max3A_350 = arith.maximumf %add3A_347, %max3A_349 : vector<16xf32>
        %swap3A_351 = arith.index_cast %add3A_338 : i32 to index
        %swap3A_352 = arith.constant 112 : index
        %swap3A_353 = tpu.vector_load %arg9[%swap3A_351, %swap3A_352] {strides = array<i32>} : memref<128x128xf32, #tpu.memory_space<vmem>>, vector<1x16xf32>,
        %swap3A_354 = vector.shape_cast %swap3A_353 : vector<1x16xf32> to vector<16xf32>
        %swap3A_355 = vector.shape_cast %max3A_350 : vector<16xf32> to vector<1x16xf32>
        tpu.vector_store %arg9[%swap3A_351, %swap3A_352], %swap3A_355 {strides = array<i32>} : memref<128x128xf32, #tpu.memory_space<vmem>>, vector<1x16xf32>,
      }
      %scan3A_134 = arith.constant 64 : i32
      "tpu.region"() ({
        %run_scoped3A = tpu.sem_alloc : memref<!tpu.dma_semaphore, #tpu.memory_space<semaphore_mem>>
        %dma_start3A_206 = arith.constant 0 : i32
        %dma_start3A_207 = tpu.memref_slice %arg8[%rem3A_72, %dma_start3A_206] : memref<8x128xi32, #tpu.memory_space<vmem>> -> memref<1x128xi32, #tpu.memory_space<vmem>>
        %dma_start3A_208 = tpu.memref_squeeze %dma_start3A_207 : memref<1x128xi32, #tpu.memory_space<vmem>> -> memref<128xi32, #tpu.memory_space<vmem>>
        %dma_start3A_209 = arith.constant 0 : i32
        %dma_start3A_210 = arith.constant 0 : i32
        %dma_start3A_211 = tpu.memref_slice %arg12[%dma_start3A_209, %dma_start3A_210] : memref<10240x128xf32, #tpu.memory_space<vmem_shared>> -> memref<10240x128xf32, #tpu.memory_space<vmem_shared>>
        tpu.enqueue_indirect_dma source(%arg9 : memref<128x128xf32, #tpu.memory_space<vmem>>) target(%dma_start3A_211 : memref<10240x128xf32, #tpu.memory_space<vmem_shared>>) offsets(%dma_start3A_208 : memref<128xi32, #tpu.memory_space<vmem>>) semaphore(%run_scoped3A : memref<!tpu.dma_semaphore, #tpu.memory_space<semaphore_mem>>) {add = true}
        %dma_wait3A_212 = arith.constant 0 : i32
        %dma_wait3A_213 = tpu.memref_slice %arg8[%rem3A_72, %dma_wait3A_212] : memref<8x128xi32, #tpu.memory_space<vmem>> -> memref<1x128xi32, #tpu.memory_space<vmem>>
        %dma_wait3A_214 = tpu.memref_squeeze %dma_wait3A_213 : memref<1x128xi32, #tpu.memory_space<vmem>> -> memref<128xi32, #tpu.memory_space<vmem>>
        %dma_wait3A_215 = arith.constant 0 : i32
        %dma_wait3A_216 = arith.constant 0 : i32
        %dma_wait3A_217 = tpu.memref_slice %arg12[%dma_wait3A_215, %dma_wait3A_216] : memref<10240x128xf32, #tpu.memory_space<vmem_shared>> -> memref<10240x128xf32, #tpu.memory_space<vmem_shared>>
        tpu.wait_indirect_dma semaphore(%run_scoped3A : memref<!tpu.dma_semaphore, #tpu.memory_space<semaphore_mem>>) src(%arg9 : memref<128x128xf32, #tpu.memory_space<vmem>>) dst(%dma_wait3A_217 : memref<10240x128xf32, #tpu.memory_space<vmem_shared>>)
        tpu.yield
      }) : () -> ()
      %mul3A_135 = arith.constant 2 : i32
      %mul3A_136 = arith.muli %mul3A_135, %scan3A_68 : i32
      %add3A_137 = arith.constant 1 : i32
      %add3A_138 = arith.addi %mul3A_136, %add3A_137 : i32
      %rem3A_139 = arith.constant 8 : i32
      %rem3A_140 = arith.remsi %add3A_138, %rem3A_139 : i32
      %eq3A_141 = arith.constant 0 : i32
      %eq3A_142 = arith.cmpi eq, %rem3A_140, %eq3A_141 : i32
      %convert_element_type3A_143 = arith.extui %eq3A_142 : i1 to i32
      %cond3A_144 = arith.constant 0 : i32
      %cond3A_145 = arith.cmpi ne, %convert_element_type3A_143, %cond3A_144 : i32
      scf.if %cond3A_145 {
        %div3A_206 = arith.constant 8 : i32
        %div3A_207 = arith.divsi %add3A_138, %div3A_206 : i32
        %mul3A_208 = arith.constant 16 : i32
        %mul3A_209 = arith.muli %mul3A_208, %div3A_207 : i32
        %add3A_210 = arith.addi %mul3A_209, %arg1 : i32
        %mul3A_211 = arith.constant 2 : i32
        %mul3A_212 = arith.muli %mul3A_211, %add3A_210 : i32
        %add3A_213 = arith.addi %mul3A_212, %arg0 : i32
        %mul3A_214 = arith.constant 8 : i32
        %mul3A_215 = arith.muli %add3A_213, %mul3A_214 : i32
        %multiple_of3A_216 = tpu.assume_multiple %mul3A_215, 8 : i32
        "tpu.region"() ({
          %run_scoped3A = tpu.sem_alloc : memref<!tpu.dma_semaphore, #tpu.memory_space<semaphore_mem>>
          %dma_start3A_217 = arith.constant 0 : i32
          %dma_start3A_218 = tpu.memref_slice %arg4[%multiple_of3A_216, %dma_start3A_217] : memref<2560x128xi32, #tpu.memory_space<hbm>> -> memref<8x128xi32, #tpu.memory_space<hbm>>
          %dma_start3A_219 = arith.constant 0 : i32
          %dma_start3A_220 = tpu.memref_slice %arg4[%multiple_of3A_216, %dma_start3A_219] : memref<2560x128xi32, #tpu.memory_space<hbm>> -> memref<8x128xi32, #tpu.memory_space<hbm>>
          tpu.enqueue_dma source(%dma_start3A_220 : memref<8x128xi32, #tpu.memory_space<hbm>>) target(%arg8 : memref<8x128xi32, #tpu.memory_space<vmem>>) target_semaphore(%run_scoped3A : memref<!tpu.dma_semaphore, #tpu.memory_space<semaphore_mem>>)
          %dma_wait3A_221 = arith.constant 0 : i32
          %dma_wait3A_222 = tpu.memref_slice %arg4[%multiple_of3A_216, %dma_wait3A_221] : memref<2560x128xi32, #tpu.memory_space<hbm>> -> memref<8x128xi32, #tpu.memory_space<hbm>>
          %dma_wait3A_223 = arith.constant 0 : i32
          %dma_wait3A_224 = tpu.memref_slice %arg4[%multiple_of3A_216, %dma_wait3A_223] : memref<2560x128xi32, #tpu.memory_space<hbm>> -> memref<8x128xi32, #tpu.memory_space<hbm>>
          tpu.wait_dma2 semaphore(%run_scoped3A : memref<!tpu.dma_semaphore, #tpu.memory_space<semaphore_mem>>) src(%dma_wait3A_224 : memref<8x128xi32, #tpu.memory_space<hbm>>) dst(%arg8 : memref<8x128xi32, #tpu.memory_space<vmem>>)
          tpu.yield
        }) : () -> ()
      } else {
      }
      %dma_wait3A_146 = arith.constant 0 : i32
      %dma_wait3A_147 = arith.constant 0 : i32
      %dma_wait3A_148 = tpu.memref_slice %arg7[%dma_wait3A_146, %dma_wait3A_147] : memref<8x128xi32, #tpu.memory_space<vmem>> -> memref<1x128xi32, #tpu.memory_space<vmem>>
      %dma_wait3A_149 = tpu.memref_squeeze %dma_wait3A_148 : memref<1x128xi32, #tpu.memory_space<vmem>> -> memref<128xi32, #tpu.memory_space<vmem>>
      %dma_wait3A_150 = arith.constant 0 : i32
      %dma_wait3A_151 = arith.constant 0 : i32
      %dma_wait3A_152 = tpu.memref_slice %arg2[%dma_wait3A_150, %dma_wait3A_151] : memref<10000x128xf32, #tpu.memory_space<hbm>> -> memref<10000x128xf32, #tpu.memory_space<hbm>>
      tpu.wait_indirect_dma semaphore(%arg13 : memref<!tpu.dma_semaphore, #tpu.memory_space<semaphore_mem>>) src(%dma_wait3A_152 : memref<10000x128xf32, #tpu.memory_space<hbm>>) dst(%arg10 : memref<128x128xf32, #tpu.memory_space<vmem>>)
      %add3A_153 = arith.constant 1 : i32
      %add3A_154 = arith.addi %add3A_138, %add3A_153 : i32
      %lt3A_155 = arith.constant 80 : i32
      %lt3A_156 = arith.cmpi slt, %add3A_154, %lt3A_155 : i32
      %convert_element_type3A_157 = arith.extui %lt3A_156 : i1 to i32
      %cond3A_158 = arith.constant 0 : i32
      %cond3A_159 = arith.cmpi ne, %convert_element_type3A_157, %cond3A_158 : i32
      scf.if %cond3A_159 {
        %add3A_206 = arith.constant 1 : i32
        %add3A_207 = arith.addi %add3A_138, %add3A_206 : i32
        %rem3A_208 = arith.constant 8 : i32
        %rem3A_209 = arith.remsi %add3A_207, %rem3A_208 : i32
        %eq3A_210 = arith.constant 0 : i32
        %eq3A_211 = arith.cmpi eq, %rem3A_209, %eq3A_210 : i32
        %convert_element_type3A_212 = arith.extui %eq3A_211 : i1 to i32
        %cond3A_213 = arith.constant 0 : i32
        %cond3A_214 = arith.cmpi ne, %convert_element_type3A_212, %cond3A_213 : i32
        scf.if %cond3A_214 {
          %div3A_221 = arith.constant 8 : i32
          %div3A_222 = arith.divsi %add3A_207, %div3A_221 : i32
          %mul3A_223 = arith.constant 16 : i32
          %mul3A_224 = arith.muli %mul3A_223, %div3A_222 : i32
          %add3A_225 = arith.addi %mul3A_224, %arg1 : i32
          %mul3A_226 = arith.constant 2 : i32
          %mul3A_227 = arith.muli %mul3A_226, %add3A_225 : i32
          %add3A_228 = arith.addi %mul3A_227, %arg0 : i32
          %mul3A_229 = arith.constant 8 : i32
          %mul3A_230 = arith.muli %add3A_228, %mul3A_229 : i32
          %multiple_of3A_231 = tpu.assume_multiple %mul3A_230, 8 : i32
          "tpu.region"() ({
            %run_scoped3A = tpu.sem_alloc : memref<!tpu.dma_semaphore, #tpu.memory_space<semaphore_mem>>
            %dma_start3A_232 = arith.constant 0 : i32
            %dma_start3A_233 = tpu.memref_slice %arg3[%multiple_of3A_231, %dma_start3A_232] : memref<2560x128xi32, #tpu.memory_space<hbm>> -> memref<8x128xi32, #tpu.memory_space<hbm>>
            %dma_start3A_234 = arith.constant 0 : i32
            %dma_start3A_235 = tpu.memref_slice %arg3[%multiple_of3A_231, %dma_start3A_234] : memref<2560x128xi32, #tpu.memory_space<hbm>> -> memref<8x128xi32, #tpu.memory_space<hbm>>
            tpu.enqueue_dma source(%dma_start3A_235 : memref<8x128xi32, #tpu.memory_space<hbm>>) target(%arg7 : memref<8x128xi32, #tpu.memory_space<vmem>>) target_semaphore(%run_scoped3A : memref<!tpu.dma_semaphore, #tpu.memory_space<semaphore_mem>>)
            %dma_wait3A_236 = arith.constant 0 : i32
            %dma_wait3A_237 = tpu.memref_slice %arg3[%multiple_of3A_231, %dma_wait3A_236] : memref<2560x128xi32, #tpu.memory_space<hbm>> -> memref<8x128xi32, #tpu.memory_space<hbm>>
            %dma_wait3A_238 = arith.constant 0 : i32
            %dma_wait3A_239 = tpu.memref_slice %arg3[%multiple_of3A_231, %dma_wait3A_238] : memref<2560x128xi32, #tpu.memory_space<hbm>> -> memref<8x128xi32, #tpu.memory_space<hbm>>
            tpu.wait_dma2 semaphore(%run_scoped3A : memref<!tpu.dma_semaphore, #tpu.memory_space<semaphore_mem>>) src(%dma_wait3A_239 : memref<8x128xi32, #tpu.memory_space<hbm>>) dst(%arg7 : memref<8x128xi32, #tpu.memory_space<vmem>>)
            tpu.yield
          }) : () -> ()
        } else {
        }
        %dma_start3A_215 = arith.constant 0 : i32
        %dma_start3A_216 = tpu.memref_slice %arg7[%rem3A_209, %dma_start3A_215] : memref<8x128xi32, #tpu.memory_space<vmem>> -> memref<1x128xi32, #tpu.memory_space<vmem>>
        %dma_start3A_217 = tpu.memref_squeeze %dma_start3A_216 : memref<1x128xi32, #tpu.memory_space<vmem>> -> memref<128xi32, #tpu.memory_space<vmem>>
        %dma_start3A_218 = arith.constant 0 : i32
        %dma_start3A_219 = arith.constant 0 : i32
        %dma_start3A_220 = tpu.memref_slice %arg2[%dma_start3A_218, %dma_start3A_219] : memref<10000x128xf32, #tpu.memory_space<hbm>> -> memref<10000x128xf32, #tpu.memory_space<hbm>>
        tpu.enqueue_indirect_dma source(%dma_start3A_220 : memref<10000x128xf32, #tpu.memory_space<hbm>>) target(%arg9 : memref<128x128xf32, #tpu.memory_space<vmem>>) offsets(%dma_start3A_217 : memref<128xi32, #tpu.memory_space<vmem>>) semaphore(%arg13 : memref<!tpu.dma_semaphore, #tpu.memory_space<semaphore_mem>>)
      } else {
      }
      %div3A_160 = arith.constant 8 : i32
      %div3A_161 = arith.divsi %add3A_138, %div3A_160 : i32
      %mul3A_162 = arith.constant 16 : i32
      %mul3A_163 = arith.muli %mul3A_162, %div3A_161 : i32
      %add3A_164 = arith.addi %mul3A_163, %arg1 : i32
      %mul3A_165 = arith.constant 2 : i32
      %mul3A_166 = arith.muli %mul3A_165, %add3A_164 : i32
      %add3A_167 = arith.addi %mul3A_166, %arg0 : i32
      %mul3A_168 = arith.constant 8 : i32
      %mul3A_169 = arith.muli %add3A_167, %mul3A_168 : i32
      %multiple_of3A_170 = tpu.assume_multiple %mul3A_169, 8 : i32
      %add3A_171 = arith.addi %multiple_of3A_170, %rem3A_140 : i32
      %mul3A_172 = arith.constant 128 : i32
      %mul3A_173 = arith.muli %add3A_171, %mul3A_172 : i32
      %add3A_174 = arith.constant 0 : i32
      %add3A_175 = arith.addi %mul3A_173, %add3A_174 : i32
      %multiple_of3A_176 = tpu.assume_multiple %add3A_175, 64 : i32
      "tpu.region"() ({
        %run_scoped3A = tpu.sem_alloc : memref<!tpu.dma_semaphore, #tpu.memory_space<semaphore_mem>>
        %dma_start3A_206 = arith.constant 0 : i32
        %dma_start3A_207 = tpu.memref_slice %arg5[%multiple_of3A_176, %dma_start3A_206] : memref<327680x128xf32, #tpu.memory_space<hbm>> -> memref<64x128xf32, #tpu.memory_space<hbm>>
        %dma_start3A_208 = arith.constant 0 : i32
        %dma_start3A_209 = tpu.memref_slice %arg5[%multiple_of3A_176, %dma_start3A_208] : memref<327680x128xf32, #tpu.memory_space<hbm>> -> memref<64x128xf32, #tpu.memory_space<hbm>>
        tpu.enqueue_dma source(%dma_start3A_209 : memref<64x128xf32, #tpu.memory_space<hbm>>) target(%arg11 : memref<64x128xf32, #tpu.memory_space<vmem>>) target_semaphore(%run_scoped3A : memref<!tpu.dma_semaphore, #tpu.memory_space<semaphore_mem>>)
        %dma_wait3A_210 = arith.constant 0 : i32
        %dma_wait3A_211 = tpu.memref_slice %arg5[%multiple_of3A_176, %dma_wait3A_210] : memref<327680x128xf32, #tpu.memory_space<hbm>> -> memref<64x128xf32, #tpu.memory_space<hbm>>
        %dma_wait3A_212 = arith.constant 0 : i32
        %dma_wait3A_213 = tpu.memref_slice %arg5[%multiple_of3A_176, %dma_wait3A_212] : memref<327680x128xf32, #tpu.memory_space<hbm>> -> memref<64x128xf32, #tpu.memory_space<hbm>>
        tpu.wait_dma2 semaphore(%run_scoped3A : memref<!tpu.dma_semaphore, #tpu.memory_space<semaphore_mem>>) src(%dma_wait3A_213 : memref<64x128xf32, #tpu.memory_space<hbm>>) dst(%arg11 : memref<64x128xf32, #tpu.memory_space<vmem>>)
        tpu.yield
      }) : () -> ()
      %scan3A_177 = arith.constant 0 : i32
      %scan3A_178 = arith.constant 0 : i32
      %scan3A_179 = arith.constant 64 : i32
      %scan3A_180 = arith.addi %scan3A_178, %scan3A_179 : i32
      %scan3A_181 = arith.constant 1 : i32
      scf.for %scan3A_206 = %scan3A_178 to %scan3A_180 step %scan3A_181  : i32 {
        %add3A_207 = arith.constant 0 : i32
        %add3A_208 = arith.addi %add3A_207, %scan3A_206 : i32
        %get3A = arith.index_cast %add3A_208 : i32 to index
        %get3A_209 = arith.constant 0 : index
        %get3A_210 = tpu.vector_load %arg10[%get3A, %get3A_209] {strides = array<i32>} : memref<128x128xf32, #tpu.memory_space<vmem>>, vector<1x16xf32>,
        %get3A_211 = vector.shape_cast %get3A_210 : vector<1x16xf32> to vector<16xf32>
        %get3A_212 = arith.index_cast %scan3A_206 : i32 to index
        %get3A_213 = arith.constant 0 : index
        %get3A_214 = tpu.vector_load %arg11[%get3A_212, %get3A_213] {strides = array<i32>} : memref<64x128xf32, #tpu.memory_space<vmem>>, vector<1x16xf32>,
        %get3A_215 = vector.shape_cast %get3A_214 : vector<1x16xf32> to vector<16xf32>
        %add3A_216 = arith.addf %get3A_211, %get3A_215 : vector<16xf32>
        %max3A = arith.constant 0.000000e+00 : f32
        %max3A_217 = vector.broadcast %max3A : f32 to vector<16xf32>
        %max3A_218 = arith.maximumf %add3A_216, %max3A_217 : vector<16xf32>
        %swap3A = arith.index_cast %add3A_208 : i32 to index
        %swap3A_219 = arith.constant 0 : index
        %swap3A_220 = tpu.vector_load %arg10[%swap3A, %swap3A_219] {strides = array<i32>} : memref<128x128xf32, #tpu.memory_space<vmem>>, vector<1x16xf32>,
        %swap3A_221 = vector.shape_cast %swap3A_220 : vector<1x16xf32> to vector<16xf32>
        %swap3A_222 = vector.shape_cast %max3A_218 : vector<16xf32> to vector<1x16xf32>
        tpu.vector_store %arg10[%swap3A, %swap3A_219], %swap3A_222 {strides = array<i32>} : memref<128x128xf32, #tpu.memory_space<vmem>>, vector<1x16xf32>,
        %add3A_223 = arith.constant 0 : i32
        %add3A_224 = arith.addi %add3A_223, %scan3A_206 : i32
        %get3A_225 = arith.index_cast %add3A_224 : i32 to index
        %get3A_226 = arith.constant 16 : index
        %get3A_227 = tpu.vector_load %arg10[%get3A_225, %get3A_226] {strides = array<i32>} : memref<128x128xf32, #tpu.memory_space<vmem>>, vector<1x16xf32>,
        %get3A_228 = vector.shape_cast %get3A_227 : vector<1x16xf32> to vector<16xf32>
        %get3A_229 = arith.index_cast %scan3A_206 : i32 to index
        %get3A_230 = arith.constant 16 : index
        %get3A_231 = tpu.vector_load %arg11[%get3A_229, %get3A_230] {strides = array<i32>} : memref<64x128xf32, #tpu.memory_space<vmem>>, vector<1x16xf32>,
        %get3A_232 = vector.shape_cast %get3A_231 : vector<1x16xf32> to vector<16xf32>
        %add3A_233 = arith.addf %get3A_228, %get3A_232 : vector<16xf32>
        %max3A_234 = arith.constant 0.000000e+00 : f32
        %max3A_235 = vector.broadcast %max3A_234 : f32 to vector<16xf32>
        %max3A_236 = arith.maximumf %add3A_233, %max3A_235 : vector<16xf32>
        %swap3A_237 = arith.index_cast %add3A_224 : i32 to index
        %swap3A_238 = arith.constant 16 : index
        %swap3A_239 = tpu.vector_load %arg10[%swap3A_237, %swap3A_238] {strides = array<i32>} : memref<128x128xf32, #tpu.memory_space<vmem>>, vector<1x16xf32>,
        %swap3A_240 = vector.shape_cast %swap3A_239 : vector<1x16xf32> to vector<16xf32>
        %swap3A_241 = vector.shape_cast %max3A_236 : vector<16xf32> to vector<1x16xf32>
        tpu.vector_store %arg10[%swap3A_237, %swap3A_238], %swap3A_241 {strides = array<i32>} : memref<128x128xf32, #tpu.memory_space<vmem>>, vector<1x16xf32>,
        %add3A_242 = arith.constant 0 : i32
        %add3A_243 = arith.addi %add3A_242, %scan3A_206 : i32
        %get3A_244 = arith.index_cast %add3A_243 : i32 to index
        %get3A_245 = arith.constant 32 : index
        %get3A_246 = tpu.vector_load %arg10[%get3A_244, %get3A_245] {strides = array<i32>} : memref<128x128xf32, #tpu.memory_space<vmem>>, vector<1x16xf32>,
        %get3A_247 = vector.shape_cast %get3A_246 : vector<1x16xf32> to vector<16xf32>
        %get3A_248 = arith.index_cast %scan3A_206 : i32 to index
        %get3A_249 = arith.constant 32 : index
        %get3A_250 = tpu.vector_load %arg11[%get3A_248, %get3A_249] {strides = array<i32>} : memref<64x128xf32, #tpu.memory_space<vmem>>, vector<1x16xf32>,
        %get3A_251 = vector.shape_cast %get3A_250 : vector<1x16xf32> to vector<16xf32>
        %add3A_252 = arith.addf %get3A_247, %get3A_251 : vector<16xf32>
        %max3A_253 = arith.constant 0.000000e+00 : f32
        %max3A_254 = vector.broadcast %max3A_253 : f32 to vector<16xf32>
        %max3A_255 = arith.maximumf %add3A_252, %max3A_254 : vector<16xf32>
        %swap3A_256 = arith.index_cast %add3A_243 : i32 to index
        %swap3A_257 = arith.constant 32 : index
        %swap3A_258 = tpu.vector_load %arg10[%swap3A_256, %swap3A_257] {strides = array<i32>} : memref<128x128xf32, #tpu.memory_space<vmem>>, vector<1x16xf32>,
        %swap3A_259 = vector.shape_cast %swap3A_258 : vector<1x16xf32> to vector<16xf32>
        %swap3A_260 = vector.shape_cast %max3A_255 : vector<16xf32> to vector<1x16xf32>
        tpu.vector_store %arg10[%swap3A_256, %swap3A_257], %swap3A_260 {strides = array<i32>} : memref<128x128xf32, #tpu.memory_space<vmem>>, vector<1x16xf32>,
        %add3A_261 = arith.constant 0 : i32
        %add3A_262 = arith.addi %add3A_261, %scan3A_206 : i32
        %get3A_263 = arith.index_cast %add3A_262 : i32 to index
        %get3A_264 = arith.constant 48 : index
        %get3A_265 = tpu.vector_load %arg10[%get3A_263, %get3A_264] {strides = array<i32>} : memref<128x128xf32, #tpu.memory_space<vmem>>, vector<1x16xf32>,
        %get3A_266 = vector.shape_cast %get3A_265 : vector<1x16xf32> to vector<16xf32>
        %get3A_267 = arith.index_cast %scan3A_206 : i32 to index
        %get3A_268 = arith.constant 48 : index
        %get3A_269 = tpu.vector_load %arg11[%get3A_267, %get3A_268] {strides = array<i32>} : memref<64x128xf32, #tpu.memory_space<vmem>>, vector<1x16xf32>,
        %get3A_270 = vector.shape_cast %get3A_269 : vector<1x16xf32> to vector<16xf32>
        %add3A_271 = arith.addf %get3A_266, %get3A_270 : vector<16xf32>
        %max3A_272 = arith.constant 0.000000e+00 : f32
        %max3A_273 = vector.broadcast %max3A_272 : f32 to vector<16xf32>
        %max3A_274 = arith.maximumf %add3A_271, %max3A_273 : vector<16xf32>
        %swap3A_275 = arith.index_cast %add3A_262 : i32 to index
        %swap3A_276 = arith.constant 48 : index
        %swap3A_277 = tpu.vector_load %arg10[%swap3A_275, %swap3A_276] {strides = array<i32>} : memref<128x128xf32, #tpu.memory_space<vmem>>, vector<1x16xf32>,
        %swap3A_278 = vector.shape_cast %swap3A_277 : vector<1x16xf32> to vector<16xf32>
        %swap3A_279 = vector.shape_cast %max3A_274 : vector<16xf32> to vector<1x16xf32>
        tpu.vector_store %arg10[%swap3A_275, %swap3A_276], %swap3A_279 {strides = array<i32>} : memref<128x128xf32, #tpu.memory_space<vmem>>, vector<1x16xf32>,
        %add3A_280 = arith.constant 0 : i32
        %add3A_281 = arith.addi %add3A_280, %scan3A_206 : i32
        %get3A_282 = arith.index_cast %add3A_281 : i32 to index
        %get3A_283 = arith.constant 64 : index
        %get3A_284 = tpu.vector_load %arg10[%get3A_282, %get3A_283] {strides = array<i32>} : memref<128x128xf32, #tpu.memory_space<vmem>>, vector<1x16xf32>,
        %get3A_285 = vector.shape_cast %get3A_284 : vector<1x16xf32> to vector<16xf32>
        %get3A_286 = arith.index_cast %scan3A_206 : i32 to index
        %get3A_287 = arith.constant 64 : index
        %get3A_288 = tpu.vector_load %arg11[%get3A_286, %get3A_287] {strides = array<i32>} : memref<64x128xf32, #tpu.memory_space<vmem>>, vector<1x16xf32>,
        %get3A_289 = vector.shape_cast %get3A_288 : vector<1x16xf32> to vector<16xf32>
        %add3A_290 = arith.addf %get3A_285, %get3A_289 : vector<16xf32>
        %max3A_291 = arith.constant 0.000000e+00 : f32
        %max3A_292 = vector.broadcast %max3A_291 : f32 to vector<16xf32>
        %max3A_293 = arith.maximumf %add3A_290, %max3A_292 : vector<16xf32>
        %swap3A_294 = arith.index_cast %add3A_281 : i32 to index
        %swap3A_295 = arith.constant 64 : index
        %swap3A_296 = tpu.vector_load %arg10[%swap3A_294, %swap3A_295] {strides = array<i32>} : memref<128x128xf32, #tpu.memory_space<vmem>>, vector<1x16xf32>,
        %swap3A_297 = vector.shape_cast %swap3A_296 : vector<1x16xf32> to vector<16xf32>
        %swap3A_298 = vector.shape_cast %max3A_293 : vector<16xf32> to vector<1x16xf32>
        tpu.vector_store %arg10[%swap3A_294, %swap3A_295], %swap3A_298 {strides = array<i32>} : memref<128x128xf32, #tpu.memory_space<vmem>>, vector<1x16xf32>,
        %add3A_299 = arith.constant 0 : i32
        %add3A_300 = arith.addi %add3A_299, %scan3A_206 : i32
        %get3A_301 = arith.index_cast %add3A_300 : i32 to index
        %get3A_302 = arith.constant 80 : index
        %get3A_303 = tpu.vector_load %arg10[%get3A_301, %get3A_302] {strides = array<i32>} : memref<128x128xf32, #tpu.memory_space<vmem>>, vector<1x16xf32>,
        %get3A_304 = vector.shape_cast %get3A_303 : vector<1x16xf32> to vector<16xf32>
        %get3A_305 = arith.index_cast %scan3A_206 : i32 to index
        %get3A_306 = arith.constant 80 : index
        %get3A_307 = tpu.vector_load %arg11[%get3A_305, %get3A_306] {strides = array<i32>} : memref<64x128xf32, #tpu.memory_space<vmem>>, vector<1x16xf32>,
        %get3A_308 = vector.shape_cast %get3A_307 : vector<1x16xf32> to vector<16xf32>
        %add3A_309 = arith.addf %get3A_304, %get3A_308 : vector<16xf32>
        %max3A_310 = arith.constant 0.000000e+00 : f32
        %max3A_311 = vector.broadcast %max3A_310 : f32 to vector<16xf32>
        %max3A_312 = arith.maximumf %add3A_309, %max3A_311 : vector<16xf32>
        %swap3A_313 = arith.index_cast %add3A_300 : i32 to index
        %swap3A_314 = arith.constant 80 : index
        %swap3A_315 = tpu.vector_load %arg10[%swap3A_313, %swap3A_314] {strides = array<i32>} : memref<128x128xf32, #tpu.memory_space<vmem>>, vector<1x16xf32>,
        %swap3A_316 = vector.shape_cast %swap3A_315 : vector<1x16xf32> to vector<16xf32>
        %swap3A_317 = vector.shape_cast %max3A_312 : vector<16xf32> to vector<1x16xf32>
        tpu.vector_store %arg10[%swap3A_313, %swap3A_314], %swap3A_317 {strides = array<i32>} : memref<128x128xf32, #tpu.memory_space<vmem>>, vector<1x16xf32>,
        %add3A_318 = arith.constant 0 : i32
        %add3A_319 = arith.addi %add3A_318, %scan3A_206 : i32
        %get3A_320 = arith.index_cast %add3A_319 : i32 to index
        %get3A_321 = arith.constant 96 : index
        %get3A_322 = tpu.vector_load %arg10[%get3A_320, %get3A_321] {strides = array<i32>} : memref<128x128xf32, #tpu.memory_space<vmem>>, vector<1x16xf32>,
        %get3A_323 = vector.shape_cast %get3A_322 : vector<1x16xf32> to vector<16xf32>
        %get3A_324 = arith.index_cast %scan3A_206 : i32 to index
        %get3A_325 = arith.constant 96 : index
        %get3A_326 = tpu.vector_load %arg11[%get3A_324, %get3A_325] {strides = array<i32>} : memref<64x128xf32, #tpu.memory_space<vmem>>, vector<1x16xf32>,
        %get3A_327 = vector.shape_cast %get3A_326 : vector<1x16xf32> to vector<16xf32>
        %add3A_328 = arith.addf %get3A_323, %get3A_327 : vector<16xf32>
        %max3A_329 = arith.constant 0.000000e+00 : f32
        %max3A_330 = vector.broadcast %max3A_329 : f32 to vector<16xf32>
        %max3A_331 = arith.maximumf %add3A_328, %max3A_330 : vector<16xf32>
        %swap3A_332 = arith.index_cast %add3A_319 : i32 to index
        %swap3A_333 = arith.constant 96 : index
        %swap3A_334 = tpu.vector_load %arg10[%swap3A_332, %swap3A_333] {strides = array<i32>} : memref<128x128xf32, #tpu.memory_space<vmem>>, vector<1x16xf32>,
        %swap3A_335 = vector.shape_cast %swap3A_334 : vector<1x16xf32> to vector<16xf32>
        %swap3A_336 = vector.shape_cast %max3A_331 : vector<16xf32> to vector<1x16xf32>
        tpu.vector_store %arg10[%swap3A_332, %swap3A_333], %swap3A_336 {strides = array<i32>} : memref<128x128xf32, #tpu.memory_space<vmem>>, vector<1x16xf32>,
        %add3A_337 = arith.constant 0 : i32
        %add3A_338 = arith.addi %add3A_337, %scan3A_206 : i32
        %get3A_339 = arith.index_cast %add3A_338 : i32 to index
        %get3A_340 = arith.constant 112 : index
        %get3A_341 = tpu.vector_load %arg10[%get3A_339, %get3A_340] {strides = array<i32>} : memref<128x128xf32, #tpu.memory_space<vmem>>, vector<1x16xf32>,
        %get3A_342 = vector.shape_cast %get3A_341 : vector<1x16xf32> to vector<16xf32>
        %get3A_343 = arith.index_cast %scan3A_206 : i32 to index
        %get3A_344 = arith.constant 112 : index
        %get3A_345 = tpu.vector_load %arg11[%get3A_343, %get3A_344] {strides = array<i32>} : memref<64x128xf32, #tpu.memory_space<vmem>>, vector<1x16xf32>,
        %get3A_346 = vector.shape_cast %get3A_345 : vector<1x16xf32> to vector<16xf32>
        %add3A_347 = arith.addf %get3A_342, %get3A_346 : vector<16xf32>
        %max3A_348 = arith.constant 0.000000e+00 : f32
        %max3A_349 = vector.broadcast %max3A_348 : f32 to vector<16xf32>
        %max3A_350 = arith.maximumf %add3A_347, %max3A_349 : vector<16xf32>
        %swap3A_351 = arith.index_cast %add3A_338 : i32 to index
        %swap3A_352 = arith.constant 112 : index
        %swap3A_353 = tpu.vector_load %arg10[%swap3A_351, %swap3A_352] {strides = array<i32>} : memref<128x128xf32, #tpu.memory_space<vmem>>, vector<1x16xf32>,
        %swap3A_354 = vector.shape_cast %swap3A_353 : vector<1x16xf32> to vector<16xf32>
        %swap3A_355 = vector.shape_cast %max3A_350 : vector<16xf32> to vector<1x16xf32>
        tpu.vector_store %arg10[%swap3A_351, %swap3A_352], %swap3A_355 {strides = array<i32>} : memref<128x128xf32, #tpu.memory_space<vmem>>, vector<1x16xf32>,
      }
      %scan3A_182 = arith.constant 64 : i32
      %div3A_183 = arith.constant 8 : i32
      %div3A_184 = arith.divsi %add3A_138, %div3A_183 : i32
      %mul3A_185 = arith.constant 16 : i32
      %mul3A_186 = arith.muli %mul3A_185, %div3A_184 : i32
      %add3A_187 = arith.addi %mul3A_186, %arg1 : i32
      %mul3A_188 = arith.constant 2 : i32
      %mul3A_189 = arith.muli %mul3A_188, %add3A_187 : i32
      %add3A_190 = arith.addi %mul3A_189, %arg0 : i32
      %mul3A_191 = arith.constant 8 : i32
      %mul3A_192 = arith.muli %add3A_190, %mul3A_191 : i32
      %multiple_of3A_193 = tpu.assume_multiple %mul3A_192, 8 : i32
      %add3A_194 = arith.addi %multiple_of3A_193, %rem3A_140 : i32
      %mul3A_195 = arith.constant 128 : i32
      %mul3A_196 = arith.muli %add3A_194, %mul3A_195 : i32
      %add3A_197 = arith.constant 64 : i32
      %add3A_198 = arith.addi %mul3A_196, %add3A_197 : i32
      %multiple_of3A_199 = tpu.assume_multiple %add3A_198, 64 : i32
      "tpu.region"() ({
        %run_scoped3A = tpu.sem_alloc : memref<!tpu.dma_semaphore, #tpu.memory_space<semaphore_mem>>
        %dma_start3A_206 = arith.constant 0 : i32
        %dma_start3A_207 = tpu.memref_slice %arg5[%multiple_of3A_199, %dma_start3A_206] : memref<327680x128xf32, #tpu.memory_space<hbm>> -> memref<64x128xf32, #tpu.memory_space<hbm>>
        %dma_start3A_208 = arith.constant 0 : i32
        %dma_start3A_209 = tpu.memref_slice %arg5[%multiple_of3A_199, %dma_start3A_208] : memref<327680x128xf32, #tpu.memory_space<hbm>> -> memref<64x128xf32, #tpu.memory_space<hbm>>
        tpu.enqueue_dma source(%dma_start3A_209 : memref<64x128xf32, #tpu.memory_space<hbm>>) target(%arg11 : memref<64x128xf32, #tpu.memory_space<vmem>>) target_semaphore(%run_scoped3A : memref<!tpu.dma_semaphore, #tpu.memory_space<semaphore_mem>>)
        %dma_wait3A_210 = arith.constant 0 : i32
        %dma_wait3A_211 = tpu.memref_slice %arg5[%multiple_of3A_199, %dma_wait3A_210] : memref<327680x128xf32, #tpu.memory_space<hbm>> -> memref<64x128xf32, #tpu.memory_space<hbm>>
        %dma_wait3A_212 = arith.constant 0 : i32
        %dma_wait3A_213 = tpu.memref_slice %arg5[%multiple_of3A_199, %dma_wait3A_212] : memref<327680x128xf32, #tpu.memory_space<hbm>> -> memref<64x128xf32, #tpu.memory_space<hbm>>
        tpu.wait_dma2 semaphore(%run_scoped3A : memref<!tpu.dma_semaphore, #tpu.memory_space<semaphore_mem>>) src(%dma_wait3A_213 : memref<64x128xf32, #tpu.memory_space<hbm>>) dst(%arg11 : memref<64x128xf32, #tpu.memory_space<vmem>>)
        tpu.yield
      }) : () -> ()
      %scan3A_200 = arith.constant 0 : i32
      %scan3A_201 = arith.constant 0 : i32
      %scan3A_202 = arith.constant 64 : i32
      %scan3A_203 = arith.addi %scan3A_201, %scan3A_202 : i32
      %scan3A_204 = arith.constant 1 : i32
      scf.for %scan3A_206 = %scan3A_201 to %scan3A_203 step %scan3A_204  : i32 {
        %add3A_207 = arith.constant 64 : i32
        %add3A_208 = arith.addi %add3A_207, %scan3A_206 : i32
        %get3A = arith.index_cast %add3A_208 : i32 to index
        %get3A_209 = arith.constant 0 : index
        %get3A_210 = tpu.vector_load %arg10[%get3A, %get3A_209] {strides = array<i32>} : memref<128x128xf32, #tpu.memory_space<vmem>>, vector<1x16xf32>,
        %get3A_211 = vector.shape_cast %get3A_210 : vector<1x16xf32> to vector<16xf32>
        %get3A_212 = arith.index_cast %scan3A_206 : i32 to index
        %get3A_213 = arith.constant 0 : index
        %get3A_214 = tpu.vector_load %arg11[%get3A_212, %get3A_213] {strides = array<i32>} : memref<64x128xf32, #tpu.memory_space<vmem>>, vector<1x16xf32>,
        %get3A_215 = vector.shape_cast %get3A_214 : vector<1x16xf32> to vector<16xf32>
        %add3A_216 = arith.addf %get3A_211, %get3A_215 : vector<16xf32>
        %max3A = arith.constant 0.000000e+00 : f32
        %max3A_217 = vector.broadcast %max3A : f32 to vector<16xf32>
        %max3A_218 = arith.maximumf %add3A_216, %max3A_217 : vector<16xf32>
        %swap3A = arith.index_cast %add3A_208 : i32 to index
        %swap3A_219 = arith.constant 0 : index
        %swap3A_220 = tpu.vector_load %arg10[%swap3A, %swap3A_219] {strides = array<i32>} : memref<128x128xf32, #tpu.memory_space<vmem>>, vector<1x16xf32>,
        %swap3A_221 = vector.shape_cast %swap3A_220 : vector<1x16xf32> to vector<16xf32>
        %swap3A_222 = vector.shape_cast %max3A_218 : vector<16xf32> to vector<1x16xf32>
        tpu.vector_store %arg10[%swap3A, %swap3A_219], %swap3A_222 {strides = array<i32>} : memref<128x128xf32, #tpu.memory_space<vmem>>, vector<1x16xf32>,
        %add3A_223 = arith.constant 64 : i32
        %add3A_224 = arith.addi %add3A_223, %scan3A_206 : i32
        %get3A_225 = arith.index_cast %add3A_224 : i32 to index
        %get3A_226 = arith.constant 16 : index
        %get3A_227 = tpu.vector_load %arg10[%get3A_225, %get3A_226] {strides = array<i32>} : memref<128x128xf32, #tpu.memory_space<vmem>>, vector<1x16xf32>,
        %get3A_228 = vector.shape_cast %get3A_227 : vector<1x16xf32> to vector<16xf32>
        %get3A_229 = arith.index_cast %scan3A_206 : i32 to index
        %get3A_230 = arith.constant 16 : index
        %get3A_231 = tpu.vector_load %arg11[%get3A_229, %get3A_230] {strides = array<i32>} : memref<64x128xf32, #tpu.memory_space<vmem>>, vector<1x16xf32>,
        %get3A_232 = vector.shape_cast %get3A_231 : vector<1x16xf32> to vector<16xf32>
        %add3A_233 = arith.addf %get3A_228, %get3A_232 : vector<16xf32>
        %max3A_234 = arith.constant 0.000000e+00 : f32
        %max3A_235 = vector.broadcast %max3A_234 : f32 to vector<16xf32>
        %max3A_236 = arith.maximumf %add3A_233, %max3A_235 : vector<16xf32>
        %swap3A_237 = arith.index_cast %add3A_224 : i32 to index
        %swap3A_238 = arith.constant 16 : index
        %swap3A_239 = tpu.vector_load %arg10[%swap3A_237, %swap3A_238] {strides = array<i32>} : memref<128x128xf32, #tpu.memory_space<vmem>>, vector<1x16xf32>,
        %swap3A_240 = vector.shape_cast %swap3A_239 : vector<1x16xf32> to vector<16xf32>
        %swap3A_241 = vector.shape_cast %max3A_236 : vector<16xf32> to vector<1x16xf32>
        tpu.vector_store %arg10[%swap3A_237, %swap3A_238], %swap3A_241 {strides = array<i32>} : memref<128x128xf32, #tpu.memory_space<vmem>>, vector<1x16xf32>,
        %add3A_242 = arith.constant 64 : i32
        %add3A_243 = arith.addi %add3A_242, %scan3A_206 : i32
        %get3A_244 = arith.index_cast %add3A_243 : i32 to index
        %get3A_245 = arith.constant 32 : index
        %get3A_246 = tpu.vector_load %arg10[%get3A_244, %get3A_245] {strides = array<i32>} : memref<128x128xf32, #tpu.memory_space<vmem>>, vector<1x16xf32>,
        %get3A_247 = vector.shape_cast %get3A_246 : vector<1x16xf32> to vector<16xf32>
        %get3A_248 = arith.index_cast %scan3A_206 : i32 to index
        %get3A_249 = arith.constant 32 : index
        %get3A_250 = tpu.vector_load %arg11[%get3A_248, %get3A_249] {strides = array<i32>} : memref<64x128xf32, #tpu.memory_space<vmem>>, vector<1x16xf32>,
        %get3A_251 = vector.shape_cast %get3A_250 : vector<1x16xf32> to vector<16xf32>
        %add3A_252 = arith.addf %get3A_247, %get3A_251 : vector<16xf32>
        %max3A_253 = arith.constant 0.000000e+00 : f32
        %max3A_254 = vector.broadcast %max3A_253 : f32 to vector<16xf32>
        %max3A_255 = arith.maximumf %add3A_252, %max3A_254 : vector<16xf32>
        %swap3A_256 = arith.index_cast %add3A_243 : i32 to index
        %swap3A_257 = arith.constant 32 : index
        %swap3A_258 = tpu.vector_load %arg10[%swap3A_256, %swap3A_257] {strides = array<i32>} : memref<128x128xf32, #tpu.memory_space<vmem>>, vector<1x16xf32>,
        %swap3A_259 = vector.shape_cast %swap3A_258 : vector<1x16xf32> to vector<16xf32>
        %swap3A_260 = vector.shape_cast %max3A_255 : vector<16xf32> to vector<1x16xf32>
        tpu.vector_store %arg10[%swap3A_256, %swap3A_257], %swap3A_260 {strides = array<i32>} : memref<128x128xf32, #tpu.memory_space<vmem>>, vector<1x16xf32>,
        %add3A_261 = arith.constant 64 : i32
        %add3A_262 = arith.addi %add3A_261, %scan3A_206 : i32
        %get3A_263 = arith.index_cast %add3A_262 : i32 to index
        %get3A_264 = arith.constant 48 : index
        %get3A_265 = tpu.vector_load %arg10[%get3A_263, %get3A_264] {strides = array<i32>} : memref<128x128xf32, #tpu.memory_space<vmem>>, vector<1x16xf32>,
        %get3A_266 = vector.shape_cast %get3A_265 : vector<1x16xf32> to vector<16xf32>
        %get3A_267 = arith.index_cast %scan3A_206 : i32 to index
        %get3A_268 = arith.constant 48 : index
        %get3A_269 = tpu.vector_load %arg11[%get3A_267, %get3A_268] {strides = array<i32>} : memref<64x128xf32, #tpu.memory_space<vmem>>, vector<1x16xf32>,
        %get3A_270 = vector.shape_cast %get3A_269 : vector<1x16xf32> to vector<16xf32>
        %add3A_271 = arith.addf %get3A_266, %get3A_270 : vector<16xf32>
        %max3A_272 = arith.constant 0.000000e+00 : f32
        %max3A_273 = vector.broadcast %max3A_272 : f32 to vector<16xf32>
        %max3A_274 = arith.maximumf %add3A_271, %max3A_273 : vector<16xf32>
        %swap3A_275 = arith.index_cast %add3A_262 : i32 to index
        %swap3A_276 = arith.constant 48 : index
        %swap3A_277 = tpu.vector_load %arg10[%swap3A_275, %swap3A_276] {strides = array<i32>} : memref<128x128xf32, #tpu.memory_space<vmem>>, vector<1x16xf32>,
        %swap3A_278 = vector.shape_cast %swap3A_277 : vector<1x16xf32> to vector<16xf32>
        %swap3A_279 = vector.shape_cast %max3A_274 : vector<16xf32> to vector<1x16xf32>
        tpu.vector_store %arg10[%swap3A_275, %swap3A_276], %swap3A_279 {strides = array<i32>} : memref<128x128xf32, #tpu.memory_space<vmem>>, vector<1x16xf32>,
        %add3A_280 = arith.constant 64 : i32
        %add3A_281 = arith.addi %add3A_280, %scan3A_206 : i32
        %get3A_282 = arith.index_cast %add3A_281 : i32 to index
        %get3A_283 = arith.constant 64 : index
        %get3A_284 = tpu.vector_load %arg10[%get3A_282, %get3A_283] {strides = array<i32>} : memref<128x128xf32, #tpu.memory_space<vmem>>, vector<1x16xf32>,
        %get3A_285 = vector.shape_cast %get3A_284 : vector<1x16xf32> to vector<16xf32>
        %get3A_286 = arith.index_cast %scan3A_206 : i32 to index
        %get3A_287 = arith.constant 64 : index
        %get3A_288 = tpu.vector_load %arg11[%get3A_286, %get3A_287] {strides = array<i32>} : memref<64x128xf32, #tpu.memory_space<vmem>>, vector<1x16xf32>,
        %get3A_289 = vector.shape_cast %get3A_288 : vector<1x16xf32> to vector<16xf32>
        %add3A_290 = arith.addf %get3A_285, %get3A_289 : vector<16xf32>
        %max3A_291 = arith.constant 0.000000e+00 : f32
        %max3A_292 = vector.broadcast %max3A_291 : f32 to vector<16xf32>
        %max3A_293 = arith.maximumf %add3A_290, %max3A_292 : vector<16xf32>
        %swap3A_294 = arith.index_cast %add3A_281 : i32 to index
        %swap3A_295 = arith.constant 64 : index
        %swap3A_296 = tpu.vector_load %arg10[%swap3A_294, %swap3A_295] {strides = array<i32>} : memref<128x128xf32, #tpu.memory_space<vmem>>, vector<1x16xf32>,
        %swap3A_297 = vector.shape_cast %swap3A_296 : vector<1x16xf32> to vector<16xf32>
        %swap3A_298 = vector.shape_cast %max3A_293 : vector<16xf32> to vector<1x16xf32>
        tpu.vector_store %arg10[%swap3A_294, %swap3A_295], %swap3A_298 {strides = array<i32>} : memref<128x128xf32, #tpu.memory_space<vmem>>, vector<1x16xf32>,
        %add3A_299 = arith.constant 64 : i32
        %add3A_300 = arith.addi %add3A_299, %scan3A_206 : i32
        %get3A_301 = arith.index_cast %add3A_300 : i32 to index
        %get3A_302 = arith.constant 80 : index
        %get3A_303 = tpu.vector_load %arg10[%get3A_301, %get3A_302] {strides = array<i32>} : memref<128x128xf32, #tpu.memory_space<vmem>>, vector<1x16xf32>,
        %get3A_304 = vector.shape_cast %get3A_303 : vector<1x16xf32> to vector<16xf32>
        %get3A_305 = arith.index_cast %scan3A_206 : i32 to index
        %get3A_306 = arith.constant 80 : index
        %get3A_307 = tpu.vector_load %arg11[%get3A_305, %get3A_306] {strides = array<i32>} : memref<64x128xf32, #tpu.memory_space<vmem>>, vector<1x16xf32>,
        %get3A_308 = vector.shape_cast %get3A_307 : vector<1x16xf32> to vector<16xf32>
        %add3A_309 = arith.addf %get3A_304, %get3A_308 : vector<16xf32>
        %max3A_310 = arith.constant 0.000000e+00 : f32
        %max3A_311 = vector.broadcast %max3A_310 : f32 to vector<16xf32>
        %max3A_312 = arith.maximumf %add3A_309, %max3A_311 : vector<16xf32>
        %swap3A_313 = arith.index_cast %add3A_300 : i32 to index
        %swap3A_314 = arith.constant 80 : index
        %swap3A_315 = tpu.vector_load %arg10[%swap3A_313, %swap3A_314] {strides = array<i32>} : memref<128x128xf32, #tpu.memory_space<vmem>>, vector<1x16xf32>,
        %swap3A_316 = vector.shape_cast %swap3A_315 : vector<1x16xf32> to vector<16xf32>
        %swap3A_317 = vector.shape_cast %max3A_312 : vector<16xf32> to vector<1x16xf32>
        tpu.vector_store %arg10[%swap3A_313, %swap3A_314], %swap3A_317 {strides = array<i32>} : memref<128x128xf32, #tpu.memory_space<vmem>>, vector<1x16xf32>,
        %add3A_318 = arith.constant 64 : i32
        %add3A_319 = arith.addi %add3A_318, %scan3A_206 : i32
        %get3A_320 = arith.index_cast %add3A_319 : i32 to index
        %get3A_321 = arith.constant 96 : index
        %get3A_322 = tpu.vector_load %arg10[%get3A_320, %get3A_321] {strides = array<i32>} : memref<128x128xf32, #tpu.memory_space<vmem>>, vector<1x16xf32>,
        %get3A_323 = vector.shape_cast %get3A_322 : vector<1x16xf32> to vector<16xf32>
        %get3A_324 = arith.index_cast %scan3A_206 : i32 to index
        %get3A_325 = arith.constant 96 : index
        %get3A_326 = tpu.vector_load %arg11[%get3A_324, %get3A_325] {strides = array<i32>} : memref<64x128xf32, #tpu.memory_space<vmem>>, vector<1x16xf32>,
        %get3A_327 = vector.shape_cast %get3A_326 : vector<1x16xf32> to vector<16xf32>
        %add3A_328 = arith.addf %get3A_323, %get3A_327 : vector<16xf32>
        %max3A_329 = arith.constant 0.000000e+00 : f32
        %max3A_330 = vector.broadcast %max3A_329 : f32 to vector<16xf32>
        %max3A_331 = arith.maximumf %add3A_328, %max3A_330 : vector<16xf32>
        %swap3A_332 = arith.index_cast %add3A_319 : i32 to index
        %swap3A_333 = arith.constant 96 : index
        %swap3A_334 = tpu.vector_load %arg10[%swap3A_332, %swap3A_333] {strides = array<i32>} : memref<128x128xf32, #tpu.memory_space<vmem>>, vector<1x16xf32>,
        %swap3A_335 = vector.shape_cast %swap3A_334 : vector<1x16xf32> to vector<16xf32>
        %swap3A_336 = vector.shape_cast %max3A_331 : vector<16xf32> to vector<1x16xf32>
        tpu.vector_store %arg10[%swap3A_332, %swap3A_333], %swap3A_336 {strides = array<i32>} : memref<128x128xf32, #tpu.memory_space<vmem>>, vector<1x16xf32>,
        %add3A_337 = arith.constant 64 : i32
        %add3A_338 = arith.addi %add3A_337, %scan3A_206 : i32
        %get3A_339 = arith.index_cast %add3A_338 : i32 to index
        %get3A_340 = arith.constant 112 : index
        %get3A_341 = tpu.vector_load %arg10[%get3A_339, %get3A_340] {strides = array<i32>} : memref<128x128xf32, #tpu.memory_space<vmem>>, vector<1x16xf32>,
        %get3A_342 = vector.shape_cast %get3A_341 : vector<1x16xf32> to vector<16xf32>
        %get3A_343 = arith.index_cast %scan3A_206 : i32 to index
        %get3A_344 = arith.constant 112 : index
        %get3A_345 = tpu.vector_load %arg11[%get3A_343, %get3A_344] {strides = array<i32>} : memref<64x128xf32, #tpu.memory_space<vmem>>, vector<1x16xf32>,
        %get3A_346 = vector.shape_cast %get3A_345 : vector<1x16xf32> to vector<16xf32>
        %add3A_347 = arith.addf %get3A_342, %get3A_346 : vector<16xf32>
        %max3A_348 = arith.constant 0.000000e+00 : f32
        %max3A_349 = vector.broadcast %max3A_348 : f32 to vector<16xf32>
        %max3A_350 = arith.maximumf %add3A_347, %max3A_349 : vector<16xf32>
        %swap3A_351 = arith.index_cast %add3A_338 : i32 to index
        %swap3A_352 = arith.constant 112 : index
        %swap3A_353 = tpu.vector_load %arg10[%swap3A_351, %swap3A_352] {strides = array<i32>} : memref<128x128xf32, #tpu.memory_space<vmem>>, vector<1x16xf32>,
        %swap3A_354 = vector.shape_cast %swap3A_353 : vector<1x16xf32> to vector<16xf32>
        %swap3A_355 = vector.shape_cast %max3A_350 : vector<16xf32> to vector<1x16xf32>
        tpu.vector_store %arg10[%swap3A_351, %swap3A_352], %swap3A_355 {strides = array<i32>} : memref<128x128xf32, #tpu.memory_space<vmem>>, vector<1x16xf32>,
      }
      %scan3A_205 = arith.constant 64 : i32
      "tpu.region"() ({
        %run_scoped3A = tpu.sem_alloc : memref<!tpu.dma_semaphore, #tpu.memory_space<semaphore_mem>>
        %dma_start3A_206 = arith.constant 0 : i32
        %dma_start3A_207 = tpu.memref_slice %arg8[%rem3A_140, %dma_start3A_206] : memref<8x128xi32, #tpu.memory_space<vmem>> -> memref<1x128xi32, #tpu.memory_space<vmem>>
        %dma_start3A_208 = tpu.memref_squeeze %dma_start3A_207 : memref<1x128xi32, #tpu.memory_space<vmem>> -> memref<128xi32, #tpu.memory_space<vmem>>
        %dma_start3A_209 = arith.constant 0 : i32
        %dma_start3A_210 = arith.constant 0 : i32
        %dma_start3A_211 = tpu.memref_slice %arg12[%dma_start3A_209, %dma_start3A_210] : memref<10240x128xf32, #tpu.memory_space<vmem_shared>> -> memref<10240x128xf32, #tpu.memory_space<vmem_shared>>
        tpu.enqueue_indirect_dma source(%arg10 : memref<128x128xf32, #tpu.memory_space<vmem>>) target(%dma_start3A_211 : memref<10240x128xf32, #tpu.memory_space<vmem_shared>>) offsets(%dma_start3A_208 : memref<128xi32, #tpu.memory_space<vmem>>) semaphore(%run_scoped3A : memref<!tpu.dma_semaphore, #tpu.memory_space<semaphore_mem>>) {add = true}
        %dma_wait3A_212 = arith.constant 0 : i32
        %dma_wait3A_213 = tpu.memref_slice %arg8[%rem3A_140, %dma_wait3A_212] : memref<8x128xi32, #tpu.memory_space<vmem>> -> memref<1x128xi32, #tpu.memory_space<vmem>>
        %dma_wait3A_214 = tpu.memref_squeeze %dma_wait3A_213 : memref<1x128xi32, #tpu.memory_space<vmem>> -> memref<128xi32, #tpu.memory_space<vmem>>
        %dma_wait3A_215 = arith.constant 0 : i32
        %dma_wait3A_216 = arith.constant 0 : i32
        %dma_wait3A_217 = tpu.memref_slice %arg12[%dma_wait3A_215, %dma_wait3A_216] : memref<10240x128xf32, #tpu.memory_space<vmem_shared>> -> memref<10240x128xf32, #tpu.memory_space<vmem_shared>>
        tpu.wait_indirect_dma semaphore(%run_scoped3A : memref<!tpu.dma_semaphore, #tpu.memory_space<semaphore_mem>>) src(%arg10 : memref<128x128xf32, #tpu.memory_space<vmem>>) dst(%dma_wait3A_217 : memref<10240x128xf32, #tpu.memory_space<vmem_shared>>)
        tpu.yield
      }) : () -> ()
    }
    %scan3A_41 = arith.constant 40 : i32
    %barrier3A_42 = arith.constant 0 : index
    tpu.barrier barrier_id(%barrier3A_42)
    %mul3A_43 = arith.constant 640 : i32
    %mul3A_44 = arith.muli %arg1, %mul3A_43 : i32
    %add3A_45 = arith.constant 0 : i32
    %add3A_46 = arith.addi %mul3A_44, %add3A_45 : i32
    %multiple_of3A_47 = tpu.assume_multiple %add3A_46, 128 : i32
    "tpu.region"() ({
      %run_scoped3A = tpu.sem_alloc : memref<!tpu.dma_semaphore, #tpu.memory_space<semaphore_mem>>
      %dma_start3A_68 = arith.constant 0 : i32
      %dma_start3A_69 = tpu.memref_slice %arg6[%arg0, %multiple_of3A_47, %dma_start3A_68] : memref<2x10240x128xf32, #tpu.memory_space<hbm>> -> memref<1x128x128xf32, #tpu.memory_space<hbm>>
      %dma_start3A_70 = tpu.memref_squeeze %dma_start3A_69 : memref<1x128x128xf32, #tpu.memory_space<hbm>> -> memref<128x128xf32, #tpu.memory_space<hbm>>
      %dma_start3A_71 = arith.constant 0 : i32
      %dma_start3A_72 = tpu.memref_slice %arg12[%multiple_of3A_47, %dma_start3A_71] : memref<10240x128xf32, #tpu.memory_space<vmem_shared>> -> memref<128x128xf32, #tpu.memory_space<vmem_shared>>
      tpu.enqueue_dma source(%dma_start3A_72 : memref<128x128xf32, #tpu.memory_space<vmem_shared>>) target(%dma_start3A_70 : memref<128x128xf32, #tpu.memory_space<hbm>>) target_semaphore(%run_scoped3A : memref<!tpu.dma_semaphore, #tpu.memory_space<semaphore_mem>>)
      %dma_wait3A = arith.constant 0 : i32
      %dma_wait3A_73 = tpu.memref_slice %arg6[%arg0, %multiple_of3A_47, %dma_wait3A] : memref<2x10240x128xf32, #tpu.memory_space<hbm>> -> memref<1x128x128xf32, #tpu.memory_space<hbm>>
      %dma_wait3A_74 = tpu.memref_squeeze %dma_wait3A_73 : memref<1x128x128xf32, #tpu.memory_space<hbm>> -> memref<128x128xf32, #tpu.memory_space<hbm>>
      %dma_wait3A_75 = arith.constant 0 : i32
      %dma_wait3A_76 = tpu.memref_slice %arg12[%multiple_of3A_47, %dma_wait3A_75] : memref<10240x128xf32, #tpu.memory_space<vmem_shared>> -> memref<128x128xf32, #tpu.memory_space<vmem_shared>>
      tpu.wait_dma2 semaphore(%run_scoped3A : memref<!tpu.dma_semaphore, #tpu.memory_space<semaphore_mem>>) src(%dma_wait3A_76 : memref<128x128xf32, #tpu.memory_space<vmem_shared>>) dst(%dma_wait3A_74 : memref<128x128xf32, #tpu.memory_space<hbm>>)
      tpu.yield
    }) : () -> ()
    %mul3A_48 = arith.constant 640 : i32
    %mul3A_49 = arith.muli %arg1, %mul3A_48 : i32
    %add3A_50 = arith.constant 128 : i32
    %add3A_51 = arith.addi %mul3A_49, %add3A_50 : i32
    %multiple_of3A_52 = tpu.assume_multiple %add3A_51, 128 : i32
    "tpu.region"() ({
      %run_scoped3A = tpu.sem_alloc : memref<!tpu.dma_semaphore, #tpu.memory_space<semaphore_mem>>
      %dma_start3A_68 = arith.constant 0 : i32
      %dma_start3A_69 = tpu.memref_slice %arg6[%arg0, %multiple_of3A_52, %dma_start3A_68] : memref<2x10240x128xf32, #tpu.memory_space<hbm>> -> memref<1x128x128xf32, #tpu.memory_space<hbm>>
      %dma_start3A_70 = tpu.memref_squeeze %dma_start3A_69 : memref<1x128x128xf32, #tpu.memory_space<hbm>> -> memref<128x128xf32, #tpu.memory_space<hbm>>
      %dma_start3A_71 = arith.constant 0 : i32
      %dma_start3A_72 = tpu.memref_slice %arg12[%multiple_of3A_52, %dma_start3A_71] : memref<10240x128xf32, #tpu.memory_space<vmem_shared>> -> memref<128x128xf32, #tpu.memory_space<vmem_shared>>
      tpu.enqueue_dma source(%dma_start3A_72 : memref<128x128xf32, #tpu.memory_space<vmem_shared>>) target(%dma_start3A_70 : memref<128x128xf32, #tpu.memory_space<hbm>>) target_semaphore(%run_scoped3A : memref<!tpu.dma_semaphore, #tpu.memory_space<semaphore_mem>>)
      %dma_wait3A = arith.constant 0 : i32
      %dma_wait3A_73 = tpu.memref_slice %arg6[%arg0, %multiple_of3A_52, %dma_wait3A] : memref<2x10240x128xf32, #tpu.memory_space<hbm>> -> memref<1x128x128xf32, #tpu.memory_space<hbm>>
      %dma_wait3A_74 = tpu.memref_squeeze %dma_wait3A_73 : memref<1x128x128xf32, #tpu.memory_space<hbm>> -> memref<128x128xf32, #tpu.memory_space<hbm>>
      %dma_wait3A_75 = arith.constant 0 : i32
      %dma_wait3A_76 = tpu.memref_slice %arg12[%multiple_of3A_52, %dma_wait3A_75] : memref<10240x128xf32, #tpu.memory_space<vmem_shared>> -> memref<128x128xf32, #tpu.memory_space<vmem_shared>>
      tpu.wait_dma2 semaphore(%run_scoped3A : memref<!tpu.dma_semaphore, #tpu.memory_space<semaphore_mem>>) src(%dma_wait3A_76 : memref<128x128xf32, #tpu.memory_space<vmem_shared>>) dst(%dma_wait3A_74 : memref<128x128xf32, #tpu.memory_space<hbm>>)
      tpu.yield
    }) : () -> ()
    %mul3A_53 = arith.constant 640 : i32
    %mul3A_54 = arith.muli %arg1, %mul3A_53 : i32
    %add3A_55 = arith.constant 256 : i32
    %add3A_56 = arith.addi %mul3A_54, %add3A_55 : i32
    %multiple_of3A_57 = tpu.assume_multiple %add3A_56, 128 : i32
    "tpu.region"() ({
      %run_scoped3A = tpu.sem_alloc : memref<!tpu.dma_semaphore, #tpu.memory_space<semaphore_mem>>
      %dma_start3A_68 = arith.constant 0 : i32
      %dma_start3A_69 = tpu.memref_slice %arg6[%arg0, %multiple_of3A_57, %dma_start3A_68] : memref<2x10240x128xf32, #tpu.memory_space<hbm>> -> memref<1x128x128xf32, #tpu.memory_space<hbm>>
      %dma_start3A_70 = tpu.memref_squeeze %dma_start3A_69 : memref<1x128x128xf32, #tpu.memory_space<hbm>> -> memref<128x128xf32, #tpu.memory_space<hbm>>
      %dma_start3A_71 = arith.constant 0 : i32
      %dma_start3A_72 = tpu.memref_slice %arg12[%multiple_of3A_57, %dma_start3A_71] : memref<10240x128xf32, #tpu.memory_space<vmem_shared>> -> memref<128x128xf32, #tpu.memory_space<vmem_shared>>
      tpu.enqueue_dma source(%dma_start3A_72 : memref<128x128xf32, #tpu.memory_space<vmem_shared>>) target(%dma_start3A_70 : memref<128x128xf32, #tpu.memory_space<hbm>>) target_semaphore(%run_scoped3A : memref<!tpu.dma_semaphore, #tpu.memory_space<semaphore_mem>>)
      %dma_wait3A = arith.constant 0 : i32
      %dma_wait3A_73 = tpu.memref_slice %arg6[%arg0, %multiple_of3A_57, %dma_wait3A] : memref<2x10240x128xf32, #tpu.memory_space<hbm>> -> memref<1x128x128xf32, #tpu.memory_space<hbm>>
      %dma_wait3A_74 = tpu.memref_squeeze %dma_wait3A_73 : memref<1x128x128xf32, #tpu.memory_space<hbm>> -> memref<128x128xf32, #tpu.memory_space<hbm>>
      %dma_wait3A_75 = arith.constant 0 : i32
      %dma_wait3A_76 = tpu.memref_slice %arg12[%multiple_of3A_57, %dma_wait3A_75] : memref<10240x128xf32, #tpu.memory_space<vmem_shared>> -> memref<128x128xf32, #tpu.memory_space<vmem_shared>>
      tpu.wait_dma2 semaphore(%run_scoped3A : memref<!tpu.dma_semaphore, #tpu.memory_space<semaphore_mem>>) src(%dma_wait3A_76 : memref<128x128xf32, #tpu.memory_space<vmem_shared>>) dst(%dma_wait3A_74 : memref<128x128xf32, #tpu.memory_space<hbm>>)
      tpu.yield
    }) : () -> ()
    %mul3A_58 = arith.constant 640 : i32
    %mul3A_59 = arith.muli %arg1, %mul3A_58 : i32
    %add3A_60 = arith.constant 384 : i32
    %add3A_61 = arith.addi %mul3A_59, %add3A_60 : i32
    %multiple_of3A_62 = tpu.assume_multiple %add3A_61, 128 : i32
    "tpu.region"() ({
      %run_scoped3A = tpu.sem_alloc : memref<!tpu.dma_semaphore, #tpu.memory_space<semaphore_mem>>
      %dma_start3A_68 = arith.constant 0 : i32
      %dma_start3A_69 = tpu.memref_slice %arg6[%arg0, %multiple_of3A_62, %dma_start3A_68] : memref<2x10240x128xf32, #tpu.memory_space<hbm>> -> memref<1x128x128xf32, #tpu.memory_space<hbm>>
      %dma_start3A_70 = tpu.memref_squeeze %dma_start3A_69 : memref<1x128x128xf32, #tpu.memory_space<hbm>> -> memref<128x128xf32, #tpu.memory_space<hbm>>
      %dma_start3A_71 = arith.constant 0 : i32
      %dma_start3A_72 = tpu.memref_slice %arg12[%multiple_of3A_62, %dma_start3A_71] : memref<10240x128xf32, #tpu.memory_space<vmem_shared>> -> memref<128x128xf32, #tpu.memory_space<vmem_shared>>
      tpu.enqueue_dma source(%dma_start3A_72 : memref<128x128xf32, #tpu.memory_space<vmem_shared>>) target(%dma_start3A_70 : memref<128x128xf32, #tpu.memory_space<hbm>>) target_semaphore(%run_scoped3A : memref<!tpu.dma_semaphore, #tpu.memory_space<semaphore_mem>>)
      %dma_wait3A = arith.constant 0 : i32
      %dma_wait3A_73 = tpu.memref_slice %arg6[%arg0, %multiple_of3A_62, %dma_wait3A] : memref<2x10240x128xf32, #tpu.memory_space<hbm>> -> memref<1x128x128xf32, #tpu.memory_space<hbm>>
      %dma_wait3A_74 = tpu.memref_squeeze %dma_wait3A_73 : memref<1x128x128xf32, #tpu.memory_space<hbm>> -> memref<128x128xf32, #tpu.memory_space<hbm>>
      %dma_wait3A_75 = arith.constant 0 : i32
      %dma_wait3A_76 = tpu.memref_slice %arg12[%multiple_of3A_62, %dma_wait3A_75] : memref<10240x128xf32, #tpu.memory_space<vmem_shared>> -> memref<128x128xf32, #tpu.memory_space<vmem_shared>>
      tpu.wait_dma2 semaphore(%run_scoped3A : memref<!tpu.dma_semaphore, #tpu.memory_space<semaphore_mem>>) src(%dma_wait3A_76 : memref<128x128xf32, #tpu.memory_space<vmem_shared>>) dst(%dma_wait3A_74 : memref<128x128xf32, #tpu.memory_space<hbm>>)
      tpu.yield
    }) : () -> ()
    %mul3A_63 = arith.constant 640 : i32
    %mul3A_64 = arith.muli %arg1, %mul3A_63 : i32
    %add3A_65 = arith.constant 512 : i32
    %add3A_66 = arith.addi %mul3A_64, %add3A_65 : i32
    %multiple_of3A_67 = tpu.assume_multiple %add3A_66, 128 : i32
    "tpu.region"() ({
      %run_scoped3A = tpu.sem_alloc : memref<!tpu.dma_semaphore, #tpu.memory_space<semaphore_mem>>
      %dma_start3A_68 = arith.constant 0 : i32
      %dma_start3A_69 = tpu.memref_slice %arg6[%arg0, %multiple_of3A_67, %dma_start3A_68] : memref<2x10240x128xf32, #tpu.memory_space<hbm>> -> memref<1x128x128xf32, #tpu.memory_space<hbm>>
      %dma_start3A_70 = tpu.memref_squeeze %dma_start3A_69 : memref<1x128x128xf32, #tpu.memory_space<hbm>> -> memref<128x128xf32, #tpu.memory_space<hbm>>
      %dma_start3A_71 = arith.constant 0 : i32
      %dma_start3A_72 = tpu.memref_slice %arg12[%multiple_of3A_67, %dma_start3A_71] : memref<10240x128xf32, #tpu.memory_space<vmem_shared>> -> memref<128x128xf32, #tpu.memory_space<vmem_shared>>
      tpu.enqueue_dma source(%dma_start3A_72 : memref<128x128xf32, #tpu.memory_space<vmem_shared>>) target(%dma_start3A_70 : memref<128x128xf32, #tpu.memory_space<hbm>>) target_semaphore(%run_scoped3A : memref<!tpu.dma_semaphore, #tpu.memory_space<semaphore_mem>>)
      %dma_wait3A = arith.constant 0 : i32
      %dma_wait3A_73 = tpu.memref_slice %arg6[%arg0, %multiple_of3A_67, %dma_wait3A] : memref<2x10240x128xf32, #tpu.memory_space<hbm>> -> memref<1x128x128xf32, #tpu.memory_space<hbm>>
      %dma_wait3A_74 = tpu.memref_squeeze %dma_wait3A_73 : memref<1x128x128xf32, #tpu.memory_space<hbm>> -> memref<128x128xf32, #tpu.memory_space<hbm>>
      %dma_wait3A_75 = arith.constant 0 : i32
      %dma_wait3A_76 = tpu.memref_slice %arg12[%multiple_of3A_67, %dma_wait3A_75] : memref<10240x128xf32, #tpu.memory_space<vmem_shared>> -> memref<128x128xf32, #tpu.memory_space<vmem_shared>>
      tpu.wait_dma2 semaphore(%run_scoped3A : memref<!tpu.dma_semaphore, #tpu.memory_space<semaphore_mem>>) src(%dma_wait3A_76 : memref<128x128xf32, #tpu.memory_space<vmem_shared>>) dst(%dma_wait3A_74 : memref<128x128xf32, #tpu.memory_space<hbm>>)
      tpu.yield
    }) : () -> ()
    return
  }
}

#map = affine_map<(d0, d1) -> (0, 0)>
#map1 = affine_map<(d0, d1) -> (0, 0, 0)>
module attributes {stable_mosaic.version = 14 : i64} {
  func.func @k(%arg0: i32, %arg1: i32, %arg2: memref<10000x128xf32, #tpu.memory_space<hbm>>, %arg3: memref<2560x128xi32, #tpu.memory_space<hbm>>, %arg4: memref<2560x128xi32, #tpu.memory_space<hbm>>, %arg5: memref<327680x128xf32, #tpu.memory_space<hbm>>, %arg6: memref<2x10240x128xf32, #tpu.memory_space<hbm>>, %arg7: memref<8x128xi32, #tpu.memory_space<vmem>>, %arg8: memref<8x128xi32, #tpu.memory_space<vmem>>, %arg9: memref<128x128xf32, #tpu.memory_space<vmem>>, %arg10: memref<128x128xf32, #tpu.memory_space<vmem>>, %arg11: memref<64x128xf32, #tpu.memory_space<vmem>>, %arg12: memref<10240x128xf32, #tpu.memory_space<vmem_shared>>, %arg13: memref<!tpu.dma_semaphore, #tpu.memory_space<semaphore_mem>>) attributes {dimension_semantics = [#tpu.dimension_semantics<core_parallel>, #tpu.dimension_semantics<subcore_parallel>], iteration_bounds = array<i64: 2, 16>, scalar_prefetch = 0 : i64, scratch_operands = 7 : i64, tpu.core_type = #tpu.core_type<sc_vector_subcore>, window_params = [{transform_indices = #map}, {transform_indices = #map}, {transform_indices = #map}, {transform_indices = #map}, {transform_indices = #map1}]} {
    %scan3A = arith.constant 0 : i32
    %scan3A_0 = arith.constant 0 : i32
    %scan3A_1 = arith.constant 128 : i32
    %scan3A_2 = arith.addi %scan3A_0, %scan3A_1 : i32
    %scan3A_3 = arith.constant 1 : i32
    scf.for %scan3A_68 = %scan3A_0 to %scan3A_2 step %scan3A_3  : i32 {
      %broadcast_in_dim3A = arith.constant 0.000000e+00 : f32
      %broadcast_in_dim3A_69 = vector.broadcast %broadcast_in_dim3A : f32 to vector<16xf32>
      %swap3A = arith.index_cast %scan3A_68 : i32 to index
      %swap3A_70 = arith.constant 0 : index
      %swap3A_71 = tpu.vector_load %arg9[%swap3A, %swap3A_70] {strides = array<i32>} : memref<128x128xf32, #tpu.memory_space<vmem>>, vector<1x16xf32>,
      %swap3A_72 = vector.shape_cast %swap3A_71 : vector<1x16xf32> to vector<16xf32>
      %swap3A_73 = vector.shape_cast %broadcast_in_dim3A_69 : vector<16xf32> to vector<1x16xf32>
      tpu.vector_store %arg9[%swap3A, %swap3A_70], %swap3A_73 {strides = array<i32>} : memref<128x128xf32, #tpu.memory_space<vmem>>, vector<1x16xf32>,
      %broadcast_in_dim3A_74 = arith.constant 0.000000e+00 : f32
      %broadcast_in_dim3A_75 = vector.broadcast %broadcast_in_dim3A_74 : f32 to vector<16xf32>
      %swap3A_76 = arith.index_cast %scan3A_68 : i32 to index
      %swap3A_77 = arith.constant 16 : index
      %swap3A_78 = tpu.vector_load %arg9[%swap3A_76, %swap3A_77] {strides = array<i32>} : memref<128x128xf32, #tpu.memory_space<vmem>>, vector<1x16xf32>,
      %swap3A_79 = vector.shape_cast %swap3A_78 : vector<1x16xf32> to vector<16xf32>
      %swap3A_80 = vector.shape_cast %broadcast_in_dim3A_75 : vector<16xf32> to vector<1x16xf32>
      tpu.vector_store %arg9[%swap3A_76, %swap3A_77], %swap3A_80 {strides = array<i32>} : memref<128x128xf32, #tpu.memory_space<vmem>>, vector<1x16xf32>,
      %broadcast_in_dim3A_81 = arith.constant 0.000000e+00 : f32
      %broadcast_in_dim3A_82 = vector.broadcast %broadcast_in_dim3A_81 : f32 to vector<16xf32>
      %swap3A_83 = arith.index_cast %scan3A_68 : i32 to index
      %swap3A_84 = arith.constant 32 : index
      %swap3A_85 = tpu.vector_load %arg9[%swap3A_83, %swap3A_84] {strides = array<i32>} : memref<128x128xf32, #tpu.memory_space<vmem>>, vector<1x16xf32>,
      %swap3A_86 = vector.shape_cast %swap3A_85 : vector<1x16xf32> to vector<16xf32>
      %swap3A_87 = vector.shape_cast %broadcast_in_dim3A_82 : vector<16xf32> to vector<1x16xf32>
      tpu.vector_store %arg9[%swap3A_83, %swap3A_84], %swap3A_87 {strides = array<i32>} : memref<128x128xf32, #tpu.memory_space<vmem>>, vector<1x16xf32>,
      %broadcast_in_dim3A_88 = arith.constant 0.000000e+00 : f32
      %broadcast_in_dim3A_89 = vector.broadcast %broadcast_in_dim3A_88 : f32 to vector<16xf32>
      %swap3A_90 = arith.index_cast %scan3A_68 : i32 to index
      %swap3A_91 = arith.constant 48 : index
      %swap3A_92 = tpu.vector_load %arg9[%swap3A_90, %swap3A_91] {strides = array<i32>} : memref<128x128xf32, #tpu.memory_space<vmem>>, vector<1x16xf32>,
      %swap3A_93 = vector.shape_cast %swap3A_92 : vector<1x16xf32> to vector<16xf32>
      %swap3A_94 = vector.shape_cast %broadcast_in_dim3A_89 : vector<16xf32> to vector<1x16xf32>
      tpu.vector_store %arg9[%swap3A_90, %swap3A_91], %swap3A_94 {strides = array<i32>} : memref<128x128xf32, #tpu.memory_space<vmem>>, vector<1x16xf32>,
      %broadcast_in_dim3A_95 = arith.constant 0.000000e+00 : f32
      %broadcast_in_dim3A_96 = vector.broadcast %broadcast_in_dim3A_95 : f32 to vector<16xf32>
      %swap3A_97 = arith.index_cast %scan3A_68 : i32 to index
      %swap3A_98 = arith.constant 64 : index
      %swap3A_99 = tpu.vector_load %arg9[%swap3A_97, %swap3A_98] {strides = array<i32>} : memref<128x128xf32, #tpu.memory_space<vmem>>, vector<1x16xf32>,
      %swap3A_100 = vector.shape_cast %swap3A_99 : vector<1x16xf32> to vector<16xf32>
      %swap3A_101 = vector.shape_cast %broadcast_in_dim3A_96 : vector<16xf32> to vector<1x16xf32>
      tpu.vector_store %arg9[%swap3A_97, %swap3A_98], %swap3A_101 {strides = array<i32>} : memref<128x128xf32, #tpu.memory_space<vmem>>, vector<1x16xf32>,
      %broadcast_in_dim3A_102 = arith.constant 0.000000e+00 : f32
      %broadcast_in_dim3A_103 = vector.broadcast %broadcast_in_dim3A_102 : f32 to vector<16xf32>
      %swap3A_104 = arith.index_cast %scan3A_68 : i32 to index
      %swap3A_105 = arith.constant 80 : index
      %swap3A_106 = tpu.vector_load %arg9[%swap3A_104, %swap3A_105] {strides = array<i32>} : memref<128x128xf32, #tpu.memory_space<vmem>>, vector<1x16xf32>,
      %swap3A_107 = vector.shape_cast %swap3A_106 : vector<1x16xf32> to vector<16xf32>
      %swap3A_108 = vector.shape_cast %broadcast_in_dim3A_103 : vector<16xf32> to vector<1x16xf32>
      tpu.vector_store %arg9[%swap3A_104, %swap3A_105], %swap3A_108 {strides = array<i32>} : memref<128x128xf32, #tpu.memory_space<vmem>>, vector<1x16xf32>,
      %broadcast_in_dim3A_109 = arith.constant 0.000000e+00 : f32
      %broadcast_in_dim3A_110 = vector.broadcast %broadcast_in_dim3A_109 : f32 to vector<16xf32>
      %swap3A_111 = arith.index_cast %scan3A_68 : i32 to index
      %swap3A_112 = arith.constant 96 : index
      %swap3A_113 = tpu.vector_load %arg9[%swap3A_111, %swap3A_112] {strides = array<i32>} : memref<128x128xf32, #tpu.memory_space<vmem>>, vector<1x16xf32>,
      %swap3A_114 = vector.shape_cast %swap3A_113 : vector<1x16xf32> to vector<16xf32>
      %swap3A_115 = vector.shape_cast %broadcast_in_dim3A_110 : vector<16xf32> to vector<1x16xf32>
      tpu.vector_store %arg9[%swap3A_111, %swap3A_112], %swap3A_115 {strides = array<i32>} : memref<128x128xf32, #tpu.memory_space<vmem>>, vector<1x16xf32>,
      %broadcast_in_dim3A_116 = arith.constant 0.000000e+00 : f32
      %broadcast_in_dim3A_117 = vector.broadcast %broadcast_in_dim3A_116 : f32 to vector<16xf32>
      %swap3A_118 = arith.index_cast %scan3A_68 : i32 to index
      %swap3A_119 = arith.constant 112 : index
      %swap3A_120 = tpu.vector_load %arg9[%swap3A_118, %swap3A_119] {strides = array<i32>} : memref<128x128xf32, #tpu.memory_space<vmem>>, vector<1x16xf32>,
      %swap3A_121 = vector.shape_cast %swap3A_120 : vector<1x16xf32> to vector<16xf32>
      %swap3A_122 = vector.shape_cast %broadcast_in_dim3A_117 : vector<16xf32> to vector<1x16xf32>
      tpu.vector_store %arg9[%swap3A_118, %swap3A_119], %swap3A_122 {strides = array<i32>} : memref<128x128xf32, #tpu.memory_space<vmem>>, vector<1x16xf32>,
    }
    %scan3A_4 = arith.constant 128 : i32
    %mul3A = arith.constant 640 : i32
    %mul3A_5 = arith.muli %arg1, %mul3A : i32
    %add3A = arith.constant 0 : i32
    %add3A_6 = arith.addi %mul3A_5, %add3A : i32
    %multiple_of3A = tpu.assume_multiple %add3A_6, 128 : i32
    "tpu.region"() ({
      %run_scoped3A = tpu.sem_alloc : memref<!tpu.dma_semaphore, #tpu.memory_space<semaphore_mem>>
      %dma_start3A_68 = arith.constant 0 : i32
      %dma_start3A_69 = tpu.memref_slice %arg12[%multiple_of3A, %dma_start3A_68] : memref<10240x128xf32, #tpu.memory_space<vmem_shared>> -> memref<128x128xf32, #tpu.memory_space<vmem_shared>>
      %dma_start3A_70 = arith.constant 0 : i32
      %dma_start3A_71 = tpu.memref_slice %arg12[%multiple_of3A, %dma_start3A_70] : memref<10240x128xf32, #tpu.memory_space<vmem_shared>> -> memref<128x128xf32, #tpu.memory_space<vmem_shared>>
      tpu.enqueue_dma source(%arg9 : memref<128x128xf32, #tpu.memory_space<vmem>>) target(%dma_start3A_71 : memref<128x128xf32, #tpu.memory_space<vmem_shared>>) target_semaphore(%run_scoped3A : memref<!tpu.dma_semaphore, #tpu.memory_space<semaphore_mem>>)
      %dma_wait3A = arith.constant 0 : i32
      %dma_wait3A_72 = tpu.memref_slice %arg12[%multiple_of3A, %dma_wait3A] : memref<10240x128xf32, #tpu.memory_space<vmem_shared>> -> memref<128x128xf32, #tpu.memory_space<vmem_shared>>
      %dma_wait3A_73 = arith.constant 0 : i32
      %dma_wait3A_74 = tpu.memref_slice %arg12[%multiple_of3A, %dma_wait3A_73] : memref<10240x128xf32, #tpu.memory_space<vmem_shared>> -> memref<128x128xf32, #tpu.memory_space<vmem_shared>>
      tpu.wait_dma2 semaphore(%run_scoped3A : memref<!tpu.dma_semaphore, #tpu.memory_space<semaphore_mem>>) src(%arg9 : memref<128x128xf32, #tpu.memory_space<vmem>>) dst(%dma_wait3A_74 : memref<128x128xf32, #tpu.memory_space<vmem_shared>>)
      tpu.yield
    }) : () -> ()
    %mul3A_7 = arith.constant 640 : i32
    %mul3A_8 = arith.muli %arg1, %mul3A_7 : i32
    %add3A_9 = arith.constant 128 : i32
    %add3A_10 = arith.addi %mul3A_8, %add3A_9 : i32
    %multiple_of3A_11 = tpu.assume_multiple %add3A_10, 128 : i32
    "tpu.region"() ({
      %run_scoped3A = tpu.sem_alloc : memref<!tpu.dma_semaphore, #tpu.memory_space<semaphore_mem>>
      %dma_start3A_68 = arith.constant 0 : i32
      %dma_start3A_69 = tpu.memref_slice %arg12[%multiple_of3A_11, %dma_start3A_68] : memref<10240x128xf32, #tpu.memory_space<vmem_shared>> -> memref<128x128xf32, #tpu.memory_space<vmem_shared>>
      %dma_start3A_70 = arith.constant 0 : i32
      %dma_start3A_71 = tpu.memref_slice %arg12[%multiple_of3A_11, %dma_start3A_70] : memref<10240x128xf32, #tpu.memory_space<vmem_shared>> -> memref<128x128xf32, #tpu.memory_space<vmem_shared>>
      tpu.enqueue_dma source(%arg9 : memref<128x128xf32, #tpu.memory_space<vmem>>) target(%dma_start3A_71 : memref<128x128xf32, #tpu.memory_space<vmem_shared>>) target_semaphore(%run_scoped3A : memref<!tpu.dma_semaphore, #tpu.memory_space<semaphore_mem>>)
      %dma_wait3A = arith.constant 0 : i32
      %dma_wait3A_72 = tpu.memref_slice %arg12[%multiple_of3A_11, %dma_wait3A] : memref<10240x128xf32, #tpu.memory_space<vmem_shared>> -> memref<128x128xf32, #tpu.memory_space<vmem_shared>>
      %dma_wait3A_73 = arith.constant 0 : i32
      %dma_wait3A_74 = tpu.memref_slice %arg12[%multiple_of3A_11, %dma_wait3A_73] : memref<10240x128xf32, #tpu.memory_space<vmem_shared>> -> memref<128x128xf32, #tpu.memory_space<vmem_shared>>
      tpu.wait_dma2 semaphore(%run_scoped3A : memref<!tpu.dma_semaphore, #tpu.memory_space<semaphore_mem>>) src(%arg9 : memref<128x128xf32, #tpu.memory_space<vmem>>) dst(%dma_wait3A_74 : memref<128x128xf32, #tpu.memory_space<vmem_shared>>)
      tpu.yield
    }) : () -> ()
    %mul3A_12 = arith.constant 640 : i32
    %mul3A_13 = arith.muli %arg1, %mul3A_12 : i32
    %add3A_14 = arith.constant 256 : i32
    %add3A_15 = arith.addi %mul3A_13, %add3A_14 : i32
    %multiple_of3A_16 = tpu.assume_multiple %add3A_15, 128 : i32
    "tpu.region"() ({
      %run_scoped3A = tpu.sem_alloc : memref<!tpu.dma_semaphore, #tpu.memory_space<semaphore_mem>>
      %dma_start3A_68 = arith.constant 0 : i32
      %dma_start3A_69 = tpu.memref_slice %arg12[%multiple_of3A_16, %dma_start3A_68] : memref<10240x128xf32, #tpu.memory_space<vmem_shared>> -> memref<128x128xf32, #tpu.memory_space<vmem_shared>>
      %dma_start3A_70 = arith.constant 0 : i32
      %dma_start3A_71 = tpu.memref_slice %arg12[%multiple_of3A_16, %dma_start3A_70] : memref<10240x128xf32, #tpu.memory_space<vmem_shared>> -> memref<128x128xf32, #tpu.memory_space<vmem_shared>>
      tpu.enqueue_dma source(%arg9 : memref<128x128xf32, #tpu.memory_space<vmem>>) target(%dma_start3A_71 : memref<128x128xf32, #tpu.memory_space<vmem_shared>>) target_semaphore(%run_scoped3A : memref<!tpu.dma_semaphore, #tpu.memory_space<semaphore_mem>>)
      %dma_wait3A = arith.constant 0 : i32
      %dma_wait3A_72 = tpu.memref_slice %arg12[%multiple_of3A_16, %dma_wait3A] : memref<10240x128xf32, #tpu.memory_space<vmem_shared>> -> memref<128x128xf32, #tpu.memory_space<vmem_shared>>
      %dma_wait3A_73 = arith.constant 0 : i32
      %dma_wait3A_74 = tpu.memref_slice %arg12[%multiple_of3A_16, %dma_wait3A_73] : memref<10240x128xf32, #tpu.memory_space<vmem_shared>> -> memref<128x128xf32, #tpu.memory_space<vmem_shared>>
      tpu.wait_dma2 semaphore(%run_scoped3A : memref<!tpu.dma_semaphore, #tpu.memory_space<semaphore_mem>>) src(%arg9 : memref<128x128xf32, #tpu.memory_space<vmem>>) dst(%dma_wait3A_74 : memref<128x128xf32, #tpu.memory_space<vmem_shared>>)
      tpu.yield
    }) : () -> ()
    %mul3A_17 = arith.constant 640 : i32
    %mul3A_18 = arith.muli %arg1, %mul3A_17 : i32
    %add3A_19 = arith.constant 384 : i32
    %add3A_20 = arith.addi %mul3A_18, %add3A_19 : i32
    %multiple_of3A_21 = tpu.assume_multiple %add3A_20, 128 : i32
    "tpu.region"() ({
      %run_scoped3A = tpu.sem_alloc : memref<!tpu.dma_semaphore, #tpu.memory_space<semaphore_mem>>
      %dma_start3A_68 = arith.constant 0 : i32
      %dma_start3A_69 = tpu.memref_slice %arg12[%multiple_of3A_21, %dma_start3A_68] : memref<10240x128xf32, #tpu.memory_space<vmem_shared>> -> memref<128x128xf32, #tpu.memory_space<vmem_shared>>
      %dma_start3A_70 = arith.constant 0 : i32
      %dma_start3A_71 = tpu.memref_slice %arg12[%multiple_of3A_21, %dma_start3A_70] : memref<10240x128xf32, #tpu.memory_space<vmem_shared>> -> memref<128x128xf32, #tpu.memory_space<vmem_shared>>
      tpu.enqueue_dma source(%arg9 : memref<128x128xf32, #tpu.memory_space<vmem>>) target(%dma_start3A_71 : memref<128x128xf32, #tpu.memory_space<vmem_shared>>) target_semaphore(%run_scoped3A : memref<!tpu.dma_semaphore, #tpu.memory_space<semaphore_mem>>)
      %dma_wait3A = arith.constant 0 : i32
      %dma_wait3A_72 = tpu.memref_slice %arg12[%multiple_of3A_21, %dma_wait3A] : memref<10240x128xf32, #tpu.memory_space<vmem_shared>> -> memref<128x128xf32, #tpu.memory_space<vmem_shared>>
      %dma_wait3A_73 = arith.constant 0 : i32
      %dma_wait3A_74 = tpu.memref_slice %arg12[%multiple_of3A_21, %dma_wait3A_73] : memref<10240x128xf32, #tpu.memory_space<vmem_shared>> -> memref<128x128xf32, #tpu.memory_space<vmem_shared>>
      tpu.wait_dma2 semaphore(%run_scoped3A : memref<!tpu.dma_semaphore, #tpu.memory_space<semaphore_mem>>) src(%arg9 : memref<128x128xf32, #tpu.memory_space<vmem>>) dst(%dma_wait3A_74 : memref<128x128xf32, #tpu.memory_space<vmem_shared>>)
      tpu.yield
    }) : () -> ()
    %mul3A_22 = arith.constant 640 : i32
    %mul3A_23 = arith.muli %arg1, %mul3A_22 : i32
    %add3A_24 = arith.constant 512 : i32
    %add3A_25 = arith.addi %mul3A_23, %add3A_24 : i32
    %multiple_of3A_26 = tpu.assume_multiple %add3A_25, 128 : i32
    "tpu.region"() ({
      %run_scoped3A = tpu.sem_alloc : memref<!tpu.dma_semaphore, #tpu.memory_space<semaphore_mem>>
      %dma_start3A_68 = arith.constant 0 : i32
      %dma_start3A_69 = tpu.memref_slice %arg12[%multiple_of3A_26, %dma_start3A_68] : memref<10240x128xf32, #tpu.memory_space<vmem_shared>> -> memref<128x128xf32, #tpu.memory_space<vmem_shared>>
      %dma_start3A_70 = arith.constant 0 : i32
      %dma_start3A_71 = tpu.memref_slice %arg12[%multiple_of3A_26, %dma_start3A_70] : memref<10240x128xf32, #tpu.memory_space<vmem_shared>> -> memref<128x128xf32, #tpu.memory_space<vmem_shared>>
      tpu.enqueue_dma source(%arg9 : memref<128x128xf32, #tpu.memory_space<vmem>>) target(%dma_start3A_71 : memref<128x128xf32, #tpu.memory_space<vmem_shared>>) target_semaphore(%run_scoped3A : memref<!tpu.dma_semaphore, #tpu.memory_space<semaphore_mem>>)
      %dma_wait3A = arith.constant 0 : i32
      %dma_wait3A_72 = tpu.memref_slice %arg12[%multiple_of3A_26, %dma_wait3A] : memref<10240x128xf32, #tpu.memory_space<vmem_shared>> -> memref<128x128xf32, #tpu.memory_space<vmem_shared>>
      %dma_wait3A_73 = arith.constant 0 : i32
      %dma_wait3A_74 = tpu.memref_slice %arg12[%multiple_of3A_26, %dma_wait3A_73] : memref<10240x128xf32, #tpu.memory_space<vmem_shared>> -> memref<128x128xf32, #tpu.memory_space<vmem_shared>>
      tpu.wait_dma2 semaphore(%run_scoped3A : memref<!tpu.dma_semaphore, #tpu.memory_space<semaphore_mem>>) src(%arg9 : memref<128x128xf32, #tpu.memory_space<vmem>>) dst(%dma_wait3A_74 : memref<128x128xf32, #tpu.memory_space<vmem_shared>>)
      tpu.yield
    }) : () -> ()
    %barrier3A = arith.constant 0 : index
    tpu.barrier barrier_id(%barrier3A)
    %rem3A = arith.constant 0 : i32
    %rem3A_27 = arith.constant 8 : i32
    %rem3A_28 = arith.remsi %rem3A, %rem3A_27 : i32
    %eq3A = arith.constant 0 : i32
    %eq3A_29 = arith.cmpi eq, %rem3A_28, %eq3A : i32
    %convert_element_type3A = arith.extui %eq3A_29 : i1 to i32
    %cond3A = arith.constant 0 : i32
    %cond3A_30 = arith.cmpi ne, %convert_element_type3A, %cond3A : i32
    scf.if %cond3A_30 {
      %div3A = arith.constant 0 : i32
      %div3A_68 = arith.constant 8 : i32
      %div3A_69 = arith.divsi %div3A, %div3A_68 : i32
      %mul3A_70 = arith.constant 16 : i32
      %mul3A_71 = arith.muli %mul3A_70, %div3A_69 : i32
      %add3A_72 = arith.addi %mul3A_71, %arg1 : i32
      %mul3A_73 = arith.constant 2 : i32
      %mul3A_74 = arith.muli %mul3A_73, %add3A_72 : i32
      %add3A_75 = arith.addi %mul3A_74, %arg0 : i32
      %mul3A_76 = arith.constant 8 : i32
      %mul3A_77 = arith.muli %add3A_75, %mul3A_76 : i32
      %multiple_of3A_78 = tpu.assume_multiple %mul3A_77, 8 : i32
      "tpu.region"() ({
        %run_scoped3A = tpu.sem_alloc : memref<!tpu.dma_semaphore, #tpu.memory_space<semaphore_mem>>
        %dma_start3A_79 = arith.constant 0 : i32
        %dma_start3A_80 = tpu.memref_slice %arg3[%multiple_of3A_78, %dma_start3A_79] : memref<2560x128xi32, #tpu.memory_space<hbm>> -> memref<8x128xi32, #tpu.memory_space<hbm>>
        %dma_start3A_81 = arith.constant 0 : i32
        %dma_start3A_82 = tpu.memref_slice %arg3[%multiple_of3A_78, %dma_start3A_81] : memref<2560x128xi32, #tpu.memory_space<hbm>> -> memref<8x128xi32, #tpu.memory_space<hbm>>
        tpu.enqueue_dma source(%dma_start3A_82 : memref<8x128xi32, #tpu.memory_space<hbm>>) target(%arg7 : memref<8x128xi32, #tpu.memory_space<vmem>>) target_semaphore(%run_scoped3A : memref<!tpu.dma_semaphore, #tpu.memory_space<semaphore_mem>>)
        %dma_wait3A = arith.constant 0 : i32
        %dma_wait3A_83 = tpu.memref_slice %arg3[%multiple_of3A_78, %dma_wait3A] : memref<2560x128xi32, #tpu.memory_space<hbm>> -> memref<8x128xi32, #tpu.memory_space<hbm>>
        %dma_wait3A_84 = arith.constant 0 : i32
        %dma_wait3A_85 = tpu.memref_slice %arg3[%multiple_of3A_78, %dma_wait3A_84] : memref<2560x128xi32, #tpu.memory_space<hbm>> -> memref<8x128xi32, #tpu.memory_space<hbm>>
        tpu.wait_dma2 semaphore(%run_scoped3A : memref<!tpu.dma_semaphore, #tpu.memory_space<semaphore_mem>>) src(%dma_wait3A_85 : memref<8x128xi32, #tpu.memory_space<hbm>>) dst(%arg7 : memref<8x128xi32, #tpu.memory_space<vmem>>)
        tpu.yield
      }) : () -> ()
    } else {
    }
    %dma_start3A = arith.constant 0 : i32
    %dma_start3A_31 = tpu.memref_slice %arg7[%rem3A_28, %dma_start3A] : memref<8x128xi32, #tpu.memory_space<vmem>> -> memref<1x128xi32, #tpu.memory_space<vmem>>
    %dma_start3A_32 = tpu.memref_squeeze %dma_start3A_31 : memref<1x128xi32, #tpu.memory_space<vmem>> -> memref<128xi32, #tpu.memory_space<vmem>>
    %dma_start3A_33 = arith.constant 0 : i32
    %dma_start3A_34 = arith.constant 0 : i32
    %dma_start3A_35 = tpu.memref_slice %arg2[%dma_start3A_33, %dma_start3A_34] : memref<10000x128xf32, #tpu.memory_space<hbm>> -> memref<10000x128xf32, #tpu.memory_space<hbm>>
    tpu.enqueue_indirect_dma source(%dma_start3A_35 : memref<10000x128xf32, #tpu.memory_space<hbm>>) target(%arg9 : memref<128x128xf32, #tpu.memory_space<vmem>>) offsets(%dma_start3A_32 : memref<128xi32, #tpu.memory_space<vmem>>) semaphore(%arg13 : memref<!tpu.dma_semaphore, #tpu.memory_space<semaphore_mem>>)
    %scan3A_36 = arith.constant 0 : i32
    %scan3A_37 = arith.constant 0 : i32
    %scan3A_38 = arith.constant 40 : i32
    %scan3A_39 = arith.addi %scan3A_37, %scan3A_38 : i32
    %scan3A_40 = arith.constant 1 : i32
    scf.for %scan3A_68 = %scan3A_37 to %scan3A_39 step %scan3A_40  : i32 {
      %mul3A_69 = arith.constant 2 : i32
      %mul3A_70 = arith.muli %mul3A_69, %scan3A_68 : i32
      %rem3A_71 = arith.constant 8 : i32
      %rem3A_72 = arith.remsi %mul3A_70, %rem3A_71 : i32
      %eq3A_73 = arith.constant 0 : i32
      %eq3A_74 = arith.cmpi eq, %rem3A_72, %eq3A_73 : i32
      %convert_element_type3A_75 = arith.extui %eq3A_74 : i1 to i32
      %cond3A_76 = arith.constant 0 : i32
      %cond3A_77 = arith.cmpi ne, %convert_element_type3A_75, %cond3A_76 : i32
      scf.if %cond3A_77 {
        %div3A_206 = arith.constant 8 : i32
        %div3A_207 = arith.divsi %mul3A_70, %div3A_206 : i32
        %mul3A_208 = arith.constant 16 : i32
        %mul3A_209 = arith.muli %mul3A_208, %div3A_207 : i32
        %add3A_210 = arith.addi %mul3A_209, %arg1 : i32
        %mul3A_211 = arith.constant 2 : i32
        %mul3A_212 = arith.muli %mul3A_211, %add3A_210 : i32
        %add3A_213 = arith.addi %mul3A_212, %arg0 : i32
        %mul3A_214 = arith.constant 8 : i32
        %mul3A_215 = arith.muli %add3A_213, %mul3A_214 : i32
        %multiple_of3A_216 = tpu.assume_multiple %mul3A_215, 8 : i32
        "tpu.region"() ({
          %run_scoped3A = tpu.sem_alloc : memref<!tpu.dma_semaphore, #tpu.memory_space<semaphore_mem>>
          %dma_start3A_217 = arith.constant 0 : i32
          %dma_start3A_218 = tpu.memref_slice %arg4[%multiple_of3A_216, %dma_start3A_217] : memref<2560x128xi32, #tpu.memory_space<hbm>> -> memref<8x128xi32, #tpu.memory_space<hbm>>
          %dma_start3A_219 = arith.constant 0 : i32
          %dma_start3A_220 = tpu.memref_slice %arg4[%multiple_of3A_216, %dma_start3A_219] : memref<2560x128xi32, #tpu.memory_space<hbm>> -> memref<8x128xi32, #tpu.memory_space<hbm>>
          tpu.enqueue_dma source(%dma_start3A_220 : memref<8x128xi32, #tpu.memory_space<hbm>>) target(%arg8 : memref<8x128xi32, #tpu.memory_space<vmem>>) target_semaphore(%run_scoped3A : memref<!tpu.dma_semaphore, #tpu.memory_space<semaphore_mem>>)
          %dma_wait3A_221 = arith.constant 0 : i32
          %dma_wait3A_222 = tpu.memref_slice %arg4[%multiple_of3A_216, %dma_wait3A_221] : memref<2560x128xi32, #tpu.memory_space<hbm>> -> memref<8x128xi32, #tpu.memory_space<hbm>>
          %dma_wait3A_223 = arith.constant 0 : i32
          %dma_wait3A_224 = tpu.memref_slice %arg4[%multiple_of3A_216, %dma_wait3A_223] : memref<2560x128xi32, #tpu.memory_space<hbm>> -> memref<8x128xi32, #tpu.memory_space<hbm>>
          tpu.wait_dma2 semaphore(%run_scoped3A : memref<!tpu.dma_semaphore, #tpu.memory_space<semaphore_mem>>) src(%dma_wait3A_224 : memref<8x128xi32, #tpu.memory_space<hbm>>) dst(%arg8 : memref<8x128xi32, #tpu.memory_space<vmem>>)
          tpu.yield
        }) : () -> ()
      } else {
      }
      %dma_wait3A = arith.constant 0 : i32
      %dma_wait3A_78 = arith.constant 0 : i32
      %dma_wait3A_79 = tpu.memref_slice %arg7[%dma_wait3A, %dma_wait3A_78] : memref<8x128xi32, #tpu.memory_space<vmem>> -> memref<1x128xi32, #tpu.memory_space<vmem>>
      %dma_wait3A_80 = tpu.memref_squeeze %dma_wait3A_79 : memref<1x128xi32, #tpu.memory_space<vmem>> -> memref<128xi32, #tpu.memory_space<vmem>>
      %dma_wait3A_81 = arith.constant 0 : i32
      %dma_wait3A_82 = arith.constant 0 : i32
      %dma_wait3A_83 = tpu.memref_slice %arg2[%dma_wait3A_81, %dma_wait3A_82] : memref<10000x128xf32, #tpu.memory_space<hbm>> -> memref<10000x128xf32, #tpu.memory_space<hbm>>
      tpu.wait_indirect_dma semaphore(%arg13 : memref<!tpu.dma_semaphore, #tpu.memory_space<semaphore_mem>>) src(%dma_wait3A_83 : memref<10000x128xf32, #tpu.memory_space<hbm>>) dst(%arg9 : memref<128x128xf32, #tpu.memory_space<vmem>>)
      %add3A_84 = arith.constant 1 : i32
      %add3A_85 = arith.addi %mul3A_70, %add3A_84 : i32
      %lt3A = arith.constant 80 : i32
      %lt3A_86 = arith.cmpi slt, %add3A_85, %lt3A : i32
      %convert_element_type3A_87 = arith.extui %lt3A_86 : i1 to i32
      %cond3A_88 = arith.constant 0 : i32
      %cond3A_89 = arith.cmpi ne, %convert_element_type3A_87, %cond3A_88 : i32
      scf.if %cond3A_89 {
        %add3A_206 = arith.constant 1 : i32
        %add3A_207 = arith.addi %mul3A_70, %add3A_206 : i32
        %rem3A_208 = arith.constant 8 : i32
        %rem3A_209 = arith.remsi %add3A_207, %rem3A_208 : i32
        %eq3A_210 = arith.constant 0 : i32
        %eq3A_211 = arith.cmpi eq, %rem3A_209, %eq3A_210 : i32
        %convert_element_type3A_212 = arith.extui %eq3A_211 : i1 to i32
        %cond3A_213 = arith.constant 0 : i32
        %cond3A_214 = arith.cmpi ne, %convert_element_type3A_212, %cond3A_213 : i32
        scf.if %cond3A_214 {
          %div3A_221 = arith.constant 8 : i32
          %div3A_222 = arith.divsi %add3A_207, %div3A_221 : i32
          %mul3A_223 = arith.constant 16 : i32
          %mul3A_224 = arith.muli %mul3A_223, %div3A_222 : i32
          %add3A_225 = arith.addi %mul3A_224, %arg1 : i32
          %mul3A_226 = arith.constant 2 : i32
          %mul3A_227 = arith.muli %mul3A_226, %add3A_225 : i32
          %add3A_228 = arith.addi %mul3A_227, %arg0 : i32
          %mul3A_229 = arith.constant 8 : i32
          %mul3A_230 = arith.muli %add3A_228, %mul3A_229 : i32
          %multiple_of3A_231 = tpu.assume_multiple %mul3A_230, 8 : i32
          "tpu.region"() ({
            %run_scoped3A = tpu.sem_alloc : memref<!tpu.dma_semaphore, #tpu.memory_space<semaphore_mem>>
            %dma_start3A_232 = arith.constant 0 : i32
            %dma_start3A_233 = tpu.memref_slice %arg3[%multiple_of3A_231, %dma_start3A_232] : memref<2560x128xi32, #tpu.memory_space<hbm>> -> memref<8x128xi32, #tpu.memory_space<hbm>>
            %dma_start3A_234 = arith.constant 0 : i32
            %dma_start3A_235 = tpu.memref_slice %arg3[%multiple_of3A_231, %dma_start3A_234] : memref<2560x128xi32, #tpu.memory_space<hbm>> -> memref<8x128xi32, #tpu.memory_space<hbm>>
            tpu.enqueue_dma source(%dma_start3A_235 : memref<8x128xi32, #tpu.memory_space<hbm>>) target(%arg7 : memref<8x128xi32, #tpu.memory_space<vmem>>) target_semaphore(%run_scoped3A : memref<!tpu.dma_semaphore, #tpu.memory_space<semaphore_mem>>)
            %dma_wait3A_236 = arith.constant 0 : i32
            %dma_wait3A_237 = tpu.memref_slice %arg3[%multiple_of3A_231, %dma_wait3A_236] : memref<2560x128xi32, #tpu.memory_space<hbm>> -> memref<8x128xi32, #tpu.memory_space<hbm>>
            %dma_wait3A_238 = arith.constant 0 : i32
            %dma_wait3A_239 = tpu.memref_slice %arg3[%multiple_of3A_231, %dma_wait3A_238] : memref<2560x128xi32, #tpu.memory_space<hbm>> -> memref<8x128xi32, #tpu.memory_space<hbm>>
            tpu.wait_dma2 semaphore(%run_scoped3A : memref<!tpu.dma_semaphore, #tpu.memory_space<semaphore_mem>>) src(%dma_wait3A_239 : memref<8x128xi32, #tpu.memory_space<hbm>>) dst(%arg7 : memref<8x128xi32, #tpu.memory_space<vmem>>)
            tpu.yield
          }) : () -> ()
        } else {
        }
        %dma_start3A_215 = arith.constant 0 : i32
        %dma_start3A_216 = tpu.memref_slice %arg7[%rem3A_209, %dma_start3A_215] : memref<8x128xi32, #tpu.memory_space<vmem>> -> memref<1x128xi32, #tpu.memory_space<vmem>>
        %dma_start3A_217 = tpu.memref_squeeze %dma_start3A_216 : memref<1x128xi32, #tpu.memory_space<vmem>> -> memref<128xi32, #tpu.memory_space<vmem>>
        %dma_start3A_218 = arith.constant 0 : i32
        %dma_start3A_219 = arith.constant 0 : i32
        %dma_start3A_220 = tpu.memref_slice %arg2[%dma_start3A_218, %dma_start3A_219] : memref<10000x128xf32, #tpu.memory_space<hbm>> -> memref<10000x128xf32, #tpu.memory_space<hbm>>
        tpu.enqueue_indirect_dma source(%dma_start3A_220 : memref<10000x128xf32, #tpu.memory_space<hbm>>) target(%arg10 : memref<128x128xf32, #tpu.memory_space<vmem>>) offsets(%dma_start3A_217 : memref<128xi32, #tpu.memory_space<vmem>>) semaphore(%arg13 : memref<!tpu.dma_semaphore, #tpu.memory_space<semaphore_mem>>)
      } else {
      }
      %div3A = arith.constant 8 : i32
      %div3A_90 = arith.divsi %mul3A_70, %div3A : i32
      %mul3A_91 = arith.constant 16 : i32
      %mul3A_92 = arith.muli %mul3A_91, %div3A_90 : i32
      %add3A_93 = arith.addi %mul3A_92, %arg1 : i32
      %mul3A_94 = arith.constant 2 : i32
      %mul3A_95 = arith.muli %mul3A_94, %add3A_93 : i32
      %add3A_96 = arith.addi %mul3A_95, %arg0 : i32
      %mul3A_97 = arith.constant 8 : i32
      %mul3A_98 = arith.muli %add3A_96, %mul3A_97 : i32
      %multiple_of3A_99 = tpu.assume_multiple %mul3A_98, 8 : i32
      %add3A_100 = arith.addi %multiple_of3A_99, %rem3A_72 : i32
      %mul3A_101 = arith.constant 128 : i32
      %mul3A_102 = arith.muli %add3A_100, %mul3A_101 : i32
      %add3A_103 = arith.constant 0 : i32
      %add3A_104 = arith.addi %mul3A_102, %add3A_103 : i32
      %multiple_of3A_105 = tpu.assume_multiple %add3A_104, 64 : i32
      "tpu.region"() ({
        %run_scoped3A = tpu.sem_alloc : memref<!tpu.dma_semaphore, #tpu.memory_space<semaphore_mem>>
        %dma_start3A_206 = arith.constant 0 : i32
        %dma_start3A_207 = tpu.memref_slice %arg5[%multiple_of3A_105, %dma_start3A_206] : memref<327680x128xf32, #tpu.memory_space<hbm>> -> memref<64x128xf32, #tpu.memory_space<hbm>>
        %dma_start3A_208 = arith.constant 0 : i32
        %dma_start3A_209 = tpu.memref_slice %arg5[%multiple_of3A_105, %dma_start3A_208] : memref<327680x128xf32, #tpu.memory_space<hbm>> -> memref<64x128xf32, #tpu.memory_space<hbm>>
        tpu.enqueue_dma source(%dma_start3A_209 : memref<64x128xf32, #tpu.memory_space<hbm>>) target(%arg11 : memref<64x128xf32, #tpu.memory_space<vmem>>) target_semaphore(%run_scoped3A : memref<!tpu.dma_semaphore, #tpu.memory_space<semaphore_mem>>)
        %dma_wait3A_210 = arith.constant 0 : i32
        %dma_wait3A_211 = tpu.memref_slice %arg5[%multiple_of3A_105, %dma_wait3A_210] : memref<327680x128xf32, #tpu.memory_space<hbm>> -> memref<64x128xf32, #tpu.memory_space<hbm>>
        %dma_wait3A_212 = arith.constant 0 : i32
        %dma_wait3A_213 = tpu.memref_slice %arg5[%multiple_of3A_105, %dma_wait3A_212] : memref<327680x128xf32, #tpu.memory_space<hbm>> -> memref<64x128xf32, #tpu.memory_space<hbm>>
        tpu.wait_dma2 semaphore(%run_scoped3A : memref<!tpu.dma_semaphore, #tpu.memory_space<semaphore_mem>>) src(%dma_wait3A_213 : memref<64x128xf32, #tpu.memory_space<hbm>>) dst(%arg11 : memref<64x128xf32, #tpu.memory_space<vmem>>)
        tpu.yield
      }) : () -> ()
      %scan3A_106 = arith.constant 0 : i32
      %scan3A_107 = arith.constant 0 : i32
      %scan3A_108 = arith.constant 64 : i32
      %scan3A_109 = arith.addi %scan3A_107, %scan3A_108 : i32
      %scan3A_110 = arith.constant 1 : i32
      scf.for %scan3A_206 = %scan3A_107 to %scan3A_109 step %scan3A_110  : i32 {
        %add3A_207 = arith.constant 0 : i32
        %add3A_208 = arith.addi %add3A_207, %scan3A_206 : i32
        %get3A = arith.index_cast %add3A_208 : i32 to index
        %get3A_209 = arith.constant 0 : index
        %get3A_210 = tpu.vector_load %arg9[%get3A, %get3A_209] {strides = array<i32>} : memref<128x128xf32, #tpu.memory_space<vmem>>, vector<1x16xf32>,
        %get3A_211 = vector.shape_cast %get3A_210 : vector<1x16xf32> to vector<16xf32>
        %get3A_212 = arith.index_cast %scan3A_206 : i32 to index
        %get3A_213 = arith.constant 0 : index
        %get3A_214 = tpu.vector_load %arg11[%get3A_212, %get3A_213] {strides = array<i32>} : memref<64x128xf32, #tpu.memory_space<vmem>>, vector<1x16xf32>,
        %get3A_215 = vector.shape_cast %get3A_214 : vector<1x16xf32> to vector<16xf32>
        %add3A_216 = arith.addf %get3A_211, %get3A_215 : vector<16xf32>
        %max3A = arith.constant 0.000000e+00 : f32
        %max3A_217 = vector.broadcast %max3A : f32 to vector<16xf32>
        %max3A_218 = arith.maximumf %add3A_216, %max3A_217 : vector<16xf32>
        %swap3A = arith.index_cast %add3A_208 : i32 to index
        %swap3A_219 = arith.constant 0 : index
        %swap3A_220 = tpu.vector_load %arg9[%swap3A, %swap3A_219] {strides = array<i32>} : memref<128x128xf32, #tpu.memory_space<vmem>>, vector<1x16xf32>,
        %swap3A_221 = vector.shape_cast %swap3A_220 : vector<1x16xf32> to vector<16xf32>
        %swap3A_222 = vector.shape_cast %max3A_218 : vector<16xf32> to vector<1x16xf32>
        tpu.vector_store %arg9[%swap3A, %swap3A_219], %swap3A_222 {strides = array<i32>} : memref<128x128xf32, #tpu.memory_space<vmem>>, vector<1x16xf32>,
        %add3A_223 = arith.constant 0 : i32
        %add3A_224 = arith.addi %add3A_223, %scan3A_206 : i32
        %get3A_225 = arith.index_cast %add3A_224 : i32 to index
        %get3A_226 = arith.constant 16 : index
        %get3A_227 = tpu.vector_load %arg9[%get3A_225, %get3A_226] {strides = array<i32>} : memref<128x128xf32, #tpu.memory_space<vmem>>, vector<1x16xf32>,
        %get3A_228 = vector.shape_cast %get3A_227 : vector<1x16xf32> to vector<16xf32>
        %get3A_229 = arith.index_cast %scan3A_206 : i32 to index
        %get3A_230 = arith.constant 16 : index
        %get3A_231 = tpu.vector_load %arg11[%get3A_229, %get3A_230] {strides = array<i32>} : memref<64x128xf32, #tpu.memory_space<vmem>>, vector<1x16xf32>,
        %get3A_232 = vector.shape_cast %get3A_231 : vector<1x16xf32> to vector<16xf32>
        %add3A_233 = arith.addf %get3A_228, %get3A_232 : vector<16xf32>
        %max3A_234 = arith.constant 0.000000e+00 : f32
        %max3A_235 = vector.broadcast %max3A_234 : f32 to vector<16xf32>
        %max3A_236 = arith.maximumf %add3A_233, %max3A_235 : vector<16xf32>
        %swap3A_237 = arith.index_cast %add3A_224 : i32 to index
        %swap3A_238 = arith.constant 16 : index
        %swap3A_239 = tpu.vector_load %arg9[%swap3A_237, %swap3A_238] {strides = array<i32>} : memref<128x128xf32, #tpu.memory_space<vmem>>, vector<1x16xf32>,
        %swap3A_240 = vector.shape_cast %swap3A_239 : vector<1x16xf32> to vector<16xf32>
        %swap3A_241 = vector.shape_cast %max3A_236 : vector<16xf32> to vector<1x16xf32>
        tpu.vector_store %arg9[%swap3A_237, %swap3A_238], %swap3A_241 {strides = array<i32>} : memref<128x128xf32, #tpu.memory_space<vmem>>, vector<1x16xf32>,
        %add3A_242 = arith.constant 0 : i32
        %add3A_243 = arith.addi %add3A_242, %scan3A_206 : i32
        %get3A_244 = arith.index_cast %add3A_243 : i32 to index
        %get3A_245 = arith.constant 32 : index
        %get3A_246 = tpu.vector_load %arg9[%get3A_244, %get3A_245] {strides = array<i32>} : memref<128x128xf32, #tpu.memory_space<vmem>>, vector<1x16xf32>,
        %get3A_247 = vector.shape_cast %get3A_246 : vector<1x16xf32> to vector<16xf32>
        %get3A_248 = arith.index_cast %scan3A_206 : i32 to index
        %get3A_249 = arith.constant 32 : index
        %get3A_250 = tpu.vector_load %arg11[%get3A_248, %get3A_249] {strides = array<i32>} : memref<64x128xf32, #tpu.memory_space<vmem>>, vector<1x16xf32>,
        %get3A_251 = vector.shape_cast %get3A_250 : vector<1x16xf32> to vector<16xf32>
        %add3A_252 = arith.addf %get3A_247, %get3A_251 : vector<16xf32>
        %max3A_253 = arith.constant 0.000000e+00 : f32
        %max3A_254 = vector.broadcast %max3A_253 : f32 to vector<16xf32>
        %max3A_255 = arith.maximumf %add3A_252, %max3A_254 : vector<16xf32>
        %swap3A_256 = arith.index_cast %add3A_243 : i32 to index
        %swap3A_257 = arith.constant 32 : index
        %swap3A_258 = tpu.vector_load %arg9[%swap3A_256, %swap3A_257] {strides = array<i32>} : memref<128x128xf32, #tpu.memory_space<vmem>>, vector<1x16xf32>,
        %swap3A_259 = vector.shape_cast %swap3A_258 : vector<1x16xf32> to vector<16xf32>
        %swap3A_260 = vector.shape_cast %max3A_255 : vector<16xf32> to vector<1x16xf32>
        tpu.vector_store %arg9[%swap3A_256, %swap3A_257], %swap3A_260 {strides = array<i32>} : memref<128x128xf32, #tpu.memory_space<vmem>>, vector<1x16xf32>,
        %add3A_261 = arith.constant 0 : i32
        %add3A_262 = arith.addi %add3A_261, %scan3A_206 : i32
        %get3A_263 = arith.index_cast %add3A_262 : i32 to index
        %get3A_264 = arith.constant 48 : index
        %get3A_265 = tpu.vector_load %arg9[%get3A_263, %get3A_264] {strides = array<i32>} : memref<128x128xf32, #tpu.memory_space<vmem>>, vector<1x16xf32>,
        %get3A_266 = vector.shape_cast %get3A_265 : vector<1x16xf32> to vector<16xf32>
        %get3A_267 = arith.index_cast %scan3A_206 : i32 to index
        %get3A_268 = arith.constant 48 : index
        %get3A_269 = tpu.vector_load %arg11[%get3A_267, %get3A_268] {strides = array<i32>} : memref<64x128xf32, #tpu.memory_space<vmem>>, vector<1x16xf32>,
        %get3A_270 = vector.shape_cast %get3A_269 : vector<1x16xf32> to vector<16xf32>
        %add3A_271 = arith.addf %get3A_266, %get3A_270 : vector<16xf32>
        %max3A_272 = arith.constant 0.000000e+00 : f32
        %max3A_273 = vector.broadcast %max3A_272 : f32 to vector<16xf32>
        %max3A_274 = arith.maximumf %add3A_271, %max3A_273 : vector<16xf32>
        %swap3A_275 = arith.index_cast %add3A_262 : i32 to index
        %swap3A_276 = arith.constant 48 : index
        %swap3A_277 = tpu.vector_load %arg9[%swap3A_275, %swap3A_276] {strides = array<i32>} : memref<128x128xf32, #tpu.memory_space<vmem>>, vector<1x16xf32>,
        %swap3A_278 = vector.shape_cast %swap3A_277 : vector<1x16xf32> to vector<16xf32>
        %swap3A_279 = vector.shape_cast %max3A_274 : vector<16xf32> to vector<1x16xf32>
        tpu.vector_store %arg9[%swap3A_275, %swap3A_276], %swap3A_279 {strides = array<i32>} : memref<128x128xf32, #tpu.memory_space<vmem>>, vector<1x16xf32>,
        %add3A_280 = arith.constant 0 : i32
        %add3A_281 = arith.addi %add3A_280, %scan3A_206 : i32
        %get3A_282 = arith.index_cast %add3A_281 : i32 to index
        %get3A_283 = arith.constant 64 : index
        %get3A_284 = tpu.vector_load %arg9[%get3A_282, %get3A_283] {strides = array<i32>} : memref<128x128xf32, #tpu.memory_space<vmem>>, vector<1x16xf32>,
        %get3A_285 = vector.shape_cast %get3A_284 : vector<1x16xf32> to vector<16xf32>
        %get3A_286 = arith.index_cast %scan3A_206 : i32 to index
        %get3A_287 = arith.constant 64 : index
        %get3A_288 = tpu.vector_load %arg11[%get3A_286, %get3A_287] {strides = array<i32>} : memref<64x128xf32, #tpu.memory_space<vmem>>, vector<1x16xf32>,
        %get3A_289 = vector.shape_cast %get3A_288 : vector<1x16xf32> to vector<16xf32>
        %add3A_290 = arith.addf %get3A_285, %get3A_289 : vector<16xf32>
        %max3A_291 = arith.constant 0.000000e+00 : f32
        %max3A_292 = vector.broadcast %max3A_291 : f32 to vector<16xf32>
        %max3A_293 = arith.maximumf %add3A_290, %max3A_292 : vector<16xf32>
        %swap3A_294 = arith.index_cast %add3A_281 : i32 to index
        %swap3A_295 = arith.constant 64 : index
        %swap3A_296 = tpu.vector_load %arg9[%swap3A_294, %swap3A_295] {strides = array<i32>} : memref<128x128xf32, #tpu.memory_space<vmem>>, vector<1x16xf32>,
        %swap3A_297 = vector.shape_cast %swap3A_296 : vector<1x16xf32> to vector<16xf32>
        %swap3A_298 = vector.shape_cast %max3A_293 : vector<16xf32> to vector<1x16xf32>
        tpu.vector_store %arg9[%swap3A_294, %swap3A_295], %swap3A_298 {strides = array<i32>} : memref<128x128xf32, #tpu.memory_space<vmem>>, vector<1x16xf32>,
        %add3A_299 = arith.constant 0 : i32
        %add3A_300 = arith.addi %add3A_299, %scan3A_206 : i32
        %get3A_301 = arith.index_cast %add3A_300 : i32 to index
        %get3A_302 = arith.constant 80 : index
        %get3A_303 = tpu.vector_load %arg9[%get3A_301, %get3A_302] {strides = array<i32>} : memref<128x128xf32, #tpu.memory_space<vmem>>, vector<1x16xf32>,
        %get3A_304 = vector.shape_cast %get3A_303 : vector<1x16xf32> to vector<16xf32>
        %get3A_305 = arith.index_cast %scan3A_206 : i32 to index
        %get3A_306 = arith.constant 80 : index
        %get3A_307 = tpu.vector_load %arg11[%get3A_305, %get3A_306] {strides = array<i32>} : memref<64x128xf32, #tpu.memory_space<vmem>>, vector<1x16xf32>,
        %get3A_308 = vector.shape_cast %get3A_307 : vector<1x16xf32> to vector<16xf32>
        %add3A_309 = arith.addf %get3A_304, %get3A_308 : vector<16xf32>
        %max3A_310 = arith.constant 0.000000e+00 : f32
        %max3A_311 = vector.broadcast %max3A_310 : f32 to vector<16xf32>
        %max3A_312 = arith.maximumf %add3A_309, %max3A_311 : vector<16xf32>
        %swap3A_313 = arith.index_cast %add3A_300 : i32 to index
        %swap3A_314 = arith.constant 80 : index
        %swap3A_315 = tpu.vector_load %arg9[%swap3A_313, %swap3A_314] {strides = array<i32>} : memref<128x128xf32, #tpu.memory_space<vmem>>, vector<1x16xf32>,
        %swap3A_316 = vector.shape_cast %swap3A_315 : vector<1x16xf32> to vector<16xf32>
        %swap3A_317 = vector.shape_cast %max3A_312 : vector<16xf32> to vector<1x16xf32>
        tpu.vector_store %arg9[%swap3A_313, %swap3A_314], %swap3A_317 {strides = array<i32>} : memref<128x128xf32, #tpu.memory_space<vmem>>, vector<1x16xf32>,
        %add3A_318 = arith.constant 0 : i32
        %add3A_319 = arith.addi %add3A_318, %scan3A_206 : i32
        %get3A_320 = arith.index_cast %add3A_319 : i32 to index
        %get3A_321 = arith.constant 96 : index
        %get3A_322 = tpu.vector_load %arg9[%get3A_320, %get3A_321] {strides = array<i32>} : memref<128x128xf32, #tpu.memory_space<vmem>>, vector<1x16xf32>,
        %get3A_323 = vector.shape_cast %get3A_322 : vector<1x16xf32> to vector<16xf32>
        %get3A_324 = arith.index_cast %scan3A_206 : i32 to index
        %get3A_325 = arith.constant 96 : index
        %get3A_326 = tpu.vector_load %arg11[%get3A_324, %get3A_325] {strides = array<i32>} : memref<64x128xf32, #tpu.memory_space<vmem>>, vector<1x16xf32>,
        %get3A_327 = vector.shape_cast %get3A_326 : vector<1x16xf32> to vector<16xf32>
        %add3A_328 = arith.addf %get3A_323, %get3A_327 : vector<16xf32>
        %max3A_329 = arith.constant 0.000000e+00 : f32
        %max3A_330 = vector.broadcast %max3A_329 : f32 to vector<16xf32>
        %max3A_331 = arith.maximumf %add3A_328, %max3A_330 : vector<16xf32>
        %swap3A_332 = arith.index_cast %add3A_319 : i32 to index
        %swap3A_333 = arith.constant 96 : index
        %swap3A_334 = tpu.vector_load %arg9[%swap3A_332, %swap3A_333] {strides = array<i32>} : memref<128x128xf32, #tpu.memory_space<vmem>>, vector<1x16xf32>,
        %swap3A_335 = vector.shape_cast %swap3A_334 : vector<1x16xf32> to vector<16xf32>
        %swap3A_336 = vector.shape_cast %max3A_331 : vector<16xf32> to vector<1x16xf32>
        tpu.vector_store %arg9[%swap3A_332, %swap3A_333], %swap3A_336 {strides = array<i32>} : memref<128x128xf32, #tpu.memory_space<vmem>>, vector<1x16xf32>,
        %add3A_337 = arith.constant 0 : i32
        %add3A_338 = arith.addi %add3A_337, %scan3A_206 : i32
        %get3A_339 = arith.index_cast %add3A_338 : i32 to index
        %get3A_340 = arith.constant 112 : index
        %get3A_341 = tpu.vector_load %arg9[%get3A_339, %get3A_340] {strides = array<i32>} : memref<128x128xf32, #tpu.memory_space<vmem>>, vector<1x16xf32>,
        %get3A_342 = vector.shape_cast %get3A_341 : vector<1x16xf32> to vector<16xf32>
        %get3A_343 = arith.index_cast %scan3A_206 : i32 to index
        %get3A_344 = arith.constant 112 : index
        %get3A_345 = tpu.vector_load %arg11[%get3A_343, %get3A_344] {strides = array<i32>} : memref<64x128xf32, #tpu.memory_space<vmem>>, vector<1x16xf32>,
        %get3A_346 = vector.shape_cast %get3A_345 : vector<1x16xf32> to vector<16xf32>
        %add3A_347 = arith.addf %get3A_342, %get3A_346 : vector<16xf32>
        %max3A_348 = arith.constant 0.000000e+00 : f32
        %max3A_349 = vector.broadcast %max3A_348 : f32 to vector<16xf32>
        %max3A_350 = arith.maximumf %add3A_347, %max3A_349 : vector<16xf32>
        %swap3A_351 = arith.index_cast %add3A_338 : i32 to index
        %swap3A_352 = arith.constant 112 : index
        %swap3A_353 = tpu.vector_load %arg9[%swap3A_351, %swap3A_352] {strides = array<i32>} : memref<128x128xf32, #tpu.memory_space<vmem>>, vector<1x16xf32>,
        %swap3A_354 = vector.shape_cast %swap3A_353 : vector<1x16xf32> to vector<16xf32>
        %swap3A_355 = vector.shape_cast %max3A_350 : vector<16xf32> to vector<1x16xf32>
        tpu.vector_store %arg9[%swap3A_351, %swap3A_352], %swap3A_355 {strides = array<i32>} : memref<128x128xf32, #tpu.memory_space<vmem>>, vector<1x16xf32>,
      }
      %scan3A_111 = arith.constant 64 : i32
      %div3A_112 = arith.constant 8 : i32
      %div3A_113 = arith.divsi %mul3A_70, %div3A_112 : i32
      %mul3A_114 = arith.constant 16 : i32
      %mul3A_115 = arith.muli %mul3A_114, %div3A_113 : i32
      %add3A_116 = arith.addi %mul3A_115, %arg1 : i32
      %mul3A_117 = arith.constant 2 : i32
      %mul3A_118 = arith.muli %mul3A_117, %add3A_116 : i32
      %add3A_119 = arith.addi %mul3A_118, %arg0 : i32
      %mul3A_120 = arith.constant 8 : i32
      %mul3A_121 = arith.muli %add3A_119, %mul3A_120 : i32
      %multiple_of3A_122 = tpu.assume_multiple %mul3A_121, 8 : i32
      %add3A_123 = arith.addi %multiple_of3A_122, %rem3A_72 : i32
      %mul3A_124 = arith.constant 128 : i32
      %mul3A_125 = arith.muli %add3A_123, %mul3A_124 : i32
      %add3A_126 = arith.constant 64 : i32
      %add3A_127 = arith.addi %mul3A_125, %add3A_126 : i32
      %multiple_of3A_128 = tpu.assume_multiple %add3A_127, 64 : i32
      "tpu.region"() ({
        %run_scoped3A = tpu.sem_alloc : memref<!tpu.dma_semaphore, #tpu.memory_space<semaphore_mem>>
        %dma_start3A_206 = arith.constant 0 : i32
        %dma_start3A_207 = tpu.memref_slice %arg5[%multiple_of3A_128, %dma_start3A_206] : memref<327680x128xf32, #tpu.memory_space<hbm>> -> memref<64x128xf32, #tpu.memory_space<hbm>>
        %dma_start3A_208 = arith.constant 0 : i32
        %dma_start3A_209 = tpu.memref_slice %arg5[%multiple_of3A_128, %dma_start3A_208] : memref<327680x128xf32, #tpu.memory_space<hbm>> -> memref<64x128xf32, #tpu.memory_space<hbm>>
        tpu.enqueue_dma source(%dma_start3A_209 : memref<64x128xf32, #tpu.memory_space<hbm>>) target(%arg11 : memref<64x128xf32, #tpu.memory_space<vmem>>) target_semaphore(%run_scoped3A : memref<!tpu.dma_semaphore, #tpu.memory_space<semaphore_mem>>)
        %dma_wait3A_210 = arith.constant 0 : i32
        %dma_wait3A_211 = tpu.memref_slice %arg5[%multiple_of3A_128, %dma_wait3A_210] : memref<327680x128xf32, #tpu.memory_space<hbm>> -> memref<64x128xf32, #tpu.memory_space<hbm>>
        %dma_wait3A_212 = arith.constant 0 : i32
        %dma_wait3A_213 = tpu.memref_slice %arg5[%multiple_of3A_128, %dma_wait3A_212] : memref<327680x128xf32, #tpu.memory_space<hbm>> -> memref<64x128xf32, #tpu.memory_space<hbm>>
        tpu.wait_dma2 semaphore(%run_scoped3A : memref<!tpu.dma_semaphore, #tpu.memory_space<semaphore_mem>>) src(%dma_wait3A_213 : memref<64x128xf32, #tpu.memory_space<hbm>>) dst(%arg11 : memref<64x128xf32, #tpu.memory_space<vmem>>)
        tpu.yield
      }) : () -> ()
      %scan3A_129 = arith.constant 0 : i32
      %scan3A_130 = arith.constant 0 : i32
      %scan3A_131 = arith.constant 64 : i32
      %scan3A_132 = arith.addi %scan3A_130, %scan3A_131 : i32
      %scan3A_133 = arith.constant 1 : i32
      scf.for %scan3A_206 = %scan3A_130 to %scan3A_132 step %scan3A_133  : i32 {
        %add3A_207 = arith.constant 64 : i32
        %add3A_208 = arith.addi %add3A_207, %scan3A_206 : i32
        %get3A = arith.index_cast %add3A_208 : i32 to index
        %get3A_209 = arith.constant 0 : index
        %get3A_210 = tpu.vector_load %arg9[%get3A, %get3A_209] {strides = array<i32>} : memref<128x128xf32, #tpu.memory_space<vmem>>, vector<1x16xf32>,
        %get3A_211 = vector.shape_cast %get3A_210 : vector<1x16xf32> to vector<16xf32>
        %get3A_212 = arith.index_cast %scan3A_206 : i32 to index
        %get3A_213 = arith.constant 0 : index
        %get3A_214 = tpu.vector_load %arg11[%get3A_212, %get3A_213] {strides = array<i32>} : memref<64x128xf32, #tpu.memory_space<vmem>>, vector<1x16xf32>,
        %get3A_215 = vector.shape_cast %get3A_214 : vector<1x16xf32> to vector<16xf32>
        %add3A_216 = arith.addf %get3A_211, %get3A_215 : vector<16xf32>
        %max3A = arith.constant 0.000000e+00 : f32
        %max3A_217 = vector.broadcast %max3A : f32 to vector<16xf32>
        %max3A_218 = arith.maximumf %add3A_216, %max3A_217 : vector<16xf32>
        %swap3A = arith.index_cast %add3A_208 : i32 to index
        %swap3A_219 = arith.constant 0 : index
        %swap3A_220 = tpu.vector_load %arg9[%swap3A, %swap3A_219] {strides = array<i32>} : memref<128x128xf32, #tpu.memory_space<vmem>>, vector<1x16xf32>,
        %swap3A_221 = vector.shape_cast %swap3A_220 : vector<1x16xf32> to vector<16xf32>
        %swap3A_222 = vector.shape_cast %max3A_218 : vector<16xf32> to vector<1x16xf32>
        tpu.vector_store %arg9[%swap3A, %swap3A_219], %swap3A_222 {strides = array<i32>} : memref<128x128xf32, #tpu.memory_space<vmem>>, vector<1x16xf32>,
        %add3A_223 = arith.constant 64 : i32
        %add3A_224 = arith.addi %add3A_223, %scan3A_206 : i32
        %get3A_225 = arith.index_cast %add3A_224 : i32 to index
        %get3A_226 = arith.constant 16 : index
        %get3A_227 = tpu.vector_load %arg9[%get3A_225, %get3A_226] {strides = array<i32>} : memref<128x128xf32, #tpu.memory_space<vmem>>, vector<1x16xf32>,
        %get3A_228 = vector.shape_cast %get3A_227 : vector<1x16xf32> to vector<16xf32>
        %get3A_229 = arith.index_cast %scan3A_206 : i32 to index
        %get3A_230 = arith.constant 16 : index
        %get3A_231 = tpu.vector_load %arg11[%get3A_229, %get3A_230] {strides = array<i32>} : memref<64x128xf32, #tpu.memory_space<vmem>>, vector<1x16xf32>,
        %get3A_232 = vector.shape_cast %get3A_231 : vector<1x16xf32> to vector<16xf32>
        %add3A_233 = arith.addf %get3A_228, %get3A_232 : vector<16xf32>
        %max3A_234 = arith.constant 0.000000e+00 : f32
        %max3A_235 = vector.broadcast %max3A_234 : f32 to vector<16xf32>
        %max3A_236 = arith.maximumf %add3A_233, %max3A_235 : vector<16xf32>
        %swap3A_237 = arith.index_cast %add3A_224 : i32 to index
        %swap3A_238 = arith.constant 16 : index
        %swap3A_239 = tpu.vector_load %arg9[%swap3A_237, %swap3A_238] {strides = array<i32>} : memref<128x128xf32, #tpu.memory_space<vmem>>, vector<1x16xf32>,
        %swap3A_240 = vector.shape_cast %swap3A_239 : vector<1x16xf32> to vector<16xf32>
        %swap3A_241 = vector.shape_cast %max3A_236 : vector<16xf32> to vector<1x16xf32>
        tpu.vector_store %arg9[%swap3A_237, %swap3A_238], %swap3A_241 {strides = array<i32>} : memref<128x128xf32, #tpu.memory_space<vmem>>, vector<1x16xf32>,
        %add3A_242 = arith.constant 64 : i32
        %add3A_243 = arith.addi %add3A_242, %scan3A_206 : i32
        %get3A_244 = arith.index_cast %add3A_243 : i32 to index
        %get3A_245 = arith.constant 32 : index
        %get3A_246 = tpu.vector_load %arg9[%get3A_244, %get3A_245] {strides = array<i32>} : memref<128x128xf32, #tpu.memory_space<vmem>>, vector<1x16xf32>,
        %get3A_247 = vector.shape_cast %get3A_246 : vector<1x16xf32> to vector<16xf32>
        %get3A_248 = arith.index_cast %scan3A_206 : i32 to index
        %get3A_249 = arith.constant 32 : index
        %get3A_250 = tpu.vector_load %arg11[%get3A_248, %get3A_249] {strides = array<i32>} : memref<64x128xf32, #tpu.memory_space<vmem>>, vector<1x16xf32>,
        %get3A_251 = vector.shape_cast %get3A_250 : vector<1x16xf32> to vector<16xf32>
        %add3A_252 = arith.addf %get3A_247, %get3A_251 : vector<16xf32>
        %max3A_253 = arith.constant 0.000000e+00 : f32
        %max3A_254 = vector.broadcast %max3A_253 : f32 to vector<16xf32>
        %max3A_255 = arith.maximumf %add3A_252, %max3A_254 : vector<16xf32>
        %swap3A_256 = arith.index_cast %add3A_243 : i32 to index
        %swap3A_257 = arith.constant 32 : index
        %swap3A_258 = tpu.vector_load %arg9[%swap3A_256, %swap3A_257] {strides = array<i32>} : memref<128x128xf32, #tpu.memory_space<vmem>>, vector<1x16xf32>,
        %swap3A_259 = vector.shape_cast %swap3A_258 : vector<1x16xf32> to vector<16xf32>
        %swap3A_260 = vector.shape_cast %max3A_255 : vector<16xf32> to vector<1x16xf32>
        tpu.vector_store %arg9[%swap3A_256, %swap3A_257], %swap3A_260 {strides = array<i32>} : memref<128x128xf32, #tpu.memory_space<vmem>>, vector<1x16xf32>,
        %add3A_261 = arith.constant 64 : i32
        %add3A_262 = arith.addi %add3A_261, %scan3A_206 : i32
        %get3A_263 = arith.index_cast %add3A_262 : i32 to index
        %get3A_264 = arith.constant 48 : index
        %get3A_265 = tpu.vector_load %arg9[%get3A_263, %get3A_264] {strides = array<i32>} : memref<128x128xf32, #tpu.memory_space<vmem>>, vector<1x16xf32>,
        %get3A_266 = vector.shape_cast %get3A_265 : vector<1x16xf32> to vector<16xf32>
        %get3A_267 = arith.index_cast %scan3A_206 : i32 to index
        %get3A_268 = arith.constant 48 : index
        %get3A_269 = tpu.vector_load %arg11[%get3A_267, %get3A_268] {strides = array<i32>} : memref<64x128xf32, #tpu.memory_space<vmem>>, vector<1x16xf32>,
        %get3A_270 = vector.shape_cast %get3A_269 : vector<1x16xf32> to vector<16xf32>
        %add3A_271 = arith.addf %get3A_266, %get3A_270 : vector<16xf32>
        %max3A_272 = arith.constant 0.000000e+00 : f32
        %max3A_273 = vector.broadcast %max3A_272 : f32 to vector<16xf32>
        %max3A_274 = arith.maximumf %add3A_271, %max3A_273 : vector<16xf32>
        %swap3A_275 = arith.index_cast %add3A_262 : i32 to index
        %swap3A_276 = arith.constant 48 : index
        %swap3A_277 = tpu.vector_load %arg9[%swap3A_275, %swap3A_276] {strides = array<i32>} : memref<128x128xf32, #tpu.memory_space<vmem>>, vector<1x16xf32>,
        %swap3A_278 = vector.shape_cast %swap3A_277 : vector<1x16xf32> to vector<16xf32>
        %swap3A_279 = vector.shape_cast %max3A_274 : vector<16xf32> to vector<1x16xf32>
        tpu.vector_store %arg9[%swap3A_275, %swap3A_276], %swap3A_279 {strides = array<i32>} : memref<128x128xf32, #tpu.memory_space<vmem>>, vector<1x16xf32>,
        %add3A_280 = arith.constant 64 : i32
        %add3A_281 = arith.addi %add3A_280, %scan3A_206 : i32
        %get3A_282 = arith.index_cast %add3A_281 : i32 to index
        %get3A_283 = arith.constant 64 : index
        %get3A_284 = tpu.vector_load %arg9[%get3A_282, %get3A_283] {strides = array<i32>} : memref<128x128xf32, #tpu.memory_space<vmem>>, vector<1x16xf32>,
        %get3A_285 = vector.shape_cast %get3A_284 : vector<1x16xf32> to vector<16xf32>
        %get3A_286 = arith.index_cast %scan3A_206 : i32 to index
        %get3A_287 = arith.constant 64 : index
        %get3A_288 = tpu.vector_load %arg11[%get3A_286, %get3A_287] {strides = array<i32>} : memref<64x128xf32, #tpu.memory_space<vmem>>, vector<1x16xf32>,
        %get3A_289 = vector.shape_cast %get3A_288 : vector<1x16xf32> to vector<16xf32>
        %add3A_290 = arith.addf %get3A_285, %get3A_289 : vector<16xf32>
        %max3A_291 = arith.constant 0.000000e+00 : f32
        %max3A_292 = vector.broadcast %max3A_291 : f32 to vector<16xf32>
        %max3A_293 = arith.maximumf %add3A_290, %max3A_292 : vector<16xf32>
        %swap3A_294 = arith.index_cast %add3A_281 : i32 to index
        %swap3A_295 = arith.constant 64 : index
        %swap3A_296 = tpu.vector_load %arg9[%swap3A_294, %swap3A_295] {strides = array<i32>} : memref<128x128xf32, #tpu.memory_space<vmem>>, vector<1x16xf32>,
        %swap3A_297 = vector.shape_cast %swap3A_296 : vector<1x16xf32> to vector<16xf32>
        %swap3A_298 = vector.shape_cast %max3A_293 : vector<16xf32> to vector<1x16xf32>
        tpu.vector_store %arg9[%swap3A_294, %swap3A_295], %swap3A_298 {strides = array<i32>} : memref<128x128xf32, #tpu.memory_space<vmem>>, vector<1x16xf32>,
        %add3A_299 = arith.constant 64 : i32
        %add3A_300 = arith.addi %add3A_299, %scan3A_206 : i32
        %get3A_301 = arith.index_cast %add3A_300 : i32 to index
        %get3A_302 = arith.constant 80 : index
        %get3A_303 = tpu.vector_load %arg9[%get3A_301, %get3A_302] {strides = array<i32>} : memref<128x128xf32, #tpu.memory_space<vmem>>, vector<1x16xf32>,
        %get3A_304 = vector.shape_cast %get3A_303 : vector<1x16xf32> to vector<16xf32>
        %get3A_305 = arith.index_cast %scan3A_206 : i32 to index
        %get3A_306 = arith.constant 80 : index
        %get3A_307 = tpu.vector_load %arg11[%get3A_305, %get3A_306] {strides = array<i32>} : memref<64x128xf32, #tpu.memory_space<vmem>>, vector<1x16xf32>,
        %get3A_308 = vector.shape_cast %get3A_307 : vector<1x16xf32> to vector<16xf32>
        %add3A_309 = arith.addf %get3A_304, %get3A_308 : vector<16xf32>
        %max3A_310 = arith.constant 0.000000e+00 : f32
        %max3A_311 = vector.broadcast %max3A_310 : f32 to vector<16xf32>
        %max3A_312 = arith.maximumf %add3A_309, %max3A_311 : vector<16xf32>
        %swap3A_313 = arith.index_cast %add3A_300 : i32 to index
        %swap3A_314 = arith.constant 80 : index
        %swap3A_315 = tpu.vector_load %arg9[%swap3A_313, %swap3A_314] {strides = array<i32>} : memref<128x128xf32, #tpu.memory_space<vmem>>, vector<1x16xf32>,
        %swap3A_316 = vector.shape_cast %swap3A_315 : vector<1x16xf32> to vector<16xf32>
        %swap3A_317 = vector.shape_cast %max3A_312 : vector<16xf32> to vector<1x16xf32>
        tpu.vector_store %arg9[%swap3A_313, %swap3A_314], %swap3A_317 {strides = array<i32>} : memref<128x128xf32, #tpu.memory_space<vmem>>, vector<1x16xf32>,
        %add3A_318 = arith.constant 64 : i32
        %add3A_319 = arith.addi %add3A_318, %scan3A_206 : i32
        %get3A_320 = arith.index_cast %add3A_319 : i32 to index
        %get3A_321 = arith.constant 96 : index
        %get3A_322 = tpu.vector_load %arg9[%get3A_320, %get3A_321] {strides = array<i32>} : memref<128x128xf32, #tpu.memory_space<vmem>>, vector<1x16xf32>,
        %get3A_323 = vector.shape_cast %get3A_322 : vector<1x16xf32> to vector<16xf32>
        %get3A_324 = arith.index_cast %scan3A_206 : i32 to index
        %get3A_325 = arith.constant 96 : index
        %get3A_326 = tpu.vector_load %arg11[%get3A_324, %get3A_325] {strides = array<i32>} : memref<64x128xf32, #tpu.memory_space<vmem>>, vector<1x16xf32>,
        %get3A_327 = vector.shape_cast %get3A_326 : vector<1x16xf32> to vector<16xf32>
        %add3A_328 = arith.addf %get3A_323, %get3A_327 : vector<16xf32>
        %max3A_329 = arith.constant 0.000000e+00 : f32
        %max3A_330 = vector.broadcast %max3A_329 : f32 to vector<16xf32>
        %max3A_331 = arith.maximumf %add3A_328, %max3A_330 : vector<16xf32>
        %swap3A_332 = arith.index_cast %add3A_319 : i32 to index
        %swap3A_333 = arith.constant 96 : index
        %swap3A_334 = tpu.vector_load %arg9[%swap3A_332, %swap3A_333] {strides = array<i32>} : memref<128x128xf32, #tpu.memory_space<vmem>>, vector<1x16xf32>,
        %swap3A_335 = vector.shape_cast %swap3A_334 : vector<1x16xf32> to vector<16xf32>
        %swap3A_336 = vector.shape_cast %max3A_331 : vector<16xf32> to vector<1x16xf32>
        tpu.vector_store %arg9[%swap3A_332, %swap3A_333], %swap3A_336 {strides = array<i32>} : memref<128x128xf32, #tpu.memory_space<vmem>>, vector<1x16xf32>,
        %add3A_337 = arith.constant 64 : i32
        %add3A_338 = arith.addi %add3A_337, %scan3A_206 : i32
        %get3A_339 = arith.index_cast %add3A_338 : i32 to index
        %get3A_340 = arith.constant 112 : index
        %get3A_341 = tpu.vector_load %arg9[%get3A_339, %get3A_340] {strides = array<i32>} : memref<128x128xf32, #tpu.memory_space<vmem>>, vector<1x16xf32>,
        %get3A_342 = vector.shape_cast %get3A_341 : vector<1x16xf32> to vector<16xf32>
        %get3A_343 = arith.index_cast %scan3A_206 : i32 to index
        %get3A_344 = arith.constant 112 : index
        %get3A_345 = tpu.vector_load %arg11[%get3A_343, %get3A_344] {strides = array<i32>} : memref<64x128xf32, #tpu.memory_space<vmem>>, vector<1x16xf32>,
        %get3A_346 = vector.shape_cast %get3A_345 : vector<1x16xf32> to vector<16xf32>
        %add3A_347 = arith.addf %get3A_342, %get3A_346 : vector<16xf32>
        %max3A_348 = arith.constant 0.000000e+00 : f32
        %max3A_349 = vector.broadcast %max3A_348 : f32 to vector<16xf32>
        %max3A_350 = arith.maximumf %add3A_347, %max3A_349 : vector<16xf32>
        %swap3A_351 = arith.index_cast %add3A_338 : i32 to index
        %swap3A_352 = arith.constant 112 : index
        %swap3A_353 = tpu.vector_load %arg9[%swap3A_351, %swap3A_352] {strides = array<i32>} : memref<128x128xf32, #tpu.memory_space<vmem>>, vector<1x16xf32>,
        %swap3A_354 = vector.shape_cast %swap3A_353 : vector<1x16xf32> to vector<16xf32>
        %swap3A_355 = vector.shape_cast %max3A_350 : vector<16xf32> to vector<1x16xf32>
        tpu.vector_store %arg9[%swap3A_351, %swap3A_352], %swap3A_355 {strides = array<i32>} : memref<128x128xf32, #tpu.memory_space<vmem>>, vector<1x16xf32>,
      }
      %scan3A_134 = arith.constant 64 : i32
      "tpu.region"() ({
        %run_scoped3A = tpu.sem_alloc : memref<!tpu.dma_semaphore, #tpu.memory_space<semaphore_mem>>
        %dma_start3A_206 = arith.constant 0 : i32
        %dma_start3A_207 = tpu.memref_slice %arg8[%rem3A_72, %dma_start3A_206] : memref<8x128xi32, #tpu.memory_space<vmem>> -> memref<1x128xi32, #tpu.memory_space<vmem>>
        %dma_start3A_208 = tpu.memref_squeeze %dma_start3A_207 : memref<1x128xi32, #tpu.memory_space<vmem>> -> memref<128xi32, #tpu.memory_space<vmem>>
        %dma_start3A_209 = arith.constant 0 : i32
        %dma_start3A_210 = arith.constant 0 : i32
        %dma_start3A_211 = tpu.memref_slice %arg12[%dma_start3A_209, %dma_start3A_210] : memref<10240x128xf32, #tpu.memory_space<vmem_shared>> -> memref<10240x128xf32, #tpu.memory_space<vmem_shared>>
        tpu.enqueue_indirect_dma source(%arg9 : memref<128x128xf32, #tpu.memory_space<vmem>>) target(%dma_start3A_211 : memref<10240x128xf32, #tpu.memory_space<vmem_shared>>) offsets(%dma_start3A_208 : memref<128xi32, #tpu.memory_space<vmem>>) semaphore(%run_scoped3A : memref<!tpu.dma_semaphore, #tpu.memory_space<semaphore_mem>>) {add = true}
        %dma_wait3A_212 = arith.constant 0 : i32
        %dma_wait3A_213 = tpu.memref_slice %arg8[%rem3A_72, %dma_wait3A_212] : memref<8x128xi32, #tpu.memory_space<vmem>> -> memref<1x128xi32, #tpu.memory_space<vmem>>
        %dma_wait3A_214 = tpu.memref_squeeze %dma_wait3A_213 : memref<1x128xi32, #tpu.memory_space<vmem>> -> memref<128xi32, #tpu.memory_space<vmem>>
        %dma_wait3A_215 = arith.constant 0 : i32
        %dma_wait3A_216 = arith.constant 0 : i32
        %dma_wait3A_217 = tpu.memref_slice %arg12[%dma_wait3A_215, %dma_wait3A_216] : memref<10240x128xf32, #tpu.memory_space<vmem_shared>> -> memref<10240x128xf32, #tpu.memory_space<vmem_shared>>
        tpu.wait_indirect_dma semaphore(%run_scoped3A : memref<!tpu.dma_semaphore, #tpu.memory_space<semaphore_mem>>) src(%arg9 : memref<128x128xf32, #tpu.memory_space<vmem>>) dst(%dma_wait3A_217 : memref<10240x128xf32, #tpu.memory_space<vmem_shared>>)
        tpu.yield
      }) : () -> ()
      %mul3A_135 = arith.constant 2 : i32
      %mul3A_136 = arith.muli %mul3A_135, %scan3A_68 : i32
      %add3A_137 = arith.constant 1 : i32
      %add3A_138 = arith.addi %mul3A_136, %add3A_137 : i32
      %rem3A_139 = arith.constant 8 : i32
      %rem3A_140 = arith.remsi %add3A_138, %rem3A_139 : i32
      %eq3A_141 = arith.constant 0 : i32
      %eq3A_142 = arith.cmpi eq, %rem3A_140, %eq3A_141 : i32
      %convert_element_type3A_143 = arith.extui %eq3A_142 : i1 to i32
      %cond3A_144 = arith.constant 0 : i32
      %cond3A_145 = arith.cmpi ne, %convert_element_type3A_143, %cond3A_144 : i32
      scf.if %cond3A_145 {
        %div3A_206 = arith.constant 8 : i32
        %div3A_207 = arith.divsi %add3A_138, %div3A_206 : i32
        %mul3A_208 = arith.constant 16 : i32
        %mul3A_209 = arith.muli %mul3A_208, %div3A_207 : i32
        %add3A_210 = arith.addi %mul3A_209, %arg1 : i32
        %mul3A_211 = arith.constant 2 : i32
        %mul3A_212 = arith.muli %mul3A_211, %add3A_210 : i32
        %add3A_213 = arith.addi %mul3A_212, %arg0 : i32
        %mul3A_214 = arith.constant 8 : i32
        %mul3A_215 = arith.muli %add3A_213, %mul3A_214 : i32
        %multiple_of3A_216 = tpu.assume_multiple %mul3A_215, 8 : i32
        "tpu.region"() ({
          %run_scoped3A = tpu.sem_alloc : memref<!tpu.dma_semaphore, #tpu.memory_space<semaphore_mem>>
          %dma_start3A_217 = arith.constant 0 : i32
          %dma_start3A_218 = tpu.memref_slice %arg4[%multiple_of3A_216, %dma_start3A_217] : memref<2560x128xi32, #tpu.memory_space<hbm>> -> memref<8x128xi32, #tpu.memory_space<hbm>>
          %dma_start3A_219 = arith.constant 0 : i32
          %dma_start3A_220 = tpu.memref_slice %arg4[%multiple_of3A_216, %dma_start3A_219] : memref<2560x128xi32, #tpu.memory_space<hbm>> -> memref<8x128xi32, #tpu.memory_space<hbm>>
          tpu.enqueue_dma source(%dma_start3A_220 : memref<8x128xi32, #tpu.memory_space<hbm>>) target(%arg8 : memref<8x128xi32, #tpu.memory_space<vmem>>) target_semaphore(%run_scoped3A : memref<!tpu.dma_semaphore, #tpu.memory_space<semaphore_mem>>)
          %dma_wait3A_221 = arith.constant 0 : i32
          %dma_wait3A_222 = tpu.memref_slice %arg4[%multiple_of3A_216, %dma_wait3A_221] : memref<2560x128xi32, #tpu.memory_space<hbm>> -> memref<8x128xi32, #tpu.memory_space<hbm>>
          %dma_wait3A_223 = arith.constant 0 : i32
          %dma_wait3A_224 = tpu.memref_slice %arg4[%multiple_of3A_216, %dma_wait3A_223] : memref<2560x128xi32, #tpu.memory_space<hbm>> -> memref<8x128xi32, #tpu.memory_space<hbm>>
          tpu.wait_dma2 semaphore(%run_scoped3A : memref<!tpu.dma_semaphore, #tpu.memory_space<semaphore_mem>>) src(%dma_wait3A_224 : memref<8x128xi32, #tpu.memory_space<hbm>>) dst(%arg8 : memref<8x128xi32, #tpu.memory_space<vmem>>)
          tpu.yield
        }) : () -> ()
      } else {
      }
      %dma_wait3A_146 = arith.constant 0 : i32
      %dma_wait3A_147 = arith.constant 0 : i32
      %dma_wait3A_148 = tpu.memref_slice %arg7[%dma_wait3A_146, %dma_wait3A_147] : memref<8x128xi32, #tpu.memory_space<vmem>> -> memref<1x128xi32, #tpu.memory_space<vmem>>
      %dma_wait3A_149 = tpu.memref_squeeze %dma_wait3A_148 : memref<1x128xi32, #tpu.memory_space<vmem>> -> memref<128xi32, #tpu.memory_space<vmem>>
      %dma_wait3A_150 = arith.constant 0 : i32
      %dma_wait3A_151 = arith.constant 0 : i32
      %dma_wait3A_152 = tpu.memref_slice %arg2[%dma_wait3A_150, %dma_wait3A_151] : memref<10000x128xf32, #tpu.memory_space<hbm>> -> memref<10000x128xf32, #tpu.memory_space<hbm>>
      tpu.wait_indirect_dma semaphore(%arg13 : memref<!tpu.dma_semaphore, #tpu.memory_space<semaphore_mem>>) src(%dma_wait3A_152 : memref<10000x128xf32, #tpu.memory_space<hbm>>) dst(%arg10 : memref<128x128xf32, #tpu.memory_space<vmem>>)
      %add3A_153 = arith.constant 1 : i32
      %add3A_154 = arith.addi %add3A_138, %add3A_153 : i32
      %lt3A_155 = arith.constant 80 : i32
      %lt3A_156 = arith.cmpi slt, %add3A_154, %lt3A_155 : i32
      %convert_element_type3A_157 = arith.extui %lt3A_156 : i1 to i32
      %cond3A_158 = arith.constant 0 : i32
      %cond3A_159 = arith.cmpi ne, %convert_element_type3A_157, %cond3A_158 : i32
      scf.if %cond3A_159 {
        %add3A_206 = arith.constant 1 : i32
        %add3A_207 = arith.addi %add3A_138, %add3A_206 : i32
        %rem3A_208 = arith.constant 8 : i32
        %rem3A_209 = arith.remsi %add3A_207, %rem3A_208 : i32
        %eq3A_210 = arith.constant 0 : i32
        %eq3A_211 = arith.cmpi eq, %rem3A_209, %eq3A_210 : i32
        %convert_element_type3A_212 = arith.extui %eq3A_211 : i1 to i32
        %cond3A_213 = arith.constant 0 : i32
        %cond3A_214 = arith.cmpi ne, %convert_element_type3A_212, %cond3A_213 : i32
        scf.if %cond3A_214 {
          %div3A_221 = arith.constant 8 : i32
          %div3A_222 = arith.divsi %add3A_207, %div3A_221 : i32
          %mul3A_223 = arith.constant 16 : i32
          %mul3A_224 = arith.muli %mul3A_223, %div3A_222 : i32
          %add3A_225 = arith.addi %mul3A_224, %arg1 : i32
          %mul3A_226 = arith.constant 2 : i32
          %mul3A_227 = arith.muli %mul3A_226, %add3A_225 : i32
          %add3A_228 = arith.addi %mul3A_227, %arg0 : i32
          %mul3A_229 = arith.constant 8 : i32
          %mul3A_230 = arith.muli %add3A_228, %mul3A_229 : i32
          %multiple_of3A_231 = tpu.assume_multiple %mul3A_230, 8 : i32
          "tpu.region"() ({
            %run_scoped3A = tpu.sem_alloc : memref<!tpu.dma_semaphore, #tpu.memory_space<semaphore_mem>>
            %dma_start3A_232 = arith.constant 0 : i32
            %dma_start3A_233 = tpu.memref_slice %arg3[%multiple_of3A_231, %dma_start3A_232] : memref<2560x128xi32, #tpu.memory_space<hbm>> -> memref<8x128xi32, #tpu.memory_space<hbm>>
            %dma_start3A_234 = arith.constant 0 : i32
            %dma_start3A_235 = tpu.memref_slice %arg3[%multiple_of3A_231, %dma_start3A_234] : memref<2560x128xi32, #tpu.memory_space<hbm>> -> memref<8x128xi32, #tpu.memory_space<hbm>>
            tpu.enqueue_dma source(%dma_start3A_235 : memref<8x128xi32, #tpu.memory_space<hbm>>) target(%arg7 : memref<8x128xi32, #tpu.memory_space<vmem>>) target_semaphore(%run_scoped3A : memref<!tpu.dma_semaphore, #tpu.memory_space<semaphore_mem>>)
            %dma_wait3A_236 = arith.constant 0 : i32
            %dma_wait3A_237 = tpu.memref_slice %arg3[%multiple_of3A_231, %dma_wait3A_236] : memref<2560x128xi32, #tpu.memory_space<hbm>> -> memref<8x128xi32, #tpu.memory_space<hbm>>
            %dma_wait3A_238 = arith.constant 0 : i32
            %dma_wait3A_239 = tpu.memref_slice %arg3[%multiple_of3A_231, %dma_wait3A_238] : memref<2560x128xi32, #tpu.memory_space<hbm>> -> memref<8x128xi32, #tpu.memory_space<hbm>>
            tpu.wait_dma2 semaphore(%run_scoped3A : memref<!tpu.dma_semaphore, #tpu.memory_space<semaphore_mem>>) src(%dma_wait3A_239 : memref<8x128xi32, #tpu.memory_space<hbm>>) dst(%arg7 : memref<8x128xi32, #tpu.memory_space<vmem>>)
            tpu.yield
          }) : () -> ()
        } else {
        }
        %dma_start3A_215 = arith.constant 0 : i32
        %dma_start3A_216 = tpu.memref_slice %arg7[%rem3A_209, %dma_start3A_215] : memref<8x128xi32, #tpu.memory_space<vmem>> -> memref<1x128xi32, #tpu.memory_space<vmem>>
        %dma_start3A_217 = tpu.memref_squeeze %dma_start3A_216 : memref<1x128xi32, #tpu.memory_space<vmem>> -> memref<128xi32, #tpu.memory_space<vmem>>
        %dma_start3A_218 = arith.constant 0 : i32
        %dma_start3A_219 = arith.constant 0 : i32
        %dma_start3A_220 = tpu.memref_slice %arg2[%dma_start3A_218, %dma_start3A_219] : memref<10000x128xf32, #tpu.memory_space<hbm>> -> memref<10000x128xf32, #tpu.memory_space<hbm>>
        tpu.enqueue_indirect_dma source(%dma_start3A_220 : memref<10000x128xf32, #tpu.memory_space<hbm>>) target(%arg9 : memref<128x128xf32, #tpu.memory_space<vmem>>) offsets(%dma_start3A_217 : memref<128xi32, #tpu.memory_space<vmem>>) semaphore(%arg13 : memref<!tpu.dma_semaphore, #tpu.memory_space<semaphore_mem>>)
      } else {
      }
      %div3A_160 = arith.constant 8 : i32
      %div3A_161 = arith.divsi %add3A_138, %div3A_160 : i32
      %mul3A_162 = arith.constant 16 : i32
      %mul3A_163 = arith.muli %mul3A_162, %div3A_161 : i32
      %add3A_164 = arith.addi %mul3A_163, %arg1 : i32
      %mul3A_165 = arith.constant 2 : i32
      %mul3A_166 = arith.muli %mul3A_165, %add3A_164 : i32
      %add3A_167 = arith.addi %mul3A_166, %arg0 : i32
      %mul3A_168 = arith.constant 8 : i32
      %mul3A_169 = arith.muli %add3A_167, %mul3A_168 : i32
      %multiple_of3A_170 = tpu.assume_multiple %mul3A_169, 8 : i32
      %add3A_171 = arith.addi %multiple_of3A_170, %rem3A_140 : i32
      %mul3A_172 = arith.constant 128 : i32
      %mul3A_173 = arith.muli %add3A_171, %mul3A_172 : i32
      %add3A_174 = arith.constant 0 : i32
      %add3A_175 = arith.addi %mul3A_173, %add3A_174 : i32
      %multiple_of3A_176 = tpu.assume_multiple %add3A_175, 64 : i32
      "tpu.region"() ({
        %run_scoped3A = tpu.sem_alloc : memref<!tpu.dma_semaphore, #tpu.memory_space<semaphore_mem>>
        %dma_start3A_206 = arith.constant 0 : i32
        %dma_start3A_207 = tpu.memref_slice %arg5[%multiple_of3A_176, %dma_start3A_206] : memref<327680x128xf32, #tpu.memory_space<hbm>> -> memref<64x128xf32, #tpu.memory_space<hbm>>
        %dma_start3A_208 = arith.constant 0 : i32
        %dma_start3A_209 = tpu.memref_slice %arg5[%multiple_of3A_176, %dma_start3A_208] : memref<327680x128xf32, #tpu.memory_space<hbm>> -> memref<64x128xf32, #tpu.memory_space<hbm>>
        tpu.enqueue_dma source(%dma_start3A_209 : memref<64x128xf32, #tpu.memory_space<hbm>>) target(%arg11 : memref<64x128xf32, #tpu.memory_space<vmem>>) target_semaphore(%run_scoped3A : memref<!tpu.dma_semaphore, #tpu.memory_space<semaphore_mem>>)
        %dma_wait3A_210 = arith.constant 0 : i32
        %dma_wait3A_211 = tpu.memref_slice %arg5[%multiple_of3A_176, %dma_wait3A_210] : memref<327680x128xf32, #tpu.memory_space<hbm>> -> memref<64x128xf32, #tpu.memory_space<hbm>>
        %dma_wait3A_212 = arith.constant 0 : i32
        %dma_wait3A_213 = tpu.memref_slice %arg5[%multiple_of3A_176, %dma_wait3A_212] : memref<327680x128xf32, #tpu.memory_space<hbm>> -> memref<64x128xf32, #tpu.memory_space<hbm>>
        tpu.wait_dma2 semaphore(%run_scoped3A : memref<!tpu.dma_semaphore, #tpu.memory_space<semaphore_mem>>) src(%dma_wait3A_213 : memref<64x128xf32, #tpu.memory_space<hbm>>) dst(%arg11 : memref<64x128xf32, #tpu.memory_space<vmem>>)
        tpu.yield
      }) : () -> ()
      %scan3A_177 = arith.constant 0 : i32
      %scan3A_178 = arith.constant 0 : i32
      %scan3A_179 = arith.constant 64 : i32
      %scan3A_180 = arith.addi %scan3A_178, %scan3A_179 : i32
      %scan3A_181 = arith.constant 1 : i32
      scf.for %scan3A_206 = %scan3A_178 to %scan3A_180 step %scan3A_181  : i32 {
        %add3A_207 = arith.constant 0 : i32
        %add3A_208 = arith.addi %add3A_207, %scan3A_206 : i32
        %get3A = arith.index_cast %add3A_208 : i32 to index
        %get3A_209 = arith.constant 0 : index
        %get3A_210 = tpu.vector_load %arg10[%get3A, %get3A_209] {strides = array<i32>} : memref<128x128xf32, #tpu.memory_space<vmem>>, vector<1x16xf32>,
        %get3A_211 = vector.shape_cast %get3A_210 : vector<1x16xf32> to vector<16xf32>
        %get3A_212 = arith.index_cast %scan3A_206 : i32 to index
        %get3A_213 = arith.constant 0 : index
        %get3A_214 = tpu.vector_load %arg11[%get3A_212, %get3A_213] {strides = array<i32>} : memref<64x128xf32, #tpu.memory_space<vmem>>, vector<1x16xf32>,
        %get3A_215 = vector.shape_cast %get3A_214 : vector<1x16xf32> to vector<16xf32>
        %add3A_216 = arith.addf %get3A_211, %get3A_215 : vector<16xf32>
        %max3A = arith.constant 0.000000e+00 : f32
        %max3A_217 = vector.broadcast %max3A : f32 to vector<16xf32>
        %max3A_218 = arith.maximumf %add3A_216, %max3A_217 : vector<16xf32>
        %swap3A = arith.index_cast %add3A_208 : i32 to index
        %swap3A_219 = arith.constant 0 : index
        %swap3A_220 = tpu.vector_load %arg10[%swap3A, %swap3A_219] {strides = array<i32>} : memref<128x128xf32, #tpu.memory_space<vmem>>, vector<1x16xf32>,
        %swap3A_221 = vector.shape_cast %swap3A_220 : vector<1x16xf32> to vector<16xf32>
        %swap3A_222 = vector.shape_cast %max3A_218 : vector<16xf32> to vector<1x16xf32>
        tpu.vector_store %arg10[%swap3A, %swap3A_219], %swap3A_222 {strides = array<i32>} : memref<128x128xf32, #tpu.memory_space<vmem>>, vector<1x16xf32>,
        %add3A_223 = arith.constant 0 : i32
        %add3A_224 = arith.addi %add3A_223, %scan3A_206 : i32
        %get3A_225 = arith.index_cast %add3A_224 : i32 to index
        %get3A_226 = arith.constant 16 : index
        %get3A_227 = tpu.vector_load %arg10[%get3A_225, %get3A_226] {strides = array<i32>} : memref<128x128xf32, #tpu.memory_space<vmem>>, vector<1x16xf32>,
        %get3A_228 = vector.shape_cast %get3A_227 : vector<1x16xf32> to vector<16xf32>
        %get3A_229 = arith.index_cast %scan3A_206 : i32 to index
        %get3A_230 = arith.constant 16 : index
        %get3A_231 = tpu.vector_load %arg11[%get3A_229, %get3A_230] {strides = array<i32>} : memref<64x128xf32, #tpu.memory_space<vmem>>, vector<1x16xf32>,
        %get3A_232 = vector.shape_cast %get3A_231 : vector<1x16xf32> to vector<16xf32>
        %add3A_233 = arith.addf %get3A_228, %get3A_232 : vector<16xf32>
        %max3A_234 = arith.constant 0.000000e+00 : f32
        %max3A_235 = vector.broadcast %max3A_234 : f32 to vector<16xf32>
        %max3A_236 = arith.maximumf %add3A_233, %max3A_235 : vector<16xf32>
        %swap3A_237 = arith.index_cast %add3A_224 : i32 to index
        %swap3A_238 = arith.constant 16 : index
        %swap3A_239 = tpu.vector_load %arg10[%swap3A_237, %swap3A_238] {strides = array<i32>} : memref<128x128xf32, #tpu.memory_space<vmem>>, vector<1x16xf32>,
        %swap3A_240 = vector.shape_cast %swap3A_239 : vector<1x16xf32> to vector<16xf32>
        %swap3A_241 = vector.shape_cast %max3A_236 : vector<16xf32> to vector<1x16xf32>
        tpu.vector_store %arg10[%swap3A_237, %swap3A_238], %swap3A_241 {strides = array<i32>} : memref<128x128xf32, #tpu.memory_space<vmem>>, vector<1x16xf32>,
        %add3A_242 = arith.constant 0 : i32
        %add3A_243 = arith.addi %add3A_242, %scan3A_206 : i32
        %get3A_244 = arith.index_cast %add3A_243 : i32 to index
        %get3A_245 = arith.constant 32 : index
        %get3A_246 = tpu.vector_load %arg10[%get3A_244, %get3A_245] {strides = array<i32>} : memref<128x128xf32, #tpu.memory_space<vmem>>, vector<1x16xf32>,
        %get3A_247 = vector.shape_cast %get3A_246 : vector<1x16xf32> to vector<16xf32>
        %get3A_248 = arith.index_cast %scan3A_206 : i32 to index
        %get3A_249 = arith.constant 32 : index
        %get3A_250 = tpu.vector_load %arg11[%get3A_248, %get3A_249] {strides = array<i32>} : memref<64x128xf32, #tpu.memory_space<vmem>>, vector<1x16xf32>,
        %get3A_251 = vector.shape_cast %get3A_250 : vector<1x16xf32> to vector<16xf32>
        %add3A_252 = arith.addf %get3A_247, %get3A_251 : vector<16xf32>
        %max3A_253 = arith.constant 0.000000e+00 : f32
        %max3A_254 = vector.broadcast %max3A_253 : f32 to vector<16xf32>
        %max3A_255 = arith.maximumf %add3A_252, %max3A_254 : vector<16xf32>
        %swap3A_256 = arith.index_cast %add3A_243 : i32 to index
        %swap3A_257 = arith.constant 32 : index
        %swap3A_258 = tpu.vector_load %arg10[%swap3A_256, %swap3A_257] {strides = array<i32>} : memref<128x128xf32, #tpu.memory_space<vmem>>, vector<1x16xf32>,
        %swap3A_259 = vector.shape_cast %swap3A_258 : vector<1x16xf32> to vector<16xf32>
        %swap3A_260 = vector.shape_cast %max3A_255 : vector<16xf32> to vector<1x16xf32>
        tpu.vector_store %arg10[%swap3A_256, %swap3A_257], %swap3A_260 {strides = array<i32>} : memref<128x128xf32, #tpu.memory_space<vmem>>, vector<1x16xf32>,
        %add3A_261 = arith.constant 0 : i32
        %add3A_262 = arith.addi %add3A_261, %scan3A_206 : i32
        %get3A_263 = arith.index_cast %add3A_262 : i32 to index
        %get3A_264 = arith.constant 48 : index
        %get3A_265 = tpu.vector_load %arg10[%get3A_263, %get3A_264] {strides = array<i32>} : memref<128x128xf32, #tpu.memory_space<vmem>>, vector<1x16xf32>,
        %get3A_266 = vector.shape_cast %get3A_265 : vector<1x16xf32> to vector<16xf32>
        %get3A_267 = arith.index_cast %scan3A_206 : i32 to index
        %get3A_268 = arith.constant 48 : index
        %get3A_269 = tpu.vector_load %arg11[%get3A_267, %get3A_268] {strides = array<i32>} : memref<64x128xf32, #tpu.memory_space<vmem>>, vector<1x16xf32>,
        %get3A_270 = vector.shape_cast %get3A_269 : vector<1x16xf32> to vector<16xf32>
        %add3A_271 = arith.addf %get3A_266, %get3A_270 : vector<16xf32>
        %max3A_272 = arith.constant 0.000000e+00 : f32
        %max3A_273 = vector.broadcast %max3A_272 : f32 to vector<16xf32>
        %max3A_274 = arith.maximumf %add3A_271, %max3A_273 : vector<16xf32>
        %swap3A_275 = arith.index_cast %add3A_262 : i32 to index
        %swap3A_276 = arith.constant 48 : index
        %swap3A_277 = tpu.vector_load %arg10[%swap3A_275, %swap3A_276] {strides = array<i32>} : memref<128x128xf32, #tpu.memory_space<vmem>>, vector<1x16xf32>,
        %swap3A_278 = vector.shape_cast %swap3A_277 : vector<1x16xf32> to vector<16xf32>
        %swap3A_279 = vector.shape_cast %max3A_274 : vector<16xf32> to vector<1x16xf32>
        tpu.vector_store %arg10[%swap3A_275, %swap3A_276], %swap3A_279 {strides = array<i32>} : memref<128x128xf32, #tpu.memory_space<vmem>>, vector<1x16xf32>,
        %add3A_280 = arith.constant 0 : i32
        %add3A_281 = arith.addi %add3A_280, %scan3A_206 : i32
        %get3A_282 = arith.index_cast %add3A_281 : i32 to index
        %get3A_283 = arith.constant 64 : index
        %get3A_284 = tpu.vector_load %arg10[%get3A_282, %get3A_283] {strides = array<i32>} : memref<128x128xf32, #tpu.memory_space<vmem>>, vector<1x16xf32>,
        %get3A_285 = vector.shape_cast %get3A_284 : vector<1x16xf32> to vector<16xf32>
        %get3A_286 = arith.index_cast %scan3A_206 : i32 to index
        %get3A_287 = arith.constant 64 : index
        %get3A_288 = tpu.vector_load %arg11[%get3A_286, %get3A_287] {strides = array<i32>} : memref<64x128xf32, #tpu.memory_space<vmem>>, vector<1x16xf32>,
        %get3A_289 = vector.shape_cast %get3A_288 : vector<1x16xf32> to vector<16xf32>
        %add3A_290 = arith.addf %get3A_285, %get3A_289 : vector<16xf32>
        %max3A_291 = arith.constant 0.000000e+00 : f32
        %max3A_292 = vector.broadcast %max3A_291 : f32 to vector<16xf32>
        %max3A_293 = arith.maximumf %add3A_290, %max3A_292 : vector<16xf32>
        %swap3A_294 = arith.index_cast %add3A_281 : i32 to index
        %swap3A_295 = arith.constant 64 : index
        %swap3A_296 = tpu.vector_load %arg10[%swap3A_294, %swap3A_295] {strides = array<i32>} : memref<128x128xf32, #tpu.memory_space<vmem>>, vector<1x16xf32>,
        %swap3A_297 = vector.shape_cast %swap3A_296 : vector<1x16xf32> to vector<16xf32>
        %swap3A_298 = vector.shape_cast %max3A_293 : vector<16xf32> to vector<1x16xf32>
        tpu.vector_store %arg10[%swap3A_294, %swap3A_295], %swap3A_298 {strides = array<i32>} : memref<128x128xf32, #tpu.memory_space<vmem>>, vector<1x16xf32>,
        %add3A_299 = arith.constant 0 : i32
        %add3A_300 = arith.addi %add3A_299, %scan3A_206 : i32
        %get3A_301 = arith.index_cast %add3A_300 : i32 to index
        %get3A_302 = arith.constant 80 : index
        %get3A_303 = tpu.vector_load %arg10[%get3A_301, %get3A_302] {strides = array<i32>} : memref<128x128xf32, #tpu.memory_space<vmem>>, vector<1x16xf32>,
        %get3A_304 = vector.shape_cast %get3A_303 : vector<1x16xf32> to vector<16xf32>
        %get3A_305 = arith.index_cast %scan3A_206 : i32 to index
        %get3A_306 = arith.constant 80 : index
        %get3A_307 = tpu.vector_load %arg11[%get3A_305, %get3A_306] {strides = array<i32>} : memref<64x128xf32, #tpu.memory_space<vmem>>, vector<1x16xf32>,
        %get3A_308 = vector.shape_cast %get3A_307 : vector<1x16xf32> to vector<16xf32>
        %add3A_309 = arith.addf %get3A_304, %get3A_308 : vector<16xf32>
        %max3A_310 = arith.constant 0.000000e+00 : f32
        %max3A_311 = vector.broadcast %max3A_310 : f32 to vector<16xf32>
        %max3A_312 = arith.maximumf %add3A_309, %max3A_311 : vector<16xf32>
        %swap3A_313 = arith.index_cast %add3A_300 : i32 to index
        %swap3A_314 = arith.constant 80 : index
        %swap3A_315 = tpu.vector_load %arg10[%swap3A_313, %swap3A_314] {strides = array<i32>} : memref<128x128xf32, #tpu.memory_space<vmem>>, vector<1x16xf32>,
        %swap3A_316 = vector.shape_cast %swap3A_315 : vector<1x16xf32> to vector<16xf32>
        %swap3A_317 = vector.shape_cast %max3A_312 : vector<16xf32> to vector<1x16xf32>
        tpu.vector_store %arg10[%swap3A_313, %swap3A_314], %swap3A_317 {strides = array<i32>} : memref<128x128xf32, #tpu.memory_space<vmem>>, vector<1x16xf32>,
        %add3A_318 = arith.constant 0 : i32
        %add3A_319 = arith.addi %add3A_318, %scan3A_206 : i32
        %get3A_320 = arith.index_cast %add3A_319 : i32 to index
        %get3A_321 = arith.constant 96 : index
        %get3A_322 = tpu.vector_load %arg10[%get3A_320, %get3A_321] {strides = array<i32>} : memref<128x128xf32, #tpu.memory_space<vmem>>, vector<1x16xf32>,
        %get3A_323 = vector.shape_cast %get3A_322 : vector<1x16xf32> to vector<16xf32>
        %get3A_324 = arith.index_cast %scan3A_206 : i32 to index
        %get3A_325 = arith.constant 96 : index
        %get3A_326 = tpu.vector_load %arg11[%get3A_324, %get3A_325] {strides = array<i32>} : memref<64x128xf32, #tpu.memory_space<vmem>>, vector<1x16xf32>,
        %get3A_327 = vector.shape_cast %get3A_326 : vector<1x16xf32> to vector<16xf32>
        %add3A_328 = arith.addf %get3A_323, %get3A_327 : vector<16xf32>
        %max3A_329 = arith.constant 0.000000e+00 : f32
        %max3A_330 = vector.broadcast %max3A_329 : f32 to vector<16xf32>
        %max3A_331 = arith.maximumf %add3A_328, %max3A_330 : vector<16xf32>
        %swap3A_332 = arith.index_cast %add3A_319 : i32 to index
        %swap3A_333 = arith.constant 96 : index
        %swap3A_334 = tpu.vector_load %arg10[%swap3A_332, %swap3A_333] {strides = array<i32>} : memref<128x128xf32, #tpu.memory_space<vmem>>, vector<1x16xf32>,
        %swap3A_335 = vector.shape_cast %swap3A_334 : vector<1x16xf32> to vector<16xf32>
        %swap3A_336 = vector.shape_cast %max3A_331 : vector<16xf32> to vector<1x16xf32>
        tpu.vector_store %arg10[%swap3A_332, %swap3A_333], %swap3A_336 {strides = array<i32>} : memref<128x128xf32, #tpu.memory_space<vmem>>, vector<1x16xf32>,
        %add3A_337 = arith.constant 0 : i32
        %add3A_338 = arith.addi %add3A_337, %scan3A_206 : i32
        %get3A_339 = arith.index_cast %add3A_338 : i32 to index
        %get3A_340 = arith.constant 112 : index
        %get3A_341 = tpu.vector_load %arg10[%get3A_339, %get3A_340] {strides = array<i32>} : memref<128x128xf32, #tpu.memory_space<vmem>>, vector<1x16xf32>,
        %get3A_342 = vector.shape_cast %get3A_341 : vector<1x16xf32> to vector<16xf32>
        %get3A_343 = arith.index_cast %scan3A_206 : i32 to index
        %get3A_344 = arith.constant 112 : index
        %get3A_345 = tpu.vector_load %arg11[%get3A_343, %get3A_344] {strides = array<i32>} : memref<64x128xf32, #tpu.memory_space<vmem>>, vector<1x16xf32>,
        %get3A_346 = vector.shape_cast %get3A_345 : vector<1x16xf32> to vector<16xf32>
        %add3A_347 = arith.addf %get3A_342, %get3A_346 : vector<16xf32>
        %max3A_348 = arith.constant 0.000000e+00 : f32
        %max3A_349 = vector.broadcast %max3A_348 : f32 to vector<16xf32>
        %max3A_350 = arith.maximumf %add3A_347, %max3A_349 : vector<16xf32>
        %swap3A_351 = arith.index_cast %add3A_338 : i32 to index
        %swap3A_352 = arith.constant 112 : index
        %swap3A_353 = tpu.vector_load %arg10[%swap3A_351, %swap3A_352] {strides = array<i32>} : memref<128x128xf32, #tpu.memory_space<vmem>>, vector<1x16xf32>,
        %swap3A_354 = vector.shape_cast %swap3A_353 : vector<1x16xf32> to vector<16xf32>
        %swap3A_355 = vector.shape_cast %max3A_350 : vector<16xf32> to vector<1x16xf32>
        tpu.vector_store %arg10[%swap3A_351, %swap3A_352], %swap3A_355 {strides = array<i32>} : memref<128x128xf32, #tpu.memory_space<vmem>>, vector<1x16xf32>,
      }
      %scan3A_182 = arith.constant 64 : i32
      %div3A_183 = arith.constant 8 : i32
      %div3A_184 = arith.divsi %add3A_138, %div3A_183 : i32
      %mul3A_185 = arith.constant 16 : i32
      %mul3A_186 = arith.muli %mul3A_185, %div3A_184 : i32
      %add3A_187 = arith.addi %mul3A_186, %arg1 : i32
      %mul3A_188 = arith.constant 2 : i32
      %mul3A_189 = arith.muli %mul3A_188, %add3A_187 : i32
      %add3A_190 = arith.addi %mul3A_189, %arg0 : i32
      %mul3A_191 = arith.constant 8 : i32
      %mul3A_192 = arith.muli %add3A_190, %mul3A_191 : i32
      %multiple_of3A_193 = tpu.assume_multiple %mul3A_192, 8 : i32
      %add3A_194 = arith.addi %multiple_of3A_193, %rem3A_140 : i32
      %mul3A_195 = arith.constant 128 : i32
      %mul3A_196 = arith.muli %add3A_194, %mul3A_195 : i32
      %add3A_197 = arith.constant 64 : i32
      %add3A_198 = arith.addi %mul3A_196, %add3A_197 : i32
      %multiple_of3A_199 = tpu.assume_multiple %add3A_198, 64 : i32
      "tpu.region"() ({
        %run_scoped3A = tpu.sem_alloc : memref<!tpu.dma_semaphore, #tpu.memory_space<semaphore_mem>>
        %dma_start3A_206 = arith.constant 0 : i32
        %dma_start3A_207 = tpu.memref_slice %arg5[%multiple_of3A_199, %dma_start3A_206] : memref<327680x128xf32, #tpu.memory_space<hbm>> -> memref<64x128xf32, #tpu.memory_space<hbm>>
        %dma_start3A_208 = arith.constant 0 : i32
        %dma_start3A_209 = tpu.memref_slice %arg5[%multiple_of3A_199, %dma_start3A_208] : memref<327680x128xf32, #tpu.memory_space<hbm>> -> memref<64x128xf32, #tpu.memory_space<hbm>>
        tpu.enqueue_dma source(%dma_start3A_209 : memref<64x128xf32, #tpu.memory_space<hbm>>) target(%arg11 : memref<64x128xf32, #tpu.memory_space<vmem>>) target_semaphore(%run_scoped3A : memref<!tpu.dma_semaphore, #tpu.memory_space<semaphore_mem>>)
        %dma_wait3A_210 = arith.constant 0 : i32
        %dma_wait3A_211 = tpu.memref_slice %arg5[%multiple_of3A_199, %dma_wait3A_210] : memref<327680x128xf32, #tpu.memory_space<hbm>> -> memref<64x128xf32, #tpu.memory_space<hbm>>
        %dma_wait3A_212 = arith.constant 0 : i32
        %dma_wait3A_213 = tpu.memref_slice %arg5[%multiple_of3A_199, %dma_wait3A_212] : memref<327680x128xf32, #tpu.memory_space<hbm>> -> memref<64x128xf32, #tpu.memory_space<hbm>>
        tpu.wait_dma2 semaphore(%run_scoped3A : memref<!tpu.dma_semaphore, #tpu.memory_space<semaphore_mem>>) src(%dma_wait3A_213 : memref<64x128xf32, #tpu.memory_space<hbm>>) dst(%arg11 : memref<64x128xf32, #tpu.memory_space<vmem>>)
        tpu.yield
      }) : () -> ()
      %scan3A_200 = arith.constant 0 : i32
      %scan3A_201 = arith.constant 0 : i32
      %scan3A_202 = arith.constant 64 : i32
      %scan3A_203 = arith.addi %scan3A_201, %scan3A_202 : i32
      %scan3A_204 = arith.constant 1 : i32
      scf.for %scan3A_206 = %scan3A_201 to %scan3A_203 step %scan3A_204  : i32 {
        %add3A_207 = arith.constant 64 : i32
        %add3A_208 = arith.addi %add3A_207, %scan3A_206 : i32
        %get3A = arith.index_cast %add3A_208 : i32 to index
        %get3A_209 = arith.constant 0 : index
        %get3A_210 = tpu.vector_load %arg10[%get3A, %get3A_209] {strides = array<i32>} : memref<128x128xf32, #tpu.memory_space<vmem>>, vector<1x16xf32>,
        %get3A_211 = vector.shape_cast %get3A_210 : vector<1x16xf32> to vector<16xf32>
        %get3A_212 = arith.index_cast %scan3A_206 : i32 to index
        %get3A_213 = arith.constant 0 : index
        %get3A_214 = tpu.vector_load %arg11[%get3A_212, %get3A_213] {strides = array<i32>} : memref<64x128xf32, #tpu.memory_space<vmem>>, vector<1x16xf32>,
        %get3A_215 = vector.shape_cast %get3A_214 : vector<1x16xf32> to vector<16xf32>
        %add3A_216 = arith.addf %get3A_211, %get3A_215 : vector<16xf32>
        %max3A = arith.constant 0.000000e+00 : f32
        %max3A_217 = vector.broadcast %max3A : f32 to vector<16xf32>
        %max3A_218 = arith.maximumf %add3A_216, %max3A_217 : vector<16xf32>
        %swap3A = arith.index_cast %add3A_208 : i32 to index
        %swap3A_219 = arith.constant 0 : index
        %swap3A_220 = tpu.vector_load %arg10[%swap3A, %swap3A_219] {strides = array<i32>} : memref<128x128xf32, #tpu.memory_space<vmem>>, vector<1x16xf32>,
        %swap3A_221 = vector.shape_cast %swap3A_220 : vector<1x16xf32> to vector<16xf32>
        %swap3A_222 = vector.shape_cast %max3A_218 : vector<16xf32> to vector<1x16xf32>
        tpu.vector_store %arg10[%swap3A, %swap3A_219], %swap3A_222 {strides = array<i32>} : memref<128x128xf32, #tpu.memory_space<vmem>>, vector<1x16xf32>,
        %add3A_223 = arith.constant 64 : i32
        %add3A_224 = arith.addi %add3A_223, %scan3A_206 : i32
        %get3A_225 = arith.index_cast %add3A_224 : i32 to index
        %get3A_226 = arith.constant 16 : index
        %get3A_227 = tpu.vector_load %arg10[%get3A_225, %get3A_226] {strides = array<i32>} : memref<128x128xf32, #tpu.memory_space<vmem>>, vector<1x16xf32>,
        %get3A_228 = vector.shape_cast %get3A_227 : vector<1x16xf32> to vector<16xf32>
        %get3A_229 = arith.index_cast %scan3A_206 : i32 to index
        %get3A_230 = arith.constant 16 : index
        %get3A_231 = tpu.vector_load %arg11[%get3A_229, %get3A_230] {strides = array<i32>} : memref<64x128xf32, #tpu.memory_space<vmem>>, vector<1x16xf32>,
        %get3A_232 = vector.shape_cast %get3A_231 : vector<1x16xf32> to vector<16xf32>
        %add3A_233 = arith.addf %get3A_228, %get3A_232 : vector<16xf32>
        %max3A_234 = arith.constant 0.000000e+00 : f32
        %max3A_235 = vector.broadcast %max3A_234 : f32 to vector<16xf32>
        %max3A_236 = arith.maximumf %add3A_233, %max3A_235 : vector<16xf32>
        %swap3A_237 = arith.index_cast %add3A_224 : i32 to index
        %swap3A_238 = arith.constant 16 : index
        %swap3A_239 = tpu.vector_load %arg10[%swap3A_237, %swap3A_238] {strides = array<i32>} : memref<128x128xf32, #tpu.memory_space<vmem>>, vector<1x16xf32>,
        %swap3A_240 = vector.shape_cast %swap3A_239 : vector<1x16xf32> to vector<16xf32>
        %swap3A_241 = vector.shape_cast %max3A_236 : vector<16xf32> to vector<1x16xf32>
        tpu.vector_store %arg10[%swap3A_237, %swap3A_238], %swap3A_241 {strides = array<i32>} : memref<128x128xf32, #tpu.memory_space<vmem>>, vector<1x16xf32>,
        %add3A_242 = arith.constant 64 : i32
        %add3A_243 = arith.addi %add3A_242, %scan3A_206 : i32
        %get3A_244 = arith.index_cast %add3A_243 : i32 to index
        %get3A_245 = arith.constant 32 : index
        %get3A_246 = tpu.vector_load %arg10[%get3A_244, %get3A_245] {strides = array<i32>} : memref<128x128xf32, #tpu.memory_space<vmem>>, vector<1x16xf32>,
        %get3A_247 = vector.shape_cast %get3A_246 : vector<1x16xf32> to vector<16xf32>
        %get3A_248 = arith.index_cast %scan3A_206 : i32 to index
        %get3A_249 = arith.constant 32 : index
        %get3A_250 = tpu.vector_load %arg11[%get3A_248, %get3A_249] {strides = array<i32>} : memref<64x128xf32, #tpu.memory_space<vmem>>, vector<1x16xf32>,
        %get3A_251 = vector.shape_cast %get3A_250 : vector<1x16xf32> to vector<16xf32>
        %add3A_252 = arith.addf %get3A_247, %get3A_251 : vector<16xf32>
        %max3A_253 = arith.constant 0.000000e+00 : f32
        %max3A_254 = vector.broadcast %max3A_253 : f32 to vector<16xf32>
        %max3A_255 = arith.maximumf %add3A_252, %max3A_254 : vector<16xf32>
        %swap3A_256 = arith.index_cast %add3A_243 : i32 to index
        %swap3A_257 = arith.constant 32 : index
        %swap3A_258 = tpu.vector_load %arg10[%swap3A_256, %swap3A_257] {strides = array<i32>} : memref<128x128xf32, #tpu.memory_space<vmem>>, vector<1x16xf32>,
        %swap3A_259 = vector.shape_cast %swap3A_258 : vector<1x16xf32> to vector<16xf32>
        %swap3A_260 = vector.shape_cast %max3A_255 : vector<16xf32> to vector<1x16xf32>
        tpu.vector_store %arg10[%swap3A_256, %swap3A_257], %swap3A_260 {strides = array<i32>} : memref<128x128xf32, #tpu.memory_space<vmem>>, vector<1x16xf32>,
        %add3A_261 = arith.constant 64 : i32
        %add3A_262 = arith.addi %add3A_261, %scan3A_206 : i32
        %get3A_263 = arith.index_cast %add3A_262 : i32 to index
        %get3A_264 = arith.constant 48 : index
        %get3A_265 = tpu.vector_load %arg10[%get3A_263, %get3A_264] {strides = array<i32>} : memref<128x128xf32, #tpu.memory_space<vmem>>, vector<1x16xf32>,
        %get3A_266 = vector.shape_cast %get3A_265 : vector<1x16xf32> to vector<16xf32>
        %get3A_267 = arith.index_cast %scan3A_206 : i32 to index
        %get3A_268 = arith.constant 48 : index
        %get3A_269 = tpu.vector_load %arg11[%get3A_267, %get3A_268] {strides = array<i32>} : memref<64x128xf32, #tpu.memory_space<vmem>>, vector<1x16xf32>,
        %get3A_270 = vector.shape_cast %get3A_269 : vector<1x16xf32> to vector<16xf32>
        %add3A_271 = arith.addf %get3A_266, %get3A_270 : vector<16xf32>
        %max3A_272 = arith.constant 0.000000e+00 : f32
        %max3A_273 = vector.broadcast %max3A_272 : f32 to vector<16xf32>
        %max3A_274 = arith.maximumf %add3A_271, %max3A_273 : vector<16xf32>
        %swap3A_275 = arith.index_cast %add3A_262 : i32 to index
        %swap3A_276 = arith.constant 48 : index
        %swap3A_277 = tpu.vector_load %arg10[%swap3A_275, %swap3A_276] {strides = array<i32>} : memref<128x128xf32, #tpu.memory_space<vmem>>, vector<1x16xf32>,
        %swap3A_278 = vector.shape_cast %swap3A_277 : vector<1x16xf32> to vector<16xf32>
        %swap3A_279 = vector.shape_cast %max3A_274 : vector<16xf32> to vector<1x16xf32>
        tpu.vector_store %arg10[%swap3A_275, %swap3A_276], %swap3A_279 {strides = array<i32>} : memref<128x128xf32, #tpu.memory_space<vmem>>, vector<1x16xf32>,
        %add3A_280 = arith.constant 64 : i32
        %add3A_281 = arith.addi %add3A_280, %scan3A_206 : i32
        %get3A_282 = arith.index_cast %add3A_281 : i32 to index
        %get3A_283 = arith.constant 64 : index
        %get3A_284 = tpu.vector_load %arg10[%get3A_282, %get3A_283] {strides = array<i32>} : memref<128x128xf32, #tpu.memory_space<vmem>>, vector<1x16xf32>,
        %get3A_285 = vector.shape_cast %get3A_284 : vector<1x16xf32> to vector<16xf32>
        %get3A_286 = arith.index_cast %scan3A_206 : i32 to index
        %get3A_287 = arith.constant 64 : index
        %get3A_288 = tpu.vector_load %arg11[%get3A_286, %get3A_287] {strides = array<i32>} : memref<64x128xf32, #tpu.memory_space<vmem>>, vector<1x16xf32>,
        %get3A_289 = vector.shape_cast %get3A_288 : vector<1x16xf32> to vector<16xf32>
        %add3A_290 = arith.addf %get3A_285, %get3A_289 : vector<16xf32>
        %max3A_291 = arith.constant 0.000000e+00 : f32
        %max3A_292 = vector.broadcast %max3A_291 : f32 to vector<16xf32>
        %max3A_293 = arith.maximumf %add3A_290, %max3A_292 : vector<16xf32>
        %swap3A_294 = arith.index_cast %add3A_281 : i32 to index
        %swap3A_295 = arith.constant 64 : index
        %swap3A_296 = tpu.vector_load %arg10[%swap3A_294, %swap3A_295] {strides = array<i32>} : memref<128x128xf32, #tpu.memory_space<vmem>>, vector<1x16xf32>,
        %swap3A_297 = vector.shape_cast %swap3A_296 : vector<1x16xf32> to vector<16xf32>
        %swap3A_298 = vector.shape_cast %max3A_293 : vector<16xf32> to vector<1x16xf32>
        tpu.vector_store %arg10[%swap3A_294, %swap3A_295], %swap3A_298 {strides = array<i32>} : memref<128x128xf32, #tpu.memory_space<vmem>>, vector<1x16xf32>,
        %add3A_299 = arith.constant 64 : i32
        %add3A_300 = arith.addi %add3A_299, %scan3A_206 : i32
        %get3A_301 = arith.index_cast %add3A_300 : i32 to index
        %get3A_302 = arith.constant 80 : index
        %get3A_303 = tpu.vector_load %arg10[%get3A_301, %get3A_302] {strides = array<i32>} : memref<128x128xf32, #tpu.memory_space<vmem>>, vector<1x16xf32>,
        %get3A_304 = vector.shape_cast %get3A_303 : vector<1x16xf32> to vector<16xf32>
        %get3A_305 = arith.index_cast %scan3A_206 : i32 to index
        %get3A_306 = arith.constant 80 : index
        %get3A_307 = tpu.vector_load %arg11[%get3A_305, %get3A_306] {strides = array<i32>} : memref<64x128xf32, #tpu.memory_space<vmem>>, vector<1x16xf32>,
        %get3A_308 = vector.shape_cast %get3A_307 : vector<1x16xf32> to vector<16xf32>
        %add3A_309 = arith.addf %get3A_304, %get3A_308 : vector<16xf32>
        %max3A_310 = arith.constant 0.000000e+00 : f32
        %max3A_311 = vector.broadcast %max3A_310 : f32 to vector<16xf32>
        %max3A_312 = arith.maximumf %add3A_309, %max3A_311 : vector<16xf32>
        %swap3A_313 = arith.index_cast %add3A_300 : i32 to index
        %swap3A_314 = arith.constant 80 : index
        %swap3A_315 = tpu.vector_load %arg10[%swap3A_313, %swap3A_314] {strides = array<i32>} : memref<128x128xf32, #tpu.memory_space<vmem>>, vector<1x16xf32>,
        %swap3A_316 = vector.shape_cast %swap3A_315 : vector<1x16xf32> to vector<16xf32>
        %swap3A_317 = vector.shape_cast %max3A_312 : vector<16xf32> to vector<1x16xf32>
        tpu.vector_store %arg10[%swap3A_313, %swap3A_314], %swap3A_317 {strides = array<i32>} : memref<128x128xf32, #tpu.memory_space<vmem>>, vector<1x16xf32>,
        %add3A_318 = arith.constant 64 : i32
        %add3A_319 = arith.addi %add3A_318, %scan3A_206 : i32
        %get3A_320 = arith.index_cast %add3A_319 : i32 to index
        %get3A_321 = arith.constant 96 : index
        %get3A_322 = tpu.vector_load %arg10[%get3A_320, %get3A_321] {strides = array<i32>} : memref<128x128xf32, #tpu.memory_space<vmem>>, vector<1x16xf32>,
        %get3A_323 = vector.shape_cast %get3A_322 : vector<1x16xf32> to vector<16xf32>
        %get3A_324 = arith.index_cast %scan3A_206 : i32 to index
        %get3A_325 = arith.constant 96 : index
        %get3A_326 = tpu.vector_load %arg11[%get3A_324, %get3A_325] {strides = array<i32>} : memref<64x128xf32, #tpu.memory_space<vmem>>, vector<1x16xf32>,
        %get3A_327 = vector.shape_cast %get3A_326 : vector<1x16xf32> to vector<16xf32>
        %add3A_328 = arith.addf %get3A_323, %get3A_327 : vector<16xf32>
        %max3A_329 = arith.constant 0.000000e+00 : f32
        %max3A_330 = vector.broadcast %max3A_329 : f32 to vector<16xf32>
        %max3A_331 = arith.maximumf %add3A_328, %max3A_330 : vector<16xf32>
        %swap3A_332 = arith.index_cast %add3A_319 : i32 to index
        %swap3A_333 = arith.constant 96 : index
        %swap3A_334 = tpu.vector_load %arg10[%swap3A_332, %swap3A_333] {strides = array<i32>} : memref<128x128xf32, #tpu.memory_space<vmem>>, vector<1x16xf32>,
        %swap3A_335 = vector.shape_cast %swap3A_334 : vector<1x16xf32> to vector<16xf32>
        %swap3A_336 = vector.shape_cast %max3A_331 : vector<16xf32> to vector<1x16xf32>
        tpu.vector_store %arg10[%swap3A_332, %swap3A_333], %swap3A_336 {strides = array<i32>} : memref<128x128xf32, #tpu.memory_space<vmem>>, vector<1x16xf32>,
        %add3A_337 = arith.constant 64 : i32
        %add3A_338 = arith.addi %add3A_337, %scan3A_206 : i32
        %get3A_339 = arith.index_cast %add3A_338 : i32 to index
        %get3A_340 = arith.constant 112 : index
        %get3A_341 = tpu.vector_load %arg10[%get3A_339, %get3A_340] {strides = array<i32>} : memref<128x128xf32, #tpu.memory_space<vmem>>, vector<1x16xf32>,
        %get3A_342 = vector.shape_cast %get3A_341 : vector<1x16xf32> to vector<16xf32>
        %get3A_343 = arith.index_cast %scan3A_206 : i32 to index
        %get3A_344 = arith.constant 112 : index
        %get3A_345 = tpu.vector_load %arg11[%get3A_343, %get3A_344] {strides = array<i32>} : memref<64x128xf32, #tpu.memory_space<vmem>>, vector<1x16xf32>,
        %get3A_346 = vector.shape_cast %get3A_345 : vector<1x16xf32> to vector<16xf32>
        %add3A_347 = arith.addf %get3A_342, %get3A_346 : vector<16xf32>
        %max3A_348 = arith.constant 0.000000e+00 : f32
        %max3A_349 = vector.broadcast %max3A_348 : f32 to vector<16xf32>
        %max3A_350 = arith.maximumf %add3A_347, %max3A_349 : vector<16xf32>
        %swap3A_351 = arith.index_cast %add3A_338 : i32 to index
        %swap3A_352 = arith.constant 112 : index
        %swap3A_353 = tpu.vector_load %arg10[%swap3A_351, %swap3A_352] {strides = array<i32>} : memref<128x128xf32, #tpu.memory_space<vmem>>, vector<1x16xf32>,
        %swap3A_354 = vector.shape_cast %swap3A_353 : vector<1x16xf32> to vector<16xf32>
        %swap3A_355 = vector.shape_cast %max3A_350 : vector<16xf32> to vector<1x16xf32>
        tpu.vector_store %arg10[%swap3A_351, %swap3A_352], %swap3A_355 {strides = array<i32>} : memref<128x128xf32, #tpu.memory_space<vmem>>, vector<1x16xf32>,
      }
      %scan3A_205 = arith.constant 64 : i32
      "tpu.region"() ({
        %run_scoped3A = tpu.sem_alloc : memref<!tpu.dma_semaphore, #tpu.memory_space<semaphore_mem>>
        %dma_start3A_206 = arith.constant 0 : i32
        %dma_start3A_207 = tpu.memref_slice %arg8[%rem3A_140, %dma_start3A_206] : memref<8x128xi32, #tpu.memory_space<vmem>> -> memref<1x128xi32, #tpu.memory_space<vmem>>
        %dma_start3A_208 = tpu.memref_squeeze %dma_start3A_207 : memref<1x128xi32, #tpu.memory_space<vmem>> -> memref<128xi32, #tpu.memory_space<vmem>>
        %dma_start3A_209 = arith.constant 0 : i32
        %dma_start3A_210 = arith.constant 0 : i32
        %dma_start3A_211 = tpu.memref_slice %arg12[%dma_start3A_209, %dma_start3A_210] : memref<10240x128xf32, #tpu.memory_space<vmem_shared>> -> memref<10240x128xf32, #tpu.memory_space<vmem_shared>>
        tpu.enqueue_indirect_dma source(%arg10 : memref<128x128xf32, #tpu.memory_space<vmem>>) target(%dma_start3A_211 : memref<10240x128xf32, #tpu.memory_space<vmem_shared>>) offsets(%dma_start3A_208 : memref<128xi32, #tpu.memory_space<vmem>>) semaphore(%run_scoped3A : memref<!tpu.dma_semaphore, #tpu.memory_space<semaphore_mem>>) {add = true}
        %dma_wait3A_212 = arith.constant 0 : i32
        %dma_wait3A_213 = tpu.memref_slice %arg8[%rem3A_140, %dma_wait3A_212] : memref<8x128xi32, #tpu.memory_space<vmem>> -> memref<1x128xi32, #tpu.memory_space<vmem>>
        %dma_wait3A_214 = tpu.memref_squeeze %dma_wait3A_213 : memref<1x128xi32, #tpu.memory_space<vmem>> -> memref<128xi32, #tpu.memory_space<vmem>>
        %dma_wait3A_215 = arith.constant 0 : i32
        %dma_wait3A_216 = arith.constant 0 : i32
        %dma_wait3A_217 = tpu.memref_slice %arg12[%dma_wait3A_215, %dma_wait3A_216] : memref<10240x128xf32, #tpu.memory_space<vmem_shared>> -> memref<10240x128xf32, #tpu.memory_space<vmem_shared>>
        tpu.wait_indirect_dma semaphore(%run_scoped3A : memref<!tpu.dma_semaphore, #tpu.memory_space<semaphore_mem>>) src(%arg10 : memref<128x128xf32, #tpu.memory_space<vmem>>) dst(%dma_wait3A_217 : memref<10240x128xf32, #tpu.memory_space<vmem_shared>>)
        tpu.yield
      }) : () -> ()
    }
    %scan3A_41 = arith.constant 40 : i32
    %barrier3A_42 = arith.constant 0 : index
    tpu.barrier barrier_id(%barrier3A_42)
    %mul3A_43 = arith.constant 640 : i32
    %mul3A_44 = arith.muli %arg1, %mul3A_43 : i32
    %add3A_45 = arith.constant 0 : i32
    %add3A_46 = arith.addi %mul3A_44, %add3A_45 : i32
    %multiple_of3A_47 = tpu.assume_multiple %add3A_46, 128 : i32
    "tpu.region"() ({
      %run_scoped3A = tpu.sem_alloc : memref<!tpu.dma_semaphore, #tpu.memory_space<semaphore_mem>>
      %dma_start3A_68 = arith.constant 0 : i32
      %dma_start3A_69 = tpu.memref_slice %arg6[%arg0, %multiple_of3A_47, %dma_start3A_68] : memref<2x10240x128xf32, #tpu.memory_space<hbm>> -> memref<1x128x128xf32, #tpu.memory_space<hbm>>
      %dma_start3A_70 = tpu.memref_squeeze %dma_start3A_69 : memref<1x128x128xf32, #tpu.memory_space<hbm>> -> memref<128x128xf32, #tpu.memory_space<hbm>>
      %dma_start3A_71 = arith.constant 0 : i32
      %dma_start3A_72 = tpu.memref_slice %arg12[%multiple_of3A_47, %dma_start3A_71] : memref<10240x128xf32, #tpu.memory_space<vmem_shared>> -> memref<128x128xf32, #tpu.memory_space<vmem_shared>>
      tpu.enqueue_dma source(%dma_start3A_72 : memref<128x128xf32, #tpu.memory_space<vmem_shared>>) target(%dma_start3A_70 : memref<128x128xf32, #tpu.memory_space<hbm>>) target_semaphore(%run_scoped3A : memref<!tpu.dma_semaphore, #tpu.memory_space<semaphore_mem>>)
      %dma_wait3A = arith.constant 0 : i32
      %dma_wait3A_73 = tpu.memref_slice %arg6[%arg0, %multiple_of3A_47, %dma_wait3A] : memref<2x10240x128xf32, #tpu.memory_space<hbm>> -> memref<1x128x128xf32, #tpu.memory_space<hbm>>
      %dma_wait3A_74 = tpu.memref_squeeze %dma_wait3A_73 : memref<1x128x128xf32, #tpu.memory_space<hbm>> -> memref<128x128xf32, #tpu.memory_space<hbm>>
      %dma_wait3A_75 = arith.constant 0 : i32
      %dma_wait3A_76 = tpu.memref_slice %arg12[%multiple_of3A_47, %dma_wait3A_75] : memref<10240x128xf32, #tpu.memory_space<vmem_shared>> -> memref<128x128xf32, #tpu.memory_space<vmem_shared>>
      tpu.wait_dma2 semaphore(%run_scoped3A : memref<!tpu.dma_semaphore, #tpu.memory_space<semaphore_mem>>) src(%dma_wait3A_76 : memref<128x128xf32, #tpu.memory_space<vmem_shared>>) dst(%dma_wait3A_74 : memref<128x128xf32, #tpu.memory_space<hbm>>)
      tpu.yield
    }) : () -> ()
    %mul3A_48 = arith.constant 640 : i32
    %mul3A_49 = arith.muli %arg1, %mul3A_48 : i32
    %add3A_50 = arith.constant 128 : i32
    %add3A_51 = arith.addi %mul3A_49, %add3A_50 : i32
    %multiple_of3A_52 = tpu.assume_multiple %add3A_51, 128 : i32
    "tpu.region"() ({
      %run_scoped3A = tpu.sem_alloc : memref<!tpu.dma_semaphore, #tpu.memory_space<semaphore_mem>>
      %dma_start3A_68 = arith.constant 0 : i32
      %dma_start3A_69 = tpu.memref_slice %arg6[%arg0, %multiple_of3A_52, %dma_start3A_68] : memref<2x10240x128xf32, #tpu.memory_space<hbm>> -> memref<1x128x128xf32, #tpu.memory_space<hbm>>
      %dma_start3A_70 = tpu.memref_squeeze %dma_start3A_69 : memref<1x128x128xf32, #tpu.memory_space<hbm>> -> memref<128x128xf32, #tpu.memory_space<hbm>>
      %dma_start3A_71 = arith.constant 0 : i32
      %dma_start3A_72 = tpu.memref_slice %arg12[%multiple_of3A_52, %dma_start3A_71] : memref<10240x128xf32, #tpu.memory_space<vmem_shared>> -> memref<128x128xf32, #tpu.memory_space<vmem_shared>>
      tpu.enqueue_dma source(%dma_start3A_72 : memref<128x128xf32, #tpu.memory_space<vmem_shared>>) target(%dma_start3A_70 : memref<128x128xf32, #tpu.memory_space<hbm>>) target_semaphore(%run_scoped3A : memref<!tpu.dma_semaphore, #tpu.memory_space<semaphore_mem>>)
      %dma_wait3A = arith.constant 0 : i32
      %dma_wait3A_73 = tpu.memref_slice %arg6[%arg0, %multiple_of3A_52, %dma_wait3A] : memref<2x10240x128xf32, #tpu.memory_space<hbm>> -> memref<1x128x128xf32, #tpu.memory_space<hbm>>
      %dma_wait3A_74 = tpu.memref_squeeze %dma_wait3A_73 : memref<1x128x128xf32, #tpu.memory_space<hbm>> -> memref<128x128xf32, #tpu.memory_space<hbm>>
      %dma_wait3A_75 = arith.constant 0 : i32
      %dma_wait3A_76 = tpu.memref_slice %arg12[%multiple_of3A_52, %dma_wait3A_75] : memref<10240x128xf32, #tpu.memory_space<vmem_shared>> -> memref<128x128xf32, #tpu.memory_space<vmem_shared>>
      tpu.wait_dma2 semaphore(%run_scoped3A : memref<!tpu.dma_semaphore, #tpu.memory_space<semaphore_mem>>) src(%dma_wait3A_76 : memref<128x128xf32, #tpu.memory_space<vmem_shared>>) dst(%dma_wait3A_74 : memref<128x128xf32, #tpu.memory_space<hbm>>)
      tpu.yield
    }) : () -> ()
    %mul3A_53 = arith.constant 640 : i32
    %mul3A_54 = arith.muli %arg1, %mul3A_53 : i32
    %add3A_55 = arith.constant 256 : i32
    %add3A_56 = arith.addi %mul3A_54, %add3A_55 : i32
    %multiple_of3A_57 = tpu.assume_multiple %add3A_56, 128 : i32
    "tpu.region"() ({
      %run_scoped3A = tpu.sem_alloc : memref<!tpu.dma_semaphore, #tpu.memory_space<semaphore_mem>>
      %dma_start3A_68 = arith.constant 0 : i32
      %dma_start3A_69 = tpu.memref_slice %arg6[%arg0, %multiple_of3A_57, %dma_start3A_68] : memref<2x10240x128xf32, #tpu.memory_space<hbm>> -> memref<1x128x128xf32, #tpu.memory_space<hbm>>
      %dma_start3A_70 = tpu.memref_squeeze %dma_start3A_69 : memref<1x128x128xf32, #tpu.memory_space<hbm>> -> memref<128x128xf32, #tpu.memory_space<hbm>>
      %dma_start3A_71 = arith.constant 0 : i32
      %dma_start3A_72 = tpu.memref_slice %arg12[%multiple_of3A_57, %dma_start3A_71] : memref<10240x128xf32, #tpu.memory_space<vmem_shared>> -> memref<128x128xf32, #tpu.memory_space<vmem_shared>>
      tpu.enqueue_dma source(%dma_start3A_72 : memref<128x128xf32, #tpu.memory_space<vmem_shared>>) target(%dma_start3A_70 : memref<128x128xf32, #tpu.memory_space<hbm>>) target_semaphore(%run_scoped3A : memref<!tpu.dma_semaphore, #tpu.memory_space<semaphore_mem>>)
      %dma_wait3A = arith.constant 0 : i32
      %dma_wait3A_73 = tpu.memref_slice %arg6[%arg0, %multiple_of3A_57, %dma_wait3A] : memref<2x10240x128xf32, #tpu.memory_space<hbm>> -> memref<1x128x128xf32, #tpu.memory_space<hbm>>
      %dma_wait3A_74 = tpu.memref_squeeze %dma_wait3A_73 : memref<1x128x128xf32, #tpu.memory_space<hbm>> -> memref<128x128xf32, #tpu.memory_space<hbm>>
      %dma_wait3A_75 = arith.constant 0 : i32
      %dma_wait3A_76 = tpu.memref_slice %arg12[%multiple_of3A_57, %dma_wait3A_75] : memref<10240x128xf32, #tpu.memory_space<vmem_shared>> -> memref<128x128xf32, #tpu.memory_space<vmem_shared>>
      tpu.wait_dma2 semaphore(%run_scoped3A : memref<!tpu.dma_semaphore, #tpu.memory_space<semaphore_mem>>) src(%dma_wait3A_76 : memref<128x128xf32, #tpu.memory_space<vmem_shared>>) dst(%dma_wait3A_74 : memref<128x128xf32, #tpu.memory_space<hbm>>)
      tpu.yield
    }) : () -> ()
    %mul3A_58 = arith.constant 640 : i32
    %mul3A_59 = arith.muli %arg1, %mul3A_58 : i32
    %add3A_60 = arith.constant 384 : i32
    %add3A_61 = arith.addi %mul3A_59, %add3A_60 : i32
    %multiple_of3A_62 = tpu.assume_multiple %add3A_61, 128 : i32
    "tpu.region"() ({
      %run_scoped3A = tpu.sem_alloc : memref<!tpu.dma_semaphore, #tpu.memory_space<semaphore_mem>>
      %dma_start3A_68 = arith.constant 0 : i32
      %dma_start3A_69 = tpu.memref_slice %arg6[%arg0, %multiple_of3A_62, %dma_start3A_68] : memref<2x10240x128xf32, #tpu.memory_space<hbm>> -> memref<1x128x128xf32, #tpu.memory_space<hbm>>
      %dma_start3A_70 = tpu.memref_squeeze %dma_start3A_69 : memref<1x128x128xf32, #tpu.memory_space<hbm>> -> memref<128x128xf32, #tpu.memory_space<hbm>>
      %dma_start3A_71 = arith.constant 0 : i32
      %dma_start3A_72 = tpu.memref_slice %arg12[%multiple_of3A_62, %dma_start3A_71] : memref<10240x128xf32, #tpu.memory_space<vmem_shared>> -> memref<128x128xf32, #tpu.memory_space<vmem_shared>>
      tpu.enqueue_dma source(%dma_start3A_72 : memref<128x128xf32, #tpu.memory_space<vmem_shared>>) target(%dma_start3A_70 : memref<128x128xf32, #tpu.memory_space<hbm>>) target_semaphore(%run_scoped3A : memref<!tpu.dma_semaphore, #tpu.memory_space<semaphore_mem>>)
      %dma_wait3A = arith.constant 0 : i32
      %dma_wait3A_73 = tpu.memref_slice %arg6[%arg0, %multiple_of3A_62, %dma_wait3A] : memref<2x10240x128xf32, #tpu.memory_space<hbm>> -> memref<1x128x128xf32, #tpu.memory_space<hbm>>
      %dma_wait3A_74 = tpu.memref_squeeze %dma_wait3A_73 : memref<1x128x128xf32, #tpu.memory_space<hbm>> -> memref<128x128xf32, #tpu.memory_space<hbm>>
      %dma_wait3A_75 = arith.constant 0 : i32
      %dma_wait3A_76 = tpu.memref_slice %arg12[%multiple_of3A_62, %dma_wait3A_75] : memref<10240x128xf32, #tpu.memory_space<vmem_shared>> -> memref<128x128xf32, #tpu.memory_space<vmem_shared>>
      tpu.wait_dma2 semaphore(%run_scoped3A : memref<!tpu.dma_semaphore, #tpu.memory_space<semaphore_mem>>) src(%dma_wait3A_76 : memref<128x128xf32, #tpu.memory_space<vmem_shared>>) dst(%dma_wait3A_74 : memref<128x128xf32, #tpu.memory_space<hbm>>)
      tpu.yield
    }) : () -> ()
    %mul3A_63 = arith.constant 640 : i32
    %mul3A_64 = arith.muli %arg1, %mul3A_63 : i32
    %add3A_65 = arith.constant 512 : i32
    %add3A_66 = arith.addi %mul3A_64, %add3A_65 : i32
    %multiple_of3A_67 = tpu.assume_multiple %add3A_66, 128 : i32
    "tpu.region"() ({
      %run_scoped3A = tpu.sem_alloc : memref<!tpu.dma_semaphore, #tpu.memory_space<semaphore_mem>>
      %dma_start3A_68 = arith.constant 0 : i32
      %dma_start3A_69 = tpu.memref_slice %arg6[%arg0, %multiple_of3A_67, %dma_start3A_68] : memref<2x10240x128xf32, #tpu.memory_space<hbm>> -> memref<1x128x128xf32, #tpu.memory_space<hbm>>
      %dma_start3A_70 = tpu.memref_squeeze %dma_start3A_69 : memref<1x128x128xf32, #tpu.memory_space<hbm>> -> memref<128x128xf32, #tpu.memory_space<hbm>>
      %dma_start3A_71 = arith.constant 0 : i32
      %dma_start3A_72 = tpu.memref_slice %arg12[%multiple_of3A_67, %dma_start3A_71] : memref<10240x128xf32, #tpu.memory_space<vmem_shared>> -> memref<128x128xf32, #tpu.memory_space<vmem_shared>>
      tpu.enqueue_dma source(%dma_start3A_72 : memref<128x128xf32, #tpu.memory_space<vmem_shared>>) target(%dma_start3A_70 : memref<128x128xf32, #tpu.memory_space<hbm>>) target_semaphore(%run_scoped3A : memref<!tpu.dma_semaphore, #tpu.memory_space<semaphore_mem>>)
      %dma_wait3A = arith.constant 0 : i32
      %dma_wait3A_73 = tpu.memref_slice %arg6[%arg0, %multiple_of3A_67, %dma_wait3A] : memref<2x10240x128xf32, #tpu.memory_space<hbm>> -> memref<1x128x128xf32, #tpu.memory_space<hbm>>
      %dma_wait3A_74 = tpu.memref_squeeze %dma_wait3A_73 : memref<1x128x128xf32, #tpu.memory_space<hbm>> -> memref<128x128xf32, #tpu.memory_space<hbm>>
      %dma_wait3A_75 = arith.constant 0 : i32
      %dma_wait3A_76 = tpu.memref_slice %arg12[%multiple_of3A_67, %dma_wait3A_75] : memref<10240x128xf32, #tpu.memory_space<vmem_shared>> -> memref<128x128xf32, #tpu.memory_space<vmem_shared>>
      tpu.wait_dma2 semaphore(%run_scoped3A : memref<!tpu.dma_semaphore, #tpu.memory_space<semaphore_mem>>) src(%dma_wait3A_76 : memref<128x128xf32, #tpu.memory_space<vmem_shared>>) dst(%dma_wait3A_74 : memref<128x128xf32, #tpu.memory_space<hbm>>)
      tpu.yield
    }) : () -> ()
    return
  }
}

module attributes {stable_mosaic.version = 14 : i64} {
  func.func @body(%arg0: i32, %arg1: memref<2048x16xf32, #tpu.memory_space<vmem>>, %arg2: memref<16x128xf32, #tpu.memory_space<vmem>>, %arg3: memref<1x128xf32, #tpu.memory_space<vmem>>, %arg4: memref<16x128xf32, #tpu.memory_space<vmem>>, %arg5: memref<1x128xf32, #tpu.memory_space<vmem>>, %arg6: memref<2048x128xf32, #tpu.memory_space<vmem>>, %arg7: memref<2048x128xf32, #tpu.memory_space<vmem>>) attributes {dimension_semantics = [#tpu.dimension_semantics<arbitrary>], iteration_bounds = array<i64: 160>, scalar_prefetch = 0 : i64, scratch_operands = 0 : i64, tpu.core_type = #tpu.core_type<tc>, window_params = [{transform_indices = @transform_0, window_bounds = array<i64: 2048, 16>}, {pipeline_mode = #tpu.pipeline_mode<synchronous>, transform_indices = @transform_1, window_bounds = array<i64: 16, 128>}, {pipeline_mode = #tpu.pipeline_mode<synchronous>, transform_indices = @transform_2, window_bounds = array<i64: 1, 128>}, {pipeline_mode = #tpu.pipeline_mode<synchronous>, transform_indices = @transform_3, window_bounds = array<i64: 16, 128>}, {pipeline_mode = #tpu.pipeline_mode<synchronous>, transform_indices = @transform_4, window_bounds = array<i64: 1, 128>}, {transform_indices = @transform_5, window_bounds = array<i64: 2048, 128>}, {transform_indices = @transform_6, window_bounds = array<i64: 2048, 128>}]} {
    %get3A = arith.constant 0 : index
    %get3A_0 = arith.constant 0 : index
    %get3A_1 = vector.load %arg1[%get3A, %get3A_0] : memref<2048x16xf32, #tpu.memory_space<vmem>>, vector<2048x16xf32>
    %get3A_2 = arith.constant 0 : index
    %get3A_3 = arith.constant 0 : index
    %get3A_4 = vector.load %arg2[%get3A_2, %get3A_3] : memref<16x128xf32, #tpu.memory_space<vmem>>, vector<16x128xf32>
    %dot_general3A = arith.constant dense<0.000000e+00> : vector<2048x128xf32>
    %dot_general3A_5 = tpu.matmul %get3A_1, %get3A_4, %dot_general3A {dimension_numbers = #tpu.dot_dimension_numbers<[1], [0], [0], [1], [0, 0, 1, 1], [], []>, transpose_lhs_hint = false} : vector<2048x16xf32>, vector<16x128xf32>, vector<2048x128xf32> -> vector<2048x128xf32>
    %get3A_6 = arith.constant 0 : index
    %get3A_7 = arith.constant 0 : index
    %get3A_8 = vector.load %arg3[%get3A_6, %get3A_7] : memref<1x128xf32, #tpu.memory_space<vmem>>, vector<1x128xf32>
    %add3A = vector.broadcast %get3A_8 : vector<1x128xf32> to vector<2048x128xf32>
    %add3A_9 = arith.addf %dot_general3A_5, %add3A : vector<2048x128xf32>
    %swap3A = arith.constant 0 : index
    %swap3A_10 = arith.constant 0 : index
    %swap3A_11 = vector.load %arg6[%swap3A, %swap3A_10] : memref<2048x128xf32, #tpu.memory_space<vmem>>, vector<2048x128xf32>
    tpu.vector_store %arg6[%swap3A, %swap3A_10], %add3A_9 {strides = array<i32>} : memref<2048x128xf32, #tpu.memory_space<vmem>>, vector<2048x128xf32>,
    %get3A_12 = arith.constant 0 : index
    %get3A_13 = arith.constant 0 : index
    %get3A_14 = vector.load %arg4[%get3A_12, %get3A_13] : memref<16x128xf32, #tpu.memory_space<vmem>>, vector<16x128xf32>
    %dot_general3A_15 = arith.constant dense<0.000000e+00> : vector<2048x128xf32>
    %dot_general3A_16 = tpu.matmul %get3A_1, %get3A_14, %dot_general3A_15 {dimension_numbers = #tpu.dot_dimension_numbers<[1], [0], [0], [1], [0, 0, 1, 1], [], []>, transpose_lhs_hint = false} : vector<2048x16xf32>, vector<16x128xf32>, vector<2048x128xf32> -> vector<2048x128xf32>
    %get3A_17 = arith.constant 0 : index
    %get3A_18 = arith.constant 0 : index
    %get3A_19 = vector.load %arg5[%get3A_17, %get3A_18] : memref<1x128xf32, #tpu.memory_space<vmem>>, vector<1x128xf32>
    %add3A_20 = vector.broadcast %get3A_19 : vector<1x128xf32> to vector<2048x128xf32>
    %add3A_21 = arith.addf %dot_general3A_16, %add3A_20 : vector<2048x128xf32>
    %swap3A_22 = arith.constant 0 : index
    %swap3A_23 = arith.constant 0 : index
    %swap3A_24 = vector.load %arg7[%swap3A_22, %swap3A_23] : memref<2048x128xf32, #tpu.memory_space<vmem>>, vector<2048x128xf32>
    tpu.vector_store %arg7[%swap3A_22, %swap3A_23], %add3A_21 {strides = array<i32>} : memref<2048x128xf32, #tpu.memory_space<vmem>>, vector<2048x128xf32>,
    return
  }
  func.func @transform_0(%arg0: i32) -> (i32, i32) {
    %c0_i32 = arith.constant 0 : i32
    %c0_i32_0 = arith.constant 0 : i32
    return %arg0, %c0_i32 : i32, i32
  }
  func.func @transform_1(%arg0: i32) -> (i32, i32) {
    %c0_i32 = arith.constant 0 : i32
    %c0_i32_0 = arith.constant 0 : i32
    %c0_i32_1 = arith.constant 0 : i32
    return %c0_i32, %c0_i32_0 : i32, i32
  }
  func.func @transform_2(%arg0: i32) -> (i32, i32) {
    %c0_i32 = arith.constant 0 : i32
    %c0_i32_0 = arith.constant 0 : i32
    %c0_i32_1 = arith.constant 0 : i32
    return %c0_i32, %c0_i32_0 : i32, i32
  }
  func.func @transform_3(%arg0: i32) -> (i32, i32) {
    %c0_i32 = arith.constant 0 : i32
    %c0_i32_0 = arith.constant 0 : i32
    %c0_i32_1 = arith.constant 0 : i32
    return %c0_i32, %c0_i32_0 : i32, i32
  }
  func.func @transform_4(%arg0: i32) -> (i32, i32) {
    %c0_i32 = arith.constant 0 : i32
    %c0_i32_0 = arith.constant 0 : i32
    %c0_i32_1 = arith.constant 0 : i32
    return %c0_i32, %c0_i32_0 : i32, i32
  }
  func.func @transform_5(%arg0: i32) -> (i32, i32) {
    %c0_i32 = arith.constant 0 : i32
    %c0_i32_0 = arith.constant 0 : i32
    return %arg0, %c0_i32 : i32, i32
  }
  func.func @transform_6(%arg0: i32) -> (i32, i32) {
    %c0_i32 = arith.constant 0 : i32
    %c0_i32_0 = arith.constant 0 : i32
    return %arg0, %c0_i32 : i32, i32
  }
}

module attributes {stable_mosaic.version = 14 : i64} {
  func.func @body(%arg0: memref<10000x128xf32, #tpu.memory_space<vmem>>, %arg1: memref<2x10240x128xf32, #tpu.memory_space<vmem>>, %arg2: memref<128x128xf32, #tpu.memory_space<vmem>>, %arg3: memref<1x128xf32, #tpu.memory_space<vmem>>, %arg4: memref<1x128xf32, #tpu.memory_space<vmem>>, %arg5: memref<1x128xf32, #tpu.memory_space<vmem>>, %arg6: memref<128x128xf32, #tpu.memory_space<vmem>>, %arg7: memref<1x128xf32, #tpu.memory_space<vmem>>, %arg8: memref<10000x128xf32, #tpu.memory_space<vmem>>) attributes {dimension_semantics = [], scalar_prefetch = 0 : i64, scratch_operands = 0 : i64, tpu.core_type = #tpu.core_type<tc>} {
    %get3A = arith.constant 0 : index
    %get3A_0 = arith.constant 0 : index
    %get3A_1 = vector.load %arg0[%get3A, %get3A_0] : memref<10000x128xf32, #tpu.memory_space<vmem>>, vector<10000x128xf32>
    %get3A_2 = arith.constant 0 : index
    %get3A_3 = arith.constant 0 : index
    %get3A_4 = arith.constant 0 : index
    %get3A_5 = vector.load %arg1[%get3A_2, %get3A_3, %get3A_4] : memref<2x10240x128xf32, #tpu.memory_space<vmem>>, vector<1x10000x128xf32>
    %get3A_6 = vector.shape_cast %get3A_5 : vector<1x10000x128xf32> to vector<10000x128xf32>
    %add3A = arith.addf %get3A_1, %get3A_6 : vector<10000x128xf32>
    %get3A_7 = arith.constant 1 : index
    %get3A_8 = arith.constant 0 : index
    %get3A_9 = arith.constant 0 : index
    %get3A_10 = vector.load %arg1[%get3A_7, %get3A_8, %get3A_9] : memref<2x10240x128xf32, #tpu.memory_space<vmem>>, vector<1x10000x128xf32>
    %get3A_11 = vector.shape_cast %get3A_10 : vector<1x10000x128xf32> to vector<10000x128xf32>
    %add3A_12 = arith.addf %add3A, %get3A_11 : vector<10000x128xf32>
    %get3A_13 = arith.constant 0 : index
    %get3A_14 = arith.constant 0 : index
    %get3A_15 = vector.load %arg2[%get3A_13, %get3A_14] : memref<128x128xf32, #tpu.memory_space<vmem>>, vector<128x128xf32>
    %dot_general3A = arith.constant dense<0.000000e+00> : vector<10000x128xf32>
    %dot_general3A_16 = tpu.matmul %add3A_12, %get3A_15, %dot_general3A {dimension_numbers = #tpu.dot_dimension_numbers<[1], [0], [0], [1], [0, 0, 1, 1], [], []>, transpose_lhs_hint = false} : vector<10000x128xf32>, vector<128x128xf32>, vector<10000x128xf32> -> vector<10000x128xf32>
    %get3A_17 = arith.constant 0 : index
    %get3A_18 = arith.constant 0 : index
    %get3A_19 = vector.load %arg3[%get3A_17, %get3A_18] : memref<1x128xf32, #tpu.memory_space<vmem>>, vector<1x128xf32>
    %add3A_20 = vector.broadcast %get3A_19 : vector<1x128xf32> to vector<10000x128xf32>
    %add3A_21 = arith.addf %dot_general3A_16, %add3A_20 : vector<10000x128xf32>
    %reduce_sum3A = arith.constant dense<0.000000e+00> : vector<128xf32>
    %reduce_sum3A_22 = vector.multi_reduction <add>, %add3A_21, %reduce_sum3A [0] : vector<10000x128xf32> to vector<128xf32>
    %broadcast_in_dim3A = vector.shape_cast %reduce_sum3A_22 : vector<128xf32> to vector<1x128xf32>
    %div3A = arith.constant 1.000000e+04 : f32
    %div3A_23 = vector.broadcast %div3A : f32 to vector<1x128xf32>
    %div3A_24 = arith.divf %broadcast_in_dim3A, %div3A_23 : vector<1x128xf32>
    %sub3A = vector.broadcast %div3A_24 : vector<1x128xf32> to vector<10000x128xf32>
    %sub3A_25 = arith.subf %add3A_21, %sub3A : vector<10000x128xf32>
    %square3A = arith.mulf %sub3A_25, %sub3A_25 : vector<10000x128xf32>
    %reduce_sum3A_26 = arith.constant dense<0.000000e+00> : vector<128xf32>
    %reduce_sum3A_27 = vector.multi_reduction <add>, %square3A, %reduce_sum3A_26 [0] : vector<10000x128xf32> to vector<128xf32>
    %broadcast_in_dim3A_28 = vector.shape_cast %reduce_sum3A_27 : vector<128xf32> to vector<1x128xf32>
    %div3A_29 = arith.constant 1.000000e+04 : f32
    %div3A_30 = vector.broadcast %div3A_29 : f32 to vector<1x128xf32>
    %div3A_31 = arith.divf %broadcast_in_dim3A_28, %div3A_30 : vector<1x128xf32>
    %sub3A_32 = vector.broadcast %div3A_24 : vector<1x128xf32> to vector<10000x128xf32>
    %sub3A_33 = arith.subf %add3A_21, %sub3A_32 : vector<10000x128xf32>
    %add3A_34 = arith.constant 9.99999974E-6 : f32
    %add3A_35 = vector.broadcast %add3A_34 : f32 to vector<1x128xf32>
    %add3A_36 = arith.addf %div3A_31, %add3A_35 : vector<1x128xf32>
    %rsqrt3A = math.rsqrt %add3A_36 : vector<1x128xf32>
    %mul3A = vector.broadcast %rsqrt3A : vector<1x128xf32> to vector<10000x128xf32>
    %mul3A_37 = arith.mulf %sub3A_33, %mul3A : vector<10000x128xf32>
    %get3A_38 = arith.constant 0 : index
    %get3A_39 = arith.constant 0 : index
    %get3A_40 = vector.load %arg4[%get3A_38, %get3A_39] : memref<1x128xf32, #tpu.memory_space<vmem>>, vector<1x128xf32>
    %mul3A_41 = vector.broadcast %get3A_40 : vector<1x128xf32> to vector<10000x128xf32>
    %mul3A_42 = arith.mulf %mul3A_37, %mul3A_41 : vector<10000x128xf32>
    %get3A_43 = arith.constant 0 : index
    %get3A_44 = arith.constant 0 : index
    %get3A_45 = vector.load %arg5[%get3A_43, %get3A_44] : memref<1x128xf32, #tpu.memory_space<vmem>>, vector<1x128xf32>
    %add3A_46 = vector.broadcast %get3A_45 : vector<1x128xf32> to vector<10000x128xf32>
    %add3A_47 = arith.addf %mul3A_42, %add3A_46 : vector<10000x128xf32>
    %max3A = arith.constant 0.000000e+00 : f32
    %max3A_48 = vector.broadcast %max3A : f32 to vector<10000x128xf32>
    %max3A_49 = arith.maximumf %add3A_47, %max3A_48 : vector<10000x128xf32>
    %get3A_50 = arith.constant 0 : index
    %get3A_51 = arith.constant 0 : index
    %get3A_52 = vector.load %arg6[%get3A_50, %get3A_51] : memref<128x128xf32, #tpu.memory_space<vmem>>, vector<128x128xf32>
    %dot_general3A_53 = arith.constant dense<0.000000e+00> : vector<10000x128xf32>
    %dot_general3A_54 = tpu.matmul %max3A_49, %get3A_52, %dot_general3A_53 {dimension_numbers = #tpu.dot_dimension_numbers<[1], [0], [0], [1], [0, 0, 1, 1], [], []>, transpose_lhs_hint = false} : vector<10000x128xf32>, vector<128x128xf32>, vector<10000x128xf32> -> vector<10000x128xf32>
    %get3A_55 = arith.constant 0 : index
    %get3A_56 = arith.constant 0 : index
    %get3A_57 = vector.load %arg7[%get3A_55, %get3A_56] : memref<1x128xf32, #tpu.memory_space<vmem>>, vector<1x128xf32>
    %add3A_58 = vector.broadcast %get3A_57 : vector<1x128xf32> to vector<10000x128xf32>
    %add3A_59 = arith.addf %dot_general3A_54, %add3A_58 : vector<10000x128xf32>
    %max3A_60 = arith.constant 0.000000e+00 : f32
    %max3A_61 = vector.broadcast %max3A_60 : f32 to vector<10000x128xf32>
    %max3A_62 = arith.maximumf %add3A_59, %max3A_61 : vector<10000x128xf32>
    %swap3A = arith.constant 0 : index
    %swap3A_63 = arith.constant 0 : index
    %swap3A_64 = vector.load %arg8[%swap3A, %swap3A_63] : memref<10000x128xf32, #tpu.memory_space<vmem>>, vector<10000x128xf32>
    tpu.vector_store %arg8[%swap3A, %swap3A_63], %max3A_62 {strides = array<i32>} : memref<10000x128xf32, #tpu.memory_space<vmem>>, vector<10000x128xf32>,
    return
  }
}

module attributes {stable_mosaic.version = 14 : i64} {
  func.func @body(%arg0: i32, %arg1: memref<2000x128xf32, #tpu.memory_space<vmem>>, %arg2: memref<128x512xf32, #tpu.memory_space<vmem>>, %arg3: memref<1x512xf32, #tpu.memory_space<vmem>>, %arg4: memref<1x512xf32, #tpu.memory_space<vmem>>, %arg5: memref<1x1xf32, #tpu.memory_space<vmem>>, %arg6: memref<2000x1xf32, #tpu.memory_space<vmem>>) attributes {dimension_semantics = [#tpu.dimension_semantics<arbitrary>], iteration_bounds = array<i64: 5>, scalar_prefetch = 0 : i64, scratch_operands = 0 : i64, tpu.core_type = #tpu.core_type<tc>, window_params = [{transform_indices = @transform_0, window_bounds = array<i64: 2000, 128>}, {pipeline_mode = #tpu.pipeline_mode<synchronous>, transform_indices = @transform_1, window_bounds = array<i64: 128, 512>}, {pipeline_mode = #tpu.pipeline_mode<synchronous>, transform_indices = @transform_2, window_bounds = array<i64: 1, 512>}, {pipeline_mode = #tpu.pipeline_mode<synchronous>, transform_indices = @transform_3, window_bounds = array<i64: 1, 512>}, {pipeline_mode = #tpu.pipeline_mode<synchronous>, transform_indices = @transform_4, window_bounds = array<i64: 1, 1>}, {transform_indices = @transform_5, window_bounds = array<i64: 2000, 1>}]} {
    %get3A = arith.constant 0 : index
    %get3A_0 = arith.constant 0 : index
    %get3A_1 = vector.load %arg1[%get3A, %get3A_0] : memref<2000x128xf32, #tpu.memory_space<vmem>>, vector<2000x128xf32>
    %get3A_2 = arith.constant 0 : index
    %get3A_3 = arith.constant 0 : index
    %get3A_4 = vector.load %arg2[%get3A_2, %get3A_3] : memref<128x512xf32, #tpu.memory_space<vmem>>, vector<128x512xf32>
    %dot_general3A = arith.constant dense<0.000000e+00> : vector<2000x512xf32>
    %dot_general3A_5 = tpu.matmul %get3A_1, %get3A_4, %dot_general3A {dimension_numbers = #tpu.dot_dimension_numbers<[1], [0], [0], [1], [0, 0, 1, 1], [], []>, transpose_lhs_hint = false} : vector<2000x128xf32>, vector<128x512xf32>, vector<2000x512xf32> -> vector<2000x512xf32>
    %get3A_6 = arith.constant 0 : index
    %get3A_7 = arith.constant 0 : index
    %get3A_8 = vector.load %arg3[%get3A_6, %get3A_7] : memref<1x512xf32, #tpu.memory_space<vmem>>, vector<1x512xf32>
    %add3A = vector.broadcast %get3A_8 : vector<1x512xf32> to vector<2000x512xf32>
    %add3A_9 = arith.addf %dot_general3A_5, %add3A : vector<2000x512xf32>
    %gt3A = arith.constant 0.000000e+00 : f32
    %gt3A_10 = vector.broadcast %gt3A : f32 to vector<2000x512xf32>
    %gt3A_11 = arith.cmpf ogt, %add3A_9, %gt3A_10 : vector<2000x512xf32>
    %mul3A = arith.constant 0.00999999977 : f32
    %mul3A_12 = vector.broadcast %mul3A : f32 to vector<2000x512xf32>
    %mul3A_13 = arith.mulf %mul3A_12, %add3A_9 : vector<2000x512xf32>
    %select_n3A = arith.select %gt3A_11, %add3A_9, %mul3A_13 : vector<2000x512xi1>, vector<2000x512xf32>
    %get3A_14 = arith.constant 0 : index
    %get3A_15 = arith.constant 0 : index
    %get3A_16 = vector.load %arg4[%get3A_14, %get3A_15] : memref<1x512xf32, #tpu.memory_space<vmem>>, vector<1x512xf32>
    %mul3A_17 = vector.broadcast %get3A_16 : vector<1x512xf32> to vector<2000x512xf32>
    %mul3A_18 = arith.mulf %select_n3A, %mul3A_17 : vector<2000x512xf32>
    %reduce_sum3A = arith.constant dense<0.000000e+00> : vector<2000xf32>
    %reduce_sum3A_19 = vector.multi_reduction <add>, %mul3A_18, %reduce_sum3A [1] : vector<2000x512xf32> to vector<2000xf32>
    %broadcast_in_dim3A = vector.shape_cast %reduce_sum3A_19 : vector<2000xf32> to vector<2000x1xf32>
    %get3A_20 = arith.constant 0 : index
    %get3A_21 = arith.constant 0 : index
    %get3A_22 = vector.load %arg5[%get3A_20, %get3A_21] : memref<1x1xf32, #tpu.memory_space<vmem>>, vector<1x1xf32>
    %add3A_23 = vector.broadcast %get3A_22 : vector<1x1xf32> to vector<2000x1xf32>
    %add3A_24 = arith.addf %broadcast_in_dim3A, %add3A_23 : vector<2000x1xf32>
    %swap3A = arith.constant 0 : index
    %swap3A_25 = arith.constant 0 : index
    %swap3A_26 = vector.load %arg6[%swap3A, %swap3A_25] : memref<2000x1xf32, #tpu.memory_space<vmem>>, vector<2000x1xf32>
    tpu.vector_store %arg6[%swap3A, %swap3A_25], %add3A_24 {strides = array<i32>} : memref<2000x1xf32, #tpu.memory_space<vmem>>, vector<2000x1xf32>,
    return
  }
  func.func @transform_0(%arg0: i32) -> (i32, i32) {
    %c0_i32 = arith.constant 0 : i32
    %c0_i32_0 = arith.constant 0 : i32
    return %arg0, %c0_i32 : i32, i32
  }
  func.func @transform_1(%arg0: i32) -> (i32, i32) {
    %c0_i32 = arith.constant 0 : i32
    %c0_i32_0 = arith.constant 0 : i32
    %c0_i32_1 = arith.constant 0 : i32
    return %c0_i32, %c0_i32_0 : i32, i32
  }
  func.func @transform_2(%arg0: i32) -> (i32, i32) {
    %c0_i32 = arith.constant 0 : i32
    %c0_i32_0 = arith.constant 0 : i32
    %c0_i32_1 = arith.constant 0 : i32
    return %c0_i32, %c0_i32_0 : i32, i32
  }
  func.func @transform_3(%arg0: i32) -> (i32, i32) {
    %c0_i32 = arith.constant 0 : i32
    %c0_i32_0 = arith.constant 0 : i32
    %c0_i32_1 = arith.constant 0 : i32
    return %c0_i32, %c0_i32_0 : i32, i32
  }
  func.func @transform_4(%arg0: i32) -> (i32, i32) {
    %c0_i32 = arith.constant 0 : i32
    %c0_i32_0 = arith.constant 0 : i32
    %c0_i32_1 = arith.constant 0 : i32
    return %c0_i32, %c0_i32_0 : i32, i32
  }
  func.func @transform_5(%arg0: i32) -> (i32, i32) {
    %c0_i32 = arith.constant 0 : i32
    %c0_i32_0 = arith.constant 0 : i32
    return %arg0, %c0_i32 : i32, i32
  }
}

</mosaic_0001>

<sc_bundles>
// kernel: kernel.11.cloned.1.call-start
scs
__scs_entry_jumppad:
0x0: {  	(pc) =	sbr.rel $0x88, $3  }
0x1: {  	(tag) =	ssettag $0x0;
	lr =	simm.s32 $0x1  }
0x2: {  	[smem:$0x3F8A] =	sst lr;
	_ =	strace $0xD0000000  }
0x3: {  	_ = 	snop  }
0x4: {  	_ = 	snop  }
0x5: {  	_ = 	snop  }
0x6: {  	_ = 	snop  }
0x7: {  	_ = 	snop  }
__scs_overlays_trampoline_lowered:
0x8: {  	[smem:$0x3F99] =	sst s0  }
0x9: {  	[smem:$0x3F9A] =	sst s1  }
0xa: {  	[smem:$0x3F9B] =	sst s2  }
0xb: {  	[smem:$0x3F9C] =	sst s3  }
0xc: {  	[smem:$0x3F9D] =	sst s4  }
0xd: {  	[smem:$0x3F9E] =	sst s5  }
0xe: {  	[smem:$0x3F9F] =	sst s6  }
0xf: {  	[smem:$0x3FA0] =	sst s7  }
0x10: {  	[smem:$0x3FA1] =	sst s8  }
0x11: {  	[smem:$0x3FA2] =	sst s9;
	s0 =	simm.s32 @!p0 $0x0  }
0x12: {  	s1 =	sld [smem:$0x3F88];
	s0 =	simm.s32 @p0 $0x1  }
0x13: {  	[smem:$0x3FA3] =	sst s0;
	s0 =	simm.s32 @!p1 $0x0  }
0x14: {  	s2 =	sld [smem:$0x3F87];
	s0 =	simm.s32 @p1 $0x1  }
0x15: {  	[smem:$0x3FA4] =	sst s0;
	s0 =	simm.s32 @!p2 $0x0  }
0x16: {  	s3 =	sld [smem:$0x3FDB];
	s0 =	simm.s32 @p2 $0x1  }
0x17: {  	s4 =	simm.s32 $0x1BF5;
	[smem:$0x3FA6] =	sst s0  }
0x18: {  	s0 =	sld [smem:$0x3F89];
	_ =	swait.ge [sflag:s4], $0x0  }
0x19: {  	s7 =	sld [smem:$0x3F8A]  }
0x1a: {  	s8 =	sadd.s32 $0xFFFFE003, lr  }
0x1b: {  	s9 =	sadd.s32 $0xFFFFFEF7, lr;
	s5 =	simm.s32 $0xFFFFFFFF;
	p2 =	slt.u32 s8, $0xFFFFF086  }
0x1c: {  	p1 =	slt.u32 s9, $0xF7A;
	s5 =	simm.s32 @!p2 $0x0  }
0x1d: {  	s5 =	simm.s32 @p1 $0x1;
	p0 =	seq.s32 s7, s2  }
0x1e: {  	s7 =	smul.u32 @!p0 $0xF7A, s2;
	p2 =	seq.s32 @!p0 s5, $0x0  }
0x1f: {  	s9 =	smul.u32 $0xF7A, s1;
	s8 =	simm.s32 @!p0 $0x1BF5;
	p2 =	por !p2, p0  }
0x20: {  	[sflag:s8] =	ssyncset.s32 @!p0 $0xFFFFF086;
	s6 =	sadd.s32 @!p0 s3, s7;
	s7 =	simm.s32 @!p0 $0x108  }
0x21: {  	s3 =	sadd.s32 s3, s9;
	s6 =	sadd.s32 @!p0 $0x88, s6;
	s7 =	simm.s32 @p2 $0x1082  }
0x22: {  	[simem:s7], [sflag:s8] =	dma.local @!p0 [hbm:s6], $0xF7A  }
0x23: {  	s9 =	sor.u32 $0xD0000000, s2;
	s6 =	simm.s32 $0x108;
	_ =	swait.ge @!p0 [sflag:s8], $0x0  }
0x24: {  	s3 =	sadd.s32 $0x88, s3;
	s6 =	simm.s32 @!p1 $0x1082;
	[sflag:s4] =	ssyncset.s32 $0xFFFFF086  }
0x25: {  	[simem:s6], [sflag:s4] =	dma.local [hbm:s3], $0xF7A  }
0x26: {  	[smem:$0x3F8A] =	sst s1;
	(tag) =	ssettag s2;
	_ =	strace s9  }
0x27: {  	s1 =	sld [smem:$0x3F9A]  }
0x28: {  	s2 =	sld [smem:$0x3F9B]  }
0x29: {  	s4 =	sld [smem:$0x3F9D]  }
0x2a: {  	p0 =	seq.s32 s5, $0x0;
	s5 =	sld [smem:$0x3F9E]  }
0x2b: {  	s6 =	sld [smem:$0x3F9F]  }
0x2c: {  	s7 =	sld [smem:$0x3FA0]  }
0x2d: {  	s3 =	simm.s32 $0x108;
	s8 =	sld [smem:$0x3FA1]  }
0x2e: {  	s3 =	simm.s32 @!p0 $0x1082;
	s9 =	sld [smem:$0x3FA2]  }
0x2f: {  	lr =	sadd.s32 s0, s3;
	s0 =	sld [smem:$0x3F99]  }
0x30: {  	s3 =	sld [smem:$0x3F9C]  }
0x31: {  	[smem:$0x3FA5] =	sst s10  }
0x32: {  	s10 =	sld [smem:$0x3FA3];
	_ =	sdelay $0x3  }
0x33: {  	p0 =	seq.s32 s10, $0x1;
	s10 =	sld [smem:$0x3FA5];
	_ =	sdelay $0x3  }
0x34: {  	[smem:$0x3FA5] =	sst s10  }
0x35: {  	s10 =	sld [smem:$0x3FA4];
	_ =	sdelay $0x3  }
0x36: {  	p1 =	seq.s32 s10, $0x1;
	s10 =	sld [smem:$0x3FA5];
	_ =	sdelay $0x3  }
0x37: {  	[smem:$0x3FA5] =	sst s10  }
0x38: {  	s10 =	sld [smem:$0x3FA6]  }
0x39: {  	_ = 	snop;
	(pc) =	sbr.ind lr, $3  }
0x3a: {  	_ = 	snop  }
0x3b: {  	_ = 	snop  }
0x3c: {  	p2 =	seq.s32 s10, $0x1;
	s10 =	sld [smem:$0x3FA5]  }
0x3d: {  	_ =	shalt  }
0x3e: {  	_ =	shalt  }
0x3f: {  	_ =	shalt  }
0x40: {  	_ =	shalt  }
0x41: {  	_ =	shalt  }
0x42: {  	_ =	shalt  }
0x43: {  	_ =	shalt  }
0x44: {  	_ =	shalt  }
0x45: {  	_ =	shalt  }
0x46: {  	_ =	shalt  }
0x47: {  	_ =	shalt  }
0x48: {  	_ =	shalt  }
0x49: {  	_ =	shalt  }
0x4a: {  	_ =	shalt  }
0x4b: {  	_ =	shalt  }
0x4c: {  	_ =	shalt  }
0x4d: {  	_ =	shalt  }
0x4e: {  	_ =	shalt  }
0x4f: {  	_ =	shalt  }
0x50: {  	_ =	shalt  }
0x51: {  	_ =	shalt  }
0x52: {  	_ =	shalt  }
0x53: {  	_ =	shalt  }
0x54: {  	_ =	shalt  }
0x55: {  	_ =	shalt  }
0x56: {  	_ =	shalt  }
0x57: {  	_ =	shalt  }
0x58: {  	_ =	shalt  }
0x59: {  	_ =	shalt  }
0x5a: {  	_ =	shalt  }
0x5b: {  	_ =	shalt  }
0x5c: {  	_ =	shalt  }
0x5d: {  	_ =	shalt  }
0x5e: {  	_ =	shalt  }
0x5f: {  	_ =	shalt  }
0x60: {  	_ =	shalt  }
0x61: {  	_ =	shalt  }
0x62: {  	_ =	shalt  }
0x63: {  	_ =	shalt  }
0x64: {  	_ =	shalt  }
0x65: {  	_ =	shalt  }
0x66: {  	_ =	shalt  }
0x67: {  	_ =	shalt  }
0x68: {  	_ =	shalt  }
0x69: {  	_ =	shalt  }
0x6a: {  	_ =	shalt  }
0x6b: {  	_ =	shalt  }
0x6c: {  	_ =	shalt  }
0x6d: {  	_ =	shalt  }
0x6e: {  	_ =	shalt  }
0x6f: {  	_ =	shalt  }
0x70: {  	_ =	shalt  }
0x71: {  	_ =	shalt  }
0x72: {  	_ =	shalt  }
0x73: {  	_ =	shalt  }
0x74: {  	_ =	shalt  }
0x75: {  	_ =	shalt  }
0x76: {  	_ =	shalt  }
0x77: {  	_ =	shalt  }
0x78: {  	_ =	shalt  }
0x79: {  	_ =	shalt  }
0x7a: {  	_ =	shalt  }
0x7b: {  	_ =	shalt  }
0x7c: {  	_ =	shalt  }
0x7d: {  	_ =	shalt  }
0x7e: {  	_ =	shalt  }
0x7f: {  	_ =	shalt  }
0x80: {  	_ =	shalt  }
0x81: {  	_ =	shalt  }
0x82: {  	_ =	shalt  }
0x83: {  	_ =	shalt  }
0x84: {  	_ =	shalt  }
0x85: {  	_ =	shalt  }
0x86: {  	_ =	shalt  }
0x87: {  	_ =	shalt  }
.Lfunc_end0:
.L_simem_size_0:
called_computation.1_lowered:
.L_overlay_start_0:
0x88: {  	s2 =	sld [smem:$0x3FD9]  }
0x89: {  	s3 =	sld [smem:$0x3FFE];
	_ =	sdelay $0x1  }
0x8a: {  	s1 =	srdreg.scid  }
0x8b: {  	s0 =	sand.u32 $0x1, s1  }
0x8c: {  	s16 =	sshll.u32 s0, $0xA;
	s2 =	sadd.s32 s3, s2  }
0x8d: {  	s2 =	sadd.s32 s2, s16  }
0x8e: {  	[smem:$0x3FB1] =	sst s2  }
0x8f: {  	_ = 	snop  }
0x90: {  	(tm) =	ssettm $0x1  }
0x91: {  	s17 =	sld [smem:$0x3FFB];
	_ =	sdelay $0x3  }
0x92: {  	_ =	strace s17  }
0x93: {  	s2 =	sld [smem:$0x3FFC];
	_ =	sdelay $0x3  }
0x94: {  	_ =	strace s2  }
0x95: {  	s2 =	sld [smem:$0x3FFD];
	_ =	sdelay $0x3  }
0x96: {  	_ =	strace s2  }
0x97: {  	_ =	strace $0x8FFFFFFF  }
0x98: {  	s18 =	sld [smem:$0x3FDB];
	_ =	sdelay $0x1  }
0x99: {  	s19 =	simm.s32 $_scs_section_size  }
0x9a: {  	s4 =	simm.s32 $_size__tile_overlayer_lowered;
	s5 =	simm.s32 $_tile_overlayer_lowered  }
0x9b: {  	s22 =	simm.s32 $0x1BFF;
	s21 =	sshll.u32 s5, $0x1;
	s2 =	sadd.s32 s19, s18  }
0x9c: {  	s6 =	simm.s32 $0x0;
	s20 =	sshll.u32 s4, $0x1;
	s4 =	sadd.s32 s21, s2  }
0x9d: {  	[timem:s6], [sflag:s22] =	dma.local [hbm:s4], s20  }
0x9e: {  	_ =	swait.ge [sflag:s22], s20  }
0x9f: {  	s3 =	ssub.s32 $0x0, s20;
	[sflag:s22] =	ssyncset.done $0x0  }
0xa0: {  	[sflag:s22] =	ssyncadd.s32 s3;
	_ =	sdelay $0x1  }
0xa1: {  	s23 =	simm.s32 $0x1B8B  }
0xa2: {  	_ =	swait.ge [sflag:s23], $0x1  }
0xa3: {  	[sflag:s23] =	ssyncset.done $0x0  }
0xa4: {  	s25 =	simm.s32 $0x1B8E;
	s24 =	sld [smem:$0x3FFE];
	[sflag:s23] =	ssyncadd.s32 $0xFFFFFFFF  }
0xa5: {  	s26 =	simm.s32 $execute0_lowered;
	[smem:$0x3FD2] =	sst s25  }
0xa6: {  	s4 =	sshll.u32 s26, $0x1;
	_ =	strace $0x80000049;
	[dreg:$0x1] =	wrdreg $0xFFFFFFFF  }
0xa7: {  	s28 =	simm.s32 $_size_execute0_lowered;
	s2 =	sadd.s32 s2, s4;
	[dreg:$0x0] =	wrdreg $0x0  }
0xa8: {  	s4 =	sshll.u32 s28, $0x1;
	[dreg:$0x2] =	wrdreg s2  }
0xa9: {  	[dreg:$0x3] =	wrdreg s4  }
0xaa: {  	[dreg:$0x4] =	wrdreg $0xC0  }
0xab: {  	_ =	task [dreg:s6], $0x5FFFF  }
0xac: {  	[dreg:$0x1] =	wrdreg $0xFFFFFFFF  }
0xad: {  	[dreg:$0x0] =	wrdreg $0x60  }
0xae: {  	[dreg:$0x2] =	wrdreg s24  }
0xaf: {  	[dreg:$0x3] =	wrdreg $0xA8000  }
0xb0: {  	[dreg:$0x4] =	wrdreg $0x9  }
0xb1: {  	_ =	task.clear_ibuf [dreg:s6], $0x5FFFF;
	_ =	strace $0x90000049  }
0xb2: {  	s29 =	simm.s32 $0x9;
	_ =	strace $0x8000004B  }
0xb3: {  	_ =	swait.ge [sflag:s29], $0x1  }
0xb4: {  	[sflag:s29] =	ssyncadd.s32 $0xFFFFFFFF  }
0xb5: {  	_ =	strace $0x9000004B  }
0xb6: {  	_ =	sfence  }
0xb7: {  	s30 =	sld [smem:$0x0];
	_ =	sdelay $0x2  }
0xb8: {  	s31 =	sshll.u32 s1, $0xD;
	s1 =	sshrl.u32 s1, $0x2  }
0xb9: {  	s3 =	sand.u32 $0x4000, s31;
	s1 =	sadd.s32 s1, s30  }
0xba: {  	s0 =	sor.u32 s3, s0;
	s1 =	sshll.u32 s1, $0x11  }
0xbb: {  	s0 =	sor.u32 s1, s0  }
0xbc: {  	s0 =	sadd.s32 $0x8F2B, s0  }
0xbd: {  	[sflag:s0] =	ssyncadd.remote.s32 $0x1  }
0xbe: {  	_ =	sfence.sel $0xFFFF  }
0xbf: {  	[dreg:$0x0] =	wrdreg $0xFFFFFFFF;
	(pc) =	sbr.abs _section_cstart, $3  }
0xc0: {  	[dreg:$0x1] =	wrdreg $0xFFFFFFFF  }
0xc1: {  	_ =	task.clear_ibuf [dreg:s6], $0x2FFFF;
	_ =	strace $0x9FFFFFFF  }
0xc2: {  	(tm) =	ssettm $0x7FFFFFFF  }
0xc3: {  	_ =	shalt  }
tec
execute0_lowered:
.L_overlay_start_1:
0x0: {  	(tag) =	ssettag $0x1  }
0x1: {  	s0 =	rddreg [dreg:$0x0]  }
0x2: {  	s1 =	rddreg [dreg:$0x1];
	s2 =	simm.s32 $0x0;
	s3 =	srdreg.scid  }
0x3: {  	s23 =	stileid.u32;
	s28 =	simm.s32 $0x8800;
	s29 =	simm.s32 $0x0  }
0x4: {  	[smem:$0x7FF] =	sst s2;
	s4 =	sadd.s32 $0x3400, s0;
	s5 =	sadd.s32 $0x4EF400, s0  }
0x5: {  	s3 =	sand.u32 $0x1, s3;
	s6 =	sadd.s32 $0x4E5400, s0;
	s9 =	smul.u32 $0x50000, s23  }
0x6: {  	s7 =	sadd.s32 $0xEF9400, s0;
	s13 =	smul.u32 $0x14000, s23;
	s15 =	sadd.s32 $0x2A600, s0  }
0x7: {  	s21 =	sshll.u32 s23, $0x8;
	_ =	strace $0x8000004A;
	s8 =	ssub.s32 $0x2, s3  }
0x8: {  	s12 =	sshll.u32 s3, $0x7;
	s19 =	smul.u32 $0x140000, s3;
	s10 =	sshrl.u32 s8, $0x1  }
0x9: {  	s30 =	sshrl.u32 s9, $0x2;
	s14 =	sadd.s32 $0x4000, s13;
	s17 =	sadd.s32 $0x8000, s13  }
0xa: {  	s18 =	sadd.s32 $0xC000, s13;
	s20 =	sadd.s32 $0x10000, s13;
	s22 =	sadd.s32 s5, s12  }
0xb: {  	s16 =	ssub.s32 s8, s10;
	s8 =	sadd.s32 s30, s1;
	s9 =	sadd.s32 s14, s1  }
0xc: {  	s10 =	sadd.s32 s17, s1;
	s11 =	sadd.s32 s18, s1;
	s12 =	sadd.s32 s20, s1  }
0xd: {  	s21 =	sadd.s32 s21, s22;
	s13 =	sadd.s32 s13, s19;
	s31 =	sadd.s32 s19, s14  }
0xe: {  	s14 =	sadd.s32 $0xEF9800, s0;
	s24 =	sadd.s32 s19, s17;
	s25 =	sadd.s32 s19, s18  }
0xf: {  	s26 =	sadd.s32 s19, s20;
	s22 =	simm.s32 $0x800;
	[dreg:$0x3] =	wrdreg s21  }
0x10: {  	s21 =	sshll.u32 s23, $0x1;
	s13 =	sshrl.u32 s13, $0x3;
	s23 =	sshrl.u32 s31, $0x3  }
0x11: {  	s31 =	sshrl.u32 s26, $0x3;
	s20 =	smax.u32 s16, $0x1;
	s26 =	simm.s32 $0x4800  }
0x12: {  	s13 =	sadd.s32 s15, s13;
	s0 =	sadd.s32 s15, s23;
	s19 =	sadd.s32 s15, s31  }
0x13: {  	s21 =	sor.u32 s3, s21;
	[dreg:$0x5] =	wrdreg s0;
	s0 =	sshrl.u32 s24, $0x3  }
0x14: {  	[dreg:$0x4] =	wrdreg s13;
	s13 =	sshrl.u32 s25, $0x3;
	s0 =	sadd.s32 s15, s0  }
0x15: {  	s23 =	simm.s32 $0x2;
	s30 =	sadd.s32 s15, s13;
	[dreg:$0x6] =	wrdreg s0  }
0x16: {  	v0 =	vimm.f32 $0.0e+00;
	s24 =	simm.s32 $0x80;
	s25 =	simm.s32 $0x1;
	[dreg:$0x7] =	wrdreg s30  }
.LBB2_1:
0x17: {  	s0 =	simm.s32 $0x0;
	s3 =	simm.s32 $0x200  }
.LBB2_2:
0x18: {  	p0 =	sne.s32 s3, $0xFE00;
	[tilespmem:s0+$0x870] =	vst v0  }
0x19: {  	[tilespmem:s0+$0x800] =	vst v0  }
0x1a: {  	[tilespmem:s0+$0x810] =	vst v0  }
.Ltmp0:
0x1b: {  	[tilespmem:s0+$0x820] =	vst v0;
	(pc) =	sbr.rel @p0 .LBB2_2-.Ltmp0, $4  }
0x1c: {  	[tilespmem:s0+$0x830] =	vst v0  }
0x1d: {  	[tilespmem:s0+$0x840] =	vst v0  }
0x1e: {  	[tilespmem:s0+$0x850] =	vst v0  }
0x1f: {  	[tilespmem:s0+$0x860] =	vst v0;
	s0 =	sshra.s32 s3, $0x2;
	s3 =	sadd.s32 $0x200, s3  }
0x20: {  	[tilespmem:s0+$0x870] =	vst v0  }
0x21: {  	[tilespmem:s0+$0x800] =	vst v0  }
0x22: {  	[tilespmem:s0+$0x810] =	vst v0  }
0x23: {  	[tilespmem:s0+$0x820] =	vst v0  }
0x24: {  	[tilespmem:s0+$0x830] =	vst v0  }
0x25: {  	[tilespmem:s0+$0x840] =	vst v0  }
0x26: {  	[tilespmem:s0+$0x850] =	vst v0  }
0x27: {  	[tilespmem:s0+$0x860] =	vst v0  }
0x28: {  	[spmem:s8] =	stream.linear.scatter [tilespmem:s22], [sflag:$0x2], $0x4000, $0x38;
	[tilespmem:$0x1E800] =	vst v63  }
0x29: {  	_ =	swait.ge [sflag:s23], $0x4000  }
0x2a: {  	[sflag:s23] =	ssyncset.done $0x0  }
0x2b: {  	[sflag:s23] =	ssyncadd.s32 $0xFFFFC000  }
0x2c: {  	[spmem:s9] =	stream.linear.scatter [tilespmem:s22], [sflag:$0x2], $0x4000, $0x38;
	[tilespmem:$0x1E800] =	vst v63  }
0x2d: {  	_ =	swait.ge [sflag:s23], $0x4000  }
0x2e: {  	[sflag:s23] =	ssyncset.done $0x0  }
0x2f: {  	[sflag:s23] =	ssyncadd.s32 $0xFFFFC000  }
0x30: {  	[spmem:s10] =	stream.linear.scatter [tilespmem:s22], [sflag:$0x2], $0x4000, $0x38;
	[tilespmem:$0x1E800] =	vst v63  }
0x31: {  	_ =	swait.ge [sflag:s23], $0x4000  }
0x32: {  	[sflag:s23] =	ssyncset.done $0x0  }
0x33: {  	[sflag:s23] =	ssyncadd.s32 $0xFFFFC000  }
0x34: {  	[spmem:s11] =	stream.linear.scatter [tilespmem:s22], [sflag:$0x2], $0x4000, $0x38;
	[tilespmem:$0x1E800] =	vst v63  }
0x35: {  	_ =	swait.ge [sflag:s23], $0x4000  }
0x36: {  	[sflag:s23] =	ssyncset.done $0x0  }
0x37: {  	[sflag:s23] =	ssyncadd.s32 $0xFFFFC000  }
0x38: {  	[spmem:s12] =	stream.linear.scatter [tilespmem:s22], [sflag:$0x2], $0x4000, $0x38;
	[tilespmem:$0x1E800] =	vst v63  }
0x39: {  	_ =	swait.ge [sflag:s23], $0x4000  }
0x3a: {  	[sflag:s23] =	ssyncset.done $0x0  }
0x3b: {  	[sflag:s23] =	ssyncadd.s32 $0xFFFFC000  }
0x3c: {  	[bflag:$0x0] =	sbarrier.arrive $0xFFFF  }
0x3d: {  	s31 =	rddreg [dreg:$0x3]  }
0x3e: {  	[tilespmem:s29], [sflag:$0x2] =	stream.linear.gather [hbm4b:s31+s29], $0x400, $0x38;
	[tilespmem:$0x1E800] =	vst v63  }
0x3f: {  	_ =	swait.ge [sflag:s23], $0x400  }
0x40: {  	[sflag:s23] =	ssyncset.done $0x0  }
0x41: {  	s30 =	simm.s32 $0x0;
	[sflag:s23] =	ssyncadd.s32 $0xFFFFFC00  }
0x42: {  	[tilespmem:s22], [sflag:$0x1] =	stream.indirect.gather [hbm4b:s4+s24], $0x80, s29, s24, $0xb8;
	[tilespmem:$0x1E800] =	vst v63  }
.LBB2_4:
0x43: {  	s3 =	sshll.u32 s30, $0x1  }
0x44: {  	s0 =	sshll.u32 s30, $0x3;
	s13 =	sand.u32 $0x6, s3  }
0x45: {  	s0 =	sand.u32 $0x1E0, s0;
	p0 =	sne.s32 s13, $0x0  }
0x46: {  	s15 =	sor.u32 @!p0 s21, s0  }
0x47: {  	s15 =	sshll.u32 @!p0 s15, $0x7  }
0x48: {  	s16 =	simm.s32 @!p0 $0x0;
	s17 =	simm.s32 @!p0 $0x400;
	s15 =	sadd.s32 @!p0 s6, s15  }
0x49: {  	[tilespmem:s17], [sflag:$0x2] =	stream.linear.gather @!p0 [hbm4b:s15+s16], $0x400, $0x38;
	[tilespmem:$0x1E800] =	vst v63  }
0x4a: {  	s15 =	simm.s32 @!p0 $0x2  }
0x4b: {  	_ =	swait.ge @!p0 [sflag:s15], $0x400  }
0x4c: {  	[sflag:s15] =	ssyncset.done @!p0 $0x0  }
0x4d: {  	[sflag:s15] =	ssyncadd.s32 @!p0 $0xFFFFFC00  }
0x4e: {  	s31 =	sor.u32 $0x1, s3;
	s0 =	sor.u32 s21, s0;
	_ =	swait.ge [sflag:s25], $0x4000  }
0x4f: {  	s0 =	sshll.u32 s0, $0xE;
	s16 =	sshll.u32 s31, $0x7;
	[sflag:s25] =	ssyncset.done $0x0  }
0x50: {  	s17 =	sshll.u32 s13, $0xB;
	s15 =	sand.u32 $0x380, s16;
	[sflag:s25] =	ssyncadd.s32 $0xFFFFC000  }
0x51: {  	[tilespmem:s26], [sflag:$0x1] =	stream.indirect.gather [hbm4b:s4+s24], $0x80, s15, s24, $0xb8;
	[tilespmem:$0x1E800] =	vst v63  }
0x52: {  	s15 =	sor.u32 s17, s0  }
0x53: {  	s18 =	sadd.s32 s7, s15  }
0x54: {  	[tilespmem:s28], [sflag:$0x2] =	stream.linear.gather [hbm4b:s18+s29], $0x2000, $0x38;
	[tilespmem:$0x1E800] =	vst v63  }
0x55: {  	_ =	swait.ge [sflag:s23], $0x2000  }
0x56: {  	[sflag:s23] =	ssyncset.done $0x0  }
0x57: {  	s16 =	simm.s32 $0x0;
	[sflag:s23] =	ssyncadd.s32 $0xFFFFE000  }
0x58: {  	v7 =	vld [tilespmem:s16+$0x8800]  }
0x59: {  	v12 =	vld [tilespmem:s16+$0x8810]  }
0x5a: {  	v6 =	vld [tilespmem:s16+$0x8820]  }
0x5b: {  	v5 =	vld [tilespmem:s16+$0x8830]  }
0x5c: {  	v4 =	vld [tilespmem:s16+$0x8840]  }
0x5d: {  	v3 =	vld [tilespmem:s16+$0x8850]  }
0x5e: {  	v2 =	vld [tilespmem:s16+$0x8860]  }
0x5f: {  	v1 =	vld [tilespmem:s16+$0x8870]  }
0x60: {  	v13 =	vld [tilespmem:s16+$0x800]  }
0x61: {  	v14 =	vld [tilespmem:s16+$0x810]  }
0x62: {  	v11 =	vld [tilespmem:s16+$0x820]  }
0x63: {  	v10 =	vld [tilespmem:s16+$0x830]  }
0x64: {  	v9 =	vld [tilespmem:s16+$0x840]  }
0x65: {  	v8 =	vld [tilespmem:s16+$0x850];
	v13 =	vadd.f32 v7, v13  }
0x66: {  	s17 =	simm.s32 $0x200;
	v12 =	vadd.f32 v12, v14;
	v7 =	vld [tilespmem:s16+$0x860]  }
.LBB2_5:
0x67: {  	s18 =	sshra.s32 s17, $0x2;
	p0 =	sne.s32 s17, $0x7E00;
	v13 =	vmax.f32 v13, $0.0e+00;
	v6 =	vadd.f32 v6, v11;
	v11 =	vld [tilespmem:s16+$0x870]  }
0x68: {  	v14 =	vld [tilespmem:s18+$0x8800];
	[tilespmem:s16+$0x800] =	vst v13;
	v12 =	vmax.f32 v12, $0.0e+00;
	v5 =	vadd.f32 v5, v10  }
0x69: {  	v15 =	vld [tilespmem:s18+$0x8810];
	[tilespmem:s16+$0x810] =	vst v12;
	v10 =	vmax.f32 v6, $0.0e+00;
	v4 =	vadd.f32 v4, v9  }
0x6a: {  	v6 =	vld [tilespmem:s18+$0x8820];
	[tilespmem:s16+$0x820] =	vst v10;
	v9 =	vmax.f32 v5, $0.0e+00;
	v3 =	vadd.f32 v3, v8  }
0x6b: {  	v5 =	vld [tilespmem:s18+$0x8830];
	[tilespmem:s16+$0x830] =	vst v9;
	v8 =	vmax.f32 v4, $0.0e+00;
	v2 =	vadd.f32 v2, v7  }
0x6c: {  	v4 =	vld [tilespmem:s18+$0x8840];
	[tilespmem:s16+$0x840] =	vst v8;
	v7 =	vmax.f32 v3, $0.0e+00;
	v1 =	vadd.f32 v1, v11  }
0x6d: {  	v3 =	vld [tilespmem:s18+$0x8850];
	[tilespmem:s16+$0x850] =	vst v7;
	v7 =	vmax.f32 v2, $0.0e+00  }
0x6e: {  	v2 =	vld [tilespmem:s18+$0x8860];
	[tilespmem:s16+$0x860] =	vst v7;
	v7 =	vmax.f32 v1, $0.0e+00  }
0x6f: {  	v1 =	vld [tilespmem:s18+$0x8870];
	[tilespmem:s16+$0x870] =	vst v7;
	s16 =	smov.u32 s18  }
0x70: {  	v7 =	vld [tilespmem:s16+$0x800]  }
0x71: {  	v12 =	vld [tilespmem:s16+$0x810]  }
.Ltmp1:
0x72: {  	v11 =	vld [tilespmem:s16+$0x820];
	(pc) =	sbr.rel @p0 .LBB2_5-.Ltmp1, $4  }
0x73: {  	v10 =	vld [tilespmem:s16+$0x830]  }
0x74: {  	v9 =	vld [tilespmem:s16+$0x840]  }
0x75: {  	v13 =	vadd.f32 v14, v7;
	v8 =	vld [tilespmem:s16+$0x850]  }
0x76: {  	s17 =	sadd.s32 $0x200, s17;
	v12 =	vadd.f32 v15, v12;
	v7 =	vld [tilespmem:s16+$0x860]  }
0x77: {  	v13 =	vmax.f32 v13, $0.0e+00;
	v6 =	vadd.f32 v6, v11;
	v11 =	vld [tilespmem:s16+$0x870]  }
0x78: {  	[tilespmem:s16+$0x800] =	vst v13;
	v12 =	vmax.f32 v12, $0.0e+00;
	v5 =	vadd.f32 v5, v10  }
0x79: {  	[tilespmem:s16+$0x810] =	vst v12;
	v6 =	vmax.f32 v6, $0.0e+00;
	v4 =	vadd.f32 v4, v9  }
0x7a: {  	[tilespmem:s16+$0x820] =	vst v6;
	v5 =	vmax.f32 v5, $0.0e+00;
	v3 =	vadd.f32 v3, v8  }
0x7b: {  	[tilespmem:s16+$0x830] =	vst v5;
	v4 =	vmax.f32 v4, $0.0e+00;
	v2 =	vadd.f32 v2, v7  }
0x7c: {  	[tilespmem:s16+$0x840] =	vst v4;
	v3 =	vmax.f32 v3, $0.0e+00;
	v1 =	vadd.f32 v1, v11  }
0x7d: {  	[tilespmem:s16+$0x850] =	vst v3;
	v2 =	vmax.f32 v2, $0.0e+00  }
0x7e: {  	[tilespmem:s16+$0x860] =	vst v2;
	v1 =	vmax.f32 v1, $0.0e+00  }
0x7f: {  	s15 =	sadd.s32 s15, s14;
	s18 =	simm.s32 $0x0;
	[tilespmem:s16+$0x870] =	vst v1  }
0x80: {  	[tilespmem:s28], [sflag:$0x2] =	stream.linear.gather [hbm4b:s15+s18], $0x2000, $0x38;
	[tilespmem:$0x1E800] =	vst v63  }
0x81: {  	_ =	swait.ge [sflag:s23], $0x2000  }
0x82: {  	[sflag:s23] =	ssyncset.done $0x0  }
0x83: {  	s15 =	simm.s32 $0x0;
	[sflag:s23] =	ssyncadd.s32 $0xFFFFE000  }
0x84: {  	v7 =	vld [tilespmem:s15+$0x8800]  }
0x85: {  	v12 =	vld [tilespmem:s15+$0x8810]  }
0x86: {  	v6 =	vld [tilespmem:s15+$0x8820]  }
0x87: {  	v5 =	vld [tilespmem:s15+$0x8830]  }
0x88: {  	v4 =	vld [tilespmem:s15+$0x8840]  }
0x89: {  	v3 =	vld [tilespmem:s15+$0x8850]  }
0x8a: {  	v2 =	vld [tilespmem:s15+$0x8860]  }
0x8b: {  	v1 =	vld [tilespmem:s15+$0x8870]  }
0x8c: {  	v13 =	vld [tilespmem:s15+$0x2800]  }
0x8d: {  	v14 =	vld [tilespmem:s15+$0x2810]  }
0x8e: {  	v11 =	vld [tilespmem:s15+$0x2820]  }
0x8f: {  	v10 =	vld [tilespmem:s15+$0x2830]  }
0x90: {  	v9 =	vld [tilespmem:s15+$0x2840]  }
0x91: {  	v8 =	vld [tilespmem:s15+$0x2850];
	v13 =	vadd.f32 v7, v13  }
0x92: {  	s16 =	simm.s32 $0x200;
	v12 =	vadd.f32 v12, v14;
	v7 =	vld [tilespmem:s15+$0x2860]  }
.LBB2_7:
0x93: {  	s17 =	sshra.s32 s16, $0x2;
	p0 =	sne.s32 s16, $0x7E00;
	v13 =	vmax.f32 v13, $0.0e+00;
	v6 =	vadd.f32 v6, v11;
	v11 =	vld [tilespmem:s15+$0x2870]  }
0x94: {  	v14 =	vld [tilespmem:s17+$0x8800];
	[tilespmem:s15+$0x2800] =	vst v13;
	v12 =	vmax.f32 v12, $0.0e+00;
	v5 =	vadd.f32 v5, v10  }
0x95: {  	v15 =	vld [tilespmem:s17+$0x8810];
	[tilespmem:s15+$0x2810] =	vst v12;
	v10 =	vmax.f32 v6, $0.0e+00;
	v4 =	vadd.f32 v4, v9  }
0x96: {  	v6 =	vld [tilespmem:s17+$0x8820];
	[tilespmem:s15+$0x2820] =	vst v10;
	v9 =	vmax.f32 v5, $0.0e+00;
	v3 =	vadd.f32 v3, v8  }
0x97: {  	v5 =	vld [tilespmem:s17+$0x8830];
	[tilespmem:s15+$0x2830] =	vst v9;
	v8 =	vmax.f32 v4, $0.0e+00;
	v2 =	vadd.f32 v2, v7  }
0x98: {  	v4 =	vld [tilespmem:s17+$0x8840];
	[tilespmem:s15+$0x2840] =	vst v8;
	v7 =	vmax.f32 v3, $0.0e+00;
	v1 =	vadd.f32 v1, v11  }
0x99: {  	v3 =	vld [tilespmem:s17+$0x8850];
	[tilespmem:s15+$0x2850] =	vst v7;
	v7 =	vmax.f32 v2, $0.0e+00  }
0x9a: {  	v2 =	vld [tilespmem:s17+$0x8860];
	[tilespmem:s15+$0x2860] =	vst v7;
	v7 =	vmax.f32 v1, $0.0e+00  }
0x9b: {  	v1 =	vld [tilespmem:s17+$0x8870];
	[tilespmem:s15+$0x2870] =	vst v7;
	s15 =	smov.u32 s17  }
0x9c: {  	v7 =	vld [tilespmem:s15+$0x2800]  }
0x9d: {  	v12 =	vld [tilespmem:s15+$0x2810]  }
.Ltmp2:
0x9e: {  	v11 =	vld [tilespmem:s15+$0x2820];
	(pc) =	sbr.rel @p0 .LBB2_7-.Ltmp2, $4  }
0x9f: {  	v10 =	vld [tilespmem:s15+$0x2830]  }
0xa0: {  	v9 =	vld [tilespmem:s15+$0x2840]  }
0xa1: {  	v13 =	vadd.f32 v14, v7;
	v8 =	vld [tilespmem:s15+$0x2850]  }
0xa2: {  	s16 =	sadd.s32 $0x200, s16;
	v12 =	vadd.f32 v15, v12;
	v7 =	vld [tilespmem:s15+$0x2860]  }
0xa3: {  	v13 =	vmax.f32 v13, $0.0e+00;
	v6 =	vadd.f32 v6, v11;
	v11 =	vld [tilespmem:s15+$0x2870]  }
0xa4: {  	[tilespmem:s15+$0x2800] =	vst v13;
	v12 =	vmax.f32 v12, $0.0e+00;
	v5 =	vadd.f32 v5, v10  }
0xa5: {  	[tilespmem:s15+$0x2810] =	vst v12;
	v6 =	vmax.f32 v6, $0.0e+00;
	v4 =	vadd.f32 v4, v9  }
0xa6: {  	[tilespmem:s15+$0x2820] =	vst v6;
	v5 =	vmax.f32 v5, $0.0e+00;
	v3 =	vadd.f32 v3, v8  }
0xa7: {  	[tilespmem:s15+$0x2830] =	vst v5;
	v4 =	vmax.f32 v4, $0.0e+00;
	v2 =	vadd.f32 v2, v7  }
0xa8: {  	[tilespmem:s15+$0x2840] =	vst v4;
	v3 =	vmax.f32 v3, $0.0e+00;
	v1 =	vadd.f32 v1, v11  }
0xa9: {  	[tilespmem:s15+$0x2850] =	vst v3;
	v2 =	vmax.f32 v2, $0.0e+00  }
0xaa: {  	s13 =	sshll.u32 s13, $0x7;
	[tilespmem:s15+$0x2860] =	vst v2;
	v1 =	vmax.f32 v1, $0.0e+00  }
0xab: {  	s3 =	sadd.s32 $0x2, s3;
	p0 =	seq.s32 s30, $0x27;
	s13 =	sor.u32 $0x400, s13;
	[tilespmem:s15+$0x2870] =	vst v1  }
0xac: {  	[spmem:s1] =	stream.indirect.scatter.add.f32 [tilespmem:s22], [sflag:$0x2], $0x80, s13, s24, $0xb8;
	[tilespmem:$0x1E800] =	vst v63  }
0xad: {  	s13 =	sand.u32 @!p0 $0x6, s3  }
0xae: {  	_ =	swait.ge [sflag:s23], $0x4000;
	p1 =	sne.s32 @!p0 s13, $0x0  }
0xaf: {  	[sflag:s23] =	ssyncset.done $0x0;
	p1 =	por p1, p0  }
0xb0: {  	[sflag:s23] =	ssyncadd.s32 $0xFFFFC000;
	s3 =	sshll.u32 @!p1 s3, $0x9  }
0xb1: {  	s15 =	sshll.u32 @!p1 s21, $0x7;
	_ =	swait.ge [sflag:s25], $0x4000;
	s3 =	sand.u32 @!p1 $0x1FFFF000, s3  }
0xb2: {  	[sflag:s25] =	ssyncset.done $0x0;
	s3 =	sor.u32 @!p1 s15, s3  }
0xb3: {  	s15 =	simm.s32 @!p1 $0x0;
	[sflag:s25] =	ssyncadd.s32 $0xFFFFC000;
	s3 =	sadd.s32 @!p1 s5, s3  }
0xb4: {  	[tilespmem:s15], [sflag:$0x2] =	stream.linear.gather @!p1 [hbm4b:s3+s15], $0x400, $0x38;
	[tilespmem:$0x1E800] =	vst v63  }
0xb5: {  	s15 =	simm.s32 @!p1 $0x2  }
0xb6: {  	s16 =	simm.s32 @!p0 $0x800;
	s3 =	sand.u32 $0x7, s31;
	_ =	swait.ge @!p1 [sflag:s15], $0x400  }
0xb7: {  	s13 =	sshll.u32 @!p0 s13, $0x7;
	s18 =	sshll.u32 s3, $0xB;
	[sflag:s15] =	ssyncset.done @!p1 $0x0  }
0xb8: {  	s0 =	sor.u32 s18, s0;
	[sflag:s15] =	ssyncadd.s32 @!p1 $0xFFFFFC00;
	s15 =	simm.s32 @!p0 $0x80  }
0xb9: {  	[tilespmem:s16], [sflag:$0x1] =	stream.indirect.gather @!p0 [hbm4b:s4+s15], $0x80, s13, s15, $0xb8;
	[tilespmem:$0x1E800] =	vst v63  }
0xba: {  	s31 =	simm.s32 $0x0;
	s13 =	sadd.s32 s7, s0  }
0xbb: {  	[tilespmem:s28], [sflag:$0x2] =	stream.linear.gather [hbm4b:s13+s31], $0x2000, $0x38;
	[tilespmem:$0x1E800] =	vst v63  }
0xbc: {  	_ =	swait.ge [sflag:s23], $0x2000  }
0xbd: {  	[sflag:s23] =	ssyncset.done $0x0  }
0xbe: {  	s13 =	simm.s32 $0x0;
	[sflag:s23] =	ssyncadd.s32 $0xFFFFE000  }
0xbf: {  	v7 =	vld [tilespmem:s13+$0x8800]  }
0xc0: {  	v12 =	vld [tilespmem:s13+$0x8810]  }
0xc1: {  	v6 =	vld [tilespmem:s13+$0x8820]  }
0xc2: {  	v5 =	vld [tilespmem:s13+$0x8830]  }
0xc3: {  	v4 =	vld [tilespmem:s13+$0x8840]  }
0xc4: {  	v3 =	vld [tilespmem:s13+$0x8850]  }
0xc5: {  	v2 =	vld [tilespmem:s13+$0x8860]  }
0xc6: {  	v1 =	vld [tilespmem:s13+$0x8870]  }
0xc7: {  	v13 =	vld [tilespmem:s13+$0x4800]  }
0xc8: {  	v14 =	vld [tilespmem:s13+$0x4810]  }
0xc9: {  	v11 =	vld [tilespmem:s13+$0x4820]  }
0xca: {  	v10 =	vld [tilespmem:s13+$0x4830]  }
0xcb: {  	v9 =	vld [tilespmem:s13+$0x4840]  }
0xcc: {  	v8 =	vld [tilespmem:s13+$0x4850];
	v13 =	vadd.f32 v7, v13  }
0xcd: {  	s15 =	simm.s32 $0x200;
	v12 =	vadd.f32 v12, v14;
	v7 =	vld [tilespmem:s13+$0x4860]  }
.LBB2_9:
0xce: {  	s16 =	sshra.s32 s15, $0x2;
	p0 =	sne.s32 s15, $0x7E00;
	v13 =	vmax.f32 v13, $0.0e+00;
	v6 =	vadd.f32 v6, v11;
	v11 =	vld [tilespmem:s13+$0x4870]  }
0xcf: {  	v14 =	vld [tilespmem:s16+$0x8800];
	[tilespmem:s13+$0x4800] =	vst v13;
	v12 =	vmax.f32 v12, $0.0e+00;
	v5 =	vadd.f32 v5, v10  }
0xd0: {  	v15 =	vld [tilespmem:s16+$0x8810];
	[tilespmem:s13+$0x4810] =	vst v12;
	v10 =	vmax.f32 v6, $0.0e+00;
	v4 =	vadd.f32 v4, v9  }
0xd1: {  	v6 =	vld [tilespmem:s16+$0x8820];
	[tilespmem:s13+$0x4820] =	vst v10;
	v9 =	vmax.f32 v5, $0.0e+00;
	v3 =	vadd.f32 v3, v8  }
0xd2: {  	v5 =	vld [tilespmem:s16+$0x8830];
	[tilespmem:s13+$0x4830] =	vst v9;
	v8 =	vmax.f32 v4, $0.0e+00;
	v2 =	vadd.f32 v2, v7  }
0xd3: {  	v4 =	vld [tilespmem:s16+$0x8840];
	[tilespmem:s13+$0x4840] =	vst v8;
	v7 =	vmax.f32 v3, $0.0e+00;
	v1 =	vadd.f32 v1, v11  }
0xd4: {  	v3 =	vld [tilespmem:s16+$0x8850];
	[tilespmem:s13+$0x4850] =	vst v7;
	v7 =	vmax.f32 v2, $0.0e+00  }
0xd5: {  	v2 =	vld [tilespmem:s16+$0x8860];
	[tilespmem:s13+$0x4860] =	vst v7;
	v7 =	vmax.f32 v1, $0.0e+00  }
0xd6: {  	v1 =	vld [tilespmem:s16+$0x8870];
	[tilespmem:s13+$0x4870] =	vst v7;
	s13 =	smov.u32 s16  }
0xd7: {  	v7 =	vld [tilespmem:s13+$0x4800]  }
0xd8: {  	v12 =	vld [tilespmem:s13+$0x4810]  }
.Ltmp3:
0xd9: {  	v11 =	vld [tilespmem:s13+$0x4820];
	(pc) =	sbr.rel @p0 .LBB2_9-.Ltmp3, $4  }
0xda: {  	v10 =	vld [tilespmem:s13+$0x4830]  }
0xdb: {  	v9 =	vld [tilespmem:s13+$0x4840]  }
0xdc: {  	v13 =	vadd.f32 v14, v7;
	v8 =	vld [tilespmem:s13+$0x4850]  }
0xdd: {  	s15 =	sadd.s32 $0x200, s15;
	v12 =	vadd.f32 v15, v12;
	v7 =	vld [tilespmem:s13+$0x4860]  }
0xde: {  	v13 =	vmax.f32 v13, $0.0e+00;
	v6 =	vadd.f32 v6, v11;
	v11 =	vld [tilespmem:s13+$0x4870]  }
0xdf: {  	[tilespmem:s13+$0x4800] =	vst v13;
	v12 =	vmax.f32 v12, $0.0e+00;
	v5 =	vadd.f32 v5, v10  }
0xe0: {  	[tilespmem:s13+$0x4810] =	vst v12;
	v6 =	vmax.f32 v6, $0.0e+00;
	v4 =	vadd.f32 v4, v9  }
0xe1: {  	[tilespmem:s13+$0x4820] =	vst v6;
	v5 =	vmax.f32 v5, $0.0e+00;
	v3 =	vadd.f32 v3, v8  }
0xe2: {  	[tilespmem:s13+$0x4830] =	vst v5;
	v4 =	vmax.f32 v4, $0.0e+00;
	v2 =	vadd.f32 v2, v7  }
0xe3: {  	[tilespmem:s13+$0x4840] =	vst v4;
	v3 =	vmax.f32 v3, $0.0e+00;
	v1 =	vadd.f32 v1, v11  }
0xe4: {  	[tilespmem:s13+$0x4850] =	vst v3;
	v2 =	vmax.f32 v2, $0.0e+00  }
0xe5: {  	[tilespmem:s13+$0x4860] =	vst v2;
	v1 =	vmax.f32 v1, $0.0e+00  }
0xe6: {  	s0 =	sadd.s32 s0, s14;
	s31 =	simm.s32 $0x0;
	[tilespmem:s13+$0x4870] =	vst v1  }
0xe7: {  	[tilespmem:s28], [sflag:$0x2] =	stream.linear.gather [hbm4b:s0+s31], $0x2000, $0x38;
	[tilespmem:$0x1E800] =	vst v63  }
0xe8: {  	_ =	swait.ge [sflag:s23], $0x2000  }
0xe9: {  	[sflag:s23] =	ssyncset.done $0x0  }
0xea: {  	s0 =	simm.s32 $0x0;
	[sflag:s23] =	ssyncadd.s32 $0xFFFFE000  }
0xeb: {  	v7 =	vld [tilespmem:s0+$0x8800]  }
0xec: {  	v12 =	vld [tilespmem:s0+$0x8810]  }
0xed: {  	v6 =	vld [tilespmem:s0+$0x8820]  }
0xee: {  	v5 =	vld [tilespmem:s0+$0x8830]  }
0xef: {  	v4 =	vld [tilespmem:s0+$0x8840]  }
0xf0: {  	v3 =	vld [tilespmem:s0+$0x8850]  }
0xf1: {  	v2 =	vld [tilespmem:s0+$0x8860]  }
0xf2: {  	v1 =	vld [tilespmem:s0+$0x8870]  }
0xf3: {  	v13 =	vld [tilespmem:s0+$0x6800]  }
0xf4: {  	v14 =	vld [tilespmem:s0+$0x6810]  }
0xf5: {  	v11 =	vld [tilespmem:s0+$0x6820]  }
0xf6: {  	v10 =	vld [tilespmem:s0+$0x6830]  }
0xf7: {  	v9 =	vld [tilespmem:s0+$0x6840]  }
0xf8: {  	v8 =	vld [tilespmem:s0+$0x6850];
	v13 =	vadd.f32 v7, v13  }
0xf9: {  	s13 =	simm.s32 $0x200;
	v12 =	vadd.f32 v12, v14;
	v7 =	vld [tilespmem:s0+$0x6860]  }
.LBB2_11:
0xfa: {  	s15 =	sshra.s32 s13, $0x2;
	p0 =	sne.s32 s13, $0x7E00;
	v13 =	vmax.f32 v13, $0.0e+00;
	v6 =	vadd.f32 v6, v11;
	v11 =	vld [tilespmem:s0+$0x6870]  }
0xfb: {  	v14 =	vld [tilespmem:s15+$0x8800];
	[tilespmem:s0+$0x6800] =	vst v13;
	v12 =	vmax.f32 v12, $0.0e+00;
	v5 =	vadd.f32 v5, v10  }
0xfc: {  	v15 =	vld [tilespmem:s15+$0x8810];
	[tilespmem:s0+$0x6810] =	vst v12;
	v10 =	vmax.f32 v6, $0.0e+00;
	v4 =	vadd.f32 v4, v9  }
0xfd: {  	v6 =	vld [tilespmem:s15+$0x8820];
	[tilespmem:s0+$0x6820] =	vst v10;
	v9 =	vmax.f32 v5, $0.0e+00;
	v3 =	vadd.f32 v3, v8  }
0xfe: {  	v5 =	vld [tilespmem:s15+$0x8830];
	[tilespmem:s0+$0x6830] =	vst v9;
	v8 =	vmax.f32 v4, $0.0e+00;
	v2 =	vadd.f32 v2, v7  }
0xff: {  	v4 =	vld [tilespmem:s15+$0x8840];
	[tilespmem:s0+$0x6840] =	vst v8;
	v7 =	vmax.f32 v3, $0.0e+00;
	v1 =	vadd.f32 v1, v11  }
0x100: {  	v3 =	vld [tilespmem:s15+$0x8850];
	[tilespmem:s0+$0x6850] =	vst v7;
	v7 =	vmax.f32 v2, $0.0e+00  }
0x101: {  	v2 =	vld [tilespmem:s15+$0x8860];
	[tilespmem:s0+$0x6860] =	vst v7;
	v7 =	vmax.f32 v1, $0.0e+00  }
0x102: {  	v1 =	vld [tilespmem:s15+$0x8870];
	[tilespmem:s0+$0x6870] =	vst v7;
	s0 =	smov.u32 s15  }
0x103: {  	v7 =	vld [tilespmem:s0+$0x6800]  }
0x104: {  	v12 =	vld [tilespmem:s0+$0x6810]  }
.Ltmp4:
0x105: {  	v11 =	vld [tilespmem:s0+$0x6820];
	(pc) =	sbr.rel @p0 .LBB2_11-.Ltmp4, $4  }
0x106: {  	v10 =	vld [tilespmem:s0+$0x6830]  }
0x107: {  	v9 =	vld [tilespmem:s0+$0x6840]  }
0x108: {  	v13 =	vadd.f32 v14, v7;
	v8 =	vld [tilespmem:s0+$0x6850]  }
0x109: {  	s13 =	sadd.s32 $0x200, s13;
	v12 =	vadd.f32 v15, v12;
	v7 =	vld [tilespmem:s0+$0x6860]  }
0x10a: {  	v13 =	vmax.f32 v13, $0.0e+00;
	v6 =	vadd.f32 v6, v11;
	v63 =	vld [tilespmem:s0+$0x6870]  }
0x10b: {  	[tilespmem:s0+$0x6800] =	vst v13;
	v12 =	vmax.f32 v12, $0.0e+00;
	v5 =	vadd.f32 v5, v10  }
0x10c: {  	[tilespmem:s0+$0x6810] =	vst v12;
	v6 =	vmax.f32 v6, $0.0e+00;
	v4 =	vadd.f32 v4, v9  }
0x10d: {  	[tilespmem:s0+$0x6820] =	vst v6;
	v5 =	vmax.f32 v5, $0.0e+00;
	v3 =	vadd.f32 v3, v8  }
0x10e: {  	[tilespmem:s0+$0x6830] =	vst v5;
	v4 =	vmax.f32 v4, $0.0e+00;
	v2 =	vadd.f32 v2, v7  }
0x10f: {  	[tilespmem:s0+$0x6840] =	vst v4;
	v3 =	vmax.f32 v3, $0.0e+00;
	v1 =	vadd.f32 v1, v63  }
0x110: {  	s30 =	sadd.s32 $0x1, s30;
	[tilespmem:s0+$0x6850] =	vst v3;
	v2 =	vmax.f32 v2, $0.0e+00  }
0x111: {  	s3 =	sshll.u32 s3, $0x7;
	p0 =	sne.s32 s30, $0x28;
	[tilespmem:s0+$0x6860] =	vst v2;
	v1 =	vmax.f32 v1, $0.0e+00  }
.Ltmp5:
0x112: {  	s31 =	sor.u32 $0x400, s3;
	[tilespmem:s0+$0x6870] =	vst v1;
	(pc) =	sbr.rel @p0 .LBB2_4-.Ltmp5, $4  }
0x113: {  	[spmem:s1] =	stream.indirect.scatter.add.f32 [tilespmem:s26], [sflag:$0x2], $0x80, s31, s24, $0xb8;
	[tilespmem:$0x1E800] =	vst v63  }
0x114: {  	_ =	swait.ge [sflag:s23], $0x4000  }
0x115: {  	[sflag:s23] =	ssyncset.done $0x0  }
0x116: {  	[sflag:s23] =	ssyncadd.s32 $0xFFFFC000  }
0x117: {  	s0 =	stileid.u32  }
0x118: {  	[bflag:$0x0] =	sbarrier.arrive $0xFFFF;
	s0 =	sshll.u32 s0, $0x6  }
0x119: {  	s3 =	sshrl.u32 s8, $0x3;
	s13 =	rddreg [dreg:$0x4];
	s0 =	sor.u32 $0x1C02, s0  }
0x11a: {  	[hbm:s13], [sflag:s0] =	dma.local [spmem:s3], $0x800  }
0x11b: {  	_ =	swait.ge [sflag:s23], $0x800  }
0x11c: {  	[sflag:s23] =	ssyncset.done $0x0  }
0x11d: {  	s13 =	sshrl.u32 s9, $0x3;
	s15 =	rddreg [dreg:$0x5];
	[sflag:s23] =	ssyncadd.s32 $0xFFFFF800  }
0x11e: {  	[hbm:s15], [sflag:s0] =	dma.local [spmem:s13], $0x800  }
0x11f: {  	_ =	swait.ge [sflag:s23], $0x800  }
0x120: {  	[sflag:s23] =	ssyncset.done $0x0  }
0x121: {  	s16 =	sshrl.u32 s10, $0x3;
	s17 =	rddreg [dreg:$0x6];
	[sflag:s23] =	ssyncadd.s32 $0xFFFFF800  }
0x122: {  	[hbm:s17], [sflag:s0] =	dma.local [spmem:s16], $0x800  }
0x123: {  	_ =	swait.ge [sflag:s23], $0x800  }
0x124: {  	[sflag:s23] =	ssyncset.done $0x0  }
0x125: {  	s18 =	sshrl.u32 s11, $0x3;
	s30 =	rddreg [dreg:$0x7];
	[sflag:s23] =	ssyncadd.s32 $0xFFFFF800  }
0x126: {  	[hbm:s30], [sflag:s0] =	dma.local [spmem:s18], $0x800  }
0x127: {  	s2 =	sadd.s32 $0x1, s2;
	_ =	swait.ge [sflag:s23], $0x800  }
0x128: {  	p0 =	sne.s32 s2, s20;
	[sflag:s23] =	ssyncset.done $0x0  }
.Ltmp6:
0x129: {  	s31 =	sshrl.u32 s12, $0x3;
	[sflag:s23] =	ssyncadd.s32 $0xFFFFF800;
	(pc) =	sbr.rel @p0 .LBB2_1-.Ltmp6, $4  }
0x12a: {  	[hbm:s19], [sflag:s0] =	dma.local [spmem:s31], $0x800  }
0x12b: {  	_ =	swait.ge [sflag:s23], $0x800  }
0x12c: {  	[sflag:s23] =	ssyncset.done $0x0  }
0x12d: {  	[sflag:s23] =	ssyncadd.s32 $0xFFFFF800  }
0x12e: {  	_ =	sfence.sel $0x180000  }
0x12f: {  	[bflag:$0x0] =	sbarrier.arrive $0xFFFF  }
0x130: {  	_ =	strace $0x9000004A  }
0x131: {  	s0 =	stileid.u32;
	[bflag:$0x2] =	sbarrier.arrive $0xFFFF  }
0x132: {  	p0 =	sne.s32 s0, $0x0;
	s0 =	rddreg [dreg:$0x2]  }
0x133: {  	s0 =	sadd.s32 @!p0 $0x100000, s0  }
0x134: {  	[sflag:s0] =	ssyncadd.tile.s32 @!p0 $0x1;
	_ =	shalt  }
.Lfunc_end2:
_tile_overlayer_lowered:
.L_overlay_start_2:
0x135: {  	(tag) =	ssettag $0x2  }
0x136: {  	s0 =	rddreg [dreg:$0x0];
	s2 =	stileid.u32  }
0x137: {  	s1 =	rddreg [dreg:$0x1];
	p0 =	sne.s32 s2, $0x0  }
0x138: {  	s3 =	rddreg [dreg:$0x2];
	[bflag:$0x3] =	sbarrier.arrive $0xFFFF;
	s2 =	simm.s32 @!p0 $0x1C02  }
0x139: {  	[timem:s3], [sflag:s2] =	dma.local @!p0 [hbm:s0], s1  }
0x13a: {  	s0 =	simm.s32 @!p0 $0x2  }
0x13b: {  	_ =	swait.ge @!p0 [sflag:s0], s1  }
0x13c: {  	s1 =	ssub.s32 @!p0 $0x0, s1;
	[sflag:s0] =	ssyncset.done @!p0 $0x0  }
0x13d: {  	[sflag:s0] =	ssyncadd.s32 @!p0 s1  }
0x13e: {  	[bflag:$0x3] =	sbarrier.arrive $0xFFFF  }
0x13f: {  	_ =	shalt  }

// kernel: kernel.8.cloned.1.call-start
scs
__scs_entry_jumppad:
0x0: {  	(pc) =	sbr.rel $0x88, $3  }
0x1: {  	(tag) =	ssettag $0x0;
	lr =	simm.s32 $0x1  }
0x2: {  	[smem:$0x3F8A] =	sst lr;
	_ =	strace $0xD0000000  }
0x3: {  	_ = 	snop  }
0x4: {  	_ = 	snop  }
0x5: {  	_ = 	snop  }
0x6: {  	_ = 	snop  }
0x7: {  	_ = 	snop  }
__scs_overlays_trampoline_lowered:
0x8: {  	[smem:$0x3F99] =	sst s0  }
0x9: {  	[smem:$0x3F9A] =	sst s1  }
0xa: {  	[smem:$0x3F9B] =	sst s2  }
0xb: {  	[smem:$0x3F9C] =	sst s3  }
0xc: {  	[smem:$0x3F9D] =	sst s4  }
0xd: {  	[smem:$0x3F9E] =	sst s5  }
0xe: {  	[smem:$0x3F9F] =	sst s6  }
0xf: {  	[smem:$0x3FA0] =	sst s7  }
0x10: {  	[smem:$0x3FA1] =	sst s8  }
0x11: {  	[smem:$0x3FA2] =	sst s9;
	s0 =	simm.s32 @!p0 $0x0  }
0x12: {  	s1 =	sld [smem:$0x3F88];
	s0 =	simm.s32 @p0 $0x1  }
0x13: {  	[smem:$0x3FA3] =	sst s0;
	s0 =	simm.s32 @!p1 $0x0  }
0x14: {  	s2 =	sld [smem:$0x3F87];
	s0 =	simm.s32 @p1 $0x1  }
0x15: {  	[smem:$0x3FA4] =	sst s0;
	s0 =	simm.s32 @!p2 $0x0  }
0x16: {  	s3 =	sld [smem:$0x3FDB];
	s0 =	simm.s32 @p2 $0x1  }
0x17: {  	s4 =	simm.s32 $0x1BF5;
	[smem:$0x3FA6] =	sst s0  }
0x18: {  	s0 =	sld [smem:$0x3F89];
	_ =	swait.ge [sflag:s4], $0x0  }
0x19: {  	s7 =	sld [smem:$0x3F8A]  }
0x1a: {  	s8 =	sadd.s32 $0xFFFFE003, lr  }
0x1b: {  	s9 =	sadd.s32 $0xFFFFFEF7, lr;
	s5 =	simm.s32 $0xFFFFFFFF;
	p2 =	slt.u32 s8, $0xFFFFF086  }
0x1c: {  	p1 =	slt.u32 s9, $0xF7A;
	s5 =	simm.s32 @!p2 $0x0  }
0x1d: {  	s5 =	simm.s32 @p1 $0x1;
	p0 =	seq.s32 s7, s2  }
0x1e: {  	s7 =	smul.u32 @!p0 $0xF7A, s2;
	p2 =	seq.s32 @!p0 s5, $0x0  }
0x1f: {  	s9 =	smul.u32 $0xF7A, s1;
	s8 =	simm.s32 @!p0 $0x1BF5;
	p2 =	por !p2, p0  }
0x20: {  	[sflag:s8] =	ssyncset.s32 @!p0 $0xFFFFF086;
	s6 =	sadd.s32 @!p0 s3, s7;
	s7 =	simm.s32 @!p0 $0x108  }
0x21: {  	s3 =	sadd.s32 s3, s9;
	s6 =	sadd.s32 @!p0 $0x88, s6;
	s7 =	simm.s32 @p2 $0x1082  }
0x22: {  	[simem:s7], [sflag:s8] =	dma.local @!p0 [hbm:s6], $0xF7A  }
0x23: {  	s9 =	sor.u32 $0xD0000000, s2;
	s6 =	simm.s32 $0x108;
	_ =	swait.ge @!p0 [sflag:s8], $0x0  }
0x24: {  	s3 =	sadd.s32 $0x88, s3;
	s6 =	simm.s32 @!p1 $0x1082;
	[sflag:s4] =	ssyncset.s32 $0xFFFFF086  }
0x25: {  	[simem:s6], [sflag:s4] =	dma.local [hbm:s3], $0xF7A  }
0x26: {  	[smem:$0x3F8A] =	sst s1;
	(tag) =	ssettag s2;
	_ =	strace s9  }
0x27: {  	s1 =	sld [smem:$0x3F9A]  }
0x28: {  	s2 =	sld [smem:$0x3F9B]  }
0x29: {  	s4 =	sld [smem:$0x3F9D]  }
0x2a: {  	p0 =	seq.s32 s5, $0x0;
	s5 =	sld [smem:$0x3F9E]  }
0x2b: {  	s6 =	sld [smem:$0x3F9F]  }
0x2c: {  	s7 =	sld [smem:$0x3FA0]  }
0x2d: {  	s3 =	simm.s32 $0x108;
	s8 =	sld [smem:$0x3FA1]  }
0x2e: {  	s3 =	simm.s32 @!p0 $0x1082;
	s9 =	sld [smem:$0x3FA2]  }
0x2f: {  	lr =	sadd.s32 s0, s3;
	s0 =	sld [smem:$0x3F99]  }
0x30: {  	s3 =	sld [smem:$0x3F9C]  }
0x31: {  	[smem:$0x3FA5] =	sst s10  }
0x32: {  	s10 =	sld [smem:$0x3FA3];
	_ =	sdelay $0x3  }
0x33: {  	p0 =	seq.s32 s10, $0x1;
	s10 =	sld [smem:$0x3FA5];
	_ =	sdelay $0x3  }
0x34: {  	[smem:$0x3FA5] =	sst s10  }
0x35: {  	s10 =	sld [smem:$0x3FA4];
	_ =	sdelay $0x3  }
0x36: {  	p1 =	seq.s32 s10, $0x1;
	s10 =	sld [smem:$0x3FA5];
	_ =	sdelay $0x3  }
0x37: {  	[smem:$0x3FA5] =	sst s10  }
0x38: {  	s10 =	sld [smem:$0x3FA6]  }
0x39: {  	_ = 	snop;
	(pc) =	sbr.ind lr, $3  }
0x3a: {  	_ = 	snop  }
0x3b: {  	_ = 	snop  }
0x3c: {  	p2 =	seq.s32 s10, $0x1;
	s10 =	sld [smem:$0x3FA5]  }
0x3d: {  	_ =	shalt  }
0x3e: {  	_ =	shalt  }
0x3f: {  	_ =	shalt  }
0x40: {  	_ =	shalt  }
0x41: {  	_ =	shalt  }
0x42: {  	_ =	shalt  }
0x43: {  	_ =	shalt  }
0x44: {  	_ =	shalt  }
0x45: {  	_ =	shalt  }
0x46: {  	_ =	shalt  }
0x47: {  	_ =	shalt  }
0x48: {  	_ =	shalt  }
0x49: {  	_ =	shalt  }
0x4a: {  	_ =	shalt  }
0x4b: {  	_ =	shalt  }
0x4c: {  	_ =	shalt  }
0x4d: {  	_ =	shalt  }
0x4e: {  	_ =	shalt  }
0x4f: {  	_ =	shalt  }
0x50: {  	_ =	shalt  }
0x51: {  	_ =	shalt  }
0x52: {  	_ =	shalt  }
0x53: {  	_ =	shalt  }
0x54: {  	_ =	shalt  }
0x55: {  	_ =	shalt  }
0x56: {  	_ =	shalt  }
0x57: {  	_ =	shalt  }
0x58: {  	_ =	shalt  }
0x59: {  	_ =	shalt  }
0x5a: {  	_ =	shalt  }
0x5b: {  	_ =	shalt  }
0x5c: {  	_ =	shalt  }
0x5d: {  	_ =	shalt  }
0x5e: {  	_ =	shalt  }
0x5f: {  	_ =	shalt  }
0x60: {  	_ =	shalt  }
0x61: {  	_ =	shalt  }
0x62: {  	_ =	shalt  }
0x63: {  	_ =	shalt  }
0x64: {  	_ =	shalt  }
0x65: {  	_ =	shalt  }
0x66: {  	_ =	shalt  }
0x67: {  	_ =	shalt  }
0x68: {  	_ =	shalt  }
0x69: {  	_ =	shalt  }
0x6a: {  	_ =	shalt  }
0x6b: {  	_ =	shalt  }
0x6c: {  	_ =	shalt  }
0x6d: {  	_ =	shalt  }
0x6e: {  	_ =	shalt  }
0x6f: {  	_ =	shalt  }
0x70: {  	_ =	shalt  }
0x71: {  	_ =	shalt  }
0x72: {  	_ =	shalt  }
0x73: {  	_ =	shalt  }
0x74: {  	_ =	shalt  }
0x75: {  	_ =	shalt  }
0x76: {  	_ =	shalt  }
0x77: {  	_ =	shalt  }
0x78: {  	_ =	shalt  }
0x79: {  	_ =	shalt  }
0x7a: {  	_ =	shalt  }
0x7b: {  	_ =	shalt  }
0x7c: {  	_ =	shalt  }
0x7d: {  	_ =	shalt  }
0x7e: {  	_ =	shalt  }
0x7f: {  	_ =	shalt  }
0x80: {  	_ =	shalt  }
0x81: {  	_ =	shalt  }
0x82: {  	_ =	shalt  }
0x83: {  	_ =	shalt  }
0x84: {  	_ =	shalt  }
0x85: {  	_ =	shalt  }
0x86: {  	_ =	shalt  }
0x87: {  	_ =	shalt  }
.Lfunc_end0:
.L_simem_size_0:
called_computation_lowered:
.L_overlay_start_0:
0x88: {  	s2 =	sld [smem:$0x3FD9]  }
0x89: {  	s3 =	sld [smem:$0x3FFE];
	_ =	sdelay $0x1  }
0x8a: {  	s1 =	srdreg.scid  }
0x8b: {  	s0 =	sand.u32 $0x1, s1  }
0x8c: {  	s17 =	sshll.u32 s0, $0xA;
	s2 =	sadd.s32 s3, s2  }
0x8d: {  	s2 =	sadd.s32 s2, s17  }
0x8e: {  	[smem:$0x3FB1] =	sst s2  }
0x8f: {  	_ = 	snop  }
0x90: {  	s2 =	sld [smem:$0x3FC9];
	(tm) =	ssettm $0x1  }
0x91: {  	s18 =	sld [smem:$0x3FFB];
	_ =	sdelay $0x3  }
0x92: {  	_ =	strace s18  }
0x93: {  	s3 =	sld [smem:$0x3FFC];
	_ =	sdelay $0x3  }
0x94: {  	_ =	strace s3  }
0x95: {  	s3 =	sld [smem:$0x3FFD];
	_ =	sdelay $0x3  }
0x96: {  	_ =	strace s3  }
0x97: {  	_ =	strace $0x8FFFFFFF  }
0x98: {  	s19 =	sld [smem:$0x3FDB];
	_ =	sdelay $0x1  }
0x99: {  	s4 =	simm.s32 $_scs_section_size  }
0x9a: {  	s5 =	simm.s32 $_size__tile_overlayer_lowered;
	s6 =	simm.s32 $_tile_overlayer_lowered  }
0x9b: {  	s22 =	simm.s32 $0x1BFF;
	s21 =	sshll.u32 s6, $0x1;
	s3 =	sadd.s32 s4, s19  }
0x9c: {  	s7 =	simm.s32 $0x0;
	s20 =	sshll.u32 s5, $0x1;
	s5 =	sadd.s32 s21, s3  }
0x9d: {  	[timem:s7], [sflag:s22] =	dma.local [hbm:s5], s20  }
0x9e: {  	_ =	swait.ge [sflag:s22], s20  }
0x9f: {  	s4 =	ssub.s32 $0x0, s20;
	[sflag:s22] =	ssyncset.done $0x0  }
0xa0: {  	[sflag:s22] =	ssyncadd.s32 s4;
	_ =	sdelay $0x1  }
0xa1: {  	s23 =	simm.s32 $0x1B8B  }
0xa2: {  	_ =	swait.ge [sflag:s23], $0x1  }
0xa3: {  	[sflag:s23] =	ssyncset.done $0x0  }
0xa4: {  	s25 =	simm.s32 $0x1B8E;
	s24 =	sld [smem:$0x3FFE];
	[sflag:s23] =	ssyncadd.s32 $0xFFFFFFFF  }
0xa5: {  	s26 =	simm.s32 $execute0_lowered;
	[smem:$0x3FD2] =	sst s25  }
0xa6: {  	s5 =	sshll.u32 s26, $0x1;
	_ =	strace $0x80000046;
	[dreg:$0x1] =	wrdreg $0xFFFFFFFF  }
0xa7: {  	s28 =	simm.s32 $_size_execute0_lowered;
	s3 =	sadd.s32 s3, s5;
	[dreg:$0x0] =	wrdreg $0x0  }
0xa8: {  	s5 =	sshll.u32 s28, $0x1;
	[dreg:$0x2] =	wrdreg s3  }
0xa9: {  	[dreg:$0x3] =	wrdreg s5  }
0xaa: {  	[dreg:$0x4] =	wrdreg $0xC0  }
0xab: {  	_ =	task [dreg:s7], $0x5FFFF  }
0xac: {  	[dreg:$0x1] =	wrdreg $0xFFFFFFFF  }
0xad: {  	[dreg:$0x0] =	wrdreg $0x60  }
0xae: {  	[dreg:$0x2] =	wrdreg s2  }
0xaf: {  	[dreg:$0x3] =	wrdreg s24  }
0xb0: {  	[dreg:$0x4] =	wrdreg $0xA8000  }
0xb1: {  	[dreg:$0x5] =	wrdreg $0x9  }
0xb2: {  	_ =	task.clear_ibuf [dreg:s7], $0x6FFFF;
	_ =	strace $0x90000046  }
0xb3: {  	s29 =	simm.s32 $0x9;
	_ =	strace $0x80000048  }
0xb4: {  	_ =	swait.ge [sflag:s29], $0x1  }
0xb5: {  	[sflag:s29] =	ssyncadd.s32 $0xFFFFFFFF  }
0xb6: {  	_ =	strace $0x90000048  }
0xb7: {  	_ =	sfence  }
0xb8: {  	s30 =	sld [smem:$0x0];
	_ =	sdelay $0x2  }
0xb9: {  	s31 =	sshll.u32 s1, $0xD;
	s1 =	sshrl.u32 s1, $0x2  }
0xba: {  	s3 =	sand.u32 $0x4000, s31;
	s1 =	sadd.s32 s1, s30  }
0xbb: {  	s0 =	sor.u32 s3, s0;
	s1 =	sshll.u32 s1, $0x11  }
0xbc: {  	s0 =	sor.u32 s1, s0  }
0xbd: {  	s0 =	sadd.s32 $0x8F2B, s0  }
0xbe: {  	[sflag:s0] =	ssyncadd.remote.s32 $0x1  }
0xbf: {  	_ =	sfence.sel $0xFFFF  }
0xc0: {  	[dreg:$0x0] =	wrdreg $0xFFFFFFFF;
	(pc) =	sbr.abs _section_cstart, $3  }
0xc1: {  	[dreg:$0x1] =	wrdreg $0xFFFFFFFF  }
0xc2: {  	_ =	task.clear_ibuf [dreg:s7], $0x2FFFF;
	_ =	strace $0x9FFFFFFF  }
0xc3: {  	(tm) =	ssettm $0x7FFFFFFF  }
tec
execute0_lowered:
.L_overlay_start_1:
0x0: {  	(tag) =	ssettag $0x1  }
0x1: {  	s1 =	rddreg [dreg:$0x0]  }
0x2: {  	s0 =	rddreg [dreg:$0x1]  }
0x3: {  	s2 =	rddreg [dreg:$0x2];
	s3 =	simm.s32 $0x0  }
0x4: {  	s4 =	srdreg.scid;
	s23 =	stileid.u32;
	s28 =	simm.s32 $0x8800  }
0x5: {  	s29 =	simm.s32 $0x0;
	[smem:$0x7FF] =	sst s3;
	s5 =	sadd.s32 $0x4EF400, s0  }
0x6: {  	s4 =	sand.u32 $0x1, s4;
	s6 =	sadd.s32 $0x4E5400, s0;
	s9 =	smul.u32 $0x50000, s23  }
0x7: {  	s7 =	sadd.s32 $0x9F9400, s0;
	s13 =	smul.u32 $0x14000, s23;
	s15 =	sadd.s32 $0x3400, s0  }
0x8: {  	s21 =	sshll.u32 s23, $0x8;
	_ =	strace $0x80000047;
	s8 =	ssub.s32 $0x2, s4  }
0x9: {  	s12 =	sshll.u32 s4, $0x7;
	s19 =	smul.u32 $0x140000, s4;
	s10 =	sshrl.u32 s8, $0x1  }
0xa: {  	s30 =	sshrl.u32 s9, $0x2;
	s14 =	sadd.s32 $0x4000, s13;
	s17 =	sadd.s32 $0x8000, s13  }
0xb: {  	s18 =	sadd.s32 $0xC000, s13;
	s20 =	sadd.s32 $0x10000, s13;
	s22 =	sadd.s32 s5, s12  }
0xc: {  	s16 =	ssub.s32 s8, s10;
	s8 =	sadd.s32 s30, s2;
	s9 =	sadd.s32 s14, s2  }
0xd: {  	s10 =	sadd.s32 s17, s2;
	s11 =	sadd.s32 s18, s2;
	s12 =	sadd.s32 s20, s2  }
0xe: {  	s21 =	sadd.s32 s21, s22;
	s13 =	sadd.s32 s13, s19;
	s31 =	sadd.s32 s19, s14  }
0xf: {  	s14 =	sadd.s32 $0x9F9800, s0;
	s24 =	sadd.s32 s19, s17;
	s25 =	sadd.s32 s19, s18  }
0x10: {  	s26 =	sadd.s32 s19, s20;
	s22 =	simm.s32 $0x800;
	[dreg:$0x4] =	wrdreg s21  }
0x11: {  	s21 =	sshll.u32 s23, $0x1;
	s13 =	sshrl.u32 s13, $0x3;
	s23 =	sshrl.u32 s31, $0x3  }
0x12: {  	s31 =	sshrl.u32 s26, $0x3;
	s20 =	smax.u32 s16, $0x1;
	s26 =	simm.s32 $0x4800  }
0x13: {  	s13 =	sadd.s32 s15, s13;
	s0 =	sadd.s32 s15, s23;
	s19 =	sadd.s32 s15, s31  }
0x14: {  	s21 =	sor.u32 s4, s21;
	[dreg:$0x6] =	wrdreg s0;
	s0 =	sshrl.u32 s24, $0x3  }
0x15: {  	[dreg:$0x5] =	wrdreg s13;
	s13 =	sshrl.u32 s25, $0x3;
	s0 =	sadd.s32 s15, s0  }
0x16: {  	s23 =	simm.s32 $0x2;
	s30 =	sadd.s32 s15, s13;
	[dreg:$0x7] =	wrdreg s0  }
0x17: {  	v0 =	vimm.f32 $0.0e+00;
	s24 =	simm.s32 $0x80;
	s25 =	simm.s32 $0x1;
	[dreg:$0x8] =	wrdreg s30  }
.LBB2_1:
0x18: {  	s0 =	simm.s32 $0x0;
	s4 =	simm.s32 $0x200  }
.LBB2_2:
0x19: {  	p0 =	sne.s32 s4, $0xFE00;
	[tilespmem:s0+$0x870] =	vst v0  }
0x1a: {  	[tilespmem:s0+$0x800] =	vst v0  }
0x1b: {  	[tilespmem:s0+$0x810] =	vst v0  }
.Ltmp0:
0x1c: {  	[tilespmem:s0+$0x820] =	vst v0;
	(pc) =	sbr.rel @p0 .LBB2_2-.Ltmp0, $4  }
0x1d: {  	[tilespmem:s0+$0x830] =	vst v0  }
0x1e: {  	[tilespmem:s0+$0x840] =	vst v0  }
0x1f: {  	[tilespmem:s0+$0x850] =	vst v0  }
0x20: {  	[tilespmem:s0+$0x860] =	vst v0;
	s0 =	sshra.s32 s4, $0x2;
	s4 =	sadd.s32 $0x200, s4  }
0x21: {  	[tilespmem:s0+$0x870] =	vst v0  }
0x22: {  	[tilespmem:s0+$0x800] =	vst v0  }
0x23: {  	[tilespmem:s0+$0x810] =	vst v0  }
0x24: {  	[tilespmem:s0+$0x820] =	vst v0  }
0x25: {  	[tilespmem:s0+$0x830] =	vst v0  }
0x26: {  	[tilespmem:s0+$0x840] =	vst v0  }
0x27: {  	[tilespmem:s0+$0x850] =	vst v0  }
0x28: {  	[tilespmem:s0+$0x860] =	vst v0  }
0x29: {  	[spmem:s8] =	stream.linear.scatter [tilespmem:s22], [sflag:$0x2], $0x4000, $0x38;
	[tilespmem:$0x1E800] =	vst v63  }
0x2a: {  	_ =	swait.ge [sflag:s23], $0x4000  }
0x2b: {  	[sflag:s23] =	ssyncset.done $0x0  }
0x2c: {  	[sflag:s23] =	ssyncadd.s32 $0xFFFFC000  }
0x2d: {  	[spmem:s9] =	stream.linear.scatter [tilespmem:s22], [sflag:$0x2], $0x4000, $0x38;
	[tilespmem:$0x1E800] =	vst v63  }
0x2e: {  	_ =	swait.ge [sflag:s23], $0x4000  }
0x2f: {  	[sflag:s23] =	ssyncset.done $0x0  }
0x30: {  	[sflag:s23] =	ssyncadd.s32 $0xFFFFC000  }
0x31: {  	[spmem:s10] =	stream.linear.scatter [tilespmem:s22], [sflag:$0x2], $0x4000, $0x38;
	[tilespmem:$0x1E800] =	vst v63  }
0x32: {  	_ =	swait.ge [sflag:s23], $0x4000  }
0x33: {  	[sflag:s23] =	ssyncset.done $0x0  }
0x34: {  	[sflag:s23] =	ssyncadd.s32 $0xFFFFC000  }
0x35: {  	[spmem:s11] =	stream.linear.scatter [tilespmem:s22], [sflag:$0x2], $0x4000, $0x38;
	[tilespmem:$0x1E800] =	vst v63  }
0x36: {  	_ =	swait.ge [sflag:s23], $0x4000  }
0x37: {  	[sflag:s23] =	ssyncset.done $0x0  }
0x38: {  	[sflag:s23] =	ssyncadd.s32 $0xFFFFC000  }
0x39: {  	[spmem:s12] =	stream.linear.scatter [tilespmem:s22], [sflag:$0x2], $0x4000, $0x38;
	[tilespmem:$0x1E800] =	vst v63  }
0x3a: {  	_ =	swait.ge [sflag:s23], $0x4000  }
0x3b: {  	[sflag:s23] =	ssyncset.done $0x0  }
0x3c: {  	[sflag:s23] =	ssyncadd.s32 $0xFFFFC000  }
0x3d: {  	[bflag:$0x0] =	sbarrier.arrive $0xFFFF  }
0x3e: {  	s31 =	rddreg [dreg:$0x4]  }
0x3f: {  	[tilespmem:s29], [sflag:$0x2] =	stream.linear.gather [hbm4b:s31+s29], $0x400, $0x38;
	[tilespmem:$0x1E800] =	vst v63  }
0x40: {  	_ =	swait.ge [sflag:s23], $0x400  }
0x41: {  	[sflag:s23] =	ssyncset.done $0x0  }
0x42: {  	s30 =	simm.s32 $0x0;
	[sflag:s23] =	ssyncadd.s32 $0xFFFFFC00  }
0x43: {  	[tilespmem:s22], [sflag:$0x1] =	stream.indirect.gather [hbm4b:s1+s24], $0x80, s29, s24, $0xb8;
	[tilespmem:$0x1E800] =	vst v63  }
.LBB2_4:
0x44: {  	s4 =	sshll.u32 s30, $0x1  }
0x45: {  	s0 =	sshll.u32 s30, $0x3;
	s13 =	sand.u32 $0x6, s4  }
0x46: {  	s0 =	sand.u32 $0x1E0, s0;
	p0 =	sne.s32 s13, $0x0  }
0x47: {  	s15 =	sor.u32 @!p0 s21, s0  }
0x48: {  	s15 =	sshll.u32 @!p0 s15, $0x7  }
0x49: {  	s16 =	simm.s32 @!p0 $0x0;
	s17 =	simm.s32 @!p0 $0x400;
	s15 =	sadd.s32 @!p0 s6, s15  }
0x4a: {  	[tilespmem:s17], [sflag:$0x2] =	stream.linear.gather @!p0 [hbm4b:s15+s16], $0x400, $0x38;
	[tilespmem:$0x1E800] =	vst v63  }
0x4b: {  	s15 =	simm.s32 @!p0 $0x2  }
0x4c: {  	_ =	swait.ge @!p0 [sflag:s15], $0x400  }
0x4d: {  	[sflag:s15] =	ssyncset.done @!p0 $0x0  }
0x4e: {  	[sflag:s15] =	ssyncadd.s32 @!p0 $0xFFFFFC00  }
0x4f: {  	s31 =	sor.u32 $0x1, s4;
	s0 =	sor.u32 s21, s0;
	_ =	swait.ge [sflag:s25], $0x4000  }
0x50: {  	s0 =	sshll.u32 s0, $0xE;
	s16 =	sshll.u32 s31, $0x7;
	[sflag:s25] =	ssyncset.done $0x0  }
0x51: {  	s17 =	sshll.u32 s13, $0xB;
	s15 =	sand.u32 $0x380, s16;
	[sflag:s25] =	ssyncadd.s32 $0xFFFFC000  }
0x52: {  	[tilespmem:s26], [sflag:$0x1] =	stream.indirect.gather [hbm4b:s1+s24], $0x80, s15, s24, $0xb8;
	[tilespmem:$0x1E800] =	vst v63  }
0x53: {  	s15 =	sor.u32 s17, s0  }
0x54: {  	s18 =	sadd.s32 s7, s15  }
0x55: {  	[tilespmem:s28], [sflag:$0x2] =	stream.linear.gather [hbm4b:s18+s29], $0x2000, $0x38;
	[tilespmem:$0x1E800] =	vst v63  }
0x56: {  	_ =	swait.ge [sflag:s23], $0x2000  }
0x57: {  	[sflag:s23] =	ssyncset.done $0x0  }
0x58: {  	s16 =	simm.s32 $0x0;
	[sflag:s23] =	ssyncadd.s32 $0xFFFFE000  }
0x59: {  	v7 =	vld [tilespmem:s16+$0x8800]  }
0x5a: {  	v12 =	vld [tilespmem:s16+$0x8810]  }
0x5b: {  	v6 =	vld [tilespmem:s16+$0x8820]  }
0x5c: {  	v5 =	vld [tilespmem:s16+$0x8830]  }
0x5d: {  	v4 =	vld [tilespmem:s16+$0x8840]  }
0x5e: {  	v3 =	vld [tilespmem:s16+$0x8850]  }
0x5f: {  	v2 =	vld [tilespmem:s16+$0x8860]  }
0x60: {  	v1 =	vld [tilespmem:s16+$0x8870]  }
0x61: {  	v13 =	vld [tilespmem:s16+$0x800]  }
0x62: {  	v14 =	vld [tilespmem:s16+$0x810]  }
0x63: {  	v11 =	vld [tilespmem:s16+$0x820]  }
0x64: {  	v10 =	vld [tilespmem:s16+$0x830]  }
0x65: {  	v9 =	vld [tilespmem:s16+$0x840]  }
0x66: {  	v8 =	vld [tilespmem:s16+$0x850];
	v13 =	vadd.f32 v7, v13  }
0x67: {  	s17 =	simm.s32 $0x200;
	v12 =	vadd.f32 v12, v14;
	v7 =	vld [tilespmem:s16+$0x860]  }
.LBB2_5:
0x68: {  	s18 =	sshra.s32 s17, $0x2;
	p0 =	sne.s32 s17, $0x7E00;
	v13 =	vmax.f32 v13, $0.0e+00;
	v6 =	vadd.f32 v6, v11;
	v11 =	vld [tilespmem:s16+$0x870]  }
0x69: {  	v14 =	vld [tilespmem:s18+$0x8800];
	[tilespmem:s16+$0x800] =	vst v13;
	v12 =	vmax.f32 v12, $0.0e+00;
	v5 =	vadd.f32 v5, v10  }
0x6a: {  	v15 =	vld [tilespmem:s18+$0x8810];
	[tilespmem:s16+$0x810] =	vst v12;
	v10 =	vmax.f32 v6, $0.0e+00;
	v4 =	vadd.f32 v4, v9  }
0x6b: {  	v6 =	vld [tilespmem:s18+$0x8820];
	[tilespmem:s16+$0x820] =	vst v10;
	v9 =	vmax.f32 v5, $0.0e+00;
	v3 =	vadd.f32 v3, v8  }
0x6c: {  	v5 =	vld [tilespmem:s18+$0x8830];
	[tilespmem:s16+$0x830] =	vst v9;
	v8 =	vmax.f32 v4, $0.0e+00;
	v2 =	vadd.f32 v2, v7  }
0x6d: {  	v4 =	vld [tilespmem:s18+$0x8840];
	[tilespmem:s16+$0x840] =	vst v8;
	v7 =	vmax.f32 v3, $0.0e+00;
	v1 =	vadd.f32 v1, v11  }
0x6e: {  	v3 =	vld [tilespmem:s18+$0x8850];
	[tilespmem:s16+$0x850] =	vst v7;
	v7 =	vmax.f32 v2, $0.0e+00  }
0x6f: {  	v2 =	vld [tilespmem:s18+$0x8860];
	[tilespmem:s16+$0x860] =	vst v7;
	v7 =	vmax.f32 v1, $0.0e+00  }
0x70: {  	v1 =	vld [tilespmem:s18+$0x8870];
	[tilespmem:s16+$0x870] =	vst v7;
	s16 =	smov.u32 s18  }
0x71: {  	v7 =	vld [tilespmem:s16+$0x800]  }
0x72: {  	v12 =	vld [tilespmem:s16+$0x810]  }
.Ltmp1:
0x73: {  	v11 =	vld [tilespmem:s16+$0x820];
	(pc) =	sbr.rel @p0 .LBB2_5-.Ltmp1, $4  }
0x74: {  	v10 =	vld [tilespmem:s16+$0x830]  }
0x75: {  	v9 =	vld [tilespmem:s16+$0x840]  }
0x76: {  	v13 =	vadd.f32 v14, v7;
	v8 =	vld [tilespmem:s16+$0x850]  }
0x77: {  	s17 =	sadd.s32 $0x200, s17;
	v12 =	vadd.f32 v15, v12;
	v7 =	vld [tilespmem:s16+$0x860]  }
0x78: {  	v13 =	vmax.f32 v13, $0.0e+00;
	v6 =	vadd.f32 v6, v11;
	v11 =	vld [tilespmem:s16+$0x870]  }
0x79: {  	[tilespmem:s16+$0x800] =	vst v13;
	v12 =	vmax.f32 v12, $0.0e+00;
	v5 =	vadd.f32 v5, v10  }
0x7a: {  	[tilespmem:s16+$0x810] =	vst v12;
	v6 =	vmax.f32 v6, $0.0e+00;
	v4 =	vadd.f32 v4, v9  }
0x7b: {  	[tilespmem:s16+$0x820] =	vst v6;
	v5 =	vmax.f32 v5, $0.0e+00;
	v3 =	vadd.f32 v3, v8  }
0x7c: {  	[tilespmem:s16+$0x830] =	vst v5;
	v4 =	vmax.f32 v4, $0.0e+00;
	v2 =	vadd.f32 v2, v7  }
0x7d: {  	[tilespmem:s16+$0x840] =	vst v4;
	v3 =	vmax.f32 v3, $0.0e+00;
	v1 =	vadd.f32 v1, v11  }
0x7e: {  	[tilespmem:s16+$0x850] =	vst v3;
	v2 =	vmax.f32 v2, $0.0e+00  }
0x7f: {  	[tilespmem:s16+$0x860] =	vst v2;
	v1 =	vmax.f32 v1, $0.0e+00  }
0x80: {  	s15 =	sadd.s32 s15, s14;
	s18 =	simm.s32 $0x0;
	[tilespmem:s16+$0x870] =	vst v1  }
0x81: {  	[tilespmem:s28], [sflag:$0x2] =	stream.linear.gather [hbm4b:s15+s18], $0x2000, $0x38;
	[tilespmem:$0x1E800] =	vst v63  }
0x82: {  	_ =	swait.ge [sflag:s23], $0x2000  }
0x83: {  	[sflag:s23] =	ssyncset.done $0x0  }
0x84: {  	s15 =	simm.s32 $0x0;
	[sflag:s23] =	ssyncadd.s32 $0xFFFFE000  }
0x85: {  	v7 =	vld [tilespmem:s15+$0x8800]  }
0x86: {  	v12 =	vld [tilespmem:s15+$0x8810]  }
0x87: {  	v6 =	vld [tilespmem:s15+$0x8820]  }
0x88: {  	v5 =	vld [tilespmem:s15+$0x8830]  }
0x89: {  	v4 =	vld [tilespmem:s15+$0x8840]  }
0x8a: {  	v3 =	vld [tilespmem:s15+$0x8850]  }
0x8b: {  	v2 =	vld [tilespmem:s15+$0x8860]  }
0x8c: {  	v1 =	vld [tilespmem:s15+$0x8870]  }
0x8d: {  	v13 =	vld [tilespmem:s15+$0x2800]  }
0x8e: {  	v14 =	vld [tilespmem:s15+$0x2810]  }
0x8f: {  	v11 =	vld [tilespmem:s15+$0x2820]  }
0x90: {  	v10 =	vld [tilespmem:s15+$0x2830]  }
0x91: {  	v9 =	vld [tilespmem:s15+$0x2840]  }
0x92: {  	v8 =	vld [tilespmem:s15+$0x2850];
	v13 =	vadd.f32 v7, v13  }
0x93: {  	s16 =	simm.s32 $0x200;
	v12 =	vadd.f32 v12, v14;
	v7 =	vld [tilespmem:s15+$0x2860]  }
.LBB2_7:
0x94: {  	s17 =	sshra.s32 s16, $0x2;
	p0 =	sne.s32 s16, $0x7E00;
	v13 =	vmax.f32 v13, $0.0e+00;
	v6 =	vadd.f32 v6, v11;
	v11 =	vld [tilespmem:s15+$0x2870]  }
0x95: {  	v14 =	vld [tilespmem:s17+$0x8800];
	[tilespmem:s15+$0x2800] =	vst v13;
	v12 =	vmax.f32 v12, $0.0e+00;
	v5 =	vadd.f32 v5, v10  }
0x96: {  	v15 =	vld [tilespmem:s17+$0x8810];
	[tilespmem:s15+$0x2810] =	vst v12;
	v10 =	vmax.f32 v6, $0.0e+00;
	v4 =	vadd.f32 v4, v9  }
0x97: {  	v6 =	vld [tilespmem:s17+$0x8820];
	[tilespmem:s15+$0x2820] =	vst v10;
	v9 =	vmax.f32 v5, $0.0e+00;
	v3 =	vadd.f32 v3, v8  }
0x98: {  	v5 =	vld [tilespmem:s17+$0x8830];
	[tilespmem:s15+$0x2830] =	vst v9;
	v8 =	vmax.f32 v4, $0.0e+00;
	v2 =	vadd.f32 v2, v7  }
0x99: {  	v4 =	vld [tilespmem:s17+$0x8840];
	[tilespmem:s15+$0x2840] =	vst v8;
	v7 =	vmax.f32 v3, $0.0e+00;
	v1 =	vadd.f32 v1, v11  }
0x9a: {  	v3 =	vld [tilespmem:s17+$0x8850];
	[tilespmem:s15+$0x2850] =	vst v7;
	v7 =	vmax.f32 v2, $0.0e+00  }
0x9b: {  	v2 =	vld [tilespmem:s17+$0x8860];
	[tilespmem:s15+$0x2860] =	vst v7;
	v7 =	vmax.f32 v1, $0.0e+00  }
0x9c: {  	v1 =	vld [tilespmem:s17+$0x8870];
	[tilespmem:s15+$0x2870] =	vst v7;
	s15 =	smov.u32 s17  }
0x9d: {  	v7 =	vld [tilespmem:s15+$0x2800]  }
0x9e: {  	v12 =	vld [tilespmem:s15+$0x2810]  }
.Ltmp2:
0x9f: {  	v11 =	vld [tilespmem:s15+$0x2820];
	(pc) =	sbr.rel @p0 .LBB2_7-.Ltmp2, $4  }
0xa0: {  	v10 =	vld [tilespmem:s15+$0x2830]  }
0xa1: {  	v9 =	vld [tilespmem:s15+$0x2840]  }
0xa2: {  	v13 =	vadd.f32 v14, v7;
	v8 =	vld [tilespmem:s15+$0x2850]  }
0xa3: {  	s16 =	sadd.s32 $0x200, s16;
	v12 =	vadd.f32 v15, v12;
	v7 =	vld [tilespmem:s15+$0x2860]  }
0xa4: {  	v13 =	vmax.f32 v13, $0.0e+00;
	v6 =	vadd.f32 v6, v11;
	v11 =	vld [tilespmem:s15+$0x2870]  }
0xa5: {  	[tilespmem:s15+$0x2800] =	vst v13;
	v12 =	vmax.f32 v12, $0.0e+00;
	v5 =	vadd.f32 v5, v10  }
0xa6: {  	[tilespmem:s15+$0x2810] =	vst v12;
	v6 =	vmax.f32 v6, $0.0e+00;
	v4 =	vadd.f32 v4, v9  }
0xa7: {  	[tilespmem:s15+$0x2820] =	vst v6;
	v5 =	vmax.f32 v5, $0.0e+00;
	v3 =	vadd.f32 v3, v8  }
0xa8: {  	[tilespmem:s15+$0x2830] =	vst v5;
	v4 =	vmax.f32 v4, $0.0e+00;
	v2 =	vadd.f32 v2, v7  }
0xa9: {  	[tilespmem:s15+$0x2840] =	vst v4;
	v3 =	vmax.f32 v3, $0.0e+00;
	v1 =	vadd.f32 v1, v11  }
0xaa: {  	[tilespmem:s15+$0x2850] =	vst v3;
	v2 =	vmax.f32 v2, $0.0e+00  }
0xab: {  	s13 =	sshll.u32 s13, $0x7;
	[tilespmem:s15+$0x2860] =	vst v2;
	v1 =	vmax.f32 v1, $0.0e+00  }
0xac: {  	s4 =	sadd.s32 $0x2, s4;
	p0 =	seq.s32 s30, $0x27;
	s13 =	sor.u32 $0x400, s13;
	[tilespmem:s15+$0x2870] =	vst v1  }
0xad: {  	[spmem:s2] =	stream.indirect.scatter.add.f32 [tilespmem:s22], [sflag:$0x2], $0x80, s13, s24, $0xb8;
	[tilespmem:$0x1E800] =	vst v63  }
0xae: {  	s13 =	sand.u32 @!p0 $0x6, s4  }
0xaf: {  	_ =	swait.ge [sflag:s23], $0x4000;
	p1 =	sne.s32 @!p0 s13, $0x0  }
0xb0: {  	[sflag:s23] =	ssyncset.done $0x0;
	p1 =	por p1, p0  }
0xb1: {  	[sflag:s23] =	ssyncadd.s32 $0xFFFFC000;
	s4 =	sshll.u32 @!p1 s4, $0x9  }
0xb2: {  	s15 =	sshll.u32 @!p1 s21, $0x7;
	_ =	swait.ge [sflag:s25], $0x4000;
	s4 =	sand.u32 @!p1 $0x1FFFF000, s4  }
0xb3: {  	[sflag:s25] =	ssyncset.done $0x0;
	s4 =	sor.u32 @!p1 s15, s4  }
0xb4: {  	s15 =	simm.s32 @!p1 $0x0;
	[sflag:s25] =	ssyncadd.s32 $0xFFFFC000;
	s4 =	sadd.s32 @!p1 s5, s4  }
0xb5: {  	[tilespmem:s15], [sflag:$0x2] =	stream.linear.gather @!p1 [hbm4b:s4+s15], $0x400, $0x38;
	[tilespmem:$0x1E800] =	vst v63  }
0xb6: {  	s15 =	simm.s32 @!p1 $0x2  }
0xb7: {  	s16 =	simm.s32 @!p0 $0x800;
	s4 =	sand.u32 $0x7, s31;
	_ =	swait.ge @!p1 [sflag:s15], $0x400  }
0xb8: {  	s13 =	sshll.u32 @!p0 s13, $0x7;
	s18 =	sshll.u32 s4, $0xB;
	[sflag:s15] =	ssyncset.done @!p1 $0x0  }
0xb9: {  	s0 =	sor.u32 s18, s0;
	[sflag:s15] =	ssyncadd.s32 @!p1 $0xFFFFFC00;
	s15 =	simm.s32 @!p0 $0x80  }
0xba: {  	[tilespmem:s16], [sflag:$0x1] =	stream.indirect.gather @!p0 [hbm4b:s1+s15], $0x80, s13, s15, $0xb8;
	[tilespmem:$0x1E800] =	vst v63  }
0xbb: {  	s31 =	simm.s32 $0x0;
	s13 =	sadd.s32 s7, s0  }
0xbc: {  	[tilespmem:s28], [sflag:$0x2] =	stream.linear.gather [hbm4b:s13+s31], $0x2000, $0x38;
	[tilespmem:$0x1E800] =	vst v63  }
0xbd: {  	_ =	swait.ge [sflag:s23], $0x2000  }
0xbe: {  	[sflag:s23] =	ssyncset.done $0x0  }
0xbf: {  	s13 =	simm.s32 $0x0;
	[sflag:s23] =	ssyncadd.s32 $0xFFFFE000  }
0xc0: {  	v7 =	vld [tilespmem:s13+$0x8800]  }
0xc1: {  	v12 =	vld [tilespmem:s13+$0x8810]  }
0xc2: {  	v6 =	vld [tilespmem:s13+$0x8820]  }
0xc3: {  	v5 =	vld [tilespmem:s13+$0x8830]  }
0xc4: {  	v4 =	vld [tilespmem:s13+$0x8840]  }
0xc5: {  	v3 =	vld [tilespmem:s13+$0x8850]  }
0xc6: {  	v2 =	vld [tilespmem:s13+$0x8860]  }
0xc7: {  	v1 =	vld [tilespmem:s13+$0x8870]  }
0xc8: {  	v13 =	vld [tilespmem:s13+$0x4800]  }
0xc9: {  	v14 =	vld [tilespmem:s13+$0x4810]  }
0xca: {  	v11 =	vld [tilespmem:s13+$0x4820]  }
0xcb: {  	v10 =	vld [tilespmem:s13+$0x4830]  }
0xcc: {  	v9 =	vld [tilespmem:s13+$0x4840]  }
0xcd: {  	v8 =	vld [tilespmem:s13+$0x4850];
	v13 =	vadd.f32 v7, v13  }
0xce: {  	s15 =	simm.s32 $0x200;
	v12 =	vadd.f32 v12, v14;
	v7 =	vld [tilespmem:s13+$0x4860]  }
.LBB2_9:
0xcf: {  	s16 =	sshra.s32 s15, $0x2;
	p0 =	sne.s32 s15, $0x7E00;
	v13 =	vmax.f32 v13, $0.0e+00;
	v6 =	vadd.f32 v6, v11;
	v11 =	vld [tilespmem:s13+$0x4870]  }
0xd0: {  	v14 =	vld [tilespmem:s16+$0x8800];
	[tilespmem:s13+$0x4800] =	vst v13;
	v12 =	vmax.f32 v12, $0.0e+00;
	v5 =	vadd.f32 v5, v10  }
0xd1: {  	v15 =	vld [tilespmem:s16+$0x8810];
	[tilespmem:s13+$0x4810] =	vst v12;
	v10 =	vmax.f32 v6, $0.0e+00;
	v4 =	vadd.f32 v4, v9  }
0xd2: {  	v6 =	vld [tilespmem:s16+$0x8820];
	[tilespmem:s13+$0x4820] =	vst v10;
	v9 =	vmax.f32 v5, $0.0e+00;
	v3 =	vadd.f32 v3, v8  }
0xd3: {  	v5 =	vld [tilespmem:s16+$0x8830];
	[tilespmem:s13+$0x4830] =	vst v9;
	v8 =	vmax.f32 v4, $0.0e+00;
	v2 =	vadd.f32 v2, v7  }
0xd4: {  	v4 =	vld [tilespmem:s16+$0x8840];
	[tilespmem:s13+$0x4840] =	vst v8;
	v7 =	vmax.f32 v3, $0.0e+00;
	v1 =	vadd.f32 v1, v11  }
0xd5: {  	v3 =	vld [tilespmem:s16+$0x8850];
	[tilespmem:s13+$0x4850] =	vst v7;
	v7 =	vmax.f32 v2, $0.0e+00  }
0xd6: {  	v2 =	vld [tilespmem:s16+$0x8860];
	[tilespmem:s13+$0x4860] =	vst v7;
	v7 =	vmax.f32 v1, $0.0e+00  }
0xd7: {  	v1 =	vld [tilespmem:s16+$0x8870];
	[tilespmem:s13+$0x4870] =	vst v7;
	s13 =	smov.u32 s16  }
0xd8: {  	v7 =	vld [tilespmem:s13+$0x4800]  }
0xd9: {  	v12 =	vld [tilespmem:s13+$0x4810]  }
.Ltmp3:
0xda: {  	v11 =	vld [tilespmem:s13+$0x4820];
	(pc) =	sbr.rel @p0 .LBB2_9-.Ltmp3, $4  }
0xdb: {  	v10 =	vld [tilespmem:s13+$0x4830]  }
0xdc: {  	v9 =	vld [tilespmem:s13+$0x4840]  }
0xdd: {  	v13 =	vadd.f32 v14, v7;
	v8 =	vld [tilespmem:s13+$0x4850]  }
0xde: {  	s15 =	sadd.s32 $0x200, s15;
	v12 =	vadd.f32 v15, v12;
	v7 =	vld [tilespmem:s13+$0x4860]  }
0xdf: {  	v13 =	vmax.f32 v13, $0.0e+00;
	v6 =	vadd.f32 v6, v11;
	v11 =	vld [tilespmem:s13+$0x4870]  }
0xe0: {  	[tilespmem:s13+$0x4800] =	vst v13;
	v12 =	vmax.f32 v12, $0.0e+00;
	v5 =	vadd.f32 v5, v10  }
0xe1: {  	[tilespmem:s13+$0x4810] =	vst v12;
	v6 =	vmax.f32 v6, $0.0e+00;
	v4 =	vadd.f32 v4, v9  }
0xe2: {  	[tilespmem:s13+$0x4820] =	vst v6;
	v5 =	vmax.f32 v5, $0.0e+00;
	v3 =	vadd.f32 v3, v8  }
0xe3: {  	[tilespmem:s13+$0x4830] =	vst v5;
	v4 =	vmax.f32 v4, $0.0e+00;
	v2 =	vadd.f32 v2, v7  }
0xe4: {  	[tilespmem:s13+$0x4840] =	vst v4;
	v3 =	vmax.f32 v3, $0.0e+00;
	v1 =	vadd.f32 v1, v11  }
0xe5: {  	[tilespmem:s13+$0x4850] =	vst v3;
	v2 =	vmax.f32 v2, $0.0e+00  }
0xe6: {  	[tilespmem:s13+$0x4860] =	vst v2;
	v1 =	vmax.f32 v1, $0.0e+00  }
0xe7: {  	s0 =	sadd.s32 s0, s14;
	s31 =	simm.s32 $0x0;
	[tilespmem:s13+$0x4870] =	vst v1  }
0xe8: {  	[tilespmem:s28], [sflag:$0x2] =	stream.linear.gather [hbm4b:s0+s31], $0x2000, $0x38;
	[tilespmem:$0x1E800] =	vst v63  }
0xe9: {  	_ =	swait.ge [sflag:s23], $0x2000  }
0xea: {  	[sflag:s23] =	ssyncset.done $0x0  }
0xeb: {  	s0 =	simm.s32 $0x0;
	[sflag:s23] =	ssyncadd.s32 $0xFFFFE000  }
0xec: {  	v7 =	vld [tilespmem:s0+$0x8800]  }
0xed: {  	v12 =	vld [tilespmem:s0+$0x8810]  }
0xee: {  	v6 =	vld [tilespmem:s0+$0x8820]  }
0xef: {  	v5 =	vld [tilespmem:s0+$0x8830]  }
0xf0: {  	v4 =	vld [tilespmem:s0+$0x8840]  }
0xf1: {  	v3 =	vld [tilespmem:s0+$0x8850]  }
0xf2: {  	v2 =	vld [tilespmem:s0+$0x8860]  }
0xf3: {  	v1 =	vld [tilespmem:s0+$0x8870]  }
0xf4: {  	v13 =	vld [tilespmem:s0+$0x6800]  }
0xf5: {  	v14 =	vld [tilespmem:s0+$0x6810]  }
0xf6: {  	v11 =	vld [tilespmem:s0+$0x6820]  }
0xf7: {  	v10 =	vld [tilespmem:s0+$0x6830]  }
0xf8: {  	v9 =	vld [tilespmem:s0+$0x6840]  }
0xf9: {  	v8 =	vld [tilespmem:s0+$0x6850];
	v13 =	vadd.f32 v7, v13  }
0xfa: {  	s13 =	simm.s32 $0x200;
	v12 =	vadd.f32 v12, v14;
	v7 =	vld [tilespmem:s0+$0x6860]  }
.LBB2_11:
0xfb: {  	s15 =	sshra.s32 s13, $0x2;
	p0 =	sne.s32 s13, $0x7E00;
	v13 =	vmax.f32 v13, $0.0e+00;
	v6 =	vadd.f32 v6, v11;
	v11 =	vld [tilespmem:s0+$0x6870]  }
0xfc: {  	v14 =	vld [tilespmem:s15+$0x8800];
	[tilespmem:s0+$0x6800] =	vst v13;
	v12 =	vmax.f32 v12, $0.0e+00;
	v5 =	vadd.f32 v5, v10  }
0xfd: {  	v15 =	vld [tilespmem:s15+$0x8810];
	[tilespmem:s0+$0x6810] =	vst v12;
	v10 =	vmax.f32 v6, $0.0e+00;
	v4 =	vadd.f32 v4, v9  }
0xfe: {  	v6 =	vld [tilespmem:s15+$0x8820];
	[tilespmem:s0+$0x6820] =	vst v10;
	v9 =	vmax.f32 v5, $0.0e+00;
	v3 =	vadd.f32 v3, v8  }
0xff: {  	v5 =	vld [tilespmem:s15+$0x8830];
	[tilespmem:s0+$0x6830] =	vst v9;
	v8 =	vmax.f32 v4, $0.0e+00;
	v2 =	vadd.f32 v2, v7  }
0x100: {  	v4 =	vld [tilespmem:s15+$0x8840];
	[tilespmem:s0+$0x6840] =	vst v8;
	v7 =	vmax.f32 v3, $0.0e+00;
	v1 =	vadd.f32 v1, v11  }
0x101: {  	v3 =	vld [tilespmem:s15+$0x8850];
	[tilespmem:s0+$0x6850] =	vst v7;
	v7 =	vmax.f32 v2, $0.0e+00  }
0x102: {  	v2 =	vld [tilespmem:s15+$0x8860];
	[tilespmem:s0+$0x6860] =	vst v7;
	v7 =	vmax.f32 v1, $0.0e+00  }
0x103: {  	v1 =	vld [tilespmem:s15+$0x8870];
	[tilespmem:s0+$0x6870] =	vst v7;
	s0 =	smov.u32 s15  }
0x104: {  	v7 =	vld [tilespmem:s0+$0x6800]  }
0x105: {  	v12 =	vld [tilespmem:s0+$0x6810]  }
.Ltmp4:
0x106: {  	v11 =	vld [tilespmem:s0+$0x6820];
	(pc) =	sbr.rel @p0 .LBB2_11-.Ltmp4, $4  }
0x107: {  	v10 =	vld [tilespmem:s0+$0x6830]  }
0x108: {  	v9 =	vld [tilespmem:s0+$0x6840]  }
0x109: {  	v13 =	vadd.f32 v14, v7;
	v8 =	vld [tilespmem:s0+$0x6850]  }
0x10a: {  	s13 =	sadd.s32 $0x200, s13;
	v12 =	vadd.f32 v15, v12;
	v7 =	vld [tilespmem:s0+$0x6860]  }
0x10b: {  	v13 =	vmax.f32 v13, $0.0e+00;
	v6 =	vadd.f32 v6, v11;
	v63 =	vld [tilespmem:s0+$0x6870]  }
0x10c: {  	[tilespmem:s0+$0x6800] =	vst v13;
	v12 =	vmax.f32 v12, $0.0e+00;
	v5 =	vadd.f32 v5, v10  }
0x10d: {  	[tilespmem:s0+$0x6810] =	vst v12;
	v6 =	vmax.f32 v6, $0.0e+00;
	v4 =	vadd.f32 v4, v9  }
0x10e: {  	[tilespmem:s0+$0x6820] =	vst v6;
	v5 =	vmax.f32 v5, $0.0e+00;
	v3 =	vadd.f32 v3, v8  }
0x10f: {  	[tilespmem:s0+$0x6830] =	vst v5;
	v4 =	vmax.f32 v4, $0.0e+00;
	v2 =	vadd.f32 v2, v7  }
0x110: {  	[tilespmem:s0+$0x6840] =	vst v4;
	v3 =	vmax.f32 v3, $0.0e+00;
	v1 =	vadd.f32 v1, v63  }
0x111: {  	s30 =	sadd.s32 $0x1, s30;
	[tilespmem:s0+$0x6850] =	vst v3;
	v2 =	vmax.f32 v2, $0.0e+00  }
0x112: {  	s4 =	sshll.u32 s4, $0x7;
	p0 =	sne.s32 s30, $0x28;
	[tilespmem:s0+$0x6860] =	vst v2;
	v1 =	vmax.f32 v1, $0.0e+00  }
.Ltmp5:
0x113: {  	s31 =	sor.u32 $0x400, s4;
	[tilespmem:s0+$0x6870] =	vst v1;
	(pc) =	sbr.rel @p0 .LBB2_4-.Ltmp5, $4  }
0x114: {  	[spmem:s2] =	stream.indirect.scatter.add.f32 [tilespmem:s26], [sflag:$0x2], $0x80, s31, s24, $0xb8;
	[tilespmem:$0x1E800] =	vst v63  }
0x115: {  	_ =	swait.ge [sflag:s23], $0x4000  }
0x116: {  	[sflag:s23] =	ssyncset.done $0x0  }
0x117: {  	[sflag:s23] =	ssyncadd.s32 $0xFFFFC000  }
0x118: {  	s0 =	stileid.u32  }
0x119: {  	[bflag:$0x0] =	sbarrier.arrive $0xFFFF;
	s0 =	sshll.u32 s0, $0x6  }
0x11a: {  	s4 =	sshrl.u32 s8, $0x3;
	s13 =	rddreg [dreg:$0x5];
	s0 =	sor.u32 $0x1C02, s0  }
0x11b: {  	[hbm:s13], [sflag:s0] =	dma.local [spmem:s4], $0x800  }
0x11c: {  	_ =	swait.ge [sflag:s23], $0x800  }
0x11d: {  	[sflag:s23] =	ssyncset.done $0x0  }
0x11e: {  	s13 =	sshrl.u32 s9, $0x3;
	s15 =	rddreg [dreg:$0x6];
	[sflag:s23] =	ssyncadd.s32 $0xFFFFF800  }
0x11f: {  	[hbm:s15], [sflag:s0] =	dma.local [spmem:s13], $0x800  }
0x120: {  	_ =	swait.ge [sflag:s23], $0x800  }
0x121: {  	[sflag:s23] =	ssyncset.done $0x0  }
0x122: {  	s16 =	sshrl.u32 s10, $0x3;
	s17 =	rddreg [dreg:$0x7];
	[sflag:s23] =	ssyncadd.s32 $0xFFFFF800  }
0x123: {  	[hbm:s17], [sflag:s0] =	dma.local [spmem:s16], $0x800  }
0x124: {  	_ =	swait.ge [sflag:s23], $0x800  }
0x125: {  	[sflag:s23] =	ssyncset.done $0x0  }
0x126: {  	s18 =	sshrl.u32 s11, $0x3;
	s30 =	rddreg [dreg:$0x8];
	[sflag:s23] =	ssyncadd.s32 $0xFFFFF800  }
0x127: {  	[hbm:s30], [sflag:s0] =	dma.local [spmem:s18], $0x800  }
0x128: {  	s3 =	sadd.s32 $0x1, s3;
	_ =	swait.ge [sflag:s23], $0x800  }
0x129: {  	p0 =	sne.s32 s3, s20;
	[sflag:s23] =	ssyncset.done $0x0  }
.Ltmp6:
0x12a: {  	s31 =	sshrl.u32 s12, $0x3;
	[sflag:s23] =	ssyncadd.s32 $0xFFFFF800;
	(pc) =	sbr.rel @p0 .LBB2_1-.Ltmp6, $4  }
0x12b: {  	[hbm:s19], [sflag:s0] =	dma.local [spmem:s31], $0x800  }
0x12c: {  	_ =	swait.ge [sflag:s23], $0x800  }
0x12d: {  	[sflag:s23] =	ssyncset.done $0x0  }
0x12e: {  	[sflag:s23] =	ssyncadd.s32 $0xFFFFF800  }
0x12f: {  	_ =	sfence.sel $0x180000  }
0x130: {  	[bflag:$0x0] =	sbarrier.arrive $0xFFFF  }
0x131: {  	_ =	strace $0x90000047  }
0x132: {  	s0 =	stileid.u32;
	[bflag:$0x2] =	sbarrier.arrive $0xFFFF  }
0x133: {  	p0 =	sne.s32 s0, $0x0;
	s0 =	rddreg [dreg:$0x3]  }
0x134: {  	s0 =	sadd.s32 @!p0 $0x100000, s0  }
0x135: {  	[sflag:s0] =	ssyncadd.tile.s32 @!p0 $0x1;
	_ =	shalt  }
.Lfunc_end2:
_tile_overlayer_lowered:
.L_overlay_start_2:
0x136: {  	(tag) =	ssettag $0x2  }
0x137: {  	s0 =	rddreg [dreg:$0x0];
	s2 =	stileid.u32  }
0x138: {  	s1 =	rddreg [dreg:$0x1];
	p0 =	sne.s32 s2, $0x0  }
0x139: {  	s3 =	rddreg [dreg:$0x2];
	[bflag:$0x3] =	sbarrier.arrive $0xFFFF;
	s2 =	simm.s32 @!p0 $0x1C02  }
0x13a: {  	[timem:s3], [sflag:s2] =	dma.local @!p0 [hbm:s0], s1  }
0x13b: {  	s0 =	simm.s32 @!p0 $0x2  }
0x13c: {  	_ =	swait.ge @!p0 [sflag:s0], s1  }
0x13d: {  	s1 =	ssub.s32 @!p0 $0x0, s1;
	[sflag:s0] =	ssyncset.done @!p0 $0x0  }
0x13e: {  	[sflag:s0] =	ssyncadd.s32 @!p0 s1  }
0x13f: {  	[bflag:$0x3] =	sbarrier.arrive $0xFFFF  }
0x140: {  	_ =	shalt  }

</sc_bundles>
